<compile_context>
chip_gen: v7x
topology: tpu7x:2x2x1
jax: 0.10.2.dev20260603
libtpu: 0.0.44.dev20260713+nightly
codegen_flags: <defaults>
</compile_context>

<pallas_src>
import functools

import jax
import jax.numpy as jnp
from jax import lax
from jax.experimental import pallas as pl
from jax.experimental.pallas import tpu as pltpu
from jax.experimental.pallas import tpu_sc as plsc

N = 10000
E = 320000
D = 128
G = 32
H = 128
A = 2000

NC = 2
NS = 16
NW = NC * NS
CH = 80
EPW = 10240
EPAD = EPW * NW
NCHUNK = EPW // CH
NIT = NCHUNK // 2
NP = 10240
RPT = NP // NS
ZR = 128
NZ = RPT // ZR
APAD = 2048
APW = APAD // NW

_HI = jax.lax.Precision.HIGHEST
f32 = jnp.float32

@functools.lru_cache(maxsize=1)
def _sc_mesh():
    return plsc.VectorSubcoreMesh(core_axis_name="c", subcore_axis_name="s",
                                  num_cores=NC, num_subcores=NS)


def _mm(a, b):
    return jnp.matmul(a.astype(jnp.bfloat16), b.astype(jnp.bfloat16),
                      preferred_element_type=f32)


@functools.lru_cache(maxsize=1)
def _sc_segment_sum_kernel():
    return pl.kernel(
        _sc_segment_sum_body,
        out_type=jax.ShapeDtypeStruct((NC, NP, D), f32),
        mesh=_sc_mesh(),
        compiler_params=pltpu.CompilerParams(needs_layout_passes=False),
        scratch_types=[
            pltpu.VMEM((2, 2, CH), jnp.int32),
            pltpu.VMEM((CH, D), f32),
            pltpu.VMEM((CH, D), f32),
            pltpu.VMEM((ZR, D), f32),
            pltpu.VMEM_SHARED((NP, D), f32),
            pltpu.SemaphoreType.DMA,
            pltpu.SemaphoreType.DMA,
        ],
    )


def _sc_segment_sum_body(y_hbm, src_hbm, dst_hbm, out_hbm,
                         idx, rows0, rows1, buf, acc, sem0, sem1):
    cid = lax.axis_index("c")
    sid = lax.axis_index("s")
    rows = (rows0, rows1)
    sems = (sem0, sem1)
    ebase = (cid * NS + sid) * EPW

    def issue(c, b):
        base = ebase + c * CH
        pltpu.sync_copy(src_hbm.at[pl.ds(base, CH)], idx.at[b, 0])
        pltpu.sync_copy(dst_hbm.at[pl.ds(base, CH)], idx.at[b, 1])
        pltpu.async_copy(y_hbm.at[idx.at[b, 0]], rows[b], sems[b])

    def wait(b):
        pltpu.make_async_copy(y_hbm.at[idx.at[b, 0]], rows[b], sems[b]).wait()

    def scatter(b):
        pltpu.sync_copy(rows[b], acc.at[idx.at[b, 1]], add=True)

    issue(0, 0)
    zv = jnp.zeros((16,), f32)

    def zrow(r, _):
        for jj in range(8):
            buf[r, pl.ds(16 * jj, 16)] = zv
        return 0

    lax.fori_loop(0, ZR, zrow, 0)
    for z in range(NZ):
        pltpu.sync_copy(buf, acc.at[pl.ds(sid * RPT + z * ZR, ZR)])
    plsc.subcore_barrier()

    def step(i, _):
        issue(2 * i + 1, 1)
        wait(0)
        scatter(0)

        @pl.when(i < NIT - 1)
        def _():
            issue(2 * i + 2, 0)

        wait(1)
        scatter(1)
        return 0

    lax.fori_loop(0, NIT, step, 0)
    plsc.subcore_barrier()

    for z in range(NZ):
        r0 = sid * RPT + z * ZR
        pltpu.sync_copy(acc.at[pl.ds(r0, ZR)],
                        out_hbm.at[cid, pl.ds(r0, ZR)])


@functools.lru_cache(maxsize=1)
def _sc_attack_kernel():
    return pl.kernel(
        _sc_attack_body,
        out_type=(
            jax.ShapeDtypeStruct((EPAD,), f32),
            jax.ShapeDtypeStruct((APAD, D), f32),
        ),
        mesh=_sc_mesh(),
        compiler_params=pltpu.CompilerParams(needs_layout_passes=False),
        scratch_types=[
            pltpu.VMEM((2, 2, CH), jnp.int32),
            pltpu.VMEM((CH, D), f32),
            pltpu.VMEM((CH, D), f32),
            pltpu.VMEM((CH, D), f32),
            pltpu.VMEM((CH, D), f32),
            pltpu.VMEM((CH,), f32),
            pltpu.VMEM((CH,), f32),
            pltpu.VMEM((8, 16), f32),
            pltpu.VMEM((16,), f32),
            pltpu.VMEM((APW,), jnp.int32),
            pltpu.VMEM((APW, D), f32),
            pltpu.VMEM((16, 16), f32),
            pltpu.SemaphoreType.DMA,
            pltpu.SemaphoreType.DMA,
            pltpu.SemaphoreType.DMA,
            pltpu.SemaphoreType.DMA,
            pltpu.SemaphoreType.DMA,
            pltpu.SemaphoreType.DMA,
            pltpu.SemaphoreType.DMA,
        ],
    )


def _sc_attack_body(p1_hbm, p2_hbm, asrc_hbm, adst_hbm, wa2_hbm, ba2_hbm,
                    x_hbm, aidx_hbm, q_hbm, arows_hbm,
                    idx, p1r0, p1r1, p2r0, p2r1, qout0, qout1,
                    wa2v, ba2v, aidx, arows, tbuf,
                    s1a, s1b, s2a, s2b, sqa, sqb, sal):
    cid = lax.axis_index("c")
    sid = lax.axis_index("s")
    w = cid * NS + sid
    ebase = w * EPW
    p1r = (p1r0, p1r1)
    p2r = (p2r0, p2r1)
    qout = (qout0, qout1)
    sem1 = (s1a, s1b)
    sem2 = (s2a, s2b)
    semq = (sqa, sqb)

    def issue(c, b):
        base = ebase + c * CH
        pltpu.sync_copy(asrc_hbm.at[pl.ds(base, CH)], idx.at[b, 0])
        pltpu.sync_copy(adst_hbm.at[pl.ds(base, CH)], idx.at[b, 1])
        pltpu.async_copy(p1_hbm.at[idx.at[b, 0]], p1r[b], sem1[b])
        pltpu.async_copy(p2_hbm.at[idx.at[b, 1]], p2r[b], sem2[b])

    def wait(b):
        pltpu.make_async_copy(p1_hbm.at[idx.at[b, 0]], p1r[b], sem1[b]).wait()
        pltpu.make_async_copy(p2_hbm.at[idx.at[b, 1]], p2r[b], sem2[b]).wait()

    issue(0, 0)

    pltpu.sync_copy(wa2_hbm, wa2v)
    pltpu.sync_copy(ba2_hbm, ba2v)

    pltpu.sync_copy(aidx_hbm.at[pl.ds(w * APW, APW)], aidx)
    pltpu.async_copy(x_hbm.at[aidx], arows, sal).wait()
    pltpu.sync_copy(arows, arows_hbm.at[pl.ds(w * APW, APW)])

    lane = lax.iota(jnp.int32, 16)

    def compute(c, b):
        @pl.when(c >= 2)
        def _():
            pltpu.make_async_copy(qout[b], q_hbm.at[pl.ds(ebase, CH)],
                                  semq[b]).wait()

        def group(gi, _):
            e0 = gi * 16

            def edge(k, _):
                e = e0 + k
                acc = ba2v[...]
                for jj in range(8):
                    a = p1r[b][e, pl.ds(16 * jj, 16)]
                    bb = p2r[b][e, pl.ds(16 * jj, 16)]
                    t = jnp.maximum(a + bb, 0.0)
                    u = plsc.bitcast(t, jnp.uint32)
                    rnd = (u + jnp.uint32(0x8000)) & jnp.uint32(0xFFFF0000)
                    t = plsc.bitcast(rnd, f32)
                    acc = acc + t * wa2v[jj]
                plsc.store_scatter(tbuf, [lane, lane * 0 + k], acc)
                return 0

            lax.fori_loop(0, 16, edge, 0)
            acc16 = tbuf[0]
            for r in range(1, 16):
                acc16 = acc16 + tbuf[r]
            qout[b][pl.ds(e0, 16)] = acc16
            return 0

        lax.fori_loop(0, CH // 16, group, 0)
        pltpu.async_copy(qout[b], q_hbm.at[pl.ds(ebase + c * CH, CH)],
                         semq[b])

    def step(i, _):
        issue(2 * i + 1, 1)
        wait(0)
        compute(2 * i, 0)

        @pl.when(i < NIT - 1)
        def _():
            issue(2 * i + 2, 0)

        wait(1)
        compute(2 * i + 1, 1)
        return 0

    lax.fori_loop(0, NIT, step, 0)
    pltpu.make_async_copy(qout0, q_hbm.at[pl.ds(ebase, CH)], sqa).wait()
    pltpu.make_async_copy(qout1, q_hbm.at[pl.ds(ebase, CH)], sqb).wait()


BR = 2000
NBLK = N // BR


def _k1_body(x_ref, w_ref, y_ref):
    y_ref[...] = jnp.maximum(_mm(x_ref[...], w_ref[...]), 0.0)


def _tc_relu_matmul(x, w):
    return pl.pallas_call(
        _k1_body,
        grid=(NBLK,),
        in_specs=[pl.BlockSpec((BR, D), lambda i: (i, 0)),
                  pl.BlockSpec((D, D), lambda i: (0, 0))],
        out_specs=pl.BlockSpec((BR, D), lambda i: (i, 0)),
        out_shape=jax.ShapeDtypeStruct((N, D), f32),
    )(x, w)


def _ln_relu(h, gam, bet):
    mu = jnp.mean(h, axis=-1, keepdims=True)
    var = jnp.mean((h - mu) ** 2, axis=-1, keepdims=True)
    xn = (h - mu) / jnp.sqrt(var + 1e-5) * gam + bet
    return jnp.maximum(xn, 0.0)


def _k2_body(x_ref, agg_ref, wn1, wn2, bnr, gam, bet, wm, x1_ref, y1_ref):
    agg = agg_ref[0] + agg_ref[1]
    h = _mm(x_ref[...], wn1[...]) + _mm(agg, wn2[...]) + bnr[...]
    x1 = _ln_relu(h, gam[...], bet[...])
    x1_ref[...] = x1
    y1_ref[...] = jnp.maximum(_mm(x1, wm[...]), 0.0)


def _tc_layer_fused(x, aggs, wn1, wn2, bnr, gam, bet, wm):
    return pl.pallas_call(
        _k2_body,
        grid=(NBLK,),
        in_specs=[pl.BlockSpec((BR, D), lambda i: (i, 0)),
                  pl.BlockSpec((NC, BR, D), lambda i: (0, i, 0)),
                  pl.BlockSpec((D, D), lambda i: (0, 0)),
                  pl.BlockSpec((D, D), lambda i: (0, 0)),
                  pl.BlockSpec((1, D), lambda i: (0, 0)),
                  pl.BlockSpec((1, D), lambda i: (0, 0)),
                  pl.BlockSpec((1, D), lambda i: (0, 0)),
                  pl.BlockSpec((D, D), lambda i: (0, 0))],
        out_specs=[pl.BlockSpec((BR, D), lambda i: (i, 0)),
                   pl.BlockSpec((BR, D), lambda i: (i, 0))],
        out_shape=[jax.ShapeDtypeStruct((N, D), f32),
                   jax.ShapeDtypeStruct((N, D), f32)],
    )(x, aggs, wn1, wn2, bnr, gam, bet, wm)


def _k3_body(x_ref, agg_ref, wn1, wn2, bnr, gam, bet, x2_ref, ps_ref):
    agg = agg_ref[0] + agg_ref[1]
    h = _mm(x_ref[...], wn1[...]) + _mm(agg, wn2[...]) + bnr[...]
    x2 = _ln_relu(h, gam[...], bet[...])
    x2_ref[...] = x2
    ps_ref[...] = jnp.sum(x2, axis=0, keepdims=True)[None]


def _tc_layer_final(x, aggs, wn1, wn2, bnr, gam, bet):
    return pl.pallas_call(
        _k3_body,
        grid=(NBLK,),
        in_specs=[pl.BlockSpec((BR, D), lambda i: (i, 0)),
                  pl.BlockSpec((NC, BR, D), lambda i: (0, i, 0)),
                  pl.BlockSpec((D, D), lambda i: (0, 0)),
                  pl.BlockSpec((D, D), lambda i: (0, 0)),
                  pl.BlockSpec((1, D), lambda i: (0, 0)),
                  pl.BlockSpec((1, D), lambda i: (0, 0)),
                  pl.BlockSpec((1, D), lambda i: (0, 0))],
        out_specs=[pl.BlockSpec((BR, D), lambda i: (i, 0)),
                   pl.BlockSpec((1, 1, D), lambda i: (i, 0, 0))],
        out_shape=[jax.ShapeDtypeStruct((N, D), f32),
                   jax.ShapeDtypeStruct((NBLK, 1, D), f32)],
    )(x, aggs, wn1, wn2, bnr, gam, bet)


def _k4_body(x_ref, ws, wd, c_ref, p1_ref, p2_ref):
    p1_ref[...] = _mm(x_ref[...], ws[...]) + c_ref[...]
    p2_ref[...] = _mm(x_ref[...], wd[...])


def _tc_p(x, ws, wd, c):
    return pl.pallas_call(
        _k4_body,
        grid=(NBLK,),
        in_specs=[pl.BlockSpec((BR, D), lambda i: (i, 0)),
                  pl.BlockSpec((D, D), lambda i: (0, 0)),
                  pl.BlockSpec((D, D), lambda i: (0, 0)),
                  pl.BlockSpec((1, D), lambda i: (0, 0))],
        out_specs=[pl.BlockSpec((BR, D), lambda i: (i, 0)),
                   pl.BlockSpec((BR, D), lambda i: (i, 0))],
        out_shape=[jax.ShapeDtypeStruct((N, D), f32),
                   jax.ShapeDtypeStruct((N, D), f32)],
    )(x, ws, wd, c)


def _k5_body(ax_ref, wmv1, cmv, wh1, chh, w2m, w2h, brow, out_ref):
    ax = ax_ref[...]
    hm = jnp.maximum(_mm(ax, wmv1[...]) + cmv[...], 0.0)
    hh = jnp.maximum(_mm(ax, wh1[...]) + chh[...], 0.0)
    out_ref[...] = _mm(hm, w2m[...]) + _mm(hh, w2h[...]) + brow[...]


def _tc_ally(arows, wmv1, cmv, wh1, chh, w2m, w2h, brow):
    return pl.pallas_call(
        _k5_body,
        grid=(1,),
        in_specs=[pl.BlockSpec((APAD, D), lambda i: (0, 0)),
                  pl.BlockSpec((D, D), lambda i: (0, 0)),
                  pl.BlockSpec((1, D), lambda i: (0, 0)),
                  pl.BlockSpec((D, D), lambda i: (0, 0)),
                  pl.BlockSpec((1, D), lambda i: (0, 0)),
                  pl.BlockSpec((D, D), lambda i: (0, 0)),
                  pl.BlockSpec((D, D), lambda i: (0, 0)),
                  pl.BlockSpec((1, D), lambda i: (0, 0))],
        out_specs=pl.BlockSpec((APAD, D), lambda i: (0, 0)),
        out_shape=jax.ShapeDtypeStruct((APAD, D), f32),
    )(arows, wmv1, cmv, wh1, chh, w2m, w2h, brow)


def kernel(node_feature, global_feature, Wm, Wn, bn, gamma, beta, Wg, bg,
           Wmv1, bmv1, Wmv2, bmv2, Wh1, bh1, Wh2, bh2, Wa1, ba1, Wa2, ba2,
           edge_index, attack_edge_index, ally_indices):
    adst = attack_edge_index[1]

    npad = EPAD - E
    spread = jnp.arange(npad, dtype=jnp.int32) * 13 % N
    src_pad = jnp.concatenate([edge_index[0], spread])
    dst_pad = jnp.concatenate(
        [edge_index[1], N + (jnp.arange(npad, dtype=jnp.int32) % (NP - N))])
    asrc_pad = jnp.concatenate([attack_edge_index[0], spread])
    adst_pad = jnp.concatenate([attack_edge_index[1], spread])

    y0 = _tc_relu_matmul(node_feature, Wm[0])
    aggs0 = _sc_segment_sum_kernel()(y0, src_pad, dst_pad)
    x1, y1 = _tc_layer_fused(node_feature, aggs0,
                             Wn[0][:D], Wn[0][D:], bn[0].reshape(1, D),
                             gamma[0].reshape(1, D), beta[0].reshape(1, D),
                             Wm[1])
    aggs1 = _sc_segment_sum_kernel()(y1, src_pad, dst_pad)
    x2, psum = _tc_layer_final(x1, aggs1,
                               Wn[1][:D], Wn[1][D:], bn[1].reshape(1, D),
                               gamma[1].reshape(1, D), beta[1].reshape(1, D))

    pooled = jnp.sum(psum[:, 0, :], axis=0, keepdims=True) / 10000.0
    g = jax.nn.relu(
        _mm(jnp.concatenate([global_feature, pooled], axis=-1), Wg) + bg)

    c = _mm(g, Wa1[D:D + G]) + _mm(g, Wa1[2 * D + G:]) + ba1.reshape(1, D)
    P1, P2 = _tc_p(x2, Wa1[:D], Wa1[D + G:2 * D + G], c)

    aidx_pad = jnp.concatenate(
        [ally_indices, jnp.zeros((APAD - A,), jnp.int32)])
    wa2_r = Wa2.astype(jnp.bfloat16).astype(f32).reshape(8, 16)
    ba2v = jnp.full((16,), ba2[0] / 16.0, f32)
    q_full, arows = _sc_attack_kernel()(P1, P2, asrc_pad, adst_pad,
                                        wa2_r, ba2v, x2, aidx_pad)
    q_attack = q_full[:E]

    cmv = _mm(g, Wmv1[D:]) + bmv1.reshape(1, H)
    chh = _mm(g, Wh1[D:]) + bh1.reshape(1, H)
    w2m = jnp.zeros((H, D), f32).at[:, :4].set(Wmv2)
    w2h = jnp.zeros((H, D), f32).at[:, 4:5].set(Wh2)
    brow = jnp.zeros((1, D), f32).at[0, :4].set(bmv2).at[0, 4].set(bh2[0])
    out5 = _tc_ally(arows, Wmv1[:D], cmv, Wh1[:D], chh, w2m, w2h, brow)

    q_move = out5[:A, :4]
    q_hold = out5[:A, 4]
    return q_move, q_hold, q_attack, adst

# --- scband reference (transcript-rebuilt; emitter-appended) ---
"""Pipeline reference for scband-qnet-19791209300475 (READ-ONLY COPY).

The authoritative reference and input builder live on the scoring server;
editing this copy changes nothing except your own understanding.
"""

import jax, jax.numpy as jnp
import numpy as np

N = 10000
E = 320000
D = 128
G = 32
L = 2
H = 128
MOVE_DIM = 4
A = 2000
GLOBAL_NORM = 10000.0


def layer_norm(x, g, b):
    mu = jnp.mean(x, axis=-1, keepdims=True)
    var = jnp.var(x, axis=-1, keepdims=True)
    return (x - mu) / jnp.sqrt(var + 1e-5) * g + b


def setup_inputs(seed: int = 0) -> dict:
    key = jax.random.key(seed)
    ks = jax.random.split(key, 30)
    s = 0.05
    inp = {
        "node_feature": jax.random.normal(ks[0], (N, D), dtype=jnp.float32),
        "global_feature": jax.random.normal(ks[1], (1, G), dtype=jnp.float32),
        "Wm": jax.random.normal(ks[2], (L, D, D), dtype=jnp.float32) * s,
        "Wn": jax.random.normal(ks[3], (L, 2 * D, D), dtype=jnp.float32) * s,
        "bn": jnp.zeros((L, D), dtype=jnp.float32),
        "gamma": jnp.ones((L, D), dtype=jnp.float32),
        "beta": jnp.zeros((L, D), dtype=jnp.float32),
        "Wg": jax.random.normal(ks[4], (G + D, G), dtype=jnp.float32) * s,
        "bg": jnp.zeros((G,), dtype=jnp.float32),
        "Wmv1": jax.random.normal(ks[5], (D + G, H), dtype=jnp.float32) * s,
        "bmv1": jnp.zeros((H,), dtype=jnp.float32),
        "Wmv2": jax.random.normal(ks[6], (H, MOVE_DIM), dtype=jnp.float32) * s,
        "bmv2": jnp.zeros((MOVE_DIM,), dtype=jnp.float32),
        "Wh1": jax.random.normal(ks[7], (D + G, H), dtype=jnp.float32) * s,
        "bh1": jnp.zeros((H,), dtype=jnp.float32),
        "Wh2": jax.random.normal(ks[8], (H, 1), dtype=jnp.float32) * s,
        "bh2": jnp.zeros((1,), dtype=jnp.float32),
        "Wa1": jax.random.normal(ks[9], (2 * (D + G), H), dtype=jnp.float32) * s,
        "ba1": jnp.zeros((H,), dtype=jnp.float32),
        "Wa2": jax.random.normal(ks[10], (H, 1), dtype=jnp.float32) * s,
        "ba2": jnp.zeros((1,), dtype=jnp.float32),
        "edge_index": jax.random.randint(ks[11], (2, E), 0, N, dtype=jnp.int32),
        "attack_edge_index": jax.random.randint(ks[12], (2, E), 0, N, dtype=jnp.int32),
        "ally_indices": jax.random.randint(ks[13], (A,), 0, N, dtype=jnp.int32),
    }
    return inp


def reference(node_feature, global_feature, Wm, Wn, bn, gamma, beta, Wg, bg,
              Wmv1, bmv1, Wmv2, bmv2, Wh1, bh1, Wh2, bh2, Wa1, ba1, Wa2, ba2,
              edge_index, attack_edge_index, ally_indices):
    src = edge_index[0]
    dst = edge_index[1]
    asrc = attack_edge_index[0]
    adst = attack_edge_index[1]

    # Relational encoder: L rounds of message passing over the graph
    x = node_feature
    for l in range(L):
        m = jax.nn.relu(jnp.take(x, src, axis=0) @ Wm[l])            # gather + transform messages
        agg = jax.ops.segment_sum(m, dst, num_segments=N)            # scatter-add to dst nodes
        h = jnp.concatenate([x, agg], axis=-1) @ Wn[l] + bn[l]
        h = layer_norm(h, gamma[l], beta[l])
        x = jax.nn.relu(h)

    # Global update (graph readout normalized by global_norm)
    pooled = jnp.sum(x, axis=0, keepdims=True) / GLOBAL_NORM
    g = jax.nn.relu(jnp.concatenate([global_feature, pooled], axis=-1) @ Wg + bg)

    # Broadcast global to every node (single, non-batched graph branch)
    g_rep = jnp.repeat(g, N, axis=0)
    nf = jnp.concatenate([x, g_rep], axis=-1)

    # Move / Hold modules evaluated on ally nodes
    ally = jnp.take(nf, ally_indices, axis=0)
    q_move = jax.nn.relu(ally @ Wmv1 + bmv1) @ Wmv2 + bmv2
    q_hold = (jax.nn.relu(ally @ Wh1 + bh1) @ Wh2 + bh2).squeeze(-1)

    # Attack module scores every attack-graph edge
    ef = jnp.concatenate([jnp.take(nf, asrc, axis=0), jnp.take(nf, adst, axis=0)], axis=-1)
    q_attack = (jax.nn.relu(ef @ Wa1 + ba1) @ Wa2 + ba2).squeeze(-1)
    attack_indices = adst
    return q_move, q_hold, q_attack, attack_indices

if __name__ == "__main__":
    import jax
    _d = setup_inputs()
    print(jax.jit(kernel)(*tuple(_d.values())))

</pallas_src>

<mosaic_0001>
#map = affine_map<(d0, d1) -> (0, 0)>
#map1 = affine_map<(d0, d1) -> (0)>
#map2 = affine_map<(d0, d1) -> (0, 0, 0)>
module attributes {stable_mosaic.version = 14 : i64} {
  func.func @_sc_segment_sum_body(%arg0: i32, %arg1: i32, %arg2: memref<10000x128xf32, #tpu.memory_space<hbm>>, %arg3: memref<327680xi32, #tpu.memory_space<hbm>>, %arg4: memref<327680xi32, #tpu.memory_space<hbm>>, %arg5: memref<2x10240x128xf32, #tpu.memory_space<hbm>>, %arg6: memref<2x2x80xi32, #tpu.memory_space<vmem>>, %arg7: memref<80x128xf32, #tpu.memory_space<vmem>>, %arg8: memref<80x128xf32, #tpu.memory_space<vmem>>, %arg9: memref<128x128xf32, #tpu.memory_space<vmem>>, %arg10: memref<10240x128xf32, #tpu.memory_space<vmem_shared>>, %arg11: memref<!tpu.dma_semaphore, #tpu.memory_space<semaphore_mem>>, %arg12: memref<!tpu.dma_semaphore, #tpu.memory_space<semaphore_mem>>) attributes {dimension_semantics = [#tpu.dimension_semantics<core_parallel>, #tpu.dimension_semantics<subcore_parallel>], iteration_bounds = array<i64: 2, 16>, scalar_prefetch = 0 : i64, scratch_operands = 7 : i64, tpu.core_type = #tpu.core_type<sc_vector_subcore>, window_params = [{transform_indices = #map}, {transform_indices = #map1}, {transform_indices = #map1}, {transform_indices = #map2}]} {
    %mul3A = arith.constant 16 : i32
    %mul3A_0 = arith.muli %arg0, %mul3A : i32
    %add3A = arith.addi %mul3A_0, %arg1 : i32
    %mul3A_1 = arith.constant 10240 : i32
    %mul3A_2 = arith.muli %add3A, %mul3A_1 : i32
    %add3A_3 = arith.constant 0 : i32
    %add3A_4 = arith.addi %mul3A_2, %add3A_3 : i32
    %run_scoped3A = arith.constant 0 : i32
    %run_scoped3A_5 = arith.constant 0 : i32
    "tpu.region"() ({
      %run_scoped3A_70 = tpu.sem_alloc : memref<!tpu.dma_semaphore, #tpu.memory_space<semaphore_mem>>
      %dma_start3A_71 = arith.constant 0 : i32
      %dma_start3A_72 = tpu.memref_slice %arg6[%run_scoped3A, %run_scoped3A_5, %dma_start3A_71] : memref<2x2x80xi32, #tpu.memory_space<vmem>> -> memref<1x1x80xi32, #tpu.memory_space<vmem>>
      %dma_start3A_73 = tpu.memref_squeeze %dma_start3A_72 : memref<1x1x80xi32, #tpu.memory_space<vmem>> -> memref<80xi32, #tpu.memory_space<vmem>>
      %dma_start3A_74 = tpu.memref_slice %arg3[%add3A_4] : memref<327680xi32, #tpu.memory_space<hbm>> -> memref<80xi32, #tpu.memory_space<hbm>>
      %dma_start3A_75 = arith.constant 0 : i32
      %dma_start3A_76 = tpu.memref_slice %arg6[%run_scoped3A, %run_scoped3A_5, %dma_start3A_75] : memref<2x2x80xi32, #tpu.memory_space<vmem>> -> memref<1x1x80xi32, #tpu.memory_space<vmem>>
      %dma_start3A_77 = tpu.memref_squeeze %dma_start3A_76 : memref<1x1x80xi32, #tpu.memory_space<vmem>> -> memref<80xi32, #tpu.memory_space<vmem>>
      %dma_start3A_78 = tpu.memref_slice %arg3[%add3A_4] : memref<327680xi32, #tpu.memory_space<hbm>> -> memref<80xi32, #tpu.memory_space<hbm>>
      tpu.enqueue_dma source(%dma_start3A_78 : memref<80xi32, #tpu.memory_space<hbm>>) target(%dma_start3A_77 : memref<80xi32, #tpu.memory_space<vmem>>) target_semaphore(%run_scoped3A_70 : memref<!tpu.dma_semaphore, #tpu.memory_space<semaphore_mem>>)
      %dma_wait3A = arith.constant 0 : i32
      %dma_wait3A_79 = tpu.memref_slice %arg6[%run_scoped3A, %run_scoped3A_5, %dma_wait3A] : memref<2x2x80xi32, #tpu.memory_space<vmem>> -> memref<1x1x80xi32, #tpu.memory_space<vmem>>
      %dma_wait3A_80 = tpu.memref_squeeze %dma_wait3A_79 : memref<1x1x80xi32, #tpu.memory_space<vmem>> -> memref<80xi32, #tpu.memory_space<vmem>>
      %dma_wait3A_81 = tpu.memref_slice %arg3[%add3A_4] : memref<327680xi32, #tpu.memory_space<hbm>> -> memref<80xi32, #tpu.memory_space<hbm>>
      %dma_wait3A_82 = arith.constant 0 : i32
      %dma_wait3A_83 = tpu.memref_slice %arg6[%run_scoped3A, %run_scoped3A_5, %dma_wait3A_82] : memref<2x2x80xi32, #tpu.memory_space<vmem>> -> memref<1x1x80xi32, #tpu.memory_space<vmem>>
      %dma_wait3A_84 = tpu.memref_squeeze %dma_wait3A_83 : memref<1x1x80xi32, #tpu.memory_space<vmem>> -> memref<80xi32, #tpu.memory_space<vmem>>
      %dma_wait3A_85 = tpu.memref_slice %arg3[%add3A_4] : memref<327680xi32, #tpu.memory_space<hbm>> -> memref<80xi32, #tpu.memory_space<hbm>>
      tpu.wait_dma2 semaphore(%run_scoped3A_70 : memref<!tpu.dma_semaphore, #tpu.memory_space<semaphore_mem>>) src(%dma_wait3A_85 : memref<80xi32, #tpu.memory_space<hbm>>) dst(%dma_wait3A_84 : memref<80xi32, #tpu.memory_space<vmem>>)
      tpu.yield
    }) : () -> ()
    %run_scoped3A_6 = arith.constant 0 : i32
    %run_scoped3A_7 = arith.constant 1 : i32
    "tpu.region"() ({
      %run_scoped3A_70 = tpu.sem_alloc : memref<!tpu.dma_semaphore, #tpu.memory_space<semaphore_mem>>
      %dma_start3A_71 = arith.constant 0 : i32
      %dma_start3A_72 = tpu.memref_slice %arg6[%run_scoped3A_6, %run_scoped3A_7, %dma_start3A_71] : memref<2x2x80xi32, #tpu.memory_space<vmem>> -> memref<1x1x80xi32, #tpu.memory_space<vmem>>
      %dma_start3A_73 = tpu.memref_squeeze %dma_start3A_72 : memref<1x1x80xi32, #tpu.memory_space<vmem>> -> memref<80xi32, #tpu.memory_space<vmem>>
      %dma_start3A_74 = tpu.memref_slice %arg4[%add3A_4] : memref<327680xi32, #tpu.memory_space<hbm>> -> memref<80xi32, #tpu.memory_space<hbm>>
      %dma_start3A_75 = arith.constant 0 : i32
      %dma_start3A_76 = tpu.memref_slice %arg6[%run_scoped3A_6, %run_scoped3A_7, %dma_start3A_75] : memref<2x2x80xi32, #tpu.memory_space<vmem>> -> memref<1x1x80xi32, #tpu.memory_space<vmem>>
      %dma_start3A_77 = tpu.memref_squeeze %dma_start3A_76 : memref<1x1x80xi32, #tpu.memory_space<vmem>> -> memref<80xi32, #tpu.memory_space<vmem>>
      %dma_start3A_78 = tpu.memref_slice %arg4[%add3A_4] : memref<327680xi32, #tpu.memory_space<hbm>> -> memref<80xi32, #tpu.memory_space<hbm>>
      tpu.enqueue_dma source(%dma_start3A_78 : memref<80xi32, #tpu.memory_space<hbm>>) target(%dma_start3A_77 : memref<80xi32, #tpu.memory_space<vmem>>) target_semaphore(%run_scoped3A_70 : memref<!tpu.dma_semaphore, #tpu.memory_space<semaphore_mem>>)
      %dma_wait3A = arith.constant 0 : i32
      %dma_wait3A_79 = tpu.memref_slice %arg6[%run_scoped3A_6, %run_scoped3A_7, %dma_wait3A] : memref<2x2x80xi32, #tpu.memory_space<vmem>> -> memref<1x1x80xi32, #tpu.memory_space<vmem>>
      %dma_wait3A_80 = tpu.memref_squeeze %dma_wait3A_79 : memref<1x1x80xi32, #tpu.memory_space<vmem>> -> memref<80xi32, #tpu.memory_space<vmem>>
      %dma_wait3A_81 = tpu.memref_slice %arg4[%add3A_4] : memref<327680xi32, #tpu.memory_space<hbm>> -> memref<80xi32, #tpu.memory_space<hbm>>
      %dma_wait3A_82 = arith.constant 0 : i32
      %dma_wait3A_83 = tpu.memref_slice %arg6[%run_scoped3A_6, %run_scoped3A_7, %dma_wait3A_82] : memref<2x2x80xi32, #tpu.memory_space<vmem>> -> memref<1x1x80xi32, #tpu.memory_space<vmem>>
      %dma_wait3A_84 = tpu.memref_squeeze %dma_wait3A_83 : memref<1x1x80xi32, #tpu.memory_space<vmem>> -> memref<80xi32, #tpu.memory_space<vmem>>
      %dma_wait3A_85 = tpu.memref_slice %arg4[%add3A_4] : memref<327680xi32, #tpu.memory_space<hbm>> -> memref<80xi32, #tpu.memory_space<hbm>>
      tpu.wait_dma2 semaphore(%run_scoped3A_70 : memref<!tpu.dma_semaphore, #tpu.memory_space<semaphore_mem>>) src(%dma_wait3A_85 : memref<80xi32, #tpu.memory_space<hbm>>) dst(%dma_wait3A_84 : memref<80xi32, #tpu.memory_space<vmem>>)
      tpu.yield
    }) : () -> ()
    %dma_start3A = arith.constant 0 : i32
    %dma_start3A_8 = arith.constant 0 : i32
    %dma_start3A_9 = arith.constant 0 : i32
    %dma_start3A_10 = tpu.memref_slice %arg6[%dma_start3A, %dma_start3A_8, %dma_start3A_9] : memref<2x2x80xi32, #tpu.memory_space<vmem>> -> memref<1x1x80xi32, #tpu.memory_space<vmem>>
    %dma_start3A_11 = tpu.memref_squeeze %dma_start3A_10 : memref<1x1x80xi32, #tpu.memory_space<vmem>> -> memref<80xi32, #tpu.memory_space<vmem>>
    %dma_start3A_12 = arith.constant 0 : i32
    %dma_start3A_13 = arith.constant 0 : i32
    %dma_start3A_14 = tpu.memref_slice %arg2[%dma_start3A_12, %dma_start3A_13] : memref<10000x128xf32, #tpu.memory_space<hbm>> -> memref<10000x128xf32, #tpu.memory_space<hbm>>
    tpu.enqueue_indirect_dma source(%dma_start3A_14 : memref<10000x128xf32, #tpu.memory_space<hbm>>) target(%arg7 : memref<80x128xf32, #tpu.memory_space<vmem>>) offsets(%dma_start3A_11 : memref<80xi32, #tpu.memory_space<vmem>>) semaphore(%arg11 : memref<!tpu.dma_semaphore, #tpu.memory_space<semaphore_mem>>)
    %broadcast_in_dim3A = arith.constant 0.000000e+00 : f32
    %broadcast_in_dim3A_15 = vector.broadcast %broadcast_in_dim3A : f32 to vector<16xf32>
    %scan3A = arith.constant 0 : i32
    %scan3A_16 = arith.constant 0 : i32
    %scan3A_17 = arith.constant 128 : i32
    %scan3A_18 = arith.addi %scan3A_16, %scan3A_17 : i32
    %scan3A_19 = arith.constant 1 : i32
    %scan3A_20 = scf.for %scan3A_70 = %scan3A_16 to %scan3A_18 step %scan3A_19 iter_args(%scan3A_71 = %scan3A) -> (i32)  : i32 {
      %swap3A = arith.index_cast %scan3A_70 : i32 to index
      %swap3A_72 = arith.constant 0 : index
      %swap3A_73 = tpu.vector_load %arg9[%swap3A, %swap3A_72] {strides = array<i32>} : memref<128x128xf32, #tpu.memory_space<vmem>>, vector<16xf32>,
      tpu.vector_store %arg9[%swap3A, %swap3A_72], %broadcast_in_dim3A_15 {strides = array<i32>} : memref<128x128xf32, #tpu.memory_space<vmem>>, vector<16xf32>,
      %swap3A_74 = arith.index_cast %scan3A_70 : i32 to index
      %swap3A_75 = arith.constant 16 : index
      %swap3A_76 = tpu.vector_load %arg9[%swap3A_74, %swap3A_75] {strides = array<i32>} : memref<128x128xf32, #tpu.memory_space<vmem>>, vector<16xf32>,
      tpu.vector_store %arg9[%swap3A_74, %swap3A_75], %broadcast_in_dim3A_15 {strides = array<i32>} : memref<128x128xf32, #tpu.memory_space<vmem>>, vector<16xf32>,
      %swap3A_77 = arith.index_cast %scan3A_70 : i32 to index
      %swap3A_78 = arith.constant 32 : index
      %swap3A_79 = tpu.vector_load %arg9[%swap3A_77, %swap3A_78] {strides = array<i32>} : memref<128x128xf32, #tpu.memory_space<vmem>>, vector<16xf32>,
      tpu.vector_store %arg9[%swap3A_77, %swap3A_78], %broadcast_in_dim3A_15 {strides = array<i32>} : memref<128x128xf32, #tpu.memory_space<vmem>>, vector<16xf32>,
      %swap3A_80 = arith.index_cast %scan3A_70 : i32 to index
      %swap3A_81 = arith.constant 48 : index
      %swap3A_82 = tpu.vector_load %arg9[%swap3A_80, %swap3A_81] {strides = array<i32>} : memref<128x128xf32, #tpu.memory_space<vmem>>, vector<16xf32>,
      tpu.vector_store %arg9[%swap3A_80, %swap3A_81], %broadcast_in_dim3A_15 {strides = array<i32>} : memref<128x128xf32, #tpu.memory_space<vmem>>, vector<16xf32>,
      %swap3A_83 = arith.index_cast %scan3A_70 : i32 to index
      %swap3A_84 = arith.constant 64 : index
      %swap3A_85 = tpu.vector_load %arg9[%swap3A_83, %swap3A_84] {strides = array<i32>} : memref<128x128xf32, #tpu.memory_space<vmem>>, vector<16xf32>,
      tpu.vector_store %arg9[%swap3A_83, %swap3A_84], %broadcast_in_dim3A_15 {strides = array<i32>} : memref<128x128xf32, #tpu.memory_space<vmem>>, vector<16xf32>,
      %swap3A_86 = arith.index_cast %scan3A_70 : i32 to index
      %swap3A_87 = arith.constant 80 : index
      %swap3A_88 = tpu.vector_load %arg9[%swap3A_86, %swap3A_87] {strides = array<i32>} : memref<128x128xf32, #tpu.memory_space<vmem>>, vector<16xf32>,
      tpu.vector_store %arg9[%swap3A_86, %swap3A_87], %broadcast_in_dim3A_15 {strides = array<i32>} : memref<128x128xf32, #tpu.memory_space<vmem>>, vector<16xf32>,
      %swap3A_89 = arith.index_cast %scan3A_70 : i32 to index
      %swap3A_90 = arith.constant 96 : index
      %swap3A_91 = tpu.vector_load %arg9[%swap3A_89, %swap3A_90] {strides = array<i32>} : memref<128x128xf32, #tpu.memory_space<vmem>>, vector<16xf32>,
      tpu.vector_store %arg9[%swap3A_89, %swap3A_90], %broadcast_in_dim3A_15 {strides = array<i32>} : memref<128x128xf32, #tpu.memory_space<vmem>>, vector<16xf32>,
      %swap3A_92 = arith.index_cast %scan3A_70 : i32 to index
      %swap3A_93 = arith.constant 112 : index
      %swap3A_94 = tpu.vector_load %arg9[%swap3A_92, %swap3A_93] {strides = array<i32>} : memref<128x128xf32, #tpu.memory_space<vmem>>, vector<16xf32>,
      tpu.vector_store %arg9[%swap3A_92, %swap3A_93], %broadcast_in_dim3A_15 {strides = array<i32>} : memref<128x128xf32, #tpu.memory_space<vmem>>, vector<16xf32>,
      %scan3A_95 = arith.constant 0 : i32
      scf.yield %scan3A_95 : i32
    }
    %scan3A_21 = arith.constant 128 : i32
    %mul3A_22 = arith.constant 640 : i32
    %mul3A_23 = arith.muli %arg1, %mul3A_22 : i32
    %add3A_24 = arith.constant 0 : i32
    %add3A_25 = arith.addi %mul3A_23, %add3A_24 : i32
    "tpu.region"() ({
      %run_scoped3A_70 = tpu.sem_alloc : memref<!tpu.dma_semaphore, #tpu.memory_space<semaphore_mem>>
      %dma_start3A_71 = arith.constant 0 : i32
      %dma_start3A_72 = tpu.memref_slice %arg10[%add3A_25, %dma_start3A_71] : memref<10240x128xf32, #tpu.memory_space<vmem_shared>> -> memref<128x128xf32, #tpu.memory_space<vmem_shared>>
      %dma_start3A_73 = arith.constant 0 : i32
      %dma_start3A_74 = tpu.memref_slice %arg10[%add3A_25, %dma_start3A_73] : memref<10240x128xf32, #tpu.memory_space<vmem_shared>> -> memref<128x128xf32, #tpu.memory_space<vmem_shared>>
      tpu.enqueue_dma source(%arg9 : memref<128x128xf32, #tpu.memory_space<vmem>>) target(%dma_start3A_74 : memref<128x128xf32, #tpu.memory_space<vmem_shared>>) target_semaphore(%run_scoped3A_70 : memref<!tpu.dma_semaphore, #tpu.memory_space<semaphore_mem>>)
      %dma_wait3A = arith.constant 0 : i32
      %dma_wait3A_75 = tpu.memref_slice %arg10[%add3A_25, %dma_wait3A] : memref<10240x128xf32, #tpu.memory_space<vmem_shared>> -> memref<128x128xf32, #tpu.memory_space<vmem_shared>>
      %dma_wait3A_76 = arith.constant 0 : i32
      %dma_wait3A_77 = tpu.memref_slice %arg10[%add3A_25, %dma_wait3A_76] : memref<10240x128xf32, #tpu.memory_space<vmem_shared>> -> memref<128x128xf32, #tpu.memory_space<vmem_shared>>
      tpu.wait_dma2 semaphore(%run_scoped3A_70 : memref<!tpu.dma_semaphore, #tpu.memory_space<semaphore_mem>>) src(%arg9 : memref<128x128xf32, #tpu.memory_space<vmem>>) dst(%dma_wait3A_77 : memref<128x128xf32, #tpu.memory_space<vmem_shared>>)
      tpu.yield
    }) : () -> ()
    %mul3A_26 = arith.constant 640 : i32
    %mul3A_27 = arith.muli %arg1, %mul3A_26 : i32
    %add3A_28 = arith.constant 128 : i32
    %add3A_29 = arith.addi %mul3A_27, %add3A_28 : i32
    "tpu.region"() ({
      %run_scoped3A_70 = tpu.sem_alloc : memref<!tpu.dma_semaphore, #tpu.memory_space<semaphore_mem>>
      %dma_start3A_71 = arith.constant 0 : i32
      %dma_start3A_72 = tpu.memref_slice %arg10[%add3A_29, %dma_start3A_71] : memref<10240x128xf32, #tpu.memory_space<vmem_shared>> -> memref<128x128xf32, #tpu.memory_space<vmem_shared>>
      %dma_start3A_73 = arith.constant 0 : i32
      %dma_start3A_74 = tpu.memref_slice %arg10[%add3A_29, %dma_start3A_73] : memref<10240x128xf32, #tpu.memory_space<vmem_shared>> -> memref<128x128xf32, #tpu.memory_space<vmem_shared>>
      tpu.enqueue_dma source(%arg9 : memref<128x128xf32, #tpu.memory_space<vmem>>) target(%dma_start3A_74 : memref<128x128xf32, #tpu.memory_space<vmem_shared>>) target_semaphore(%run_scoped3A_70 : memref<!tpu.dma_semaphore, #tpu.memory_space<semaphore_mem>>)
      %dma_wait3A = arith.constant 0 : i32
      %dma_wait3A_75 = tpu.memref_slice %arg10[%add3A_29, %dma_wait3A] : memref<10240x128xf32, #tpu.memory_space<vmem_shared>> -> memref<128x128xf32, #tpu.memory_space<vmem_shared>>
      %dma_wait3A_76 = arith.constant 0 : i32
      %dma_wait3A_77 = tpu.memref_slice %arg10[%add3A_29, %dma_wait3A_76] : memref<10240x128xf32, #tpu.memory_space<vmem_shared>> -> memref<128x128xf32, #tpu.memory_space<vmem_shared>>
      tpu.wait_dma2 semaphore(%run_scoped3A_70 : memref<!tpu.dma_semaphore, #tpu.memory_space<semaphore_mem>>) src(%arg9 : memref<128x128xf32, #tpu.memory_space<vmem>>) dst(%dma_wait3A_77 : memref<128x128xf32, #tpu.memory_space<vmem_shared>>)
      tpu.yield
    }) : () -> ()
    %mul3A_30 = arith.constant 640 : i32
    %mul3A_31 = arith.muli %arg1, %mul3A_30 : i32
    %add3A_32 = arith.constant 256 : i32
    %add3A_33 = arith.addi %mul3A_31, %add3A_32 : i32
    "tpu.region"() ({
      %run_scoped3A_70 = tpu.sem_alloc : memref<!tpu.dma_semaphore, #tpu.memory_space<semaphore_mem>>
      %dma_start3A_71 = arith.constant 0 : i32
      %dma_start3A_72 = tpu.memref_slice %arg10[%add3A_33, %dma_start3A_71] : memref<10240x128xf32, #tpu.memory_space<vmem_shared>> -> memref<128x128xf32, #tpu.memory_space<vmem_shared>>
      %dma_start3A_73 = arith.constant 0 : i32
      %dma_start3A_74 = tpu.memref_slice %arg10[%add3A_33, %dma_start3A_73] : memref<10240x128xf32, #tpu.memory_space<vmem_shared>> -> memref<128x128xf32, #tpu.memory_space<vmem_shared>>
      tpu.enqueue_dma source(%arg9 : memref<128x128xf32, #tpu.memory_space<vmem>>) target(%dma_start3A_74 : memref<128x128xf32, #tpu.memory_space<vmem_shared>>) target_semaphore(%run_scoped3A_70 : memref<!tpu.dma_semaphore, #tpu.memory_space<semaphore_mem>>)
      %dma_wait3A = arith.constant 0 : i32
      %dma_wait3A_75 = tpu.memref_slice %arg10[%add3A_33, %dma_wait3A] : memref<10240x128xf32, #tpu.memory_space<vmem_shared>> -> memref<128x128xf32, #tpu.memory_space<vmem_shared>>
      %dma_wait3A_76 = arith.constant 0 : i32
      %dma_wait3A_77 = tpu.memref_slice %arg10[%add3A_33, %dma_wait3A_76] : memref<10240x128xf32, #tpu.memory_space<vmem_shared>> -> memref<128x128xf32, #tpu.memory_space<vmem_shared>>
      tpu.wait_dma2 semaphore(%run_scoped3A_70 : memref<!tpu.dma_semaphore, #tpu.memory_space<semaphore_mem>>) src(%arg9 : memref<128x128xf32, #tpu.memory_space<vmem>>) dst(%dma_wait3A_77 : memref<128x128xf32, #tpu.memory_space<vmem_shared>>)
      tpu.yield
    }) : () -> ()
    %mul3A_34 = arith.constant 640 : i32
    %mul3A_35 = arith.muli %arg1, %mul3A_34 : i32
    %add3A_36 = arith.constant 384 : i32
    %add3A_37 = arith.addi %mul3A_35, %add3A_36 : i32
    "tpu.region"() ({
      %run_scoped3A_70 = tpu.sem_alloc : memref<!tpu.dma_semaphore, #tpu.memory_space<semaphore_mem>>
      %dma_start3A_71 = arith.constant 0 : i32
      %dma_start3A_72 = tpu.memref_slice %arg10[%add3A_37, %dma_start3A_71] : memref<10240x128xf32, #tpu.memory_space<vmem_shared>> -> memref<128x128xf32, #tpu.memory_space<vmem_shared>>
      %dma_start3A_73 = arith.constant 0 : i32
      %dma_start3A_74 = tpu.memref_slice %arg10[%add3A_37, %dma_start3A_73] : memref<10240x128xf32, #tpu.memory_space<vmem_shared>> -> memref<128x128xf32, #tpu.memory_space<vmem_shared>>
      tpu.enqueue_dma source(%arg9 : memref<128x128xf32, #tpu.memory_space<vmem>>) target(%dma_start3A_74 : memref<128x128xf32, #tpu.memory_space<vmem_shared>>) target_semaphore(%run_scoped3A_70 : memref<!tpu.dma_semaphore, #tpu.memory_space<semaphore_mem>>)
      %dma_wait3A = arith.constant 0 : i32
      %dma_wait3A_75 = tpu.memref_slice %arg10[%add3A_37, %dma_wait3A] : memref<10240x128xf32, #tpu.memory_space<vmem_shared>> -> memref<128x128xf32, #tpu.memory_space<vmem_shared>>
      %dma_wait3A_76 = arith.constant 0 : i32
      %dma_wait3A_77 = tpu.memref_slice %arg10[%add3A_37, %dma_wait3A_76] : memref<10240x128xf32, #tpu.memory_space<vmem_shared>> -> memref<128x128xf32, #tpu.memory_space<vmem_shared>>
      tpu.wait_dma2 semaphore(%run_scoped3A_70 : memref<!tpu.dma_semaphore, #tpu.memory_space<semaphore_mem>>) src(%arg9 : memref<128x128xf32, #tpu.memory_space<vmem>>) dst(%dma_wait3A_77 : memref<128x128xf32, #tpu.memory_space<vmem_shared>>)
      tpu.yield
    }) : () -> ()
    %mul3A_38 = arith.constant 640 : i32
    %mul3A_39 = arith.muli %arg1, %mul3A_38 : i32
    %add3A_40 = arith.constant 512 : i32
    %add3A_41 = arith.addi %mul3A_39, %add3A_40 : i32
    "tpu.region"() ({
      %run_scoped3A_70 = tpu.sem_alloc : memref<!tpu.dma_semaphore, #tpu.memory_space<semaphore_mem>>
      %dma_start3A_71 = arith.constant 0 : i32
      %dma_start3A_72 = tpu.memref_slice %arg10[%add3A_41, %dma_start3A_71] : memref<10240x128xf32, #tpu.memory_space<vmem_shared>> -> memref<128x128xf32, #tpu.memory_space<vmem_shared>>
      %dma_start3A_73 = arith.constant 0 : i32
      %dma_start3A_74 = tpu.memref_slice %arg10[%add3A_41, %dma_start3A_73] : memref<10240x128xf32, #tpu.memory_space<vmem_shared>> -> memref<128x128xf32, #tpu.memory_space<vmem_shared>>
      tpu.enqueue_dma source(%arg9 : memref<128x128xf32, #tpu.memory_space<vmem>>) target(%dma_start3A_74 : memref<128x128xf32, #tpu.memory_space<vmem_shared>>) target_semaphore(%run_scoped3A_70 : memref<!tpu.dma_semaphore, #tpu.memory_space<semaphore_mem>>)
      %dma_wait3A = arith.constant 0 : i32
      %dma_wait3A_75 = tpu.memref_slice %arg10[%add3A_41, %dma_wait3A] : memref<10240x128xf32, #tpu.memory_space<vmem_shared>> -> memref<128x128xf32, #tpu.memory_space<vmem_shared>>
      %dma_wait3A_76 = arith.constant 0 : i32
      %dma_wait3A_77 = tpu.memref_slice %arg10[%add3A_41, %dma_wait3A_76] : memref<10240x128xf32, #tpu.memory_space<vmem_shared>> -> memref<128x128xf32, #tpu.memory_space<vmem_shared>>
      tpu.wait_dma2 semaphore(%run_scoped3A_70 : memref<!tpu.dma_semaphore, #tpu.memory_space<semaphore_mem>>) src(%arg9 : memref<128x128xf32, #tpu.memory_space<vmem>>) dst(%dma_wait3A_77 : memref<128x128xf32, #tpu.memory_space<vmem_shared>>)
      tpu.yield
    }) : () -> ()
    %barrier3A = arith.constant 0 : index
    tpu.barrier barrier_id(%barrier3A)
    %scan3A_42 = arith.constant 0 : i32
    %scan3A_43 = arith.constant 0 : i32
    %scan3A_44 = arith.constant 64 : i32
    %scan3A_45 = arith.addi %scan3A_43, %scan3A_44 : i32
    %scan3A_46 = arith.constant 1 : i32
    %scan3A_47 = scf.for %scan3A_70 = %scan3A_43 to %scan3A_45 step %scan3A_46 iter_args(%scan3A_71 = %scan3A_42) -> (i32)  : i32 {
      %mul3A_72 = arith.constant 2 : i32
      %mul3A_73 = arith.muli %mul3A_72, %scan3A_70 : i32
      %add3A_74 = arith.constant 1 : i32
      %add3A_75 = arith.addi %mul3A_73, %add3A_74 : i32
      %mul3A_76 = arith.constant 80 : i32
      %mul3A_77 = arith.muli %add3A_75, %mul3A_76 : i32
      %add3A_78 = arith.addi %mul3A_2, %mul3A_77 : i32
      %run_scoped3A_79 = arith.constant 1 : i32
      %run_scoped3A_80 = arith.constant 0 : i32
      "tpu.region"() ({
        %run_scoped3A_113 = tpu.sem_alloc : memref<!tpu.dma_semaphore, #tpu.memory_space<semaphore_mem>>
        %dma_start3A_114 = arith.constant 0 : i32
        %dma_start3A_115 = tpu.memref_slice %arg6[%run_scoped3A_79, %run_scoped3A_80, %dma_start3A_114] : memref<2x2x80xi32, #tpu.memory_space<vmem>> -> memref<1x1x80xi32, #tpu.memory_space<vmem>>
        %dma_start3A_116 = tpu.memref_squeeze %dma_start3A_115 : memref<1x1x80xi32, #tpu.memory_space<vmem>> -> memref<80xi32, #tpu.memory_space<vmem>>
        %dma_start3A_117 = tpu.memref_slice %arg3[%add3A_78] : memref<327680xi32, #tpu.memory_space<hbm>> -> memref<80xi32, #tpu.memory_space<hbm>>
        %dma_start3A_118 = arith.constant 0 : i32
        %dma_start3A_119 = tpu.memref_slice %arg6[%run_scoped3A_79, %run_scoped3A_80, %dma_start3A_118] : memref<2x2x80xi32, #tpu.memory_space<vmem>> -> memref<1x1x80xi32, #tpu.memory_space<vmem>>
        %dma_start3A_120 = tpu.memref_squeeze %dma_start3A_119 : memref<1x1x80xi32, #tpu.memory_space<vmem>> -> memref<80xi32, #tpu.memory_space<vmem>>
        %dma_start3A_121 = tpu.memref_slice %arg3[%add3A_78] : memref<327680xi32, #tpu.memory_space<hbm>> -> memref<80xi32, #tpu.memory_space<hbm>>
        tpu.enqueue_dma source(%dma_start3A_121 : memref<80xi32, #tpu.memory_space<hbm>>) target(%dma_start3A_120 : memref<80xi32, #tpu.memory_space<vmem>>) target_semaphore(%run_scoped3A_113 : memref<!tpu.dma_semaphore, #tpu.memory_space<semaphore_mem>>)
        %dma_wait3A_122 = arith.constant 0 : i32
        %dma_wait3A_123 = tpu.memref_slice %arg6[%run_scoped3A_79, %run_scoped3A_80, %dma_wait3A_122] : memref<2x2x80xi32, #tpu.memory_space<vmem>> -> memref<1x1x80xi32, #tpu.memory_space<vmem>>
        %dma_wait3A_124 = tpu.memref_squeeze %dma_wait3A_123 : memref<1x1x80xi32, #tpu.memory_space<vmem>> -> memref<80xi32, #tpu.memory_space<vmem>>
        %dma_wait3A_125 = tpu.memref_slice %arg3[%add3A_78] : memref<327680xi32, #tpu.memory_space<hbm>> -> memref<80xi32, #tpu.memory_space<hbm>>
        %dma_wait3A_126 = arith.constant 0 : i32
        %dma_wait3A_127 = tpu.memref_slice %arg6[%run_scoped3A_79, %run_scoped3A_80, %dma_wait3A_126] : memref<2x2x80xi32, #tpu.memory_space<vmem>> -> memref<1x1x80xi32, #tpu.memory_space<vmem>>
        %dma_wait3A_128 = tpu.memref_squeeze %dma_wait3A_127 : memref<1x1x80xi32, #tpu.memory_space<vmem>> -> memref<80xi32, #tpu.memory_space<vmem>>
        %dma_wait3A_129 = tpu.memref_slice %arg3[%add3A_78] : memref<327680xi32, #tpu.memory_space<hbm>> -> memref<80xi32, #tpu.memory_space<hbm>>
        tpu.wait_dma2 semaphore(%run_scoped3A_113 : memref<!tpu.dma_semaphore, #tpu.memory_space<semaphore_mem>>) src(%dma_wait3A_129 : memref<80xi32, #tpu.memory_space<hbm>>) dst(%dma_wait3A_128 : memref<80xi32, #tpu.memory_space<vmem>>)
        tpu.yield
      }) : () -> ()
      %run_scoped3A_81 = arith.constant 1 : i32
      %run_scoped3A_82 = arith.constant 1 : i32
      "tpu.region"() ({
        %run_scoped3A_113 = tpu.sem_alloc : memref<!tpu.dma_semaphore, #tpu.memory_space<semaphore_mem>>
        %dma_start3A_114 = arith.constant 0 : i32
        %dma_start3A_115 = tpu.memref_slice %arg6[%run_scoped3A_81, %run_scoped3A_82, %dma_start3A_114] : memref<2x2x80xi32, #tpu.memory_space<vmem>> -> memref<1x1x80xi32, #tpu.memory_space<vmem>>
        %dma_start3A_116 = tpu.memref_squeeze %dma_start3A_115 : memref<1x1x80xi32, #tpu.memory_space<vmem>> -> memref<80xi32, #tpu.memory_space<vmem>>
        %dma_start3A_117 = tpu.memref_slice %arg4[%add3A_78] : memref<327680xi32, #tpu.memory_space<hbm>> -> memref<80xi32, #tpu.memory_space<hbm>>
        %dma_start3A_118 = arith.constant 0 : i32
        %dma_start3A_119 = tpu.memref_slice %arg6[%run_scoped3A_81, %run_scoped3A_82, %dma_start3A_118] : memref<2x2x80xi32, #tpu.memory_space<vmem>> -> memref<1x1x80xi32, #tpu.memory_space<vmem>>
        %dma_start3A_120 = tpu.memref_squeeze %dma_start3A_119 : memref<1x1x80xi32, #tpu.memory_space<vmem>> -> memref<80xi32, #tpu.memory_space<vmem>>
        %dma_start3A_121 = tpu.memref_slice %arg4[%add3A_78] : memref<327680xi32, #tpu.memory_space<hbm>> -> memref<80xi32, #tpu.memory_space<hbm>>
        tpu.enqueue_dma source(%dma_start3A_121 : memref<80xi32, #tpu.memory_space<hbm>>) target(%dma_start3A_120 : memref<80xi32, #tpu.memory_space<vmem>>) target_semaphore(%run_scoped3A_113 : memref<!tpu.dma_semaphore, #tpu.memory_space<semaphore_mem>>)
        %dma_wait3A_122 = arith.constant 0 : i32
        %dma_wait3A_123 = tpu.memref_slice %arg6[%run_scoped3A_81, %run_scoped3A_82, %dma_wait3A_122] : memref<2x2x80xi32, #tpu.memory_space<vmem>> -> memref<1x1x80xi32, #tpu.memory_space<vmem>>
        %dma_wait3A_124 = tpu.memref_squeeze %dma_wait3A_123 : memref<1x1x80xi32, #tpu.memory_space<vmem>> -> memref<80xi32, #tpu.memory_space<vmem>>
        %dma_wait3A_125 = tpu.memref_slice %arg4[%add3A_78] : memref<327680xi32, #tpu.memory_space<hbm>> -> memref<80xi32, #tpu.memory_space<hbm>>
        %dma_wait3A_126 = arith.constant 0 : i32
        %dma_wait3A_127 = tpu.memref_slice %arg6[%run_scoped3A_81, %run_scoped3A_82, %dma_wait3A_126] : memref<2x2x80xi32, #tpu.memory_space<vmem>> -> memref<1x1x80xi32, #tpu.memory_space<vmem>>
        %dma_wait3A_128 = tpu.memref_squeeze %dma_wait3A_127 : memref<1x1x80xi32, #tpu.memory_space<vmem>> -> memref<80xi32, #tpu.memory_space<vmem>>
        %dma_wait3A_129 = tpu.memref_slice %arg4[%add3A_78] : memref<327680xi32, #tpu.memory_space<hbm>> -> memref<80xi32, #tpu.memory_space<hbm>>
        tpu.wait_dma2 semaphore(%run_scoped3A_113 : memref<!tpu.dma_semaphore, #tpu.memory_space<semaphore_mem>>) src(%dma_wait3A_129 : memref<80xi32, #tpu.memory_space<hbm>>) dst(%dma_wait3A_128 : memref<80xi32, #tpu.memory_space<vmem>>)
        tpu.yield
      }) : () -> ()
      %dma_start3A_83 = arith.constant 1 : i32
      %dma_start3A_84 = arith.constant 0 : i32
      %dma_start3A_85 = arith.constant 0 : i32
      %dma_start3A_86 = tpu.memref_slice %arg6[%dma_start3A_83, %dma_start3A_84, %dma_start3A_85] : memref<2x2x80xi32, #tpu.memory_space<vmem>> -> memref<1x1x80xi32, #tpu.memory_space<vmem>>
      %dma_start3A_87 = tpu.memref_squeeze %dma_start3A_86 : memref<1x1x80xi32, #tpu.memory_space<vmem>> -> memref<80xi32, #tpu.memory_space<vmem>>
      %dma_start3A_88 = arith.constant 0 : i32
      %dma_start3A_89 = arith.constant 0 : i32
      %dma_start3A_90 = tpu.memref_slice %arg2[%dma_start3A_88, %dma_start3A_89] : memref<10000x128xf32, #tpu.memory_space<hbm>> -> memref<10000x128xf32, #tpu.memory_space<hbm>>
      tpu.enqueue_indirect_dma source(%dma_start3A_90 : memref<10000x128xf32, #tpu.memory_space<hbm>>) target(%arg8 : memref<80x128xf32, #tpu.memory_space<vmem>>) offsets(%dma_start3A_87 : memref<80xi32, #tpu.memory_space<vmem>>) semaphore(%arg12 : memref<!tpu.dma_semaphore, #tpu.memory_space<semaphore_mem>>)
      %dma_wait3A = arith.constant 0 : i32
      %dma_wait3A_91 = arith.constant 0 : i32
      %dma_wait3A_92 = arith.constant 0 : i32
      %dma_wait3A_93 = tpu.memref_slice %arg6[%dma_wait3A, %dma_wait3A_91, %dma_wait3A_92] : memref<2x2x80xi32, #tpu.memory_space<vmem>> -> memref<1x1x80xi32, #tpu.memory_space<vmem>>
      %dma_wait3A_94 = tpu.memref_squeeze %dma_wait3A_93 : memref<1x1x80xi32, #tpu.memory_space<vmem>> -> memref<80xi32, #tpu.memory_space<vmem>>
      %dma_wait3A_95 = arith.constant 0 : i32
      %dma_wait3A_96 = arith.constant 0 : i32
      %dma_wait3A_97 = tpu.memref_slice %arg2[%dma_wait3A_95, %dma_wait3A_96] : memref<10000x128xf32, #tpu.memory_space<hbm>> -> memref<10000x128xf32, #tpu.memory_space<hbm>>
      tpu.wait_indirect_dma semaphore(%arg11 : memref<!tpu.dma_semaphore, #tpu.memory_space<semaphore_mem>>) src(%dma_wait3A_97 : memref<10000x128xf32, #tpu.memory_space<hbm>>) dst(%arg7 : memref<80x128xf32, #tpu.memory_space<vmem>>)
      %run_scoped3A_98 = arith.constant 0 : i32
      %run_scoped3A_99 = arith.constant 1 : i32
      "tpu.region"() ({
        %run_scoped3A_113 = tpu.sem_alloc : memref<!tpu.dma_semaphore, #tpu.memory_space<semaphore_mem>>
        %dma_start3A_114 = arith.constant 0 : i32
        %dma_start3A_115 = tpu.memref_slice %arg6[%run_scoped3A_98, %run_scoped3A_99, %dma_start3A_114] : memref<2x2x80xi32, #tpu.memory_space<vmem>> -> memref<1x1x80xi32, #tpu.memory_space<vmem>>
        %dma_start3A_116 = tpu.memref_squeeze %dma_start3A_115 : memref<1x1x80xi32, #tpu.memory_space<vmem>> -> memref<80xi32, #tpu.memory_space<vmem>>
        %dma_start3A_117 = arith.constant 0 : i32
        %dma_start3A_118 = arith.constant 0 : i32
        %dma_start3A_119 = tpu.memref_slice %arg10[%dma_start3A_117, %dma_start3A_118] : memref<10240x128xf32, #tpu.memory_space<vmem_shared>> -> memref<10240x128xf32, #tpu.memory_space<vmem_shared>>
        tpu.enqueue_indirect_dma source(%arg7 : memref<80x128xf32, #tpu.memory_space<vmem>>) target(%dma_start3A_119 : memref<10240x128xf32, #tpu.memory_space<vmem_shared>>) offsets(%dma_start3A_116 : memref<80xi32, #tpu.memory_space<vmem>>) semaphore(%run_scoped3A_113 : memref<!tpu.dma_semaphore, #tpu.memory_space<semaphore_mem>>) {add = true}
        %dma_wait3A_120 = arith.constant 0 : i32
        %dma_wait3A_121 = tpu.memref_slice %arg6[%run_scoped3A_98, %run_scoped3A_99, %dma_wait3A_120] : memref<2x2x80xi32, #tpu.memory_space<vmem>> -> memref<1x1x80xi32, #tpu.memory_space<vmem>>
        %dma_wait3A_122 = tpu.memref_squeeze %dma_wait3A_121 : memref<1x1x80xi32, #tpu.memory_space<vmem>> -> memref<80xi32, #tpu.memory_space<vmem>>
        %dma_wait3A_123 = arith.constant 0 : i32
        %dma_wait3A_124 = arith.constant 0 : i32
        %dma_wait3A_125 = tpu.memref_slice %arg10[%dma_wait3A_123, %dma_wait3A_124] : memref<10240x128xf32, #tpu.memory_space<vmem_shared>> -> memref<10240x128xf32, #tpu.memory_space<vmem_shared>>
        tpu.wait_indirect_dma semaphore(%run_scoped3A_113 : memref<!tpu.dma_semaphore, #tpu.memory_space<semaphore_mem>>) src(%arg7 : memref<80x128xf32, #tpu.memory_space<vmem>>) dst(%dma_wait3A_125 : memref<10240x128xf32, #tpu.memory_space<vmem_shared>>)
        tpu.yield
      }) : () -> ()
      %lt3A = arith.constant 63 : i32
      %lt3A_100 = arith.cmpi slt, %scan3A_70, %lt3A : i32
      %convert_element_type3A = arith.extui %lt3A_100 : i1 to i32
      %cond3A = arith.constant 0 : i32
      %cond3A_101 = arith.cmpi ne, %convert_element_type3A, %cond3A : i32
      scf.if %cond3A_101 {
        %mul3A_113 = arith.constant 2 : i32
        %mul3A_114 = arith.muli %mul3A_113, %scan3A_70 : i32
        %add3A_115 = arith.constant 2 : i32
        %add3A_116 = arith.addi %mul3A_114, %add3A_115 : i32
        %mul3A_117 = arith.constant 80 : i32
        %mul3A_118 = arith.muli %add3A_116, %mul3A_117 : i32
        %add3A_119 = arith.addi %mul3A_2, %mul3A_118 : i32
        %run_scoped3A_120 = arith.constant 0 : i32
        %run_scoped3A_121 = arith.constant 0 : i32
        "tpu.region"() ({
          %run_scoped3A_132 = tpu.sem_alloc : memref<!tpu.dma_semaphore, #tpu.memory_space<semaphore_mem>>
          %dma_start3A_133 = arith.constant 0 : i32
          %dma_start3A_134 = tpu.memref_slice %arg6[%run_scoped3A_120, %run_scoped3A_121, %dma_start3A_133] : memref<2x2x80xi32, #tpu.memory_space<vmem>> -> memref<1x1x80xi32, #tpu.memory_space<vmem>>
          %dma_start3A_135 = tpu.memref_squeeze %dma_start3A_134 : memref<1x1x80xi32, #tpu.memory_space<vmem>> -> memref<80xi32, #tpu.memory_space<vmem>>
          %dma_start3A_136 = tpu.memref_slice %arg3[%add3A_119] : memref<327680xi32, #tpu.memory_space<hbm>> -> memref<80xi32, #tpu.memory_space<hbm>>
          %dma_start3A_137 = arith.constant 0 : i32
          %dma_start3A_138 = tpu.memref_slice %arg6[%run_scoped3A_120, %run_scoped3A_121, %dma_start3A_137] : memref<2x2x80xi32, #tpu.memory_space<vmem>> -> memref<1x1x80xi32, #tpu.memory_space<vmem>>
          %dma_start3A_139 = tpu.memref_squeeze %dma_start3A_138 : memref<1x1x80xi32, #tpu.memory_space<vmem>> -> memref<80xi32, #tpu.memory_space<vmem>>
          %dma_start3A_140 = tpu.memref_slice %arg3[%add3A_119] : memref<327680xi32, #tpu.memory_space<hbm>> -> memref<80xi32, #tpu.memory_space<hbm>>
          tpu.enqueue_dma source(%dma_start3A_140 : memref<80xi32, #tpu.memory_space<hbm>>) target(%dma_start3A_139 : memref<80xi32, #tpu.memory_space<vmem>>) target_semaphore(%run_scoped3A_132 : memref<!tpu.dma_semaphore, #tpu.memory_space<semaphore_mem>>)
          %dma_wait3A_141 = arith.constant 0 : i32
          %dma_wait3A_142 = tpu.memref_slice %arg6[%run_scoped3A_120, %run_scoped3A_121, %dma_wait3A_141] : memref<2x2x80xi32, #tpu.memory_space<vmem>> -> memref<1x1x80xi32, #tpu.memory_space<vmem>>
          %dma_wait3A_143 = tpu.memref_squeeze %dma_wait3A_142 : memref<1x1x80xi32, #tpu.memory_space<vmem>> -> memref<80xi32, #tpu.memory_space<vmem>>
          %dma_wait3A_144 = tpu.memref_slice %arg3[%add3A_119] : memref<327680xi32, #tpu.memory_space<hbm>> -> memref<80xi32, #tpu.memory_space<hbm>>
          %dma_wait3A_145 = arith.constant 0 : i32
          %dma_wait3A_146 = tpu.memref_slice %arg6[%run_scoped3A_120, %run_scoped3A_121, %dma_wait3A_145] : memref<2x2x80xi32, #tpu.memory_space<vmem>> -> memref<1x1x80xi32, #tpu.memory_space<vmem>>
          %dma_wait3A_147 = tpu.memref_squeeze %dma_wait3A_146 : memref<1x1x80xi32, #tpu.memory_space<vmem>> -> memref<80xi32, #tpu.memory_space<vmem>>
          %dma_wait3A_148 = tpu.memref_slice %arg3[%add3A_119] : memref<327680xi32, #tpu.memory_space<hbm>> -> memref<80xi32, #tpu.memory_space<hbm>>
          tpu.wait_dma2 semaphore(%run_scoped3A_132 : memref<!tpu.dma_semaphore, #tpu.memory_space<semaphore_mem>>) src(%dma_wait3A_148 : memref<80xi32, #tpu.memory_space<hbm>>) dst(%dma_wait3A_147 : memref<80xi32, #tpu.memory_space<vmem>>)
          tpu.yield
        }) : () -> ()
        %run_scoped3A_122 = arith.constant 0 : i32
        %run_scoped3A_123 = arith.constant 1 : i32
        "tpu.region"() ({
          %run_scoped3A_132 = tpu.sem_alloc : memref<!tpu.dma_semaphore, #tpu.memory_space<semaphore_mem>>
          %dma_start3A_133 = arith.constant 0 : i32
          %dma_start3A_134 = tpu.memref_slice %arg6[%run_scoped3A_122, %run_scoped3A_123, %dma_start3A_133] : memref<2x2x80xi32, #tpu.memory_space<vmem>> -> memref<1x1x80xi32, #tpu.memory_space<vmem>>
          %dma_start3A_135 = tpu.memref_squeeze %dma_start3A_134 : memref<1x1x80xi32, #tpu.memory_space<vmem>> -> memref<80xi32, #tpu.memory_space<vmem>>
          %dma_start3A_136 = tpu.memref_slice %arg4[%add3A_119] : memref<327680xi32, #tpu.memory_space<hbm>> -> memref<80xi32, #tpu.memory_space<hbm>>
          %dma_start3A_137 = arith.constant 0 : i32
          %dma_start3A_138 = tpu.memref_slice %arg6[%run_scoped3A_122, %run_scoped3A_123, %dma_start3A_137] : memref<2x2x80xi32, #tpu.memory_space<vmem>> -> memref<1x1x80xi32, #tpu.memory_space<vmem>>
          %dma_start3A_139 = tpu.memref_squeeze %dma_start3A_138 : memref<1x1x80xi32, #tpu.memory_space<vmem>> -> memref<80xi32, #tpu.memory_space<vmem>>
          %dma_start3A_140 = tpu.memref_slice %arg4[%add3A_119] : memref<327680xi32, #tpu.memory_space<hbm>> -> memref<80xi32, #tpu.memory_space<hbm>>
          tpu.enqueue_dma source(%dma_start3A_140 : memref<80xi32, #tpu.memory_space<hbm>>) target(%dma_start3A_139 : memref<80xi32, #tpu.memory_space<vmem>>) target_semaphore(%run_scoped3A_132 : memref<!tpu.dma_semaphore, #tpu.memory_space<semaphore_mem>>)
          %dma_wait3A_141 = arith.constant 0 : i32
          %dma_wait3A_142 = tpu.memref_slice %arg6[%run_scoped3A_122, %run_scoped3A_123, %dma_wait3A_141] : memref<2x2x80xi32, #tpu.memory_space<vmem>> -> memref<1x1x80xi32, #tpu.memory_space<vmem>>
          %dma_wait3A_143 = tpu.memref_squeeze %dma_wait3A_142 : memref<1x1x80xi32, #tpu.memory_space<vmem>> -> memref<80xi32, #tpu.memory_space<vmem>>
          %dma_wait3A_144 = tpu.memref_slice %arg4[%add3A_119] : memref<327680xi32, #tpu.memory_space<hbm>> -> memref<80xi32, #tpu.memory_space<hbm>>
          %dma_wait3A_145 = arith.constant 0 : i32
          %dma_wait3A_146 = tpu.memref_slice %arg6[%run_scoped3A_122, %run_scoped3A_123, %dma_wait3A_145] : memref<2x2x80xi32, #tpu.memory_space<vmem>> -> memref<1x1x80xi32, #tpu.memory_space<vmem>>
          %dma_wait3A_147 = tpu.memref_squeeze %dma_wait3A_146 : memref<1x1x80xi32, #tpu.memory_space<vmem>> -> memref<80xi32, #tpu.memory_space<vmem>>
          %dma_wait3A_148 = tpu.memref_slice %arg4[%add3A_119] : memref<327680xi32, #tpu.memory_space<hbm>> -> memref<80xi32, #tpu.memory_space<hbm>>
          tpu.wait_dma2 semaphore(%run_scoped3A_132 : memref<!tpu.dma_semaphore, #tpu.memory_space<semaphore_mem>>) src(%dma_wait3A_148 : memref<80xi32, #tpu.memory_space<hbm>>) dst(%dma_wait3A_147 : memref<80xi32, #tpu.memory_space<vmem>>)
          tpu.yield
        }) : () -> ()
        %dma_start3A_124 = arith.constant 0 : i32
        %dma_start3A_125 = arith.constant 0 : i32
        %dma_start3A_126 = arith.constant 0 : i32
        %dma_start3A_127 = tpu.memref_slice %arg6[%dma_start3A_124, %dma_start3A_125, %dma_start3A_126] : memref<2x2x80xi32, #tpu.memory_space<vmem>> -> memref<1x1x80xi32, #tpu.memory_space<vmem>>
        %dma_start3A_128 = tpu.memref_squeeze %dma_start3A_127 : memref<1x1x80xi32, #tpu.memory_space<vmem>> -> memref<80xi32, #tpu.memory_space<vmem>>
        %dma_start3A_129 = arith.constant 0 : i32
        %dma_start3A_130 = arith.constant 0 : i32
        %dma_start3A_131 = tpu.memref_slice %arg2[%dma_start3A_129, %dma_start3A_130] : memref<10000x128xf32, #tpu.memory_space<hbm>> -> memref<10000x128xf32, #tpu.memory_space<hbm>>
        tpu.enqueue_indirect_dma source(%dma_start3A_131 : memref<10000x128xf32, #tpu.memory_space<hbm>>) target(%arg7 : memref<80x128xf32, #tpu.memory_space<vmem>>) offsets(%dma_start3A_128 : memref<80xi32, #tpu.memory_space<vmem>>) semaphore(%arg11 : memref<!tpu.dma_semaphore, #tpu.memory_space<semaphore_mem>>)
      } else {
      }
      %dma_wait3A_102 = arith.constant 1 : i32
      %dma_wait3A_103 = arith.constant 0 : i32
      %dma_wait3A_104 = arith.constant 0 : i32
      %dma_wait3A_105 = tpu.memref_slice %arg6[%dma_wait3A_102, %dma_wait3A_103, %dma_wait3A_104] : memref<2x2x80xi32, #tpu.memory_space<vmem>> -> memref<1x1x80xi32, #tpu.memory_space<vmem>>
      %dma_wait3A_106 = tpu.memref_squeeze %dma_wait3A_105 : memref<1x1x80xi32, #tpu.memory_space<vmem>> -> memref<80xi32, #tpu.memory_space<vmem>>
      %dma_wait3A_107 = arith.constant 0 : i32
      %dma_wait3A_108 = arith.constant 0 : i32
      %dma_wait3A_109 = tpu.memref_slice %arg2[%dma_wait3A_107, %dma_wait3A_108] : memref<10000x128xf32, #tpu.memory_space<hbm>> -> memref<10000x128xf32, #tpu.memory_space<hbm>>
      tpu.wait_indirect_dma semaphore(%arg12 : memref<!tpu.dma_semaphore, #tpu.memory_space<semaphore_mem>>) src(%dma_wait3A_109 : memref<10000x128xf32, #tpu.memory_space<hbm>>) dst(%arg8 : memref<80x128xf32, #tpu.memory_space<vmem>>)
      %run_scoped3A_110 = arith.constant 1 : i32
      %run_scoped3A_111 = arith.constant 1 : i32
      "tpu.region"() ({
        %run_scoped3A_113 = tpu.sem_alloc : memref<!tpu.dma_semaphore, #tpu.memory_space<semaphore_mem>>
        %dma_start3A_114 = arith.constant 0 : i32
        %dma_start3A_115 = tpu.memref_slice %arg6[%run_scoped3A_110, %run_scoped3A_111, %dma_start3A_114] : memref<2x2x80xi32, #tpu.memory_space<vmem>> -> memref<1x1x80xi32, #tpu.memory_space<vmem>>
        %dma_start3A_116 = tpu.memref_squeeze %dma_start3A_115 : memref<1x1x80xi32, #tpu.memory_space<vmem>> -> memref<80xi32, #tpu.memory_space<vmem>>
        %dma_start3A_117 = arith.constant 0 : i32
        %dma_start3A_118 = arith.constant 0 : i32
        %dma_start3A_119 = tpu.memref_slice %arg10[%dma_start3A_117, %dma_start3A_118] : memref<10240x128xf32, #tpu.memory_space<vmem_shared>> -> memref<10240x128xf32, #tpu.memory_space<vmem_shared>>
        tpu.enqueue_indirect_dma source(%arg8 : memref<80x128xf32, #tpu.memory_space<vmem>>) target(%dma_start3A_119 : memref<10240x128xf32, #tpu.memory_space<vmem_shared>>) offsets(%dma_start3A_116 : memref<80xi32, #tpu.memory_space<vmem>>) semaphore(%run_scoped3A_113 : memref<!tpu.dma_semaphore, #tpu.memory_space<semaphore_mem>>) {add = true}
        %dma_wait3A_120 = arith.constant 0 : i32
        %dma_wait3A_121 = tpu.memref_slice %arg6[%run_scoped3A_110, %run_scoped3A_111, %dma_wait3A_120] : memref<2x2x80xi32, #tpu.memory_space<vmem>> -> memref<1x1x80xi32, #tpu.memory_space<vmem>>
        %dma_wait3A_122 = tpu.memref_squeeze %dma_wait3A_121 : memref<1x1x80xi32, #tpu.memory_space<vmem>> -> memref<80xi32, #tpu.memory_space<vmem>>
        %dma_wait3A_123 = arith.constant 0 : i32
        %dma_wait3A_124 = arith.constant 0 : i32
        %dma_wait3A_125 = tpu.memref_slice %arg10[%dma_wait3A_123, %dma_wait3A_124] : memref<10240x128xf32, #tpu.memory_space<vmem_shared>> -> memref<10240x128xf32, #tpu.memory_space<vmem_shared>>
        tpu.wait_indirect_dma semaphore(%run_scoped3A_113 : memref<!tpu.dma_semaphore, #tpu.memory_space<semaphore_mem>>) src(%arg8 : memref<80x128xf32, #tpu.memory_space<vmem>>) dst(%dma_wait3A_125 : memref<10240x128xf32, #tpu.memory_space<vmem_shared>>)
        tpu.yield
      }) : () -> ()
      %scan3A_112 = arith.constant 0 : i32
      scf.yield %scan3A_112 : i32
    }
    %scan3A_48 = arith.constant 64 : i32
    %barrier3A_49 = arith.constant 0 : index
    tpu.barrier barrier_id(%barrier3A_49)
    %mul3A_50 = arith.constant 640 : i32
    %mul3A_51 = arith.muli %arg1, %mul3A_50 : i32
    %add3A_52 = arith.constant 0 : i32
    %add3A_53 = arith.addi %mul3A_51, %add3A_52 : i32
    "tpu.region"() ({
      %run_scoped3A_70 = tpu.sem_alloc : memref<!tpu.dma_semaphore, #tpu.memory_space<semaphore_mem>>
      %dma_start3A_71 = arith.constant 0 : i32
      %dma_start3A_72 = tpu.memref_slice %arg5[%arg0, %add3A_53, %dma_start3A_71] : memref<2x10240x128xf32, #tpu.memory_space<hbm>> -> memref<1x128x128xf32, #tpu.memory_space<hbm>>
      %dma_start3A_73 = tpu.memref_squeeze %dma_start3A_72 : memref<1x128x128xf32, #tpu.memory_space<hbm>> -> memref<128x128xf32, #tpu.memory_space<hbm>>
      %dma_start3A_74 = arith.constant 0 : i32
      %dma_start3A_75 = tpu.memref_slice %arg10[%add3A_53, %dma_start3A_74] : memref<10240x128xf32, #tpu.memory_space<vmem_shared>> -> memref<128x128xf32, #tpu.memory_space<vmem_shared>>
      tpu.enqueue_dma source(%dma_start3A_75 : memref<128x128xf32, #tpu.memory_space<vmem_shared>>) target(%dma_start3A_73 : memref<128x128xf32, #tpu.memory_space<hbm>>) target_semaphore(%run_scoped3A_70 : memref<!tpu.dma_semaphore, #tpu.memory_space<semaphore_mem>>)
      %dma_wait3A = arith.constant 0 : i32
      %dma_wait3A_76 = tpu.memref_slice %arg5[%arg0, %add3A_53, %dma_wait3A] : memref<2x10240x128xf32, #tpu.memory_space<hbm>> -> memref<1x128x128xf32, #tpu.memory_space<hbm>>
      %dma_wait3A_77 = tpu.memref_squeeze %dma_wait3A_76 : memref<1x128x128xf32, #tpu.memory_space<hbm>> -> memref<128x128xf32, #tpu.memory_space<hbm>>
      %dma_wait3A_78 = arith.constant 0 : i32
      %dma_wait3A_79 = tpu.memref_slice %arg10[%add3A_53, %dma_wait3A_78] : memref<10240x128xf32, #tpu.memory_space<vmem_shared>> -> memref<128x128xf32, #tpu.memory_space<vmem_shared>>
      tpu.wait_dma2 semaphore(%run_scoped3A_70 : memref<!tpu.dma_semaphore, #tpu.memory_space<semaphore_mem>>) src(%dma_wait3A_79 : memref<128x128xf32, #tpu.memory_space<vmem_shared>>) dst(%dma_wait3A_77 : memref<128x128xf32, #tpu.memory_space<hbm>>)
      tpu.yield
    }) : () -> ()
    %mul3A_54 = arith.constant 640 : i32
    %mul3A_55 = arith.muli %arg1, %mul3A_54 : i32
    %add3A_56 = arith.constant 128 : i32
    %add3A_57 = arith.addi %mul3A_55, %add3A_56 : i32
    "tpu.region"() ({
      %run_scoped3A_70 = tpu.sem_alloc : memref<!tpu.dma_semaphore, #tpu.memory_space<semaphore_mem>>
      %dma_start3A_71 = arith.constant 0 : i32
      %dma_start3A_72 = tpu.memref_slice %arg5[%arg0, %add3A_57, %dma_start3A_71] : memref<2x10240x128xf32, #tpu.memory_space<hbm>> -> memref<1x128x128xf32, #tpu.memory_space<hbm>>
      %dma_start3A_73 = tpu.memref_squeeze %dma_start3A_72 : memref<1x128x128xf32, #tpu.memory_space<hbm>> -> memref<128x128xf32, #tpu.memory_space<hbm>>
      %dma_start3A_74 = arith.constant 0 : i32
      %dma_start3A_75 = tpu.memref_slice %arg10[%add3A_57, %dma_start3A_74] : memref<10240x128xf32, #tpu.memory_space<vmem_shared>> -> memref<128x128xf32, #tpu.memory_space<vmem_shared>>
      tpu.enqueue_dma source(%dma_start3A_75 : memref<128x128xf32, #tpu.memory_space<vmem_shared>>) target(%dma_start3A_73 : memref<128x128xf32, #tpu.memory_space<hbm>>) target_semaphore(%run_scoped3A_70 : memref<!tpu.dma_semaphore, #tpu.memory_space<semaphore_mem>>)
      %dma_wait3A = arith.constant 0 : i32
      %dma_wait3A_76 = tpu.memref_slice %arg5[%arg0, %add3A_57, %dma_wait3A] : memref<2x10240x128xf32, #tpu.memory_space<hbm>> -> memref<1x128x128xf32, #tpu.memory_space<hbm>>
      %dma_wait3A_77 = tpu.memref_squeeze %dma_wait3A_76 : memref<1x128x128xf32, #tpu.memory_space<hbm>> -> memref<128x128xf32, #tpu.memory_space<hbm>>
      %dma_wait3A_78 = arith.constant 0 : i32
      %dma_wait3A_79 = tpu.memref_slice %arg10[%add3A_57, %dma_wait3A_78] : memref<10240x128xf32, #tpu.memory_space<vmem_shared>> -> memref<128x128xf32, #tpu.memory_space<vmem_shared>>
      tpu.wait_dma2 semaphore(%run_scoped3A_70 : memref<!tpu.dma_semaphore, #tpu.memory_space<semaphore_mem>>) src(%dma_wait3A_79 : memref<128x128xf32, #tpu.memory_space<vmem_shared>>) dst(%dma_wait3A_77 : memref<128x128xf32, #tpu.memory_space<hbm>>)
      tpu.yield
    }) : () -> ()
    %mul3A_58 = arith.constant 640 : i32
    %mul3A_59 = arith.muli %arg1, %mul3A_58 : i32
    %add3A_60 = arith.constant 256 : i32
    %add3A_61 = arith.addi %mul3A_59, %add3A_60 : i32
    "tpu.region"() ({
      %run_scoped3A_70 = tpu.sem_alloc : memref<!tpu.dma_semaphore, #tpu.memory_space<semaphore_mem>>
      %dma_start3A_71 = arith.constant 0 : i32
      %dma_start3A_72 = tpu.memref_slice %arg5[%arg0, %add3A_61, %dma_start3A_71] : memref<2x10240x128xf32, #tpu.memory_space<hbm>> -> memref<1x128x128xf32, #tpu.memory_space<hbm>>
      %dma_start3A_73 = tpu.memref_squeeze %dma_start3A_72 : memref<1x128x128xf32, #tpu.memory_space<hbm>> -> memref<128x128xf32, #tpu.memory_space<hbm>>
      %dma_start3A_74 = arith.constant 0 : i32
      %dma_start3A_75 = tpu.memref_slice %arg10[%add3A_61, %dma_start3A_74] : memref<10240x128xf32, #tpu.memory_space<vmem_shared>> -> memref<128x128xf32, #tpu.memory_space<vmem_shared>>
      tpu.enqueue_dma source(%dma_start3A_75 : memref<128x128xf32, #tpu.memory_space<vmem_shared>>) target(%dma_start3A_73 : memref<128x128xf32, #tpu.memory_space<hbm>>) target_semaphore(%run_scoped3A_70 : memref<!tpu.dma_semaphore, #tpu.memory_space<semaphore_mem>>)
      %dma_wait3A = arith.constant 0 : i32
      %dma_wait3A_76 = tpu.memref_slice %arg5[%arg0, %add3A_61, %dma_wait3A] : memref<2x10240x128xf32, #tpu.memory_space<hbm>> -> memref<1x128x128xf32, #tpu.memory_space<hbm>>
      %dma_wait3A_77 = tpu.memref_squeeze %dma_wait3A_76 : memref<1x128x128xf32, #tpu.memory_space<hbm>> -> memref<128x128xf32, #tpu.memory_space<hbm>>
      %dma_wait3A_78 = arith.constant 0 : i32
      %dma_wait3A_79 = tpu.memref_slice %arg10[%add3A_61, %dma_wait3A_78] : memref<10240x128xf32, #tpu.memory_space<vmem_shared>> -> memref<128x128xf32, #tpu.memory_space<vmem_shared>>
      tpu.wait_dma2 semaphore(%run_scoped3A_70 : memref<!tpu.dma_semaphore, #tpu.memory_space<semaphore_mem>>) src(%dma_wait3A_79 : memref<128x128xf32, #tpu.memory_space<vmem_shared>>) dst(%dma_wait3A_77 : memref<128x128xf32, #tpu.memory_space<hbm>>)
      tpu.yield
    }) : () -> ()
    %mul3A_62 = arith.constant 640 : i32
    %mul3A_63 = arith.muli %arg1, %mul3A_62 : i32
    %add3A_64 = arith.constant 384 : i32
    %add3A_65 = arith.addi %mul3A_63, %add3A_64 : i32
    "tpu.region"() ({
      %run_scoped3A_70 = tpu.sem_alloc : memref<!tpu.dma_semaphore, #tpu.memory_space<semaphore_mem>>
      %dma_start3A_71 = arith.constant 0 : i32
      %dma_start3A_72 = tpu.memref_slice %arg5[%arg0, %add3A_65, %dma_start3A_71] : memref<2x10240x128xf32, #tpu.memory_space<hbm>> -> memref<1x128x128xf32, #tpu.memory_space<hbm>>
      %dma_start3A_73 = tpu.memref_squeeze %dma_start3A_72 : memref<1x128x128xf32, #tpu.memory_space<hbm>> -> memref<128x128xf32, #tpu.memory_space<hbm>>
      %dma_start3A_74 = arith.constant 0 : i32
      %dma_start3A_75 = tpu.memref_slice %arg10[%add3A_65, %dma_start3A_74] : memref<10240x128xf32, #tpu.memory_space<vmem_shared>> -> memref<128x128xf32, #tpu.memory_space<vmem_shared>>
      tpu.enqueue_dma source(%dma_start3A_75 : memref<128x128xf32, #tpu.memory_space<vmem_shared>>) target(%dma_start3A_73 : memref<128x128xf32, #tpu.memory_space<hbm>>) target_semaphore(%run_scoped3A_70 : memref<!tpu.dma_semaphore, #tpu.memory_space<semaphore_mem>>)
      %dma_wait3A = arith.constant 0 : i32
      %dma_wait3A_76 = tpu.memref_slice %arg5[%arg0, %add3A_65, %dma_wait3A] : memref<2x10240x128xf32, #tpu.memory_space<hbm>> -> memref<1x128x128xf32, #tpu.memory_space<hbm>>
      %dma_wait3A_77 = tpu.memref_squeeze %dma_wait3A_76 : memref<1x128x128xf32, #tpu.memory_space<hbm>> -> memref<128x128xf32, #tpu.memory_space<hbm>>
      %dma_wait3A_78 = arith.constant 0 : i32
      %dma_wait3A_79 = tpu.memref_slice %arg10[%add3A_65, %dma_wait3A_78] : memref<10240x128xf32, #tpu.memory_space<vmem_shared>> -> memref<128x128xf32, #tpu.memory_space<vmem_shared>>
      tpu.wait_dma2 semaphore(%run_scoped3A_70 : memref<!tpu.dma_semaphore, #tpu.memory_space<semaphore_mem>>) src(%dma_wait3A_79 : memref<128x128xf32, #tpu.memory_space<vmem_shared>>) dst(%dma_wait3A_77 : memref<128x128xf32, #tpu.memory_space<hbm>>)
      tpu.yield
    }) : () -> ()
    %mul3A_66 = arith.constant 640 : i32
    %mul3A_67 = arith.muli %arg1, %mul3A_66 : i32
    %add3A_68 = arith.constant 512 : i32
    %add3A_69 = arith.addi %mul3A_67, %add3A_68 : i32
    "tpu.region"() ({
      %run_scoped3A_70 = tpu.sem_alloc : memref<!tpu.dma_semaphore, #tpu.memory_space<semaphore_mem>>
      %dma_start3A_71 = arith.constant 0 : i32
      %dma_start3A_72 = tpu.memref_slice %arg5[%arg0, %add3A_69, %dma_start3A_71] : memref<2x10240x128xf32, #tpu.memory_space<hbm>> -> memref<1x128x128xf32, #tpu.memory_space<hbm>>
      %dma_start3A_73 = tpu.memref_squeeze %dma_start3A_72 : memref<1x128x128xf32, #tpu.memory_space<hbm>> -> memref<128x128xf32, #tpu.memory_space<hbm>>
      %dma_start3A_74 = arith.constant 0 : i32
      %dma_start3A_75 = tpu.memref_slice %arg10[%add3A_69, %dma_start3A_74] : memref<10240x128xf32, #tpu.memory_space<vmem_shared>> -> memref<128x128xf32, #tpu.memory_space<vmem_shared>>
      tpu.enqueue_dma source(%dma_start3A_75 : memref<128x128xf32, #tpu.memory_space<vmem_shared>>) target(%dma_start3A_73 : memref<128x128xf32, #tpu.memory_space<hbm>>) target_semaphore(%run_scoped3A_70 : memref<!tpu.dma_semaphore, #tpu.memory_space<semaphore_mem>>)
      %dma_wait3A = arith.constant 0 : i32
      %dma_wait3A_76 = tpu.memref_slice %arg5[%arg0, %add3A_69, %dma_wait3A] : memref<2x10240x128xf32, #tpu.memory_space<hbm>> -> memref<1x128x128xf32, #tpu.memory_space<hbm>>
      %dma_wait3A_77 = tpu.memref_squeeze %dma_wait3A_76 : memref<1x128x128xf32, #tpu.memory_space<hbm>> -> memref<128x128xf32, #tpu.memory_space<hbm>>
      %dma_wait3A_78 = arith.constant 0 : i32
      %dma_wait3A_79 = tpu.memref_slice %arg10[%add3A_69, %dma_wait3A_78] : memref<10240x128xf32, #tpu.memory_space<vmem_shared>> -> memref<128x128xf32, #tpu.memory_space<vmem_shared>>
      tpu.wait_dma2 semaphore(%run_scoped3A_70 : memref<!tpu.dma_semaphore, #tpu.memory_space<semaphore_mem>>) src(%dma_wait3A_79 : memref<128x128xf32, #tpu.memory_space<vmem_shared>>) dst(%dma_wait3A_77 : memref<128x128xf32, #tpu.memory_space<hbm>>)
      tpu.yield
    }) : () -> ()
    return
  }
}

#map = affine_map<(d0, d1) -> (0, 0)>
#map1 = affine_map<(d0, d1) -> (0)>
module attributes {stable_mosaic.version = 14 : i64} {
  func.func @_sc_attack_body(%arg0: i32, %arg1: i32, %arg2: memref<10000x128xf32, #tpu.memory_space<hbm>>, %arg3: memref<10000x128xf32, #tpu.memory_space<hbm>>, %arg4: memref<327680xi32, #tpu.memory_space<hbm>>, %arg5: memref<327680xi32, #tpu.memory_space<hbm>>, %arg6: memref<8x16xf32, #tpu.memory_space<hbm>>, %arg7: memref<16xf32, #tpu.memory_space<hbm>>, %arg8: memref<10000x128xf32, #tpu.memory_space<hbm>>, %arg9: memref<2048xi32, #tpu.memory_space<hbm>>, %arg10: memref<327680xf32, #tpu.memory_space<hbm>>, %arg11: memref<2048x128xf32, #tpu.memory_space<hbm>>, %arg12: memref<2x2x80xi32, #tpu.memory_space<vmem>>, %arg13: memref<80x128xf32, #tpu.memory_space<vmem>>, %arg14: memref<80x128xf32, #tpu.memory_space<vmem>>, %arg15: memref<80x128xf32, #tpu.memory_space<vmem>>, %arg16: memref<80x128xf32, #tpu.memory_space<vmem>>, %arg17: memref<80xf32, #tpu.memory_space<vmem>>, %arg18: memref<80xf32, #tpu.memory_space<vmem>>, %arg19: memref<8x16xf32, #tpu.memory_space<vmem>>, %arg20: memref<16xf32, #tpu.memory_space<vmem>>, %arg21: memref<64xi32, #tpu.memory_space<vmem>>, %arg22: memref<64x128xf32, #tpu.memory_space<vmem>>, %arg23: memref<16x16xf32, #tpu.memory_space<vmem>>, %arg24: memref<!tpu.dma_semaphore, #tpu.memory_space<semaphore_mem>>, %arg25: memref<!tpu.dma_semaphore, #tpu.memory_space<semaphore_mem>>, %arg26: memref<!tpu.dma_semaphore, #tpu.memory_space<semaphore_mem>>, %arg27: memref<!tpu.dma_semaphore, #tpu.memory_space<semaphore_mem>>, %arg28: memref<!tpu.dma_semaphore, #tpu.memory_space<semaphore_mem>>, %arg29: memref<!tpu.dma_semaphore, #tpu.memory_space<semaphore_mem>>, %arg30: memref<!tpu.dma_semaphore, #tpu.memory_space<semaphore_mem>>) attributes {dimension_semantics = [#tpu.dimension_semantics<core_parallel>, #tpu.dimension_semantics<subcore_parallel>], iteration_bounds = array<i64: 2, 16>, scalar_prefetch = 0 : i64, scratch_operands = 19 : i64, tpu.core_type = #tpu.core_type<sc_vector_subcore>, window_params = [{transform_indices = #map}, {transform_indices = #map}, {transform_indices = #map1}, {transform_indices = #map1}, {transform_indices = #map}, {transform_indices = #map1}, {transform_indices = #map}, {transform_indices = #map1}, {transform_indices = #map1}, {transform_indices = #map}]} {
    %mul3A = arith.constant 16 : i32
    %mul3A_0 = arith.muli %arg0, %mul3A : i32
    %add3A = arith.addi %mul3A_0, %arg1 : i32
    %mul3A_1 = arith.constant 10240 : i32
    %mul3A_2 = arith.muli %add3A, %mul3A_1 : i32
    %add3A_3 = arith.constant 0 : i32
    %add3A_4 = arith.addi %mul3A_2, %add3A_3 : i32
    %run_scoped3A = arith.constant 0 : i32
    %run_scoped3A_5 = arith.constant 0 : i32
    "tpu.region"() ({
      %run_scoped3A_42 = tpu.sem_alloc : memref<!tpu.dma_semaphore, #tpu.memory_space<semaphore_mem>>
      %dma_start3A_43 = arith.constant 0 : i32
      %dma_start3A_44 = tpu.memref_slice %arg12[%run_scoped3A, %run_scoped3A_5, %dma_start3A_43] : memref<2x2x80xi32, #tpu.memory_space<vmem>> -> memref<1x1x80xi32, #tpu.memory_space<vmem>>
      %dma_start3A_45 = tpu.memref_squeeze %dma_start3A_44 : memref<1x1x80xi32, #tpu.memory_space<vmem>> -> memref<80xi32, #tpu.memory_space<vmem>>
      %dma_start3A_46 = tpu.memref_slice %arg4[%add3A_4] : memref<327680xi32, #tpu.memory_space<hbm>> -> memref<80xi32, #tpu.memory_space<hbm>>
      %dma_start3A_47 = arith.constant 0 : i32
      %dma_start3A_48 = tpu.memref_slice %arg12[%run_scoped3A, %run_scoped3A_5, %dma_start3A_47] : memref<2x2x80xi32, #tpu.memory_space<vmem>> -> memref<1x1x80xi32, #tpu.memory_space<vmem>>
      %dma_start3A_49 = tpu.memref_squeeze %dma_start3A_48 : memref<1x1x80xi32, #tpu.memory_space<vmem>> -> memref<80xi32, #tpu.memory_space<vmem>>
      %dma_start3A_50 = tpu.memref_slice %arg4[%add3A_4] : memref<327680xi32, #tpu.memory_space<hbm>> -> memref<80xi32, #tpu.memory_space<hbm>>
      tpu.enqueue_dma source(%dma_start3A_50 : memref<80xi32, #tpu.memory_space<hbm>>) target(%dma_start3A_49 : memref<80xi32, #tpu.memory_space<vmem>>) target_semaphore(%run_scoped3A_42 : memref<!tpu.dma_semaphore, #tpu.memory_space<semaphore_mem>>)
      %dma_wait3A_51 = arith.constant 0 : i32
      %dma_wait3A_52 = tpu.memref_slice %arg12[%run_scoped3A, %run_scoped3A_5, %dma_wait3A_51] : memref<2x2x80xi32, #tpu.memory_space<vmem>> -> memref<1x1x80xi32, #tpu.memory_space<vmem>>
      %dma_wait3A_53 = tpu.memref_squeeze %dma_wait3A_52 : memref<1x1x80xi32, #tpu.memory_space<vmem>> -> memref<80xi32, #tpu.memory_space<vmem>>
      %dma_wait3A_54 = tpu.memref_slice %arg4[%add3A_4] : memref<327680xi32, #tpu.memory_space<hbm>> -> memref<80xi32, #tpu.memory_space<hbm>>
      %dma_wait3A_55 = arith.constant 0 : i32
      %dma_wait3A_56 = tpu.memref_slice %arg12[%run_scoped3A, %run_scoped3A_5, %dma_wait3A_55] : memref<2x2x80xi32, #tpu.memory_space<vmem>> -> memref<1x1x80xi32, #tpu.memory_space<vmem>>
      %dma_wait3A_57 = tpu.memref_squeeze %dma_wait3A_56 : memref<1x1x80xi32, #tpu.memory_space<vmem>> -> memref<80xi32, #tpu.memory_space<vmem>>
      %dma_wait3A_58 = tpu.memref_slice %arg4[%add3A_4] : memref<327680xi32, #tpu.memory_space<hbm>> -> memref<80xi32, #tpu.memory_space<hbm>>
      tpu.wait_dma2 semaphore(%run_scoped3A_42 : memref<!tpu.dma_semaphore, #tpu.memory_space<semaphore_mem>>) src(%dma_wait3A_58 : memref<80xi32, #tpu.memory_space<hbm>>) dst(%dma_wait3A_57 : memref<80xi32, #tpu.memory_space<vmem>>)
      tpu.yield
    }) : () -> ()
    %run_scoped3A_6 = arith.constant 0 : i32
    %run_scoped3A_7 = arith.constant 1 : i32
    "tpu.region"() ({
      %run_scoped3A_42 = tpu.sem_alloc : memref<!tpu.dma_semaphore, #tpu.memory_space<semaphore_mem>>
      %dma_start3A_43 = arith.constant 0 : i32
      %dma_start3A_44 = tpu.memref_slice %arg12[%run_scoped3A_6, %run_scoped3A_7, %dma_start3A_43] : memref<2x2x80xi32, #tpu.memory_space<vmem>> -> memref<1x1x80xi32, #tpu.memory_space<vmem>>
      %dma_start3A_45 = tpu.memref_squeeze %dma_start3A_44 : memref<1x1x80xi32, #tpu.memory_space<vmem>> -> memref<80xi32, #tpu.memory_space<vmem>>
      %dma_start3A_46 = tpu.memref_slice %arg5[%add3A_4] : memref<327680xi32, #tpu.memory_space<hbm>> -> memref<80xi32, #tpu.memory_space<hbm>>
      %dma_start3A_47 = arith.constant 0 : i32
      %dma_start3A_48 = tpu.memref_slice %arg12[%run_scoped3A_6, %run_scoped3A_7, %dma_start3A_47] : memref<2x2x80xi32, #tpu.memory_space<vmem>> -> memref<1x1x80xi32, #tpu.memory_space<vmem>>
      %dma_start3A_49 = tpu.memref_squeeze %dma_start3A_48 : memref<1x1x80xi32, #tpu.memory_space<vmem>> -> memref<80xi32, #tpu.memory_space<vmem>>
      %dma_start3A_50 = tpu.memref_slice %arg5[%add3A_4] : memref<327680xi32, #tpu.memory_space<hbm>> -> memref<80xi32, #tpu.memory_space<hbm>>
      tpu.enqueue_dma source(%dma_start3A_50 : memref<80xi32, #tpu.memory_space<hbm>>) target(%dma_start3A_49 : memref<80xi32, #tpu.memory_space<vmem>>) target_semaphore(%run_scoped3A_42 : memref<!tpu.dma_semaphore, #tpu.memory_space<semaphore_mem>>)
      %dma_wait3A_51 = arith.constant 0 : i32
      %dma_wait3A_52 = tpu.memref_slice %arg12[%run_scoped3A_6, %run_scoped3A_7, %dma_wait3A_51] : memref<2x2x80xi32, #tpu.memory_space<vmem>> -> memref<1x1x80xi32, #tpu.memory_space<vmem>>
      %dma_wait3A_53 = tpu.memref_squeeze %dma_wait3A_52 : memref<1x1x80xi32, #tpu.memory_space<vmem>> -> memref<80xi32, #tpu.memory_space<vmem>>
      %dma_wait3A_54 = tpu.memref_slice %arg5[%add3A_4] : memref<327680xi32, #tpu.memory_space<hbm>> -> memref<80xi32, #tpu.memory_space<hbm>>
      %dma_wait3A_55 = arith.constant 0 : i32
      %dma_wait3A_56 = tpu.memref_slice %arg12[%run_scoped3A_6, %run_scoped3A_7, %dma_wait3A_55] : memref<2x2x80xi32, #tpu.memory_space<vmem>> -> memref<1x1x80xi32, #tpu.memory_space<vmem>>
      %dma_wait3A_57 = tpu.memref_squeeze %dma_wait3A_56 : memref<1x1x80xi32, #tpu.memory_space<vmem>> -> memref<80xi32, #tpu.memory_space<vmem>>
      %dma_wait3A_58 = tpu.memref_slice %arg5[%add3A_4] : memref<327680xi32, #tpu.memory_space<hbm>> -> memref<80xi32, #tpu.memory_space<hbm>>
      tpu.wait_dma2 semaphore(%run_scoped3A_42 : memref<!tpu.dma_semaphore, #tpu.memory_space<semaphore_mem>>) src(%dma_wait3A_58 : memref<80xi32, #tpu.memory_space<hbm>>) dst(%dma_wait3A_57 : memref<80xi32, #tpu.memory_space<vmem>>)
      tpu.yield
    }) : () -> ()
    %dma_start3A = arith.constant 0 : i32
    %dma_start3A_8 = arith.constant 0 : i32
    %dma_start3A_9 = arith.constant 0 : i32
    %dma_start3A_10 = tpu.memref_slice %arg12[%dma_start3A, %dma_start3A_8, %dma_start3A_9] : memref<2x2x80xi32, #tpu.memory_space<vmem>> -> memref<1x1x80xi32, #tpu.memory_space<vmem>>
    %dma_start3A_11 = tpu.memref_squeeze %dma_start3A_10 : memref<1x1x80xi32, #tpu.memory_space<vmem>> -> memref<80xi32, #tpu.memory_space<vmem>>
    %dma_start3A_12 = arith.constant 0 : i32
    %dma_start3A_13 = arith.constant 0 : i32
    %dma_start3A_14 = tpu.memref_slice %arg2[%dma_start3A_12, %dma_start3A_13] : memref<10000x128xf32, #tpu.memory_space<hbm>> -> memref<10000x128xf32, #tpu.memory_space<hbm>>
    tpu.enqueue_indirect_dma source(%dma_start3A_14 : memref<10000x128xf32, #tpu.memory_space<hbm>>) target(%arg13 : memref<80x128xf32, #tpu.memory_space<vmem>>) offsets(%dma_start3A_11 : memref<80xi32, #tpu.memory_space<vmem>>) semaphore(%arg24 : memref<!tpu.dma_semaphore, #tpu.memory_space<semaphore_mem>>)
    %dma_start3A_15 = arith.constant 0 : i32
    %dma_start3A_16 = arith.constant 1 : i32
    %dma_start3A_17 = arith.constant 0 : i32
    %dma_start3A_18 = tpu.memref_slice %arg12[%dma_start3A_15, %dma_start3A_16, %dma_start3A_17] : memref<2x2x80xi32, #tpu.memory_space<vmem>> -> memref<1x1x80xi32, #tpu.memory_space<vmem>>
    %dma_start3A_19 = tpu.memref_squeeze %dma_start3A_18 : memref<1x1x80xi32, #tpu.memory_space<vmem>> -> memref<80xi32, #tpu.memory_space<vmem>>
    %dma_start3A_20 = arith.constant 0 : i32
    %dma_start3A_21 = arith.constant 0 : i32
    %dma_start3A_22 = tpu.memref_slice %arg3[%dma_start3A_20, %dma_start3A_21] : memref<10000x128xf32, #tpu.memory_space<hbm>> -> memref<10000x128xf32, #tpu.memory_space<hbm>>
    tpu.enqueue_indirect_dma source(%dma_start3A_22 : memref<10000x128xf32, #tpu.memory_space<hbm>>) target(%arg15 : memref<80x128xf32, #tpu.memory_space<vmem>>) offsets(%dma_start3A_19 : memref<80xi32, #tpu.memory_space<vmem>>) semaphore(%arg26 : memref<!tpu.dma_semaphore, #tpu.memory_space<semaphore_mem>>)
    "tpu.region"() ({
      %run_scoped3A_42 = tpu.sem_alloc : memref<!tpu.dma_semaphore, #tpu.memory_space<semaphore_mem>>
      tpu.enqueue_dma source(%arg6 : memref<8x16xf32, #tpu.memory_space<hbm>>) target(%arg19 : memref<8x16xf32, #tpu.memory_space<vmem>>) target_semaphore(%run_scoped3A_42 : memref<!tpu.dma_semaphore, #tpu.memory_space<semaphore_mem>>)
      tpu.wait_dma2 semaphore(%run_scoped3A_42 : memref<!tpu.dma_semaphore, #tpu.memory_space<semaphore_mem>>) src(%arg6 : memref<8x16xf32, #tpu.memory_space<hbm>>) dst(%arg19 : memref<8x16xf32, #tpu.memory_space<vmem>>)
      tpu.yield
    }) : () -> ()
    "tpu.region"() ({
      %run_scoped3A_42 = tpu.sem_alloc : memref<!tpu.dma_semaphore, #tpu.memory_space<semaphore_mem>>
      tpu.enqueue_dma source(%arg7 : memref<16xf32, #tpu.memory_space<hbm>>) target(%arg20 : memref<16xf32, #tpu.memory_space<vmem>>) target_semaphore(%run_scoped3A_42 : memref<!tpu.dma_semaphore, #tpu.memory_space<semaphore_mem>>)
      tpu.wait_dma2 semaphore(%run_scoped3A_42 : memref<!tpu.dma_semaphore, #tpu.memory_space<semaphore_mem>>) src(%arg7 : memref<16xf32, #tpu.memory_space<hbm>>) dst(%arg20 : memref<16xf32, #tpu.memory_space<vmem>>)
      tpu.yield
    }) : () -> ()
    %mul3A_23 = arith.constant 64 : i32
    %mul3A_24 = arith.muli %add3A, %mul3A_23 : i32
    "tpu.region"() ({
      %run_scoped3A_42 = tpu.sem_alloc : memref<!tpu.dma_semaphore, #tpu.memory_space<semaphore_mem>>
      %dma_start3A_43 = tpu.memref_slice %arg9[%mul3A_24] : memref<2048xi32, #tpu.memory_space<hbm>> -> memref<64xi32, #tpu.memory_space<hbm>>
      %dma_start3A_44 = tpu.memref_slice %arg9[%mul3A_24] : memref<2048xi32, #tpu.memory_space<hbm>> -> memref<64xi32, #tpu.memory_space<hbm>>
      tpu.enqueue_dma source(%dma_start3A_44 : memref<64xi32, #tpu.memory_space<hbm>>) target(%arg21 : memref<64xi32, #tpu.memory_space<vmem>>) target_semaphore(%run_scoped3A_42 : memref<!tpu.dma_semaphore, #tpu.memory_space<semaphore_mem>>)
      %dma_wait3A_45 = tpu.memref_slice %arg9[%mul3A_24] : memref<2048xi32, #tpu.memory_space<hbm>> -> memref<64xi32, #tpu.memory_space<hbm>>
      %dma_wait3A_46 = tpu.memref_slice %arg9[%mul3A_24] : memref<2048xi32, #tpu.memory_space<hbm>> -> memref<64xi32, #tpu.memory_space<hbm>>
      tpu.wait_dma2 semaphore(%run_scoped3A_42 : memref<!tpu.dma_semaphore, #tpu.memory_space<semaphore_mem>>) src(%dma_wait3A_46 : memref<64xi32, #tpu.memory_space<hbm>>) dst(%arg21 : memref<64xi32, #tpu.memory_space<vmem>>)
      tpu.yield
    }) : () -> ()
    %dma_start3A_25 = arith.constant 0 : i32
    %dma_start3A_26 = arith.constant 0 : i32
    %dma_start3A_27 = tpu.memref_slice %arg8[%dma_start3A_25, %dma_start3A_26] : memref<10000x128xf32, #tpu.memory_space<hbm>> -> memref<10000x128xf32, #tpu.memory_space<hbm>>
    tpu.enqueue_indirect_dma source(%dma_start3A_27 : memref<10000x128xf32, #tpu.memory_space<hbm>>) target(%arg22 : memref<64x128xf32, #tpu.memory_space<vmem>>) offsets(%arg21 : memref<64xi32, #tpu.memory_space<vmem>>) semaphore(%arg30 : memref<!tpu.dma_semaphore, #tpu.memory_space<semaphore_mem>>)
    %dma_wait3A = arith.constant 0 : i32
    %dma_wait3A_28 = arith.constant 0 : i32
    %dma_wait3A_29 = tpu.memref_slice %arg8[%dma_wait3A, %dma_wait3A_28] : memref<10000x128xf32, #tpu.memory_space<hbm>> -> memref<10000x128xf32, #tpu.memory_space<hbm>>
    tpu.wait_indirect_dma semaphore(%arg30 : memref<!tpu.dma_semaphore, #tpu.memory_space<semaphore_mem>>) src(%dma_wait3A_29 : memref<10000x128xf32, #tpu.memory_space<hbm>>) dst(%arg22 : memref<64x128xf32, #tpu.memory_space<vmem>>)
    %mul3A_30 = arith.constant 64 : i32
    %mul3A_31 = arith.muli %add3A, %mul3A_30 : i32
    "tpu.region"() ({
      %run_scoped3A_42 = tpu.sem_alloc : memref<!tpu.dma_semaphore, #tpu.memory_space<semaphore_mem>>
      %dma_start3A_43 = arith.constant 0 : i32
      %dma_start3A_44 = tpu.memref_slice %arg11[%mul3A_31, %dma_start3A_43] : memref<2048x128xf32, #tpu.memory_space<hbm>> -> memref<64x128xf32, #tpu.memory_space<hbm>>
      %dma_start3A_45 = arith.constant 0 : i32
      %dma_start3A_46 = tpu.memref_slice %arg11[%mul3A_31, %dma_start3A_45] : memref<2048x128xf32, #tpu.memory_space<hbm>> -> memref<64x128xf32, #tpu.memory_space<hbm>>
      tpu.enqueue_dma source(%arg22 : memref<64x128xf32, #tpu.memory_space<vmem>>) target(%dma_start3A_46 : memref<64x128xf32, #tpu.memory_space<hbm>>) target_semaphore(%run_scoped3A_42 : memref<!tpu.dma_semaphore, #tpu.memory_space<semaphore_mem>>)
      %dma_wait3A_47 = arith.constant 0 : i32
      %dma_wait3A_48 = tpu.memref_slice %arg11[%mul3A_31, %dma_wait3A_47] : memref<2048x128xf32, #tpu.memory_space<hbm>> -> memref<64x128xf32, #tpu.memory_space<hbm>>
      %dma_wait3A_49 = arith.constant 0 : i32
      %dma_wait3A_50 = tpu.memref_slice %arg11[%mul3A_31, %dma_wait3A_49] : memref<2048x128xf32, #tpu.memory_space<hbm>> -> memref<64x128xf32, #tpu.memory_space<hbm>>
      tpu.wait_dma2 semaphore(%run_scoped3A_42 : memref<!tpu.dma_semaphore, #tpu.memory_space<semaphore_mem>>) src(%arg22 : memref<64x128xf32, #tpu.memory_space<vmem>>) dst(%dma_wait3A_50 : memref<64x128xf32, #tpu.memory_space<hbm>>)
      tpu.yield
    }) : () -> ()
    %iota3A = tpu.iota {dimensions = array<i32: 0>} : vector<16xi32>
    %scan3A = arith.constant 0 : i32
    %scan3A_32 = arith.constant 0 : i32
    %scan3A_33 = arith.constant 64 : i32
    %scan3A_34 = arith.addi %scan3A_32, %scan3A_33 : i32
    %scan3A_35 = arith.constant 1 : i32
    %scan3A_36 = scf.for %scan3A_42 = %scan3A_32 to %scan3A_34 step %scan3A_35 iter_args(%scan3A_43 = %scan3A) -> (i32)  : i32 {
      %mul3A_44 = arith.constant 2 : i32
      %mul3A_45 = arith.muli %mul3A_44, %scan3A_42 : i32
      %add3A_46 = arith.constant 1 : i32
      %add3A_47 = arith.addi %mul3A_45, %add3A_46 : i32
      %mul3A_48 = arith.constant 80 : i32
      %mul3A_49 = arith.muli %add3A_47, %mul3A_48 : i32
      %add3A_50 = arith.addi %mul3A_2, %mul3A_49 : i32
      %run_scoped3A_51 = arith.constant 1 : i32
      %run_scoped3A_52 = arith.constant 0 : i32
      "tpu.region"() ({
        %run_scoped3A_145 = tpu.sem_alloc : memref<!tpu.dma_semaphore, #tpu.memory_space<semaphore_mem>>
        %dma_start3A_146 = arith.constant 0 : i32
        %dma_start3A_147 = tpu.memref_slice %arg12[%run_scoped3A_51, %run_scoped3A_52, %dma_start3A_146] : memref<2x2x80xi32, #tpu.memory_space<vmem>> -> memref<1x1x80xi32, #tpu.memory_space<vmem>>
        %dma_start3A_148 = tpu.memref_squeeze %dma_start3A_147 : memref<1x1x80xi32, #tpu.memory_space<vmem>> -> memref<80xi32, #tpu.memory_space<vmem>>
        %dma_start3A_149 = tpu.memref_slice %arg4[%add3A_50] : memref<327680xi32, #tpu.memory_space<hbm>> -> memref<80xi32, #tpu.memory_space<hbm>>
        %dma_start3A_150 = arith.constant 0 : i32
        %dma_start3A_151 = tpu.memref_slice %arg12[%run_scoped3A_51, %run_scoped3A_52, %dma_start3A_150] : memref<2x2x80xi32, #tpu.memory_space<vmem>> -> memref<1x1x80xi32, #tpu.memory_space<vmem>>
        %dma_start3A_152 = tpu.memref_squeeze %dma_start3A_151 : memref<1x1x80xi32, #tpu.memory_space<vmem>> -> memref<80xi32, #tpu.memory_space<vmem>>
        %dma_start3A_153 = tpu.memref_slice %arg4[%add3A_50] : memref<327680xi32, #tpu.memory_space<hbm>> -> memref<80xi32, #tpu.memory_space<hbm>>
        tpu.enqueue_dma source(%dma_start3A_153 : memref<80xi32, #tpu.memory_space<hbm>>) target(%dma_start3A_152 : memref<80xi32, #tpu.memory_space<vmem>>) target_semaphore(%run_scoped3A_145 : memref<!tpu.dma_semaphore, #tpu.memory_space<semaphore_mem>>)
        %dma_wait3A_154 = arith.constant 0 : i32
        %dma_wait3A_155 = tpu.memref_slice %arg12[%run_scoped3A_51, %run_scoped3A_52, %dma_wait3A_154] : memref<2x2x80xi32, #tpu.memory_space<vmem>> -> memref<1x1x80xi32, #tpu.memory_space<vmem>>
        %dma_wait3A_156 = tpu.memref_squeeze %dma_wait3A_155 : memref<1x1x80xi32, #tpu.memory_space<vmem>> -> memref<80xi32, #tpu.memory_space<vmem>>
        %dma_wait3A_157 = tpu.memref_slice %arg4[%add3A_50] : memref<327680xi32, #tpu.memory_space<hbm>> -> memref<80xi32, #tpu.memory_space<hbm>>
        %dma_wait3A_158 = arith.constant 0 : i32
        %dma_wait3A_159 = tpu.memref_slice %arg12[%run_scoped3A_51, %run_scoped3A_52, %dma_wait3A_158] : memref<2x2x80xi32, #tpu.memory_space<vmem>> -> memref<1x1x80xi32, #tpu.memory_space<vmem>>
        %dma_wait3A_160 = tpu.memref_squeeze %dma_wait3A_159 : memref<1x1x80xi32, #tpu.memory_space<vmem>> -> memref<80xi32, #tpu.memory_space<vmem>>
        %dma_wait3A_161 = tpu.memref_slice %arg4[%add3A_50] : memref<327680xi32, #tpu.memory_space<hbm>> -> memref<80xi32, #tpu.memory_space<hbm>>
        tpu.wait_dma2 semaphore(%run_scoped3A_145 : memref<!tpu.dma_semaphore, #tpu.memory_space<semaphore_mem>>) src(%dma_wait3A_161 : memref<80xi32, #tpu.memory_space<hbm>>) dst(%dma_wait3A_160 : memref<80xi32, #tpu.memory_space<vmem>>)
        tpu.yield
      }) : () -> ()
      %run_scoped3A_53 = arith.constant 1 : i32
      %run_scoped3A_54 = arith.constant 1 : i32
      "tpu.region"() ({
        %run_scoped3A_145 = tpu.sem_alloc : memref<!tpu.dma_semaphore, #tpu.memory_space<semaphore_mem>>
        %dma_start3A_146 = arith.constant 0 : i32
        %dma_start3A_147 = tpu.memref_slice %arg12[%run_scoped3A_53, %run_scoped3A_54, %dma_start3A_146] : memref<2x2x80xi32, #tpu.memory_space<vmem>> -> memref<1x1x80xi32, #tpu.memory_space<vmem>>
        %dma_start3A_148 = tpu.memref_squeeze %dma_start3A_147 : memref<1x1x80xi32, #tpu.memory_space<vmem>> -> memref<80xi32, #tpu.memory_space<vmem>>
        %dma_start3A_149 = tpu.memref_slice %arg5[%add3A_50] : memref<327680xi32, #tpu.memory_space<hbm>> -> memref<80xi32, #tpu.memory_space<hbm>>
        %dma_start3A_150 = arith.constant 0 : i32
        %dma_start3A_151 = tpu.memref_slice %arg12[%run_scoped3A_53, %run_scoped3A_54, %dma_start3A_150] : memref<2x2x80xi32, #tpu.memory_space<vmem>> -> memref<1x1x80xi32, #tpu.memory_space<vmem>>
        %dma_start3A_152 = tpu.memref_squeeze %dma_start3A_151 : memref<1x1x80xi32, #tpu.memory_space<vmem>> -> memref<80xi32, #tpu.memory_space<vmem>>
        %dma_start3A_153 = tpu.memref_slice %arg5[%add3A_50] : memref<327680xi32, #tpu.memory_space<hbm>> -> memref<80xi32, #tpu.memory_space<hbm>>
        tpu.enqueue_dma source(%dma_start3A_153 : memref<80xi32, #tpu.memory_space<hbm>>) target(%dma_start3A_152 : memref<80xi32, #tpu.memory_space<vmem>>) target_semaphore(%run_scoped3A_145 : memref<!tpu.dma_semaphore, #tpu.memory_space<semaphore_mem>>)
        %dma_wait3A_154 = arith.constant 0 : i32
        %dma_wait3A_155 = tpu.memref_slice %arg12[%run_scoped3A_53, %run_scoped3A_54, %dma_wait3A_154] : memref<2x2x80xi32, #tpu.memory_space<vmem>> -> memref<1x1x80xi32, #tpu.memory_space<vmem>>
        %dma_wait3A_156 = tpu.memref_squeeze %dma_wait3A_155 : memref<1x1x80xi32, #tpu.memory_space<vmem>> -> memref<80xi32, #tpu.memory_space<vmem>>
        %dma_wait3A_157 = tpu.memref_slice %arg5[%add3A_50] : memref<327680xi32, #tpu.memory_space<hbm>> -> memref<80xi32, #tpu.memory_space<hbm>>
        %dma_wait3A_158 = arith.constant 0 : i32
        %dma_wait3A_159 = tpu.memref_slice %arg12[%run_scoped3A_53, %run_scoped3A_54, %dma_wait3A_158] : memref<2x2x80xi32, #tpu.memory_space<vmem>> -> memref<1x1x80xi32, #tpu.memory_space<vmem>>
        %dma_wait3A_160 = tpu.memref_squeeze %dma_wait3A_159 : memref<1x1x80xi32, #tpu.memory_space<vmem>> -> memref<80xi32, #tpu.memory_space<vmem>>
        %dma_wait3A_161 = tpu.memref_slice %arg5[%add3A_50] : memref<327680xi32, #tpu.memory_space<hbm>> -> memref<80xi32, #tpu.memory_space<hbm>>
        tpu.wait_dma2 semaphore(%run_scoped3A_145 : memref<!tpu.dma_semaphore, #tpu.memory_space<semaphore_mem>>) src(%dma_wait3A_161 : memref<80xi32, #tpu.memory_space<hbm>>) dst(%dma_wait3A_160 : memref<80xi32, #tpu.memory_space<vmem>>)
        tpu.yield
      }) : () -> ()
      %dma_start3A_55 = arith.constant 1 : i32
      %dma_start3A_56 = arith.constant 0 : i32
      %dma_start3A_57 = arith.constant 0 : i32
      %dma_start3A_58 = tpu.memref_slice %arg12[%dma_start3A_55, %dma_start3A_56, %dma_start3A_57] : memref<2x2x80xi32, #tpu.memory_space<vmem>> -> memref<1x1x80xi32, #tpu.memory_space<vmem>>
      %dma_start3A_59 = tpu.memref_squeeze %dma_start3A_58 : memref<1x1x80xi32, #tpu.memory_space<vmem>> -> memref<80xi32, #tpu.memory_space<vmem>>
      %dma_start3A_60 = arith.constant 0 : i32
      %dma_start3A_61 = arith.constant 0 : i32
      %dma_start3A_62 = tpu.memref_slice %arg2[%dma_start3A_60, %dma_start3A_61] : memref<10000x128xf32, #tpu.memory_space<hbm>> -> memref<10000x128xf32, #tpu.memory_space<hbm>>
      tpu.enqueue_indirect_dma source(%dma_start3A_62 : memref<10000x128xf32, #tpu.memory_space<hbm>>) target(%arg14 : memref<80x128xf32, #tpu.memory_space<vmem>>) offsets(%dma_start3A_59 : memref<80xi32, #tpu.memory_space<vmem>>) semaphore(%arg25 : memref<!tpu.dma_semaphore, #tpu.memory_space<semaphore_mem>>)
      %dma_start3A_63 = arith.constant 1 : i32
      %dma_start3A_64 = arith.constant 1 : i32
      %dma_start3A_65 = arith.constant 0 : i32
      %dma_start3A_66 = tpu.memref_slice %arg12[%dma_start3A_63, %dma_start3A_64, %dma_start3A_65] : memref<2x2x80xi32, #tpu.memory_space<vmem>> -> memref<1x1x80xi32, #tpu.memory_space<vmem>>
      %dma_start3A_67 = tpu.memref_squeeze %dma_start3A_66 : memref<1x1x80xi32, #tpu.memory_space<vmem>> -> memref<80xi32, #tpu.memory_space<vmem>>
      %dma_start3A_68 = arith.constant 0 : i32
      %dma_start3A_69 = arith.constant 0 : i32
      %dma_start3A_70 = tpu.memref_slice %arg3[%dma_start3A_68, %dma_start3A_69] : memref<10000x128xf32, #tpu.memory_space<hbm>> -> memref<10000x128xf32, #tpu.memory_space<hbm>>
      tpu.enqueue_indirect_dma source(%dma_start3A_70 : memref<10000x128xf32, #tpu.memory_space<hbm>>) target(%arg16 : memref<80x128xf32, #tpu.memory_space<vmem>>) offsets(%dma_start3A_67 : memref<80xi32, #tpu.memory_space<vmem>>) semaphore(%arg27 : memref<!tpu.dma_semaphore, #tpu.memory_space<semaphore_mem>>)
      %dma_wait3A_71 = arith.constant 0 : i32
      %dma_wait3A_72 = arith.constant 0 : i32
      %dma_wait3A_73 = arith.constant 0 : i32
      %dma_wait3A_74 = tpu.memref_slice %arg12[%dma_wait3A_71, %dma_wait3A_72, %dma_wait3A_73] : memref<2x2x80xi32, #tpu.memory_space<vmem>> -> memref<1x1x80xi32, #tpu.memory_space<vmem>>
      %dma_wait3A_75 = tpu.memref_squeeze %dma_wait3A_74 : memref<1x1x80xi32, #tpu.memory_space<vmem>> -> memref<80xi32, #tpu.memory_space<vmem>>
      %dma_wait3A_76 = arith.constant 0 : i32
      %dma_wait3A_77 = arith.constant 0 : i32
      %dma_wait3A_78 = tpu.memref_slice %arg2[%dma_wait3A_76, %dma_wait3A_77] : memref<10000x128xf32, #tpu.memory_space<hbm>> -> memref<10000x128xf32, #tpu.memory_space<hbm>>
      tpu.wait_indirect_dma semaphore(%arg24 : memref<!tpu.dma_semaphore, #tpu.memory_space<semaphore_mem>>) src(%dma_wait3A_78 : memref<10000x128xf32, #tpu.memory_space<hbm>>) dst(%arg13 : memref<80x128xf32, #tpu.memory_space<vmem>>)
      %dma_wait3A_79 = arith.constant 0 : i32
      %dma_wait3A_80 = arith.constant 1 : i32
      %dma_wait3A_81 = arith.constant 0 : i32
      %dma_wait3A_82 = tpu.memref_slice %arg12[%dma_wait3A_79, %dma_wait3A_80, %dma_wait3A_81] : memref<2x2x80xi32, #tpu.memory_space<vmem>> -> memref<1x1x80xi32, #tpu.memory_space<vmem>>
      %dma_wait3A_83 = tpu.memref_squeeze %dma_wait3A_82 : memref<1x1x80xi32, #tpu.memory_space<vmem>> -> memref<80xi32, #tpu.memory_space<vmem>>
      %dma_wait3A_84 = arith.constant 0 : i32
      %dma_wait3A_85 = arith.constant 0 : i32
      %dma_wait3A_86 = tpu.memref_slice %arg3[%dma_wait3A_84, %dma_wait3A_85] : memref<10000x128xf32, #tpu.memory_space<hbm>> -> memref<10000x128xf32, #tpu.memory_space<hbm>>
      tpu.wait_indirect_dma semaphore(%arg26 : memref<!tpu.dma_semaphore, #tpu.memory_space<semaphore_mem>>) src(%dma_wait3A_86 : memref<10000x128xf32, #tpu.memory_space<hbm>>) dst(%arg15 : memref<80x128xf32, #tpu.memory_space<vmem>>)
      %mul3A_87 = arith.constant 2 : i32
      %mul3A_88 = arith.muli %mul3A_87, %scan3A_42 : i32
      %ge3A = arith.constant 2 : i32
      %ge3A_89 = arith.cmpi sge, %mul3A_88, %ge3A : i32
      %convert_element_type3A = arith.extui %ge3A_89 : i1 to i32
      %cond3A = arith.constant 0 : i32
      %cond3A_90 = arith.cmpi ne, %convert_element_type3A, %cond3A : i32
      scf.if %cond3A_90 {
        %dma_wait3A_145 = tpu.memref_slice %arg10[%mul3A_2] : memref<327680xf32, #tpu.memory_space<hbm>> -> memref<80xf32, #tpu.memory_space<hbm>>
        %dma_wait3A_146 = tpu.memref_slice %arg10[%mul3A_2] : memref<327680xf32, #tpu.memory_space<hbm>> -> memref<80xf32, #tpu.memory_space<hbm>>
        tpu.wait_dma2 semaphore(%arg28 : memref<!tpu.dma_semaphore, #tpu.memory_space<semaphore_mem>>) src(%arg17 : memref<80xf32, #tpu.memory_space<vmem>>) dst(%dma_wait3A_146 : memref<80xf32, #tpu.memory_space<hbm>>)
      } else {
      }
      %scan3A_91 = arith.constant 0 : i32
      %scan3A_92 = arith.constant 0 : i32
      %scan3A_93 = arith.constant 5 : i32
      %scan3A_94 = arith.addi %scan3A_92, %scan3A_93 : i32
      %scan3A_95 = arith.constant 1 : i32
      %scan3A_96 = scf.for %scan3A_145 = %scan3A_92 to %scan3A_94 step %scan3A_95 iter_args(%scan3A_146 = %scan3A_91) -> (i32)  : i32 {
        %mul3A_147 = arith.constant 16 : i32
        %mul3A_148 = arith.muli %scan3A_145, %mul3A_147 : i32
        %scan3A_149 = arith.constant 0 : i32
        %scan3A_150 = arith.constant 0 : i32
        %scan3A_151 = arith.constant 16 : i32
        %scan3A_152 = arith.addi %scan3A_150, %scan3A_151 : i32
        %scan3A_153 = arith.constant 1 : i32
        %scan3A_154 = scf.for %scan3A_236 = %scan3A_150 to %scan3A_152 step %scan3A_153 iter_args(%scan3A_237 = %scan3A_149) -> (i32)  : i32 {
          %add3A_238 = arith.addi %mul3A_148, %scan3A_236 : i32
          %get3A_239 = arith.constant 0 : index
          %get3A_240 = tpu.vector_load %arg20[%get3A_239] {strides = array<i32>} : memref<16xf32, #tpu.memory_space<vmem>>, vector<16xf32>,
          %get3A_241 = arith.index_cast %add3A_238 : i32 to index
          %get3A_242 = arith.constant 0 : index
          %get3A_243 = tpu.vector_load %arg13[%get3A_241, %get3A_242] {strides = array<i32>} : memref<80x128xf32, #tpu.memory_space<vmem>>, vector<16xf32>,
          %get3A_244 = arith.index_cast %add3A_238 : i32 to index
          %get3A_245 = arith.constant 0 : index
          %get3A_246 = tpu.vector_load %arg15[%get3A_244, %get3A_245] {strides = array<i32>} : memref<80x128xf32, #tpu.memory_space<vmem>>, vector<16xf32>,
          %add3A_247 = arith.addf %get3A_243, %get3A_246 : vector<16xf32>
          %max3A = arith.constant 0.000000e+00 : f32
          %max3A_248 = vector.broadcast %max3A : f32 to vector<16xf32>
          %max3A_249 = arith.maximumf %add3A_247, %max3A_248 : vector<16xf32>
          %bitcast3A = vector.bitcast %max3A_249 : vector<16xf32> to vector<16xi32>
          %add3A_250 = arith.constant 32768 : i32
          %add3A_251 = vector.broadcast %add3A_250 : i32 to vector<16xi32>
          %add3A_252 = arith.addi %bitcast3A, %add3A_251 : vector<16xi32>
          %and3A = arith.constant -65536 : i32
          %and3A_253 = vector.broadcast %and3A : i32 to vector<16xi32>
          %and3A_254 = arith.andi %add3A_252, %and3A_253 : vector<16xi32>
          %bitcast3A_255 = vector.bitcast %and3A_254 : vector<16xi32> to vector<16xf32>
          %get3A_256 = arith.constant 0 : i32
          %get3A_257 = arith.index_cast %get3A_256 : i32 to index
          %get3A_258 = arith.constant 0 : index
          %get3A_259 = tpu.vector_load %arg19[%get3A_257, %get3A_258] {strides = array<i32>} : memref<8x16xf32, #tpu.memory_space<vmem>>, vector<16xf32>,
          %mul3A_260 = arith.mulf %bitcast3A_255, %get3A_259 : vector<16xf32>
          %add3A_261 = arith.addf %get3A_240, %mul3A_260 : vector<16xf32>
          %get3A_262 = arith.index_cast %add3A_238 : i32 to index
          %get3A_263 = arith.constant 16 : index
          %get3A_264 = tpu.vector_load %arg13[%get3A_262, %get3A_263] {strides = array<i32>} : memref<80x128xf32, #tpu.memory_space<vmem>>, vector<16xf32>,
          %get3A_265 = arith.index_cast %add3A_238 : i32 to index
          %get3A_266 = arith.constant 16 : index
          %get3A_267 = tpu.vector_load %arg15[%get3A_265, %get3A_266] {strides = array<i32>} : memref<80x128xf32, #tpu.memory_space<vmem>>, vector<16xf32>,
          %add3A_268 = arith.addf %get3A_264, %get3A_267 : vector<16xf32>
          %max3A_269 = arith.constant 0.000000e+00 : f32
          %max3A_270 = vector.broadcast %max3A_269 : f32 to vector<16xf32>
          %max3A_271 = arith.maximumf %add3A_268, %max3A_270 : vector<16xf32>
          %bitcast3A_272 = vector.bitcast %max3A_271 : vector<16xf32> to vector<16xi32>
          %add3A_273 = arith.constant 32768 : i32
          %add3A_274 = vector.broadcast %add3A_273 : i32 to vector<16xi32>
          %add3A_275 = arith.addi %bitcast3A_272, %add3A_274 : vector<16xi32>
          %and3A_276 = arith.constant -65536 : i32
          %and3A_277 = vector.broadcast %and3A_276 : i32 to vector<16xi32>
          %and3A_278 = arith.andi %add3A_275, %and3A_277 : vector<16xi32>
          %bitcast3A_279 = vector.bitcast %and3A_278 : vector<16xi32> to vector<16xf32>
          %get3A_280 = arith.constant 1 : i32
          %get3A_281 = arith.index_cast %get3A_280 : i32 to index
          %get3A_282 = arith.constant 0 : index
          %get3A_283 = tpu.vector_load %arg19[%get3A_281, %get3A_282] {strides = array<i32>} : memref<8x16xf32, #tpu.memory_space<vmem>>, vector<16xf32>,
          %mul3A_284 = arith.mulf %bitcast3A_279, %get3A_283 : vector<16xf32>
          %add3A_285 = arith.addf %add3A_261, %mul3A_284 : vector<16xf32>
          %get3A_286 = arith.index_cast %add3A_238 : i32 to index
          %get3A_287 = arith.constant 32 : index
          %get3A_288 = tpu.vector_load %arg13[%get3A_286, %get3A_287] {strides = array<i32>} : memref<80x128xf32, #tpu.memory_space<vmem>>, vector<16xf32>,
          %get3A_289 = arith.index_cast %add3A_238 : i32 to index
          %get3A_290 = arith.constant 32 : index
          %get3A_291 = tpu.vector_load %arg15[%get3A_289, %get3A_290] {strides = array<i32>} : memref<80x128xf32, #tpu.memory_space<vmem>>, vector<16xf32>,
          %add3A_292 = arith.addf %get3A_288, %get3A_291 : vector<16xf32>
          %max3A_293 = arith.constant 0.000000e+00 : f32
          %max3A_294 = vector.broadcast %max3A_293 : f32 to vector<16xf32>
          %max3A_295 = arith.maximumf %add3A_292, %max3A_294 : vector<16xf32>
          %bitcast3A_296 = vector.bitcast %max3A_295 : vector<16xf32> to vector<16xi32>
          %add3A_297 = arith.constant 32768 : i32
          %add3A_298 = vector.broadcast %add3A_297 : i32 to vector<16xi32>
          %add3A_299 = arith.addi %bitcast3A_296, %add3A_298 : vector<16xi32>
          %and3A_300 = arith.constant -65536 : i32
          %and3A_301 = vector.broadcast %and3A_300 : i32 to vector<16xi32>
          %and3A_302 = arith.andi %add3A_299, %and3A_301 : vector<16xi32>
          %bitcast3A_303 = vector.bitcast %and3A_302 : vector<16xi32> to vector<16xf32>
          %get3A_304 = arith.constant 2 : i32
          %get3A_305 = arith.index_cast %get3A_304 : i32 to index
          %get3A_306 = arith.constant 0 : index
          %get3A_307 = tpu.vector_load %arg19[%get3A_305, %get3A_306] {strides = array<i32>} : memref<8x16xf32, #tpu.memory_space<vmem>>, vector<16xf32>,
          %mul3A_308 = arith.mulf %bitcast3A_303, %get3A_307 : vector<16xf32>
          %add3A_309 = arith.addf %add3A_285, %mul3A_308 : vector<16xf32>
          %get3A_310 = arith.index_cast %add3A_238 : i32 to index
          %get3A_311 = arith.constant 48 : index
          %get3A_312 = tpu.vector_load %arg13[%get3A_310, %get3A_311] {strides = array<i32>} : memref<80x128xf32, #tpu.memory_space<vmem>>, vector<16xf32>,
          %get3A_313 = arith.index_cast %add3A_238 : i32 to index
          %get3A_314 = arith.constant 48 : index
          %get3A_315 = tpu.vector_load %arg15[%get3A_313, %get3A_314] {strides = array<i32>} : memref<80x128xf32, #tpu.memory_space<vmem>>, vector<16xf32>,
          %add3A_316 = arith.addf %get3A_312, %get3A_315 : vector<16xf32>
          %max3A_317 = arith.constant 0.000000e+00 : f32
          %max3A_318 = vector.broadcast %max3A_317 : f32 to vector<16xf32>
          %max3A_319 = arith.maximumf %add3A_316, %max3A_318 : vector<16xf32>
          %bitcast3A_320 = vector.bitcast %max3A_319 : vector<16xf32> to vector<16xi32>
          %add3A_321 = arith.constant 32768 : i32
          %add3A_322 = vector.broadcast %add3A_321 : i32 to vector<16xi32>
          %add3A_323 = arith.addi %bitcast3A_320, %add3A_322 : vector<16xi32>
          %and3A_324 = arith.constant -65536 : i32
          %and3A_325 = vector.broadcast %and3A_324 : i32 to vector<16xi32>
          %and3A_326 = arith.andi %add3A_323, %and3A_325 : vector<16xi32>
          %bitcast3A_327 = vector.bitcast %and3A_326 : vector<16xi32> to vector<16xf32>
          %get3A_328 = arith.constant 3 : i32
          %get3A_329 = arith.index_cast %get3A_328 : i32 to index
          %get3A_330 = arith.constant 0 : index
          %get3A_331 = tpu.vector_load %arg19[%get3A_329, %get3A_330] {strides = array<i32>} : memref<8x16xf32, #tpu.memory_space<vmem>>, vector<16xf32>,
          %mul3A_332 = arith.mulf %bitcast3A_327, %get3A_331 : vector<16xf32>
          %add3A_333 = arith.addf %add3A_309, %mul3A_332 : vector<16xf32>
          %get3A_334 = arith.index_cast %add3A_238 : i32 to index
          %get3A_335 = arith.constant 64 : index
          %get3A_336 = tpu.vector_load %arg13[%get3A_334, %get3A_335] {strides = array<i32>} : memref<80x128xf32, #tpu.memory_space<vmem>>, vector<16xf32>,
          %get3A_337 = arith.index_cast %add3A_238 : i32 to index
          %get3A_338 = arith.constant 64 : index
          %get3A_339 = tpu.vector_load %arg15[%get3A_337, %get3A_338] {strides = array<i32>} : memref<80x128xf32, #tpu.memory_space<vmem>>, vector<16xf32>,
          %add3A_340 = arith.addf %get3A_336, %get3A_339 : vector<16xf32>
          %max3A_341 = arith.constant 0.000000e+00 : f32
          %max3A_342 = vector.broadcast %max3A_341 : f32 to vector<16xf32>
          %max3A_343 = arith.maximumf %add3A_340, %max3A_342 : vector<16xf32>
          %bitcast3A_344 = vector.bitcast %max3A_343 : vector<16xf32> to vector<16xi32>
          %add3A_345 = arith.constant 32768 : i32
          %add3A_346 = vector.broadcast %add3A_345 : i32 to vector<16xi32>
          %add3A_347 = arith.addi %bitcast3A_344, %add3A_346 : vector<16xi32>
          %and3A_348 = arith.constant -65536 : i32
          %and3A_349 = vector.broadcast %and3A_348 : i32 to vector<16xi32>
          %and3A_350 = arith.andi %add3A_347, %and3A_349 : vector<16xi32>
          %bitcast3A_351 = vector.bitcast %and3A_350 : vector<16xi32> to vector<16xf32>
          %get3A_352 = arith.constant 4 : i32
          %get3A_353 = arith.index_cast %get3A_352 : i32 to index
          %get3A_354 = arith.constant 0 : index
          %get3A_355 = tpu.vector_load %arg19[%get3A_353, %get3A_354] {strides = array<i32>} : memref<8x16xf32, #tpu.memory_space<vmem>>, vector<16xf32>,
          %mul3A_356 = arith.mulf %bitcast3A_351, %get3A_355 : vector<16xf32>
          %add3A_357 = arith.addf %add3A_333, %mul3A_356 : vector<16xf32>
          %get3A_358 = arith.index_cast %add3A_238 : i32 to index
          %get3A_359 = arith.constant 80 : index
          %get3A_360 = tpu.vector_load %arg13[%get3A_358, %get3A_359] {strides = array<i32>} : memref<80x128xf32, #tpu.memory_space<vmem>>, vector<16xf32>,
          %get3A_361 = arith.index_cast %add3A_238 : i32 to index
          %get3A_362 = arith.constant 80 : index
          %get3A_363 = tpu.vector_load %arg15[%get3A_361, %get3A_362] {strides = array<i32>} : memref<80x128xf32, #tpu.memory_space<vmem>>, vector<16xf32>,
          %add3A_364 = arith.addf %get3A_360, %get3A_363 : vector<16xf32>
          %max3A_365 = arith.constant 0.000000e+00 : f32
          %max3A_366 = vector.broadcast %max3A_365 : f32 to vector<16xf32>
          %max3A_367 = arith.maximumf %add3A_364, %max3A_366 : vector<16xf32>
          %bitcast3A_368 = vector.bitcast %max3A_367 : vector<16xf32> to vector<16xi32>
          %add3A_369 = arith.constant 32768 : i32
          %add3A_370 = vector.broadcast %add3A_369 : i32 to vector<16xi32>
          %add3A_371 = arith.addi %bitcast3A_368, %add3A_370 : vector<16xi32>
          %and3A_372 = arith.constant -65536 : i32
          %and3A_373 = vector.broadcast %and3A_372 : i32 to vector<16xi32>
          %and3A_374 = arith.andi %add3A_371, %and3A_373 : vector<16xi32>
          %bitcast3A_375 = vector.bitcast %and3A_374 : vector<16xi32> to vector<16xf32>
          %get3A_376 = arith.constant 5 : i32
          %get3A_377 = arith.index_cast %get3A_376 : i32 to index
          %get3A_378 = arith.constant 0 : index
          %get3A_379 = tpu.vector_load %arg19[%get3A_377, %get3A_378] {strides = array<i32>} : memref<8x16xf32, #tpu.memory_space<vmem>>, vector<16xf32>,
          %mul3A_380 = arith.mulf %bitcast3A_375, %get3A_379 : vector<16xf32>
          %add3A_381 = arith.addf %add3A_357, %mul3A_380 : vector<16xf32>
          %get3A_382 = arith.index_cast %add3A_238 : i32 to index
          %get3A_383 = arith.constant 96 : index
          %get3A_384 = tpu.vector_load %arg13[%get3A_382, %get3A_383] {strides = array<i32>} : memref<80x128xf32, #tpu.memory_space<vmem>>, vector<16xf32>,
          %get3A_385 = arith.index_cast %add3A_238 : i32 to index
          %get3A_386 = arith.constant 96 : index
          %get3A_387 = tpu.vector_load %arg15[%get3A_385, %get3A_386] {strides = array<i32>} : memref<80x128xf32, #tpu.memory_space<vmem>>, vector<16xf32>,
          %add3A_388 = arith.addf %get3A_384, %get3A_387 : vector<16xf32>
          %max3A_389 = arith.constant 0.000000e+00 : f32
          %max3A_390 = vector.broadcast %max3A_389 : f32 to vector<16xf32>
          %max3A_391 = arith.maximumf %add3A_388, %max3A_390 : vector<16xf32>
          %bitcast3A_392 = vector.bitcast %max3A_391 : vector<16xf32> to vector<16xi32>
          %add3A_393 = arith.constant 32768 : i32
          %add3A_394 = vector.broadcast %add3A_393 : i32 to vector<16xi32>
          %add3A_395 = arith.addi %bitcast3A_392, %add3A_394 : vector<16xi32>
          %and3A_396 = arith.constant -65536 : i32
          %and3A_397 = vector.broadcast %and3A_396 : i32 to vector<16xi32>
          %and3A_398 = arith.andi %add3A_395, %and3A_397 : vector<16xi32>
          %bitcast3A_399 = vector.bitcast %and3A_398 : vector<16xi32> to vector<16xf32>
          %get3A_400 = arith.constant 6 : i32
          %get3A_401 = arith.index_cast %get3A_400 : i32 to index
          %get3A_402 = arith.constant 0 : index
          %get3A_403 = tpu.vector_load %arg19[%get3A_401, %get3A_402] {strides = array<i32>} : memref<8x16xf32, #tpu.memory_space<vmem>>, vector<16xf32>,
          %mul3A_404 = arith.mulf %bitcast3A_399, %get3A_403 : vector<16xf32>
          %add3A_405 = arith.addf %add3A_381, %mul3A_404 : vector<16xf32>
          %get3A_406 = arith.index_cast %add3A_238 : i32 to index
          %get3A_407 = arith.constant 112 : index
          %get3A_408 = tpu.vector_load %arg13[%get3A_406, %get3A_407] {strides = array<i32>} : memref<80x128xf32, #tpu.memory_space<vmem>>, vector<16xf32>,
          %get3A_409 = arith.index_cast %add3A_238 : i32 to index
          %get3A_410 = arith.constant 112 : index
          %get3A_411 = tpu.vector_load %arg15[%get3A_409, %get3A_410] {strides = array<i32>} : memref<80x128xf32, #tpu.memory_space<vmem>>, vector<16xf32>,
          %add3A_412 = arith.addf %get3A_408, %get3A_411 : vector<16xf32>
          %max3A_413 = arith.constant 0.000000e+00 : f32
          %max3A_414 = vector.broadcast %max3A_413 : f32 to vector<16xf32>
          %max3A_415 = arith.maximumf %add3A_412, %max3A_414 : vector<16xf32>
          %bitcast3A_416 = vector.bitcast %max3A_415 : vector<16xf32> to vector<16xi32>
          %add3A_417 = arith.constant 32768 : i32
          %add3A_418 = vector.broadcast %add3A_417 : i32 to vector<16xi32>
          %add3A_419 = arith.addi %bitcast3A_416, %add3A_418 : vector<16xi32>
          %and3A_420 = arith.constant -65536 : i32
          %and3A_421 = vector.broadcast %and3A_420 : i32 to vector<16xi32>
          %and3A_422 = arith.andi %add3A_419, %and3A_421 : vector<16xi32>
          %bitcast3A_423 = vector.bitcast %and3A_422 : vector<16xi32> to vector<16xf32>
          %get3A_424 = arith.constant 7 : i32
          %get3A_425 = arith.index_cast %get3A_424 : i32 to index
          %get3A_426 = arith.constant 0 : index
          %get3A_427 = tpu.vector_load %arg19[%get3A_425, %get3A_426] {strides = array<i32>} : memref<8x16xf32, #tpu.memory_space<vmem>>, vector<16xf32>,
          %mul3A_428 = arith.mulf %bitcast3A_423, %get3A_427 : vector<16xf32>
          %add3A_429 = arith.addf %add3A_405, %mul3A_428 : vector<16xf32>
          %mul3A_430 = arith.constant 0 : i32
          %mul3A_431 = vector.broadcast %mul3A_430 : i32 to vector<16xi32>
          %mul3A_432 = arith.muli %iota3A, %mul3A_431 : vector<16xi32>
          %add3A_433 = vector.broadcast %scan3A_236 : i32 to vector<16xi32>
          %add3A_434 = arith.addi %mul3A_432, %add3A_433 : vector<16xi32>
          tpu.vector_store_idx %arg23[%iota3A, %add3A_434], %add3A_429 : memref<16x16xf32, #tpu.memory_space<vmem>>[vector<16xi32>, vector<16xi32>], vector<16xf32>,
          %scan3A_435 = arith.constant 0 : i32
          scf.yield %scan3A_435 : i32
        }
        %scan3A_155 = arith.constant 16 : i32
        %get3A = arith.constant 0 : i32
        %get3A_156 = arith.index_cast %get3A : i32 to index
        %get3A_157 = arith.constant 0 : index
        %get3A_158 = tpu.vector_load %arg23[%get3A_156, %get3A_157] {strides = array<i32>} : memref<16x16xf32, #tpu.memory_space<vmem>>, vector<16xf32>,
        %get3A_159 = arith.constant 1 : i32
        %get3A_160 = arith.index_cast %get3A_159 : i32 to index
        %get3A_161 = arith.constant 0 : index
        %get3A_162 = tpu.vector_load %arg23[%get3A_160, %get3A_161] {strides = array<i32>} : memref<16x16xf32, #tpu.memory_space<vmem>>, vector<16xf32>,
        %add3A_163 = arith.addf %get3A_158, %get3A_162 : vector<16xf32>
        %get3A_164 = arith.constant 2 : i32
        %get3A_165 = arith.index_cast %get3A_164 : i32 to index
        %get3A_166 = arith.constant 0 : index
        %get3A_167 = tpu.vector_load %arg23[%get3A_165, %get3A_166] {strides = array<i32>} : memref<16x16xf32, #tpu.memory_space<vmem>>, vector<16xf32>,
        %add3A_168 = arith.addf %add3A_163, %get3A_167 : vector<16xf32>
        %get3A_169 = arith.constant 3 : i32
        %get3A_170 = arith.index_cast %get3A_169 : i32 to index
        %get3A_171 = arith.constant 0 : index
        %get3A_172 = tpu.vector_load %arg23[%get3A_170, %get3A_171] {strides = array<i32>} : memref<16x16xf32, #tpu.memory_space<vmem>>, vector<16xf32>,
        %add3A_173 = arith.addf %add3A_168, %get3A_172 : vector<16xf32>
        %get3A_174 = arith.constant 4 : i32
        %get3A_175 = arith.index_cast %get3A_174 : i32 to index
        %get3A_176 = arith.constant 0 : index
        %get3A_177 = tpu.vector_load %arg23[%get3A_175, %get3A_176] {strides = array<i32>} : memref<16x16xf32, #tpu.memory_space<vmem>>, vector<16xf32>,
        %add3A_178 = arith.addf %add3A_173, %get3A_177 : vector<16xf32>
        %get3A_179 = arith.constant 5 : i32
        %get3A_180 = arith.index_cast %get3A_179 : i32 to index
        %get3A_181 = arith.constant 0 : index
        %get3A_182 = tpu.vector_load %arg23[%get3A_180, %get3A_181] {strides = array<i32>} : memref<16x16xf32, #tpu.memory_space<vmem>>, vector<16xf32>,
        %add3A_183 = arith.addf %add3A_178, %get3A_182 : vector<16xf32>
        %get3A_184 = arith.constant 6 : i32
        %get3A_185 = arith.index_cast %get3A_184 : i32 to index
        %get3A_186 = arith.constant 0 : index
        %get3A_187 = tpu.vector_load %arg23[%get3A_185, %get3A_186] {strides = array<i32>} : memref<16x16xf32, #tpu.memory_space<vmem>>, vector<16xf32>,
        %add3A_188 = arith.addf %add3A_183, %get3A_187 : vector<16xf32>
        %get3A_189 = arith.constant 7 : i32
        %get3A_190 = arith.index_cast %get3A_189 : i32 to index
        %get3A_191 = arith.constant 0 : index
        %get3A_192 = tpu.vector_load %arg23[%get3A_190, %get3A_191] {strides = array<i32>} : memref<16x16xf32, #tpu.memory_space<vmem>>, vector<16xf32>,
        %add3A_193 = arith.addf %add3A_188, %get3A_192 : vector<16xf32>
        %get3A_194 = arith.constant 8 : i32
        %get3A_195 = arith.index_cast %get3A_194 : i32 to index
        %get3A_196 = arith.constant 0 : index
        %get3A_197 = tpu.vector_load %arg23[%get3A_195, %get3A_196] {strides = array<i32>} : memref<16x16xf32, #tpu.memory_space<vmem>>, vector<16xf32>,
        %add3A_198 = arith.addf %add3A_193, %get3A_197 : vector<16xf32>
        %get3A_199 = arith.constant 9 : i32
        %get3A_200 = arith.index_cast %get3A_199 : i32 to index
        %get3A_201 = arith.constant 0 : index
        %get3A_202 = tpu.vector_load %arg23[%get3A_200, %get3A_201] {strides = array<i32>} : memref<16x16xf32, #tpu.memory_space<vmem>>, vector<16xf32>,
        %add3A_203 = arith.addf %add3A_198, %get3A_202 : vector<16xf32>
        %get3A_204 = arith.constant 10 : i32
        %get3A_205 = arith.index_cast %get3A_204 : i32 to index
        %get3A_206 = arith.constant 0 : index
        %get3A_207 = tpu.vector_load %arg23[%get3A_205, %get3A_206] {strides = array<i32>} : memref<16x16xf32, #tpu.memory_space<vmem>>, vector<16xf32>,
        %add3A_208 = arith.addf %add3A_203, %get3A_207 : vector<16xf32>
        %get3A_209 = arith.constant 11 : i32
        %get3A_210 = arith.index_cast %get3A_209 : i32 to index
        %get3A_211 = arith.constant 0 : index
        %get3A_212 = tpu.vector_load %arg23[%get3A_210, %get3A_211] {strides = array<i32>} : memref<16x16xf32, #tpu.memory_space<vmem>>, vector<16xf32>,
        %add3A_213 = arith.addf %add3A_208, %get3A_212 : vector<16xf32>
        %get3A_214 = arith.constant 12 : i32
        %get3A_215 = arith.index_cast %get3A_214 : i32 to index
        %get3A_216 = arith.constant 0 : index
        %get3A_217 = tpu.vector_load %arg23[%get3A_215, %get3A_216] {strides = array<i32>} : memref<16x16xf32, #tpu.memory_space<vmem>>, vector<16xf32>,
        %add3A_218 = arith.addf %add3A_213, %get3A_217 : vector<16xf32>
        %get3A_219 = arith.constant 13 : i32
        %get3A_220 = arith.index_cast %get3A_219 : i32 to index
        %get3A_221 = arith.constant 0 : index
        %get3A_222 = tpu.vector_load %arg23[%get3A_220, %get3A_221] {strides = array<i32>} : memref<16x16xf32, #tpu.memory_space<vmem>>, vector<16xf32>,
        %add3A_223 = arith.addf %add3A_218, %get3A_222 : vector<16xf32>
        %get3A_224 = arith.constant 14 : i32
        %get3A_225 = arith.index_cast %get3A_224 : i32 to index
        %get3A_226 = arith.constant 0 : index
        %get3A_227 = tpu.vector_load %arg23[%get3A_225, %get3A_226] {strides = array<i32>} : memref<16x16xf32, #tpu.memory_space<vmem>>, vector<16xf32>,
        %add3A_228 = arith.addf %add3A_223, %get3A_227 : vector<16xf32>
        %get3A_229 = arith.constant 15 : i32
        %get3A_230 = arith.index_cast %get3A_229 : i32 to index
        %get3A_231 = arith.constant 0 : index
        %get3A_232 = tpu.vector_load %arg23[%get3A_230, %get3A_231] {strides = array<i32>} : memref<16x16xf32, #tpu.memory_space<vmem>>, vector<16xf32>,
        %add3A_233 = arith.addf %add3A_228, %get3A_232 : vector<16xf32>
        %swap3A = arith.index_cast %mul3A_148 : i32 to index
        %swap3A_234 = tpu.vector_load %arg17[%swap3A] {strides = array<i32>} : memref<80xf32, #tpu.memory_space<vmem>>, vector<16xf32>,
        tpu.vector_store %arg17[%swap3A], %add3A_233 {strides = array<i32>} : memref<80xf32, #tpu.memory_space<vmem>>, vector<16xf32>,
        %scan3A_235 = arith.constant 0 : i32
        scf.yield %scan3A_235 : i32
      }
      %scan3A_97 = arith.constant 5 : i32
      %mul3A_98 = arith.constant 80 : i32
      %mul3A_99 = arith.muli %mul3A_88, %mul3A_98 : i32
      %add3A_100 = arith.addi %mul3A_2, %mul3A_99 : i32
      %dma_start3A_101 = tpu.memref_slice %arg10[%add3A_100] : memref<327680xf32, #tpu.memory_space<hbm>> -> memref<80xf32, #tpu.memory_space<hbm>>
      %dma_start3A_102 = tpu.memref_slice %arg10[%add3A_100] : memref<327680xf32, #tpu.memory_space<hbm>> -> memref<80xf32, #tpu.memory_space<hbm>>
      tpu.enqueue_dma source(%arg17 : memref<80xf32, #tpu.memory_space<vmem>>) target(%dma_start3A_102 : memref<80xf32, #tpu.memory_space<hbm>>) target_semaphore(%arg28 : memref<!tpu.dma_semaphore, #tpu.memory_space<semaphore_mem>>)
      %lt3A = arith.constant 63 : i32
      %lt3A_103 = arith.cmpi slt, %scan3A_42, %lt3A : i32
      %convert_element_type3A_104 = arith.extui %lt3A_103 : i1 to i32
      %cond3A_105 = arith.constant 0 : i32
      %cond3A_106 = arith.cmpi ne, %convert_element_type3A_104, %cond3A_105 : i32
      scf.if %cond3A_106 {
        %mul3A_145 = arith.constant 2 : i32
        %mul3A_146 = arith.muli %mul3A_145, %scan3A_42 : i32
        %add3A_147 = arith.constant 2 : i32
        %add3A_148 = arith.addi %mul3A_146, %add3A_147 : i32
        %mul3A_149 = arith.constant 80 : i32
        %mul3A_150 = arith.muli %add3A_148, %mul3A_149 : i32
        %add3A_151 = arith.addi %mul3A_2, %mul3A_150 : i32
        %run_scoped3A_152 = arith.constant 0 : i32
        %run_scoped3A_153 = arith.constant 0 : i32
        "tpu.region"() ({
          %run_scoped3A_172 = tpu.sem_alloc : memref<!tpu.dma_semaphore, #tpu.memory_space<semaphore_mem>>
          %dma_start3A_173 = arith.constant 0 : i32
          %dma_start3A_174 = tpu.memref_slice %arg12[%run_scoped3A_152, %run_scoped3A_153, %dma_start3A_173] : memref<2x2x80xi32, #tpu.memory_space<vmem>> -> memref<1x1x80xi32, #tpu.memory_space<vmem>>
          %dma_start3A_175 = tpu.memref_squeeze %dma_start3A_174 : memref<1x1x80xi32, #tpu.memory_space<vmem>> -> memref<80xi32, #tpu.memory_space<vmem>>
          %dma_start3A_176 = tpu.memref_slice %arg4[%add3A_151] : memref<327680xi32, #tpu.memory_space<hbm>> -> memref<80xi32, #tpu.memory_space<hbm>>
          %dma_start3A_177 = arith.constant 0 : i32
          %dma_start3A_178 = tpu.memref_slice %arg12[%run_scoped3A_152, %run_scoped3A_153, %dma_start3A_177] : memref<2x2x80xi32, #tpu.memory_space<vmem>> -> memref<1x1x80xi32, #tpu.memory_space<vmem>>
          %dma_start3A_179 = tpu.memref_squeeze %dma_start3A_178 : memref<1x1x80xi32, #tpu.memory_space<vmem>> -> memref<80xi32, #tpu.memory_space<vmem>>
          %dma_start3A_180 = tpu.memref_slice %arg4[%add3A_151] : memref<327680xi32, #tpu.memory_space<hbm>> -> memref<80xi32, #tpu.memory_space<hbm>>
          tpu.enqueue_dma source(%dma_start3A_180 : memref<80xi32, #tpu.memory_space<hbm>>) target(%dma_start3A_179 : memref<80xi32, #tpu.memory_space<vmem>>) target_semaphore(%run_scoped3A_172 : memref<!tpu.dma_semaphore, #tpu.memory_space<semaphore_mem>>)
          %dma_wait3A_181 = arith.constant 0 : i32
          %dma_wait3A_182 = tpu.memref_slice %arg12[%run_scoped3A_152, %run_scoped3A_153, %dma_wait3A_181] : memref<2x2x80xi32, #tpu.memory_space<vmem>> -> memref<1x1x80xi32, #tpu.memory_space<vmem>>
          %dma_wait3A_183 = tpu.memref_squeeze %dma_wait3A_182 : memref<1x1x80xi32, #tpu.memory_space<vmem>> -> memref<80xi32, #tpu.memory_space<vmem>>
          %dma_wait3A_184 = tpu.memref_slice %arg4[%add3A_151] : memref<327680xi32, #tpu.memory_space<hbm>> -> memref<80xi32, #tpu.memory_space<hbm>>
          %dma_wait3A_185 = arith.constant 0 : i32
          %dma_wait3A_186 = tpu.memref_slice %arg12[%run_scoped3A_152, %run_scoped3A_153, %dma_wait3A_185] : memref<2x2x80xi32, #tpu.memory_space<vmem>> -> memref<1x1x80xi32, #tpu.memory_space<vmem>>
          %dma_wait3A_187 = tpu.memref_squeeze %dma_wait3A_186 : memref<1x1x80xi32, #tpu.memory_space<vmem>> -> memref<80xi32, #tpu.memory_space<vmem>>
          %dma_wait3A_188 = tpu.memref_slice %arg4[%add3A_151] : memref<327680xi32, #tpu.memory_space<hbm>> -> memref<80xi32, #tpu.memory_space<hbm>>
          tpu.wait_dma2 semaphore(%run_scoped3A_172 : memref<!tpu.dma_semaphore, #tpu.memory_space<semaphore_mem>>) src(%dma_wait3A_188 : memref<80xi32, #tpu.memory_space<hbm>>) dst(%dma_wait3A_187 : memref<80xi32, #tpu.memory_space<vmem>>)
          tpu.yield
        }) : () -> ()
        %run_scoped3A_154 = arith.constant 0 : i32
        %run_scoped3A_155 = arith.constant 1 : i32
        "tpu.region"() ({
          %run_scoped3A_172 = tpu.sem_alloc : memref<!tpu.dma_semaphore, #tpu.memory_space<semaphore_mem>>
          %dma_start3A_173 = arith.constant 0 : i32
          %dma_start3A_174 = tpu.memref_slice %arg12[%run_scoped3A_154, %run_scoped3A_155, %dma_start3A_173] : memref<2x2x80xi32, #tpu.memory_space<vmem>> -> memref<1x1x80xi32, #tpu.memory_space<vmem>>
          %dma_start3A_175 = tpu.memref_squeeze %dma_start3A_174 : memref<1x1x80xi32, #tpu.memory_space<vmem>> -> memref<80xi32, #tpu.memory_space<vmem>>
          %dma_start3A_176 = tpu.memref_slice %arg5[%add3A_151] : memref<327680xi32, #tpu.memory_space<hbm>> -> memref<80xi32, #tpu.memory_space<hbm>>
          %dma_start3A_177 = arith.constant 0 : i32
          %dma_start3A_178 = tpu.memref_slice %arg12[%run_scoped3A_154, %run_scoped3A_155, %dma_start3A_177] : memref<2x2x80xi32, #tpu.memory_space<vmem>> -> memref<1x1x80xi32, #tpu.memory_space<vmem>>
          %dma_start3A_179 = tpu.memref_squeeze %dma_start3A_178 : memref<1x1x80xi32, #tpu.memory_space<vmem>> -> memref<80xi32, #tpu.memory_space<vmem>>
          %dma_start3A_180 = tpu.memref_slice %arg5[%add3A_151] : memref<327680xi32, #tpu.memory_space<hbm>> -> memref<80xi32, #tpu.memory_space<hbm>>
          tpu.enqueue_dma source(%dma_start3A_180 : memref<80xi32, #tpu.memory_space<hbm>>) target(%dma_start3A_179 : memref<80xi32, #tpu.memory_space<vmem>>) target_semaphore(%run_scoped3A_172 : memref<!tpu.dma_semaphore, #tpu.memory_space<semaphore_mem>>)
          %dma_wait3A_181 = arith.constant 0 : i32
          %dma_wait3A_182 = tpu.memref_slice %arg12[%run_scoped3A_154, %run_scoped3A_155, %dma_wait3A_181] : memref<2x2x80xi32, #tpu.memory_space<vmem>> -> memref<1x1x80xi32, #tpu.memory_space<vmem>>
          %dma_wait3A_183 = tpu.memref_squeeze %dma_wait3A_182 : memref<1x1x80xi32, #tpu.memory_space<vmem>> -> memref<80xi32, #tpu.memory_space<vmem>>
          %dma_wait3A_184 = tpu.memref_slice %arg5[%add3A_151] : memref<327680xi32, #tpu.memory_space<hbm>> -> memref<80xi32, #tpu.memory_space<hbm>>
          %dma_wait3A_185 = arith.constant 0 : i32
          %dma_wait3A_186 = tpu.memref_slice %arg12[%run_scoped3A_154, %run_scoped3A_155, %dma_wait3A_185] : memref<2x2x80xi32, #tpu.memory_space<vmem>> -> memref<1x1x80xi32, #tpu.memory_space<vmem>>
          %dma_wait3A_187 = tpu.memref_squeeze %dma_wait3A_186 : memref<1x1x80xi32, #tpu.memory_space<vmem>> -> memref<80xi32, #tpu.memory_space<vmem>>
          %dma_wait3A_188 = tpu.memref_slice %arg5[%add3A_151] : memref<327680xi32, #tpu.memory_space<hbm>> -> memref<80xi32, #tpu.memory_space<hbm>>
          tpu.wait_dma2 semaphore(%run_scoped3A_172 : memref<!tpu.dma_semaphore, #tpu.memory_space<semaphore_mem>>) src(%dma_wait3A_188 : memref<80xi32, #tpu.memory_space<hbm>>) dst(%dma_wait3A_187 : memref<80xi32, #tpu.memory_space<vmem>>)
          tpu.yield
        }) : () -> ()
        %dma_start3A_156 = arith.constant 0 : i32
        %dma_start3A_157 = arith.constant 0 : i32
        %dma_start3A_158 = arith.constant 0 : i32
        %dma_start3A_159 = tpu.memref_slice %arg12[%dma_start3A_156, %dma_start3A_157, %dma_start3A_158] : memref<2x2x80xi32, #tpu.memory_space<vmem>> -> memref<1x1x80xi32, #tpu.memory_space<vmem>>
        %dma_start3A_160 = tpu.memref_squeeze %dma_start3A_159 : memref<1x1x80xi32, #tpu.memory_space<vmem>> -> memref<80xi32, #tpu.memory_space<vmem>>
        %dma_start3A_161 = arith.constant 0 : i32
        %dma_start3A_162 = arith.constant 0 : i32
        %dma_start3A_163 = tpu.memref_slice %arg2[%dma_start3A_161, %dma_start3A_162] : memref<10000x128xf32, #tpu.memory_space<hbm>> -> memref<10000x128xf32, #tpu.memory_space<hbm>>
        tpu.enqueue_indirect_dma source(%dma_start3A_163 : memref<10000x128xf32, #tpu.memory_space<hbm>>) target(%arg13 : memref<80x128xf32, #tpu.memory_space<vmem>>) offsets(%dma_start3A_160 : memref<80xi32, #tpu.memory_space<vmem>>) semaphore(%arg24 : memref<!tpu.dma_semaphore, #tpu.memory_space<semaphore_mem>>)
        %dma_start3A_164 = arith.constant 0 : i32
        %dma_start3A_165 = arith.constant 1 : i32
        %dma_start3A_166 = arith.constant 0 : i32
        %dma_start3A_167 = tpu.memref_slice %arg12[%dma_start3A_164, %dma_start3A_165, %dma_start3A_166] : memref<2x2x80xi32, #tpu.memory_space<vmem>> -> memref<1x1x80xi32, #tpu.memory_space<vmem>>
        %dma_start3A_168 = tpu.memref_squeeze %dma_start3A_167 : memref<1x1x80xi32, #tpu.memory_space<vmem>> -> memref<80xi32, #tpu.memory_space<vmem>>
        %dma_start3A_169 = arith.constant 0 : i32
        %dma_start3A_170 = arith.constant 0 : i32
        %dma_start3A_171 = tpu.memref_slice %arg3[%dma_start3A_169, %dma_start3A_170] : memref<10000x128xf32, #tpu.memory_space<hbm>> -> memref<10000x128xf32, #tpu.memory_space<hbm>>
        tpu.enqueue_indirect_dma source(%dma_start3A_171 : memref<10000x128xf32, #tpu.memory_space<hbm>>) target(%arg15 : memref<80x128xf32, #tpu.memory_space<vmem>>) offsets(%dma_start3A_168 : memref<80xi32, #tpu.memory_space<vmem>>) semaphore(%arg26 : memref<!tpu.dma_semaphore, #tpu.memory_space<semaphore_mem>>)
      } else {
      }
      %dma_wait3A_107 = arith.constant 1 : i32
      %dma_wait3A_108 = arith.constant 0 : i32
      %dma_wait3A_109 = arith.constant 0 : i32
      %dma_wait3A_110 = tpu.memref_slice %arg12[%dma_wait3A_107, %dma_wait3A_108, %dma_wait3A_109] : memref<2x2x80xi32, #tpu.memory_space<vmem>> -> memref<1x1x80xi32, #tpu.memory_space<vmem>>
      %dma_wait3A_111 = tpu.memref_squeeze %dma_wait3A_110 : memref<1x1x80xi32, #tpu.memory_space<vmem>> -> memref<80xi32, #tpu.memory_space<vmem>>
      %dma_wait3A_112 = arith.constant 0 : i32
      %dma_wait3A_113 = arith.constant 0 : i32
      %dma_wait3A_114 = tpu.memref_slice %arg2[%dma_wait3A_112, %dma_wait3A_113] : memref<10000x128xf32, #tpu.memory_space<hbm>> -> memref<10000x128xf32, #tpu.memory_space<hbm>>
      tpu.wait_indirect_dma semaphore(%arg25 : memref<!tpu.dma_semaphore, #tpu.memory_space<semaphore_mem>>) src(%dma_wait3A_114 : memref<10000x128xf32, #tpu.memory_space<hbm>>) dst(%arg14 : memref<80x128xf32, #tpu.memory_space<vmem>>)
      %dma_wait3A_115 = arith.constant 1 : i32
      %dma_wait3A_116 = arith.constant 1 : i32
      %dma_wait3A_117 = arith.constant 0 : i32
      %dma_wait3A_118 = tpu.memref_slice %arg12[%dma_wait3A_115, %dma_wait3A_116, %dma_wait3A_117] : memref<2x2x80xi32, #tpu.memory_space<vmem>> -> memref<1x1x80xi32, #tpu.memory_space<vmem>>
      %dma_wait3A_119 = tpu.memref_squeeze %dma_wait3A_118 : memref<1x1x80xi32, #tpu.memory_space<vmem>> -> memref<80xi32, #tpu.memory_space<vmem>>
      %dma_wait3A_120 = arith.constant 0 : i32
      %dma_wait3A_121 = arith.constant 0 : i32
      %dma_wait3A_122 = tpu.memref_slice %arg3[%dma_wait3A_120, %dma_wait3A_121] : memref<10000x128xf32, #tpu.memory_space<hbm>> -> memref<10000x128xf32, #tpu.memory_space<hbm>>
      tpu.wait_indirect_dma semaphore(%arg27 : memref<!tpu.dma_semaphore, #tpu.memory_space<semaphore_mem>>) src(%dma_wait3A_122 : memref<10000x128xf32, #tpu.memory_space<hbm>>) dst(%arg16 : memref<80x128xf32, #tpu.memory_space<vmem>>)
      %mul3A_123 = arith.constant 2 : i32
      %mul3A_124 = arith.muli %mul3A_123, %scan3A_42 : i32
      %add3A_125 = arith.constant 1 : i32
      %add3A_126 = arith.addi %mul3A_124, %add3A_125 : i32
      %ge3A_127 = arith.constant 2 : i32
      %ge3A_128 = arith.cmpi sge, %add3A_126, %ge3A_127 : i32
      %convert_element_type3A_129 = arith.extui %ge3A_128 : i1 to i32
      %cond3A_130 = arith.constant 0 : i32
      %cond3A_131 = arith.cmpi ne, %convert_element_type3A_129, %cond3A_130 : i32
      scf.if %cond3A_131 {
        %dma_wait3A_145 = tpu.memref_slice %arg10[%mul3A_2] : memref<327680xf32, #tpu.memory_space<hbm>> -> memref<80xf32, #tpu.memory_space<hbm>>
        %dma_wait3A_146 = tpu.memref_slice %arg10[%mul3A_2] : memref<327680xf32, #tpu.memory_space<hbm>> -> memref<80xf32, #tpu.memory_space<hbm>>
        tpu.wait_dma2 semaphore(%arg29 : memref<!tpu.dma_semaphore, #tpu.memory_space<semaphore_mem>>) src(%arg18 : memref<80xf32, #tpu.memory_space<vmem>>) dst(%dma_wait3A_146 : memref<80xf32, #tpu.memory_space<hbm>>)
      } else {
      }
      %scan3A_132 = arith.constant 0 : i32
      %scan3A_133 = arith.constant 0 : i32
      %scan3A_134 = arith.constant 5 : i32
      %scan3A_135 = arith.addi %scan3A_133, %scan3A_134 : i32
      %scan3A_136 = arith.constant 1 : i32
      %scan3A_137 = scf.for %scan3A_145 = %scan3A_133 to %scan3A_135 step %scan3A_136 iter_args(%scan3A_146 = %scan3A_132) -> (i32)  : i32 {
        %mul3A_147 = arith.constant 16 : i32
        %mul3A_148 = arith.muli %scan3A_145, %mul3A_147 : i32
        %scan3A_149 = arith.constant 0 : i32
        %scan3A_150 = arith.constant 0 : i32
        %scan3A_151 = arith.constant 16 : i32
        %scan3A_152 = arith.addi %scan3A_150, %scan3A_151 : i32
        %scan3A_153 = arith.constant 1 : i32
        %scan3A_154 = scf.for %scan3A_236 = %scan3A_150 to %scan3A_152 step %scan3A_153 iter_args(%scan3A_237 = %scan3A_149) -> (i32)  : i32 {
          %add3A_238 = arith.addi %mul3A_148, %scan3A_236 : i32
          %get3A_239 = arith.constant 0 : index
          %get3A_240 = tpu.vector_load %arg20[%get3A_239] {strides = array<i32>} : memref<16xf32, #tpu.memory_space<vmem>>, vector<16xf32>,
          %get3A_241 = arith.index_cast %add3A_238 : i32 to index
          %get3A_242 = arith.constant 0 : index
          %get3A_243 = tpu.vector_load %arg14[%get3A_241, %get3A_242] {strides = array<i32>} : memref<80x128xf32, #tpu.memory_space<vmem>>, vector<16xf32>,
          %get3A_244 = arith.index_cast %add3A_238 : i32 to index
          %get3A_245 = arith.constant 0 : index
          %get3A_246 = tpu.vector_load %arg16[%get3A_244, %get3A_245] {strides = array<i32>} : memref<80x128xf32, #tpu.memory_space<vmem>>, vector<16xf32>,
          %add3A_247 = arith.addf %get3A_243, %get3A_246 : vector<16xf32>
          %max3A = arith.constant 0.000000e+00 : f32
          %max3A_248 = vector.broadcast %max3A : f32 to vector<16xf32>
          %max3A_249 = arith.maximumf %add3A_247, %max3A_248 : vector<16xf32>
          %bitcast3A = vector.bitcast %max3A_249 : vector<16xf32> to vector<16xi32>
          %add3A_250 = arith.constant 32768 : i32
          %add3A_251 = vector.broadcast %add3A_250 : i32 to vector<16xi32>
          %add3A_252 = arith.addi %bitcast3A, %add3A_251 : vector<16xi32>
          %and3A = arith.constant -65536 : i32
          %and3A_253 = vector.broadcast %and3A : i32 to vector<16xi32>
          %and3A_254 = arith.andi %add3A_252, %and3A_253 : vector<16xi32>
          %bitcast3A_255 = vector.bitcast %and3A_254 : vector<16xi32> to vector<16xf32>
          %get3A_256 = arith.constant 0 : i32
          %get3A_257 = arith.index_cast %get3A_256 : i32 to index
          %get3A_258 = arith.constant 0 : index
          %get3A_259 = tpu.vector_load %arg19[%get3A_257, %get3A_258] {strides = array<i32>} : memref<8x16xf32, #tpu.memory_space<vmem>>, vector<16xf32>,
          %mul3A_260 = arith.mulf %bitcast3A_255, %get3A_259 : vector<16xf32>
          %add3A_261 = arith.addf %get3A_240, %mul3A_260 : vector<16xf32>
          %get3A_262 = arith.index_cast %add3A_238 : i32 to index
          %get3A_263 = arith.constant 16 : index
          %get3A_264 = tpu.vector_load %arg14[%get3A_262, %get3A_263] {strides = array<i32>} : memref<80x128xf32, #tpu.memory_space<vmem>>, vector<16xf32>,
          %get3A_265 = arith.index_cast %add3A_238 : i32 to index
          %get3A_266 = arith.constant 16 : index
          %get3A_267 = tpu.vector_load %arg16[%get3A_265, %get3A_266] {strides = array<i32>} : memref<80x128xf32, #tpu.memory_space<vmem>>, vector<16xf32>,
          %add3A_268 = arith.addf %get3A_264, %get3A_267 : vector<16xf32>
          %max3A_269 = arith.constant 0.000000e+00 : f32
          %max3A_270 = vector.broadcast %max3A_269 : f32 to vector<16xf32>
          %max3A_271 = arith.maximumf %add3A_268, %max3A_270 : vector<16xf32>
          %bitcast3A_272 = vector.bitcast %max3A_271 : vector<16xf32> to vector<16xi32>
          %add3A_273 = arith.constant 32768 : i32
          %add3A_274 = vector.broadcast %add3A_273 : i32 to vector<16xi32>
          %add3A_275 = arith.addi %bitcast3A_272, %add3A_274 : vector<16xi32>
          %and3A_276 = arith.constant -65536 : i32
          %and3A_277 = vector.broadcast %and3A_276 : i32 to vector<16xi32>
          %and3A_278 = arith.andi %add3A_275, %and3A_277 : vector<16xi32>
          %bitcast3A_279 = vector.bitcast %and3A_278 : vector<16xi32> to vector<16xf32>
          %get3A_280 = arith.constant 1 : i32
          %get3A_281 = arith.index_cast %get3A_280 : i32 to index
          %get3A_282 = arith.constant 0 : index
          %get3A_283 = tpu.vector_load %arg19[%get3A_281, %get3A_282] {strides = array<i32>} : memref<8x16xf32, #tpu.memory_space<vmem>>, vector<16xf32>,
          %mul3A_284 = arith.mulf %bitcast3A_279, %get3A_283 : vector<16xf32>
          %add3A_285 = arith.addf %add3A_261, %mul3A_284 : vector<16xf32>
          %get3A_286 = arith.index_cast %add3A_238 : i32 to index
          %get3A_287 = arith.constant 32 : index
          %get3A_288 = tpu.vector_load %arg14[%get3A_286, %get3A_287] {strides = array<i32>} : memref<80x128xf32, #tpu.memory_space<vmem>>, vector<16xf32>,
          %get3A_289 = arith.index_cast %add3A_238 : i32 to index
          %get3A_290 = arith.constant 32 : index
          %get3A_291 = tpu.vector_load %arg16[%get3A_289, %get3A_290] {strides = array<i32>} : memref<80x128xf32, #tpu.memory_space<vmem>>, vector<16xf32>,
          %add3A_292 = arith.addf %get3A_288, %get3A_291 : vector<16xf32>
          %max3A_293 = arith.constant 0.000000e+00 : f32
          %max3A_294 = vector.broadcast %max3A_293 : f32 to vector<16xf32>
          %max3A_295 = arith.maximumf %add3A_292, %max3A_294 : vector<16xf32>
          %bitcast3A_296 = vector.bitcast %max3A_295 : vector<16xf32> to vector<16xi32>
          %add3A_297 = arith.constant 32768 : i32
          %add3A_298 = vector.broadcast %add3A_297 : i32 to vector<16xi32>
          %add3A_299 = arith.addi %bitcast3A_296, %add3A_298 : vector<16xi32>
          %and3A_300 = arith.constant -65536 : i32
          %and3A_301 = vector.broadcast %and3A_300 : i32 to vector<16xi32>
          %and3A_302 = arith.andi %add3A_299, %and3A_301 : vector<16xi32>
          %bitcast3A_303 = vector.bitcast %and3A_302 : vector<16xi32> to vector<16xf32>
          %get3A_304 = arith.constant 2 : i32
          %get3A_305 = arith.index_cast %get3A_304 : i32 to index
          %get3A_306 = arith.constant 0 : index
          %get3A_307 = tpu.vector_load %arg19[%get3A_305, %get3A_306] {strides = array<i32>} : memref<8x16xf32, #tpu.memory_space<vmem>>, vector<16xf32>,
          %mul3A_308 = arith.mulf %bitcast3A_303, %get3A_307 : vector<16xf32>
          %add3A_309 = arith.addf %add3A_285, %mul3A_308 : vector<16xf32>
          %get3A_310 = arith.index_cast %add3A_238 : i32 to index
          %get3A_311 = arith.constant 48 : index
          %get3A_312 = tpu.vector_load %arg14[%get3A_310, %get3A_311] {strides = array<i32>} : memref<80x128xf32, #tpu.memory_space<vmem>>, vector<16xf32>,
          %get3A_313 = arith.index_cast %add3A_238 : i32 to index
          %get3A_314 = arith.constant 48 : index
          %get3A_315 = tpu.vector_load %arg16[%get3A_313, %get3A_314] {strides = array<i32>} : memref<80x128xf32, #tpu.memory_space<vmem>>, vector<16xf32>,
          %add3A_316 = arith.addf %get3A_312, %get3A_315 : vector<16xf32>
          %max3A_317 = arith.constant 0.000000e+00 : f32
          %max3A_318 = vector.broadcast %max3A_317 : f32 to vector<16xf32>
          %max3A_319 = arith.maximumf %add3A_316, %max3A_318 : vector<16xf32>
          %bitcast3A_320 = vector.bitcast %max3A_319 : vector<16xf32> to vector<16xi32>
          %add3A_321 = arith.constant 32768 : i32
          %add3A_322 = vector.broadcast %add3A_321 : i32 to vector<16xi32>
          %add3A_323 = arith.addi %bitcast3A_320, %add3A_322 : vector<16xi32>
          %and3A_324 = arith.constant -65536 : i32
          %and3A_325 = vector.broadcast %and3A_324 : i32 to vector<16xi32>
          %and3A_326 = arith.andi %add3A_323, %and3A_325 : vector<16xi32>
          %bitcast3A_327 = vector.bitcast %and3A_326 : vector<16xi32> to vector<16xf32>
          %get3A_328 = arith.constant 3 : i32
          %get3A_329 = arith.index_cast %get3A_328 : i32 to index
          %get3A_330 = arith.constant 0 : index
          %get3A_331 = tpu.vector_load %arg19[%get3A_329, %get3A_330] {strides = array<i32>} : memref<8x16xf32, #tpu.memory_space<vmem>>, vector<16xf32>,
          %mul3A_332 = arith.mulf %bitcast3A_327, %get3A_331 : vector<16xf32>
          %add3A_333 = arith.addf %add3A_309, %mul3A_332 : vector<16xf32>
          %get3A_334 = arith.index_cast %add3A_238 : i32 to index
          %get3A_335 = arith.constant 64 : index
          %get3A_336 = tpu.vector_load %arg14[%get3A_334, %get3A_335] {strides = array<i32>} : memref<80x128xf32, #tpu.memory_space<vmem>>, vector<16xf32>,
          %get3A_337 = arith.index_cast %add3A_238 : i32 to index
          %get3A_338 = arith.constant 64 : index
          %get3A_339 = tpu.vector_load %arg16[%get3A_337, %get3A_338] {strides = array<i32>} : memref<80x128xf32, #tpu.memory_space<vmem>>, vector<16xf32>,
          %add3A_340 = arith.addf %get3A_336, %get3A_339 : vector<16xf32>
          %max3A_341 = arith.constant 0.000000e+00 : f32
          %max3A_342 = vector.broadcast %max3A_341 : f32 to vector<16xf32>
          %max3A_343 = arith.maximumf %add3A_340, %max3A_342 : vector<16xf32>
          %bitcast3A_344 = vector.bitcast %max3A_343 : vector<16xf32> to vector<16xi32>
          %add3A_345 = arith.constant 32768 : i32
          %add3A_346 = vector.broadcast %add3A_345 : i32 to vector<16xi32>
          %add3A_347 = arith.addi %bitcast3A_344, %add3A_346 : vector<16xi32>
          %and3A_348 = arith.constant -65536 : i32
          %and3A_349 = vector.broadcast %and3A_348 : i32 to vector<16xi32>
          %and3A_350 = arith.andi %add3A_347, %and3A_349 : vector<16xi32>
          %bitcast3A_351 = vector.bitcast %and3A_350 : vector<16xi32> to vector<16xf32>
          %get3A_352 = arith.constant 4 : i32
          %get3A_353 = arith.index_cast %get3A_352 : i32 to index
          %get3A_354 = arith.constant 0 : index
          %get3A_355 = tpu.vector_load %arg19[%get3A_353, %get3A_354] {strides = array<i32>} : memref<8x16xf32, #tpu.memory_space<vmem>>, vector<16xf32>,
          %mul3A_356 = arith.mulf %bitcast3A_351, %get3A_355 : vector<16xf32>
          %add3A_357 = arith.addf %add3A_333, %mul3A_356 : vector<16xf32>
          %get3A_358 = arith.index_cast %add3A_238 : i32 to index
          %get3A_359 = arith.constant 80 : index
          %get3A_360 = tpu.vector_load %arg14[%get3A_358, %get3A_359] {strides = array<i32>} : memref<80x128xf32, #tpu.memory_space<vmem>>, vector<16xf32>,
          %get3A_361 = arith.index_cast %add3A_238 : i32 to index
          %get3A_362 = arith.constant 80 : index
          %get3A_363 = tpu.vector_load %arg16[%get3A_361, %get3A_362] {strides = array<i32>} : memref<80x128xf32, #tpu.memory_space<vmem>>, vector<16xf32>,
          %add3A_364 = arith.addf %get3A_360, %get3A_363 : vector<16xf32>
          %max3A_365 = arith.constant 0.000000e+00 : f32
          %max3A_366 = vector.broadcast %max3A_365 : f32 to vector<16xf32>
          %max3A_367 = arith.maximumf %add3A_364, %max3A_366 : vector<16xf32>
          %bitcast3A_368 = vector.bitcast %max3A_367 : vector<16xf32> to vector<16xi32>
          %add3A_369 = arith.constant 32768 : i32
          %add3A_370 = vector.broadcast %add3A_369 : i32 to vector<16xi32>
          %add3A_371 = arith.addi %bitcast3A_368, %add3A_370 : vector<16xi32>
          %and3A_372 = arith.constant -65536 : i32
          %and3A_373 = vector.broadcast %and3A_372 : i32 to vector<16xi32>
          %and3A_374 = arith.andi %add3A_371, %and3A_373 : vector<16xi32>
          %bitcast3A_375 = vector.bitcast %and3A_374 : vector<16xi32> to vector<16xf32>
          %get3A_376 = arith.constant 5 : i32
          %get3A_377 = arith.index_cast %get3A_376 : i32 to index
          %get3A_378 = arith.constant 0 : index
          %get3A_379 = tpu.vector_load %arg19[%get3A_377, %get3A_378] {strides = array<i32>} : memref<8x16xf32, #tpu.memory_space<vmem>>, vector<16xf32>,
          %mul3A_380 = arith.mulf %bitcast3A_375, %get3A_379 : vector<16xf32>
          %add3A_381 = arith.addf %add3A_357, %mul3A_380 : vector<16xf32>
          %get3A_382 = arith.index_cast %add3A_238 : i32 to index
          %get3A_383 = arith.constant 96 : index
          %get3A_384 = tpu.vector_load %arg14[%get3A_382, %get3A_383] {strides = array<i32>} : memref<80x128xf32, #tpu.memory_space<vmem>>, vector<16xf32>,
          %get3A_385 = arith.index_cast %add3A_238 : i32 to index
          %get3A_386 = arith.constant 96 : index
          %get3A_387 = tpu.vector_load %arg16[%get3A_385, %get3A_386] {strides = array<i32>} : memref<80x128xf32, #tpu.memory_space<vmem>>, vector<16xf32>,
          %add3A_388 = arith.addf %get3A_384, %get3A_387 : vector<16xf32>
          %max3A_389 = arith.constant 0.000000e+00 : f32
          %max3A_390 = vector.broadcast %max3A_389 : f32 to vector<16xf32>
          %max3A_391 = arith.maximumf %add3A_388, %max3A_390 : vector<16xf32>
          %bitcast3A_392 = vector.bitcast %max3A_391 : vector<16xf32> to vector<16xi32>
          %add3A_393 = arith.constant 32768 : i32
          %add3A_394 = vector.broadcast %add3A_393 : i32 to vector<16xi32>
          %add3A_395 = arith.addi %bitcast3A_392, %add3A_394 : vector<16xi32>
          %and3A_396 = arith.constant -65536 : i32
          %and3A_397 = vector.broadcast %and3A_396 : i32 to vector<16xi32>
          %and3A_398 = arith.andi %add3A_395, %and3A_397 : vector<16xi32>
          %bitcast3A_399 = vector.bitcast %and3A_398 : vector<16xi32> to vector<16xf32>
          %get3A_400 = arith.constant 6 : i32
          %get3A_401 = arith.index_cast %get3A_400 : i32 to index
          %get3A_402 = arith.constant 0 : index
          %get3A_403 = tpu.vector_load %arg19[%get3A_401, %get3A_402] {strides = array<i32>} : memref<8x16xf32, #tpu.memory_space<vmem>>, vector<16xf32>,
          %mul3A_404 = arith.mulf %bitcast3A_399, %get3A_403 : vector<16xf32>
          %add3A_405 = arith.addf %add3A_381, %mul3A_404 : vector<16xf32>
          %get3A_406 = arith.index_cast %add3A_238 : i32 to index
          %get3A_407 = arith.constant 112 : index
          %get3A_408 = tpu.vector_load %arg14[%get3A_406, %get3A_407] {strides = array<i32>} : memref<80x128xf32, #tpu.memory_space<vmem>>, vector<16xf32>,
          %get3A_409 = arith.index_cast %add3A_238 : i32 to index
          %get3A_410 = arith.constant 112 : index
          %get3A_411 = tpu.vector_load %arg16[%get3A_409, %get3A_410] {strides = array<i32>} : memref<80x128xf32, #tpu.memory_space<vmem>>, vector<16xf32>,
          %add3A_412 = arith.addf %get3A_408, %get3A_411 : vector<16xf32>
          %max3A_413 = arith.constant 0.000000e+00 : f32
          %max3A_414 = vector.broadcast %max3A_413 : f32 to vector<16xf32>
          %max3A_415 = arith.maximumf %add3A_412, %max3A_414 : vector<16xf32>
          %bitcast3A_416 = vector.bitcast %max3A_415 : vector<16xf32> to vector<16xi32>
          %add3A_417 = arith.constant 32768 : i32
          %add3A_418 = vector.broadcast %add3A_417 : i32 to vector<16xi32>
          %add3A_419 = arith.addi %bitcast3A_416, %add3A_418 : vector<16xi32>
          %and3A_420 = arith.constant -65536 : i32
          %and3A_421 = vector.broadcast %and3A_420 : i32 to vector<16xi32>
          %and3A_422 = arith.andi %add3A_419, %and3A_421 : vector<16xi32>
          %bitcast3A_423 = vector.bitcast %and3A_422 : vector<16xi32> to vector<16xf32>
          %get3A_424 = arith.constant 7 : i32
          %get3A_425 = arith.index_cast %get3A_424 : i32 to index
          %get3A_426 = arith.constant 0 : index
          %get3A_427 = tpu.vector_load %arg19[%get3A_425, %get3A_426] {strides = array<i32>} : memref<8x16xf32, #tpu.memory_space<vmem>>, vector<16xf32>,
          %mul3A_428 = arith.mulf %bitcast3A_423, %get3A_427 : vector<16xf32>
          %add3A_429 = arith.addf %add3A_405, %mul3A_428 : vector<16xf32>
          %mul3A_430 = arith.constant 0 : i32
          %mul3A_431 = vector.broadcast %mul3A_430 : i32 to vector<16xi32>
          %mul3A_432 = arith.muli %iota3A, %mul3A_431 : vector<16xi32>
          %add3A_433 = vector.broadcast %scan3A_236 : i32 to vector<16xi32>
          %add3A_434 = arith.addi %mul3A_432, %add3A_433 : vector<16xi32>
          tpu.vector_store_idx %arg23[%iota3A, %add3A_434], %add3A_429 : memref<16x16xf32, #tpu.memory_space<vmem>>[vector<16xi32>, vector<16xi32>], vector<16xf32>,
          %scan3A_435 = arith.constant 0 : i32
          scf.yield %scan3A_435 : i32
        }
        %scan3A_155 = arith.constant 16 : i32
        %get3A = arith.constant 0 : i32
        %get3A_156 = arith.index_cast %get3A : i32 to index
        %get3A_157 = arith.constant 0 : index
        %get3A_158 = tpu.vector_load %arg23[%get3A_156, %get3A_157] {strides = array<i32>} : memref<16x16xf32, #tpu.memory_space<vmem>>, vector<16xf32>,
        %get3A_159 = arith.constant 1 : i32
        %get3A_160 = arith.index_cast %get3A_159 : i32 to index
        %get3A_161 = arith.constant 0 : index
        %get3A_162 = tpu.vector_load %arg23[%get3A_160, %get3A_161] {strides = array<i32>} : memref<16x16xf32, #tpu.memory_space<vmem>>, vector<16xf32>,
        %add3A_163 = arith.addf %get3A_158, %get3A_162 : vector<16xf32>
        %get3A_164 = arith.constant 2 : i32
        %get3A_165 = arith.index_cast %get3A_164 : i32 to index
        %get3A_166 = arith.constant 0 : index
        %get3A_167 = tpu.vector_load %arg23[%get3A_165, %get3A_166] {strides = array<i32>} : memref<16x16xf32, #tpu.memory_space<vmem>>, vector<16xf32>,
        %add3A_168 = arith.addf %add3A_163, %get3A_167 : vector<16xf32>
        %get3A_169 = arith.constant 3 : i32
        %get3A_170 = arith.index_cast %get3A_169 : i32 to index
        %get3A_171 = arith.constant 0 : index
        %get3A_172 = tpu.vector_load %arg23[%get3A_170, %get3A_171] {strides = array<i32>} : memref<16x16xf32, #tpu.memory_space<vmem>>, vector<16xf32>,
        %add3A_173 = arith.addf %add3A_168, %get3A_172 : vector<16xf32>
        %get3A_174 = arith.constant 4 : i32
        %get3A_175 = arith.index_cast %get3A_174 : i32 to index
        %get3A_176 = arith.constant 0 : index
        %get3A_177 = tpu.vector_load %arg23[%get3A_175, %get3A_176] {strides = array<i32>} : memref<16x16xf32, #tpu.memory_space<vmem>>, vector<16xf32>,
        %add3A_178 = arith.addf %add3A_173, %get3A_177 : vector<16xf32>
        %get3A_179 = arith.constant 5 : i32
        %get3A_180 = arith.index_cast %get3A_179 : i32 to index
        %get3A_181 = arith.constant 0 : index
        %get3A_182 = tpu.vector_load %arg23[%get3A_180, %get3A_181] {strides = array<i32>} : memref<16x16xf32, #tpu.memory_space<vmem>>, vector<16xf32>,
        %add3A_183 = arith.addf %add3A_178, %get3A_182 : vector<16xf32>
        %get3A_184 = arith.constant 6 : i32
        %get3A_185 = arith.index_cast %get3A_184 : i32 to index
        %get3A_186 = arith.constant 0 : index
        %get3A_187 = tpu.vector_load %arg23[%get3A_185, %get3A_186] {strides = array<i32>} : memref<16x16xf32, #tpu.memory_space<vmem>>, vector<16xf32>,
        %add3A_188 = arith.addf %add3A_183, %get3A_187 : vector<16xf32>
        %get3A_189 = arith.constant 7 : i32
        %get3A_190 = arith.index_cast %get3A_189 : i32 to index
        %get3A_191 = arith.constant 0 : index
        %get3A_192 = tpu.vector_load %arg23[%get3A_190, %get3A_191] {strides = array<i32>} : memref<16x16xf32, #tpu.memory_space<vmem>>, vector<16xf32>,
        %add3A_193 = arith.addf %add3A_188, %get3A_192 : vector<16xf32>
        %get3A_194 = arith.constant 8 : i32
        %get3A_195 = arith.index_cast %get3A_194 : i32 to index
        %get3A_196 = arith.constant 0 : index
        %get3A_197 = tpu.vector_load %arg23[%get3A_195, %get3A_196] {strides = array<i32>} : memref<16x16xf32, #tpu.memory_space<vmem>>, vector<16xf32>,
        %add3A_198 = arith.addf %add3A_193, %get3A_197 : vector<16xf32>
        %get3A_199 = arith.constant 9 : i32
        %get3A_200 = arith.index_cast %get3A_199 : i32 to index
        %get3A_201 = arith.constant 0 : index
        %get3A_202 = tpu.vector_load %arg23[%get3A_200, %get3A_201] {strides = array<i32>} : memref<16x16xf32, #tpu.memory_space<vmem>>, vector<16xf32>,
        %add3A_203 = arith.addf %add3A_198, %get3A_202 : vector<16xf32>
        %get3A_204 = arith.constant 10 : i32
        %get3A_205 = arith.index_cast %get3A_204 : i32 to index
        %get3A_206 = arith.constant 0 : index
        %get3A_207 = tpu.vector_load %arg23[%get3A_205, %get3A_206] {strides = array<i32>} : memref<16x16xf32, #tpu.memory_space<vmem>>, vector<16xf32>,
        %add3A_208 = arith.addf %add3A_203, %get3A_207 : vector<16xf32>
        %get3A_209 = arith.constant 11 : i32
        %get3A_210 = arith.index_cast %get3A_209 : i32 to index
        %get3A_211 = arith.constant 0 : index
        %get3A_212 = tpu.vector_load %arg23[%get3A_210, %get3A_211] {strides = array<i32>} : memref<16x16xf32, #tpu.memory_space<vmem>>, vector<16xf32>,
        %add3A_213 = arith.addf %add3A_208, %get3A_212 : vector<16xf32>
        %get3A_214 = arith.constant 12 : i32
        %get3A_215 = arith.index_cast %get3A_214 : i32 to index
        %get3A_216 = arith.constant 0 : index
        %get3A_217 = tpu.vector_load %arg23[%get3A_215, %get3A_216] {strides = array<i32>} : memref<16x16xf32, #tpu.memory_space<vmem>>, vector<16xf32>,
        %add3A_218 = arith.addf %add3A_213, %get3A_217 : vector<16xf32>
        %get3A_219 = arith.constant 13 : i32
        %get3A_220 = arith.index_cast %get3A_219 : i32 to index
        %get3A_221 = arith.constant 0 : index
        %get3A_222 = tpu.vector_load %arg23[%get3A_220, %get3A_221] {strides = array<i32>} : memref<16x16xf32, #tpu.memory_space<vmem>>, vector<16xf32>,
        %add3A_223 = arith.addf %add3A_218, %get3A_222 : vector<16xf32>
        %get3A_224 = arith.constant 14 : i32
        %get3A_225 = arith.index_cast %get3A_224 : i32 to index
        %get3A_226 = arith.constant 0 : index
        %get3A_227 = tpu.vector_load %arg23[%get3A_225, %get3A_226] {strides = array<i32>} : memref<16x16xf32, #tpu.memory_space<vmem>>, vector<16xf32>,
        %add3A_228 = arith.addf %add3A_223, %get3A_227 : vector<16xf32>
        %get3A_229 = arith.constant 15 : i32
        %get3A_230 = arith.index_cast %get3A_229 : i32 to index
        %get3A_231 = arith.constant 0 : index
        %get3A_232 = tpu.vector_load %arg23[%get3A_230, %get3A_231] {strides = array<i32>} : memref<16x16xf32, #tpu.memory_space<vmem>>, vector<16xf32>,
        %add3A_233 = arith.addf %add3A_228, %get3A_232 : vector<16xf32>
        %swap3A = arith.index_cast %mul3A_148 : i32 to index
        %swap3A_234 = tpu.vector_load %arg18[%swap3A] {strides = array<i32>} : memref<80xf32, #tpu.memory_space<vmem>>, vector<16xf32>,
        tpu.vector_store %arg18[%swap3A], %add3A_233 {strides = array<i32>} : memref<80xf32, #tpu.memory_space<vmem>>, vector<16xf32>,
        %scan3A_235 = arith.constant 0 : i32
        scf.yield %scan3A_235 : i32
      }
      %scan3A_138 = arith.constant 5 : i32
      %mul3A_139 = arith.constant 80 : i32
      %mul3A_140 = arith.muli %add3A_126, %mul3A_139 : i32
      %add3A_141 = arith.addi %mul3A_2, %mul3A_140 : i32
      %dma_start3A_142 = tpu.memref_slice %arg10[%add3A_141] : memref<327680xf32, #tpu.memory_space<hbm>> -> memref<80xf32, #tpu.memory_space<hbm>>
      %dma_start3A_143 = tpu.memref_slice %arg10[%add3A_141] : memref<327680xf32, #tpu.memory_space<hbm>> -> memref<80xf32, #tpu.memory_space<hbm>>
      tpu.enqueue_dma source(%arg18 : memref<80xf32, #tpu.memory_space<vmem>>) target(%dma_start3A_143 : memref<80xf32, #tpu.memory_space<hbm>>) target_semaphore(%arg29 : memref<!tpu.dma_semaphore, #tpu.memory_space<semaphore_mem>>)
      %scan3A_144 = arith.constant 0 : i32
      scf.yield %scan3A_144 : i32
    }
    %scan3A_37 = arith.constant 64 : i32
    %dma_wait3A_38 = tpu.memref_slice %arg10[%mul3A_2] : memref<327680xf32, #tpu.memory_space<hbm>> -> memref<80xf32, #tpu.memory_space<hbm>>
    %dma_wait3A_39 = tpu.memref_slice %arg10[%mul3A_2] : memref<327680xf32, #tpu.memory_space<hbm>> -> memref<80xf32, #tpu.memory_space<hbm>>
    tpu.wait_dma2 semaphore(%arg28 : memref<!tpu.dma_semaphore, #tpu.memory_space<semaphore_mem>>) src(%arg17 : memref<80xf32, #tpu.memory_space<vmem>>) dst(%dma_wait3A_39 : memref<80xf32, #tpu.memory_space<hbm>>)
    %dma_wait3A_40 = tpu.memref_slice %arg10[%mul3A_2] : memref<327680xf32, #tpu.memory_space<hbm>> -> memref<80xf32, #tpu.memory_space<hbm>>
    %dma_wait3A_41 = tpu.memref_slice %arg10[%mul3A_2] : memref<327680xf32, #tpu.memory_space<hbm>> -> memref<80xf32, #tpu.memory_space<hbm>>
    tpu.wait_dma2 semaphore(%arg29 : memref<!tpu.dma_semaphore, #tpu.memory_space<semaphore_mem>>) src(%arg18 : memref<80xf32, #tpu.memory_space<vmem>>) dst(%dma_wait3A_41 : memref<80xf32, #tpu.memory_space<hbm>>)
    return
  }
}

#map = affine_map<(d0, d1) -> (0, 0)>
#map1 = affine_map<(d0, d1) -> (0)>
#map2 = affine_map<(d0, d1) -> (0, 0, 0)>
module attributes {stable_mosaic.version = 14 : i64} {
  func.func @_sc_segment_sum_body(%arg0: i32, %arg1: i32, %arg2: memref<10000x128xf32, #tpu.memory_space<hbm>>, %arg3: memref<327680xi32, #tpu.memory_space<hbm>>, %arg4: memref<327680xi32, #tpu.memory_space<hbm>>, %arg5: memref<2x10240x128xf32, #tpu.memory_space<hbm>>, %arg6: memref<2x2x80xi32, #tpu.memory_space<vmem>>, %arg7: memref<80x128xf32, #tpu.memory_space<vmem>>, %arg8: memref<80x128xf32, #tpu.memory_space<vmem>>, %arg9: memref<128x128xf32, #tpu.memory_space<vmem>>, %arg10: memref<10240x128xf32, #tpu.memory_space<vmem_shared>>, %arg11: memref<!tpu.dma_semaphore, #tpu.memory_space<semaphore_mem>>, %arg12: memref<!tpu.dma_semaphore, #tpu.memory_space<semaphore_mem>>) attributes {dimension_semantics = [#tpu.dimension_semantics<core_parallel>, #tpu.dimension_semantics<subcore_parallel>], iteration_bounds = array<i64: 2, 16>, scalar_prefetch = 0 : i64, scratch_operands = 7 : i64, tpu.core_type = #tpu.core_type<sc_vector_subcore>, window_params = [{transform_indices = #map}, {transform_indices = #map1}, {transform_indices = #map1}, {transform_indices = #map2}]} {
    %mul3A = arith.constant 16 : i32
    %mul3A_0 = arith.muli %arg0, %mul3A : i32
    %add3A = arith.addi %mul3A_0, %arg1 : i32
    %mul3A_1 = arith.constant 10240 : i32
    %mul3A_2 = arith.muli %add3A, %mul3A_1 : i32
    %add3A_3 = arith.constant 0 : i32
    %add3A_4 = arith.addi %mul3A_2, %add3A_3 : i32
    %run_scoped3A = arith.constant 0 : i32
    %run_scoped3A_5 = arith.constant 0 : i32
    "tpu.region"() ({
      %run_scoped3A_70 = tpu.sem_alloc : memref<!tpu.dma_semaphore, #tpu.memory_space<semaphore_mem>>
      %dma_start3A_71 = arith.constant 0 : i32
      %dma_start3A_72 = tpu.memref_slice %arg6[%run_scoped3A, %run_scoped3A_5, %dma_start3A_71] : memref<2x2x80xi32, #tpu.memory_space<vmem>> -> memref<1x1x80xi32, #tpu.memory_space<vmem>>
      %dma_start3A_73 = tpu.memref_squeeze %dma_start3A_72 : memref<1x1x80xi32, #tpu.memory_space<vmem>> -> memref<80xi32, #tpu.memory_space<vmem>>
      %dma_start3A_74 = tpu.memref_slice %arg3[%add3A_4] : memref<327680xi32, #tpu.memory_space<hbm>> -> memref<80xi32, #tpu.memory_space<hbm>>
      %dma_start3A_75 = arith.constant 0 : i32
      %dma_start3A_76 = tpu.memref_slice %arg6[%run_scoped3A, %run_scoped3A_5, %dma_start3A_75] : memref<2x2x80xi32, #tpu.memory_space<vmem>> -> memref<1x1x80xi32, #tpu.memory_space<vmem>>
      %dma_start3A_77 = tpu.memref_squeeze %dma_start3A_76 : memref<1x1x80xi32, #tpu.memory_space<vmem>> -> memref<80xi32, #tpu.memory_space<vmem>>
      %dma_start3A_78 = tpu.memref_slice %arg3[%add3A_4] : memref<327680xi32, #tpu.memory_space<hbm>> -> memref<80xi32, #tpu.memory_space<hbm>>
      tpu.enqueue_dma source(%dma_start3A_78 : memref<80xi32, #tpu.memory_space<hbm>>) target(%dma_start3A_77 : memref<80xi32, #tpu.memory_space<vmem>>) target_semaphore(%run_scoped3A_70 : memref<!tpu.dma_semaphore, #tpu.memory_space<semaphore_mem>>)
      %dma_wait3A = arith.constant 0 : i32
      %dma_wait3A_79 = tpu.memref_slice %arg6[%run_scoped3A, %run_scoped3A_5, %dma_wait3A] : memref<2x2x80xi32, #tpu.memory_space<vmem>> -> memref<1x1x80xi32, #tpu.memory_space<vmem>>
      %dma_wait3A_80 = tpu.memref_squeeze %dma_wait3A_79 : memref<1x1x80xi32, #tpu.memory_space<vmem>> -> memref<80xi32, #tpu.memory_space<vmem>>
      %dma_wait3A_81 = tpu.memref_slice %arg3[%add3A_4] : memref<327680xi32, #tpu.memory_space<hbm>> -> memref<80xi32, #tpu.memory_space<hbm>>
      %dma_wait3A_82 = arith.constant 0 : i32
      %dma_wait3A_83 = tpu.memref_slice %arg6[%run_scoped3A, %run_scoped3A_5, %dma_wait3A_82] : memref<2x2x80xi32, #tpu.memory_space<vmem>> -> memref<1x1x80xi32, #tpu.memory_space<vmem>>
      %dma_wait3A_84 = tpu.memref_squeeze %dma_wait3A_83 : memref<1x1x80xi32, #tpu.memory_space<vmem>> -> memref<80xi32, #tpu.memory_space<vmem>>
      %dma_wait3A_85 = tpu.memref_slice %arg3[%add3A_4] : memref<327680xi32, #tpu.memory_space<hbm>> -> memref<80xi32, #tpu.memory_space<hbm>>
      tpu.wait_dma2 semaphore(%run_scoped3A_70 : memref<!tpu.dma_semaphore, #tpu.memory_space<semaphore_mem>>) src(%dma_wait3A_85 : memref<80xi32, #tpu.memory_space<hbm>>) dst(%dma_wait3A_84 : memref<80xi32, #tpu.memory_space<vmem>>)
      tpu.yield
    }) : () -> ()
    %run_scoped3A_6 = arith.constant 0 : i32
    %run_scoped3A_7 = arith.constant 1 : i32
    "tpu.region"() ({
      %run_scoped3A_70 = tpu.sem_alloc : memref<!tpu.dma_semaphore, #tpu.memory_space<semaphore_mem>>
      %dma_start3A_71 = arith.constant 0 : i32
      %dma_start3A_72 = tpu.memref_slice %arg6[%run_scoped3A_6, %run_scoped3A_7, %dma_start3A_71] : memref<2x2x80xi32, #tpu.memory_space<vmem>> -> memref<1x1x80xi32, #tpu.memory_space<vmem>>
      %dma_start3A_73 = tpu.memref_squeeze %dma_start3A_72 : memref<1x1x80xi32, #tpu.memory_space<vmem>> -> memref<80xi32, #tpu.memory_space<vmem>>
      %dma_start3A_74 = tpu.memref_slice %arg4[%add3A_4] : memref<327680xi32, #tpu.memory_space<hbm>> -> memref<80xi32, #tpu.memory_space<hbm>>
      %dma_start3A_75 = arith.constant 0 : i32
      %dma_start3A_76 = tpu.memref_slice %arg6[%run_scoped3A_6, %run_scoped3A_7, %dma_start3A_75] : memref<2x2x80xi32, #tpu.memory_space<vmem>> -> memref<1x1x80xi32, #tpu.memory_space<vmem>>
      %dma_start3A_77 = tpu.memref_squeeze %dma_start3A_76 : memref<1x1x80xi32, #tpu.memory_space<vmem>> -> memref<80xi32, #tpu.memory_space<vmem>>
      %dma_start3A_78 = tpu.memref_slice %arg4[%add3A_4] : memref<327680xi32, #tpu.memory_space<hbm>> -> memref<80xi32, #tpu.memory_space<hbm>>
      tpu.enqueue_dma source(%dma_start3A_78 : memref<80xi32, #tpu.memory_space<hbm>>) target(%dma_start3A_77 : memref<80xi32, #tpu.memory_space<vmem>>) target_semaphore(%run_scoped3A_70 : memref<!tpu.dma_semaphore, #tpu.memory_space<semaphore_mem>>)
      %dma_wait3A = arith.constant 0 : i32
      %dma_wait3A_79 = tpu.memref_slice %arg6[%run_scoped3A_6, %run_scoped3A_7, %dma_wait3A] : memref<2x2x80xi32, #tpu.memory_space<vmem>> -> memref<1x1x80xi32, #tpu.memory_space<vmem>>
      %dma_wait3A_80 = tpu.memref_squeeze %dma_wait3A_79 : memref<1x1x80xi32, #tpu.memory_space<vmem>> -> memref<80xi32, #tpu.memory_space<vmem>>
      %dma_wait3A_81 = tpu.memref_slice %arg4[%add3A_4] : memref<327680xi32, #tpu.memory_space<hbm>> -> memref<80xi32, #tpu.memory_space<hbm>>
      %dma_wait3A_82 = arith.constant 0 : i32
      %dma_wait3A_83 = tpu.memref_slice %arg6[%run_scoped3A_6, %run_scoped3A_7, %dma_wait3A_82] : memref<2x2x80xi32, #tpu.memory_space<vmem>> -> memref<1x1x80xi32, #tpu.memory_space<vmem>>
      %dma_wait3A_84 = tpu.memref_squeeze %dma_wait3A_83 : memref<1x1x80xi32, #tpu.memory_space<vmem>> -> memref<80xi32, #tpu.memory_space<vmem>>
      %dma_wait3A_85 = tpu.memref_slice %arg4[%add3A_4] : memref<327680xi32, #tpu.memory_space<hbm>> -> memref<80xi32, #tpu.memory_space<hbm>>
      tpu.wait_dma2 semaphore(%run_scoped3A_70 : memref<!tpu.dma_semaphore, #tpu.memory_space<semaphore_mem>>) src(%dma_wait3A_85 : memref<80xi32, #tpu.memory_space<hbm>>) dst(%dma_wait3A_84 : memref<80xi32, #tpu.memory_space<vmem>>)
      tpu.yield
    }) : () -> ()
    %dma_start3A = arith.constant 0 : i32
    %dma_start3A_8 = arith.constant 0 : i32
    %dma_start3A_9 = arith.constant 0 : i32
    %dma_start3A_10 = tpu.memref_slice %arg6[%dma_start3A, %dma_start3A_8, %dma_start3A_9] : memref<2x2x80xi32, #tpu.memory_space<vmem>> -> memref<1x1x80xi32, #tpu.memory_space<vmem>>
    %dma_start3A_11 = tpu.memref_squeeze %dma_start3A_10 : memref<1x1x80xi32, #tpu.memory_space<vmem>> -> memref<80xi32, #tpu.memory_space<vmem>>
    %dma_start3A_12 = arith.constant 0 : i32
    %dma_start3A_13 = arith.constant 0 : i32
    %dma_start3A_14 = tpu.memref_slice %arg2[%dma_start3A_12, %dma_start3A_13] : memref<10000x128xf32, #tpu.memory_space<hbm>> -> memref<10000x128xf32, #tpu.memory_space<hbm>>
    tpu.enqueue_indirect_dma source(%dma_start3A_14 : memref<10000x128xf32, #tpu.memory_space<hbm>>) target(%arg7 : memref<80x128xf32, #tpu.memory_space<vmem>>) offsets(%dma_start3A_11 : memref<80xi32, #tpu.memory_space<vmem>>) semaphore(%arg11 : memref<!tpu.dma_semaphore, #tpu.memory_space<semaphore_mem>>)
    %broadcast_in_dim3A = arith.constant 0.000000e+00 : f32
    %broadcast_in_dim3A_15 = vector.broadcast %broadcast_in_dim3A : f32 to vector<16xf32>
    %scan3A = arith.constant 0 : i32
    %scan3A_16 = arith.constant 0 : i32
    %scan3A_17 = arith.constant 128 : i32
    %scan3A_18 = arith.addi %scan3A_16, %scan3A_17 : i32
    %scan3A_19 = arith.constant 1 : i32
    %scan3A_20 = scf.for %scan3A_70 = %scan3A_16 to %scan3A_18 step %scan3A_19 iter_args(%scan3A_71 = %scan3A) -> (i32)  : i32 {
      %swap3A = arith.index_cast %scan3A_70 : i32 to index
      %swap3A_72 = arith.constant 0 : index
      %swap3A_73 = tpu.vector_load %arg9[%swap3A, %swap3A_72] {strides = array<i32>} : memref<128x128xf32, #tpu.memory_space<vmem>>, vector<16xf32>,
      tpu.vector_store %arg9[%swap3A, %swap3A_72], %broadcast_in_dim3A_15 {strides = array<i32>} : memref<128x128xf32, #tpu.memory_space<vmem>>, vector<16xf32>,
      %swap3A_74 = arith.index_cast %scan3A_70 : i32 to index
      %swap3A_75 = arith.constant 16 : index
      %swap3A_76 = tpu.vector_load %arg9[%swap3A_74, %swap3A_75] {strides = array<i32>} : memref<128x128xf32, #tpu.memory_space<vmem>>, vector<16xf32>,
      tpu.vector_store %arg9[%swap3A_74, %swap3A_75], %broadcast_in_dim3A_15 {strides = array<i32>} : memref<128x128xf32, #tpu.memory_space<vmem>>, vector<16xf32>,
      %swap3A_77 = arith.index_cast %scan3A_70 : i32 to index
      %swap3A_78 = arith.constant 32 : index
      %swap3A_79 = tpu.vector_load %arg9[%swap3A_77, %swap3A_78] {strides = array<i32>} : memref<128x128xf32, #tpu.memory_space<vmem>>, vector<16xf32>,
      tpu.vector_store %arg9[%swap3A_77, %swap3A_78], %broadcast_in_dim3A_15 {strides = array<i32>} : memref<128x128xf32, #tpu.memory_space<vmem>>, vector<16xf32>,
      %swap3A_80 = arith.index_cast %scan3A_70 : i32 to index
      %swap3A_81 = arith.constant 48 : index
      %swap3A_82 = tpu.vector_load %arg9[%swap3A_80, %swap3A_81] {strides = array<i32>} : memref<128x128xf32, #tpu.memory_space<vmem>>, vector<16xf32>,
      tpu.vector_store %arg9[%swap3A_80, %swap3A_81], %broadcast_in_dim3A_15 {strides = array<i32>} : memref<128x128xf32, #tpu.memory_space<vmem>>, vector<16xf32>,
      %swap3A_83 = arith.index_cast %scan3A_70 : i32 to index
      %swap3A_84 = arith.constant 64 : index
      %swap3A_85 = tpu.vector_load %arg9[%swap3A_83, %swap3A_84] {strides = array<i32>} : memref<128x128xf32, #tpu.memory_space<vmem>>, vector<16xf32>,
      tpu.vector_store %arg9[%swap3A_83, %swap3A_84], %broadcast_in_dim3A_15 {strides = array<i32>} : memref<128x128xf32, #tpu.memory_space<vmem>>, vector<16xf32>,
      %swap3A_86 = arith.index_cast %scan3A_70 : i32 to index
      %swap3A_87 = arith.constant 80 : index
      %swap3A_88 = tpu.vector_load %arg9[%swap3A_86, %swap3A_87] {strides = array<i32>} : memref<128x128xf32, #tpu.memory_space<vmem>>, vector<16xf32>,
      tpu.vector_store %arg9[%swap3A_86, %swap3A_87], %broadcast_in_dim3A_15 {strides = array<i32>} : memref<128x128xf32, #tpu.memory_space<vmem>>, vector<16xf32>,
      %swap3A_89 = arith.index_cast %scan3A_70 : i32 to index
      %swap3A_90 = arith.constant 96 : index
      %swap3A_91 = tpu.vector_load %arg9[%swap3A_89, %swap3A_90] {strides = array<i32>} : memref<128x128xf32, #tpu.memory_space<vmem>>, vector<16xf32>,
      tpu.vector_store %arg9[%swap3A_89, %swap3A_90], %broadcast_in_dim3A_15 {strides = array<i32>} : memref<128x128xf32, #tpu.memory_space<vmem>>, vector<16xf32>,
      %swap3A_92 = arith.index_cast %scan3A_70 : i32 to index
      %swap3A_93 = arith.constant 112 : index
      %swap3A_94 = tpu.vector_load %arg9[%swap3A_92, %swap3A_93] {strides = array<i32>} : memref<128x128xf32, #tpu.memory_space<vmem>>, vector<16xf32>,
      tpu.vector_store %arg9[%swap3A_92, %swap3A_93], %broadcast_in_dim3A_15 {strides = array<i32>} : memref<128x128xf32, #tpu.memory_space<vmem>>, vector<16xf32>,
      %scan3A_95 = arith.constant 0 : i32
      scf.yield %scan3A_95 : i32
    }
    %scan3A_21 = arith.constant 128 : i32
    %mul3A_22 = arith.constant 640 : i32
    %mul3A_23 = arith.muli %arg1, %mul3A_22 : i32
    %add3A_24 = arith.constant 0 : i32
    %add3A_25 = arith.addi %mul3A_23, %add3A_24 : i32
    "tpu.region"() ({
      %run_scoped3A_70 = tpu.sem_alloc : memref<!tpu.dma_semaphore, #tpu.memory_space<semaphore_mem>>
      %dma_start3A_71 = arith.constant 0 : i32
      %dma_start3A_72 = tpu.memref_slice %arg10[%add3A_25, %dma_start3A_71] : memref<10240x128xf32, #tpu.memory_space<vmem_shared>> -> memref<128x128xf32, #tpu.memory_space<vmem_shared>>
      %dma_start3A_73 = arith.constant 0 : i32
      %dma_start3A_74 = tpu.memref_slice %arg10[%add3A_25, %dma_start3A_73] : memref<10240x128xf32, #tpu.memory_space<vmem_shared>> -> memref<128x128xf32, #tpu.memory_space<vmem_shared>>
      tpu.enqueue_dma source(%arg9 : memref<128x128xf32, #tpu.memory_space<vmem>>) target(%dma_start3A_74 : memref<128x128xf32, #tpu.memory_space<vmem_shared>>) target_semaphore(%run_scoped3A_70 : memref<!tpu.dma_semaphore, #tpu.memory_space<semaphore_mem>>)
      %dma_wait3A = arith.constant 0 : i32
      %dma_wait3A_75 = tpu.memref_slice %arg10[%add3A_25, %dma_wait3A] : memref<10240x128xf32, #tpu.memory_space<vmem_shared>> -> memref<128x128xf32, #tpu.memory_space<vmem_shared>>
      %dma_wait3A_76 = arith.constant 0 : i32
      %dma_wait3A_77 = tpu.memref_slice %arg10[%add3A_25, %dma_wait3A_76] : memref<10240x128xf32, #tpu.memory_space<vmem_shared>> -> memref<128x128xf32, #tpu.memory_space<vmem_shared>>
      tpu.wait_dma2 semaphore(%run_scoped3A_70 : memref<!tpu.dma_semaphore, #tpu.memory_space<semaphore_mem>>) src(%arg9 : memref<128x128xf32, #tpu.memory_space<vmem>>) dst(%dma_wait3A_77 : memref<128x128xf32, #tpu.memory_space<vmem_shared>>)
      tpu.yield
    }) : () -> ()
    %mul3A_26 = arith.constant 640 : i32
    %mul3A_27 = arith.muli %arg1, %mul3A_26 : i32
    %add3A_28 = arith.constant 128 : i32
    %add3A_29 = arith.addi %mul3A_27, %add3A_28 : i32
    "tpu.region"() ({
      %run_scoped3A_70 = tpu.sem_alloc : memref<!tpu.dma_semaphore, #tpu.memory_space<semaphore_mem>>
      %dma_start3A_71 = arith.constant 0 : i32
      %dma_start3A_72 = tpu.memref_slice %arg10[%add3A_29, %dma_start3A_71] : memref<10240x128xf32, #tpu.memory_space<vmem_shared>> -> memref<128x128xf32, #tpu.memory_space<vmem_shared>>
      %dma_start3A_73 = arith.constant 0 : i32
      %dma_start3A_74 = tpu.memref_slice %arg10[%add3A_29, %dma_start3A_73] : memref<10240x128xf32, #tpu.memory_space<vmem_shared>> -> memref<128x128xf32, #tpu.memory_space<vmem_shared>>
      tpu.enqueue_dma source(%arg9 : memref<128x128xf32, #tpu.memory_space<vmem>>) target(%dma_start3A_74 : memref<128x128xf32, #tpu.memory_space<vmem_shared>>) target_semaphore(%run_scoped3A_70 : memref<!tpu.dma_semaphore, #tpu.memory_space<semaphore_mem>>)
      %dma_wait3A = arith.constant 0 : i32
      %dma_wait3A_75 = tpu.memref_slice %arg10[%add3A_29, %dma_wait3A] : memref<10240x128xf32, #tpu.memory_space<vmem_shared>> -> memref<128x128xf32, #tpu.memory_space<vmem_shared>>
      %dma_wait3A_76 = arith.constant 0 : i32
      %dma_wait3A_77 = tpu.memref_slice %arg10[%add3A_29, %dma_wait3A_76] : memref<10240x128xf32, #tpu.memory_space<vmem_shared>> -> memref<128x128xf32, #tpu.memory_space<vmem_shared>>
      tpu.wait_dma2 semaphore(%run_scoped3A_70 : memref<!tpu.dma_semaphore, #tpu.memory_space<semaphore_mem>>) src(%arg9 : memref<128x128xf32, #tpu.memory_space<vmem>>) dst(%dma_wait3A_77 : memref<128x128xf32, #tpu.memory_space<vmem_shared>>)
      tpu.yield
    }) : () -> ()
    %mul3A_30 = arith.constant 640 : i32
    %mul3A_31 = arith.muli %arg1, %mul3A_30 : i32
    %add3A_32 = arith.constant 256 : i32
    %add3A_33 = arith.addi %mul3A_31, %add3A_32 : i32
    "tpu.region"() ({
      %run_scoped3A_70 = tpu.sem_alloc : memref<!tpu.dma_semaphore, #tpu.memory_space<semaphore_mem>>
      %dma_start3A_71 = arith.constant 0 : i32
      %dma_start3A_72 = tpu.memref_slice %arg10[%add3A_33, %dma_start3A_71] : memref<10240x128xf32, #tpu.memory_space<vmem_shared>> -> memref<128x128xf32, #tpu.memory_space<vmem_shared>>
      %dma_start3A_73 = arith.constant 0 : i32
      %dma_start3A_74 = tpu.memref_slice %arg10[%add3A_33, %dma_start3A_73] : memref<10240x128xf32, #tpu.memory_space<vmem_shared>> -> memref<128x128xf32, #tpu.memory_space<vmem_shared>>
      tpu.enqueue_dma source(%arg9 : memref<128x128xf32, #tpu.memory_space<vmem>>) target(%dma_start3A_74 : memref<128x128xf32, #tpu.memory_space<vmem_shared>>) target_semaphore(%run_scoped3A_70 : memref<!tpu.dma_semaphore, #tpu.memory_space<semaphore_mem>>)
      %dma_wait3A = arith.constant 0 : i32
      %dma_wait3A_75 = tpu.memref_slice %arg10[%add3A_33, %dma_wait3A] : memref<10240x128xf32, #tpu.memory_space<vmem_shared>> -> memref<128x128xf32, #tpu.memory_space<vmem_shared>>
      %dma_wait3A_76 = arith.constant 0 : i32
      %dma_wait3A_77 = tpu.memref_slice %arg10[%add3A_33, %dma_wait3A_76] : memref<10240x128xf32, #tpu.memory_space<vmem_shared>> -> memref<128x128xf32, #tpu.memory_space<vmem_shared>>
      tpu.wait_dma2 semaphore(%run_scoped3A_70 : memref<!tpu.dma_semaphore, #tpu.memory_space<semaphore_mem>>) src(%arg9 : memref<128x128xf32, #tpu.memory_space<vmem>>) dst(%dma_wait3A_77 : memref<128x128xf32, #tpu.memory_space<vmem_shared>>)
      tpu.yield
    }) : () -> ()
    %mul3A_34 = arith.constant 640 : i32
    %mul3A_35 = arith.muli %arg1, %mul3A_34 : i32
    %add3A_36 = arith.constant 384 : i32
    %add3A_37 = arith.addi %mul3A_35, %add3A_36 : i32
    "tpu.region"() ({
      %run_scoped3A_70 = tpu.sem_alloc : memref<!tpu.dma_semaphore, #tpu.memory_space<semaphore_mem>>
      %dma_start3A_71 = arith.constant 0 : i32
      %dma_start3A_72 = tpu.memref_slice %arg10[%add3A_37, %dma_start3A_71] : memref<10240x128xf32, #tpu.memory_space<vmem_shared>> -> memref<128x128xf32, #tpu.memory_space<vmem_shared>>
      %dma_start3A_73 = arith.constant 0 : i32
      %dma_start3A_74 = tpu.memref_slice %arg10[%add3A_37, %dma_start3A_73] : memref<10240x128xf32, #tpu.memory_space<vmem_shared>> -> memref<128x128xf32, #tpu.memory_space<vmem_shared>>
      tpu.enqueue_dma source(%arg9 : memref<128x128xf32, #tpu.memory_space<vmem>>) target(%dma_start3A_74 : memref<128x128xf32, #tpu.memory_space<vmem_shared>>) target_semaphore(%run_scoped3A_70 : memref<!tpu.dma_semaphore, #tpu.memory_space<semaphore_mem>>)
      %dma_wait3A = arith.constant 0 : i32
      %dma_wait3A_75 = tpu.memref_slice %arg10[%add3A_37, %dma_wait3A] : memref<10240x128xf32, #tpu.memory_space<vmem_shared>> -> memref<128x128xf32, #tpu.memory_space<vmem_shared>>
      %dma_wait3A_76 = arith.constant 0 : i32
      %dma_wait3A_77 = tpu.memref_slice %arg10[%add3A_37, %dma_wait3A_76] : memref<10240x128xf32, #tpu.memory_space<vmem_shared>> -> memref<128x128xf32, #tpu.memory_space<vmem_shared>>
      tpu.wait_dma2 semaphore(%run_scoped3A_70 : memref<!tpu.dma_semaphore, #tpu.memory_space<semaphore_mem>>) src(%arg9 : memref<128x128xf32, #tpu.memory_space<vmem>>) dst(%dma_wait3A_77 : memref<128x128xf32, #tpu.memory_space<vmem_shared>>)
      tpu.yield
    }) : () -> ()
    %mul3A_38 = arith.constant 640 : i32
    %mul3A_39 = arith.muli %arg1, %mul3A_38 : i32
    %add3A_40 = arith.constant 512 : i32
    %add3A_41 = arith.addi %mul3A_39, %add3A_40 : i32
    "tpu.region"() ({
      %run_scoped3A_70 = tpu.sem_alloc : memref<!tpu.dma_semaphore, #tpu.memory_space<semaphore_mem>>
      %dma_start3A_71 = arith.constant 0 : i32
      %dma_start3A_72 = tpu.memref_slice %arg10[%add3A_41, %dma_start3A_71] : memref<10240x128xf32, #tpu.memory_space<vmem_shared>> -> memref<128x128xf32, #tpu.memory_space<vmem_shared>>
      %dma_start3A_73 = arith.constant 0 : i32
      %dma_start3A_74 = tpu.memref_slice %arg10[%add3A_41, %dma_start3A_73] : memref<10240x128xf32, #tpu.memory_space<vmem_shared>> -> memref<128x128xf32, #tpu.memory_space<vmem_shared>>
      tpu.enqueue_dma source(%arg9 : memref<128x128xf32, #tpu.memory_space<vmem>>) target(%dma_start3A_74 : memref<128x128xf32, #tpu.memory_space<vmem_shared>>) target_semaphore(%run_scoped3A_70 : memref<!tpu.dma_semaphore, #tpu.memory_space<semaphore_mem>>)
      %dma_wait3A = arith.constant 0 : i32
      %dma_wait3A_75 = tpu.memref_slice %arg10[%add3A_41, %dma_wait3A] : memref<10240x128xf32, #tpu.memory_space<vmem_shared>> -> memref<128x128xf32, #tpu.memory_space<vmem_shared>>
      %dma_wait3A_76 = arith.constant 0 : i32
      %dma_wait3A_77 = tpu.memref_slice %arg10[%add3A_41, %dma_wait3A_76] : memref<10240x128xf32, #tpu.memory_space<vmem_shared>> -> memref<128x128xf32, #tpu.memory_space<vmem_shared>>
      tpu.wait_dma2 semaphore(%run_scoped3A_70 : memref<!tpu.dma_semaphore, #tpu.memory_space<semaphore_mem>>) src(%arg9 : memref<128x128xf32, #tpu.memory_space<vmem>>) dst(%dma_wait3A_77 : memref<128x128xf32, #tpu.memory_space<vmem_shared>>)
      tpu.yield
    }) : () -> ()
    %barrier3A = arith.constant 0 : index
    tpu.barrier barrier_id(%barrier3A)
    %scan3A_42 = arith.constant 0 : i32
    %scan3A_43 = arith.constant 0 : i32
    %scan3A_44 = arith.constant 64 : i32
    %scan3A_45 = arith.addi %scan3A_43, %scan3A_44 : i32
    %scan3A_46 = arith.constant 1 : i32
    %scan3A_47 = scf.for %scan3A_70 = %scan3A_43 to %scan3A_45 step %scan3A_46 iter_args(%scan3A_71 = %scan3A_42) -> (i32)  : i32 {
      %mul3A_72 = arith.constant 2 : i32
      %mul3A_73 = arith.muli %mul3A_72, %scan3A_70 : i32
      %add3A_74 = arith.constant 1 : i32
      %add3A_75 = arith.addi %mul3A_73, %add3A_74 : i32
      %mul3A_76 = arith.constant 80 : i32
      %mul3A_77 = arith.muli %add3A_75, %mul3A_76 : i32
      %add3A_78 = arith.addi %mul3A_2, %mul3A_77 : i32
      %run_scoped3A_79 = arith.constant 1 : i32
      %run_scoped3A_80 = arith.constant 0 : i32
      "tpu.region"() ({
        %run_scoped3A_113 = tpu.sem_alloc : memref<!tpu.dma_semaphore, #tpu.memory_space<semaphore_mem>>
        %dma_start3A_114 = arith.constant 0 : i32
        %dma_start3A_115 = tpu.memref_slice %arg6[%run_scoped3A_79, %run_scoped3A_80, %dma_start3A_114] : memref<2x2x80xi32, #tpu.memory_space<vmem>> -> memref<1x1x80xi32, #tpu.memory_space<vmem>>
        %dma_start3A_116 = tpu.memref_squeeze %dma_start3A_115 : memref<1x1x80xi32, #tpu.memory_space<vmem>> -> memref<80xi32, #tpu.memory_space<vmem>>
        %dma_start3A_117 = tpu.memref_slice %arg3[%add3A_78] : memref<327680xi32, #tpu.memory_space<hbm>> -> memref<80xi32, #tpu.memory_space<hbm>>
        %dma_start3A_118 = arith.constant 0 : i32
        %dma_start3A_119 = tpu.memref_slice %arg6[%run_scoped3A_79, %run_scoped3A_80, %dma_start3A_118] : memref<2x2x80xi32, #tpu.memory_space<vmem>> -> memref<1x1x80xi32, #tpu.memory_space<vmem>>
        %dma_start3A_120 = tpu.memref_squeeze %dma_start3A_119 : memref<1x1x80xi32, #tpu.memory_space<vmem>> -> memref<80xi32, #tpu.memory_space<vmem>>
        %dma_start3A_121 = tpu.memref_slice %arg3[%add3A_78] : memref<327680xi32, #tpu.memory_space<hbm>> -> memref<80xi32, #tpu.memory_space<hbm>>
        tpu.enqueue_dma source(%dma_start3A_121 : memref<80xi32, #tpu.memory_space<hbm>>) target(%dma_start3A_120 : memref<80xi32, #tpu.memory_space<vmem>>) target_semaphore(%run_scoped3A_113 : memref<!tpu.dma_semaphore, #tpu.memory_space<semaphore_mem>>)
        %dma_wait3A_122 = arith.constant 0 : i32
        %dma_wait3A_123 = tpu.memref_slice %arg6[%run_scoped3A_79, %run_scoped3A_80, %dma_wait3A_122] : memref<2x2x80xi32, #tpu.memory_space<vmem>> -> memref<1x1x80xi32, #tpu.memory_space<vmem>>
        %dma_wait3A_124 = tpu.memref_squeeze %dma_wait3A_123 : memref<1x1x80xi32, #tpu.memory_space<vmem>> -> memref<80xi32, #tpu.memory_space<vmem>>
        %dma_wait3A_125 = tpu.memref_slice %arg3[%add3A_78] : memref<327680xi32, #tpu.memory_space<hbm>> -> memref<80xi32, #tpu.memory_space<hbm>>
        %dma_wait3A_126 = arith.constant 0 : i32
        %dma_wait3A_127 = tpu.memref_slice %arg6[%run_scoped3A_79, %run_scoped3A_80, %dma_wait3A_126] : memref<2x2x80xi32, #tpu.memory_space<vmem>> -> memref<1x1x80xi32, #tpu.memory_space<vmem>>
        %dma_wait3A_128 = tpu.memref_squeeze %dma_wait3A_127 : memref<1x1x80xi32, #tpu.memory_space<vmem>> -> memref<80xi32, #tpu.memory_space<vmem>>
        %dma_wait3A_129 = tpu.memref_slice %arg3[%add3A_78] : memref<327680xi32, #tpu.memory_space<hbm>> -> memref<80xi32, #tpu.memory_space<hbm>>
        tpu.wait_dma2 semaphore(%run_scoped3A_113 : memref<!tpu.dma_semaphore, #tpu.memory_space<semaphore_mem>>) src(%dma_wait3A_129 : memref<80xi32, #tpu.memory_space<hbm>>) dst(%dma_wait3A_128 : memref<80xi32, #tpu.memory_space<vmem>>)
        tpu.yield
      }) : () -> ()
      %run_scoped3A_81 = arith.constant 1 : i32
      %run_scoped3A_82 = arith.constant 1 : i32
      "tpu.region"() ({
        %run_scoped3A_113 = tpu.sem_alloc : memref<!tpu.dma_semaphore, #tpu.memory_space<semaphore_mem>>
        %dma_start3A_114 = arith.constant 0 : i32
        %dma_start3A_115 = tpu.memref_slice %arg6[%run_scoped3A_81, %run_scoped3A_82, %dma_start3A_114] : memref<2x2x80xi32, #tpu.memory_space<vmem>> -> memref<1x1x80xi32, #tpu.memory_space<vmem>>
        %dma_start3A_116 = tpu.memref_squeeze %dma_start3A_115 : memref<1x1x80xi32, #tpu.memory_space<vmem>> -> memref<80xi32, #tpu.memory_space<vmem>>
        %dma_start3A_117 = tpu.memref_slice %arg4[%add3A_78] : memref<327680xi32, #tpu.memory_space<hbm>> -> memref<80xi32, #tpu.memory_space<hbm>>
        %dma_start3A_118 = arith.constant 0 : i32
        %dma_start3A_119 = tpu.memref_slice %arg6[%run_scoped3A_81, %run_scoped3A_82, %dma_start3A_118] : memref<2x2x80xi32, #tpu.memory_space<vmem>> -> memref<1x1x80xi32, #tpu.memory_space<vmem>>
        %dma_start3A_120 = tpu.memref_squeeze %dma_start3A_119 : memref<1x1x80xi32, #tpu.memory_space<vmem>> -> memref<80xi32, #tpu.memory_space<vmem>>
        %dma_start3A_121 = tpu.memref_slice %arg4[%add3A_78] : memref<327680xi32, #tpu.memory_space<hbm>> -> memref<80xi32, #tpu.memory_space<hbm>>
        tpu.enqueue_dma source(%dma_start3A_121 : memref<80xi32, #tpu.memory_space<hbm>>) target(%dma_start3A_120 : memref<80xi32, #tpu.memory_space<vmem>>) target_semaphore(%run_scoped3A_113 : memref<!tpu.dma_semaphore, #tpu.memory_space<semaphore_mem>>)
        %dma_wait3A_122 = arith.constant 0 : i32
        %dma_wait3A_123 = tpu.memref_slice %arg6[%run_scoped3A_81, %run_scoped3A_82, %dma_wait3A_122] : memref<2x2x80xi32, #tpu.memory_space<vmem>> -> memref<1x1x80xi32, #tpu.memory_space<vmem>>
        %dma_wait3A_124 = tpu.memref_squeeze %dma_wait3A_123 : memref<1x1x80xi32, #tpu.memory_space<vmem>> -> memref<80xi32, #tpu.memory_space<vmem>>
        %dma_wait3A_125 = tpu.memref_slice %arg4[%add3A_78] : memref<327680xi32, #tpu.memory_space<hbm>> -> memref<80xi32, #tpu.memory_space<hbm>>
        %dma_wait3A_126 = arith.constant 0 : i32
        %dma_wait3A_127 = tpu.memref_slice %arg6[%run_scoped3A_81, %run_scoped3A_82, %dma_wait3A_126] : memref<2x2x80xi32, #tpu.memory_space<vmem>> -> memref<1x1x80xi32, #tpu.memory_space<vmem>>
        %dma_wait3A_128 = tpu.memref_squeeze %dma_wait3A_127 : memref<1x1x80xi32, #tpu.memory_space<vmem>> -> memref<80xi32, #tpu.memory_space<vmem>>
        %dma_wait3A_129 = tpu.memref_slice %arg4[%add3A_78] : memref<327680xi32, #tpu.memory_space<hbm>> -> memref<80xi32, #tpu.memory_space<hbm>>
        tpu.wait_dma2 semaphore(%run_scoped3A_113 : memref<!tpu.dma_semaphore, #tpu.memory_space<semaphore_mem>>) src(%dma_wait3A_129 : memref<80xi32, #tpu.memory_space<hbm>>) dst(%dma_wait3A_128 : memref<80xi32, #tpu.memory_space<vmem>>)
        tpu.yield
      }) : () -> ()
      %dma_start3A_83 = arith.constant 1 : i32
      %dma_start3A_84 = arith.constant 0 : i32
      %dma_start3A_85 = arith.constant 0 : i32
      %dma_start3A_86 = tpu.memref_slice %arg6[%dma_start3A_83, %dma_start3A_84, %dma_start3A_85] : memref<2x2x80xi32, #tpu.memory_space<vmem>> -> memref<1x1x80xi32, #tpu.memory_space<vmem>>
      %dma_start3A_87 = tpu.memref_squeeze %dma_start3A_86 : memref<1x1x80xi32, #tpu.memory_space<vmem>> -> memref<80xi32, #tpu.memory_space<vmem>>
      %dma_start3A_88 = arith.constant 0 : i32
      %dma_start3A_89 = arith.constant 0 : i32
      %dma_start3A_90 = tpu.memref_slice %arg2[%dma_start3A_88, %dma_start3A_89] : memref<10000x128xf32, #tpu.memory_space<hbm>> -> memref<10000x128xf32, #tpu.memory_space<hbm>>
      tpu.enqueue_indirect_dma source(%dma_start3A_90 : memref<10000x128xf32, #tpu.memory_space<hbm>>) target(%arg8 : memref<80x128xf32, #tpu.memory_space<vmem>>) offsets(%dma_start3A_87 : memref<80xi32, #tpu.memory_space<vmem>>) semaphore(%arg12 : memref<!tpu.dma_semaphore, #tpu.memory_space<semaphore_mem>>)
      %dma_wait3A = arith.constant 0 : i32
      %dma_wait3A_91 = arith.constant 0 : i32
      %dma_wait3A_92 = arith.constant 0 : i32
      %dma_wait3A_93 = tpu.memref_slice %arg6[%dma_wait3A, %dma_wait3A_91, %dma_wait3A_92] : memref<2x2x80xi32, #tpu.memory_space<vmem>> -> memref<1x1x80xi32, #tpu.memory_space<vmem>>
      %dma_wait3A_94 = tpu.memref_squeeze %dma_wait3A_93 : memref<1x1x80xi32, #tpu.memory_space<vmem>> -> memref<80xi32, #tpu.memory_space<vmem>>
      %dma_wait3A_95 = arith.constant 0 : i32
      %dma_wait3A_96 = arith.constant 0 : i32
      %dma_wait3A_97 = tpu.memref_slice %arg2[%dma_wait3A_95, %dma_wait3A_96] : memref<10000x128xf32, #tpu.memory_space<hbm>> -> memref<10000x128xf32, #tpu.memory_space<hbm>>
      tpu.wait_indirect_dma semaphore(%arg11 : memref<!tpu.dma_semaphore, #tpu.memory_space<semaphore_mem>>) src(%dma_wait3A_97 : memref<10000x128xf32, #tpu.memory_space<hbm>>) dst(%arg7 : memref<80x128xf32, #tpu.memory_space<vmem>>)
      %run_scoped3A_98 = arith.constant 0 : i32
      %run_scoped3A_99 = arith.constant 1 : i32
      "tpu.region"() ({
        %run_scoped3A_113 = tpu.sem_alloc : memref<!tpu.dma_semaphore, #tpu.memory_space<semaphore_mem>>
        %dma_start3A_114 = arith.constant 0 : i32
        %dma_start3A_115 = tpu.memref_slice %arg6[%run_scoped3A_98, %run_scoped3A_99, %dma_start3A_114] : memref<2x2x80xi32, #tpu.memory_space<vmem>> -> memref<1x1x80xi32, #tpu.memory_space<vmem>>
        %dma_start3A_116 = tpu.memref_squeeze %dma_start3A_115 : memref<1x1x80xi32, #tpu.memory_space<vmem>> -> memref<80xi32, #tpu.memory_space<vmem>>
        %dma_start3A_117 = arith.constant 0 : i32
        %dma_start3A_118 = arith.constant 0 : i32
        %dma_start3A_119 = tpu.memref_slice %arg10[%dma_start3A_117, %dma_start3A_118] : memref<10240x128xf32, #tpu.memory_space<vmem_shared>> -> memref<10240x128xf32, #tpu.memory_space<vmem_shared>>
        tpu.enqueue_indirect_dma source(%arg7 : memref<80x128xf32, #tpu.memory_space<vmem>>) target(%dma_start3A_119 : memref<10240x128xf32, #tpu.memory_space<vmem_shared>>) offsets(%dma_start3A_116 : memref<80xi32, #tpu.memory_space<vmem>>) semaphore(%run_scoped3A_113 : memref<!tpu.dma_semaphore, #tpu.memory_space<semaphore_mem>>) {add = true}
        %dma_wait3A_120 = arith.constant 0 : i32
        %dma_wait3A_121 = tpu.memref_slice %arg6[%run_scoped3A_98, %run_scoped3A_99, %dma_wait3A_120] : memref<2x2x80xi32, #tpu.memory_space<vmem>> -> memref<1x1x80xi32, #tpu.memory_space<vmem>>
        %dma_wait3A_122 = tpu.memref_squeeze %dma_wait3A_121 : memref<1x1x80xi32, #tpu.memory_space<vmem>> -> memref<80xi32, #tpu.memory_space<vmem>>
        %dma_wait3A_123 = arith.constant 0 : i32
        %dma_wait3A_124 = arith.constant 0 : i32
        %dma_wait3A_125 = tpu.memref_slice %arg10[%dma_wait3A_123, %dma_wait3A_124] : memref<10240x128xf32, #tpu.memory_space<vmem_shared>> -> memref<10240x128xf32, #tpu.memory_space<vmem_shared>>
        tpu.wait_indirect_dma semaphore(%run_scoped3A_113 : memref<!tpu.dma_semaphore, #tpu.memory_space<semaphore_mem>>) src(%arg7 : memref<80x128xf32, #tpu.memory_space<vmem>>) dst(%dma_wait3A_125 : memref<10240x128xf32, #tpu.memory_space<vmem_shared>>)
        tpu.yield
      }) : () -> ()
      %lt3A = arith.constant 63 : i32
      %lt3A_100 = arith.cmpi slt, %scan3A_70, %lt3A : i32
      %convert_element_type3A = arith.extui %lt3A_100 : i1 to i32
      %cond3A = arith.constant 0 : i32
      %cond3A_101 = arith.cmpi ne, %convert_element_type3A, %cond3A : i32
      scf.if %cond3A_101 {
        %mul3A_113 = arith.constant 2 : i32
        %mul3A_114 = arith.muli %mul3A_113, %scan3A_70 : i32
        %add3A_115 = arith.constant 2 : i32
        %add3A_116 = arith.addi %mul3A_114, %add3A_115 : i32
        %mul3A_117 = arith.constant 80 : i32
        %mul3A_118 = arith.muli %add3A_116, %mul3A_117 : i32
        %add3A_119 = arith.addi %mul3A_2, %mul3A_118 : i32
        %run_scoped3A_120 = arith.constant 0 : i32
        %run_scoped3A_121 = arith.constant 0 : i32
        "tpu.region"() ({
          %run_scoped3A_132 = tpu.sem_alloc : memref<!tpu.dma_semaphore, #tpu.memory_space<semaphore_mem>>
          %dma_start3A_133 = arith.constant 0 : i32
          %dma_start3A_134 = tpu.memref_slice %arg6[%run_scoped3A_120, %run_scoped3A_121, %dma_start3A_133] : memref<2x2x80xi32, #tpu.memory_space<vmem>> -> memref<1x1x80xi32, #tpu.memory_space<vmem>>
          %dma_start3A_135 = tpu.memref_squeeze %dma_start3A_134 : memref<1x1x80xi32, #tpu.memory_space<vmem>> -> memref<80xi32, #tpu.memory_space<vmem>>
          %dma_start3A_136 = tpu.memref_slice %arg3[%add3A_119] : memref<327680xi32, #tpu.memory_space<hbm>> -> memref<80xi32, #tpu.memory_space<hbm>>
          %dma_start3A_137 = arith.constant 0 : i32
          %dma_start3A_138 = tpu.memref_slice %arg6[%run_scoped3A_120, %run_scoped3A_121, %dma_start3A_137] : memref<2x2x80xi32, #tpu.memory_space<vmem>> -> memref<1x1x80xi32, #tpu.memory_space<vmem>>
          %dma_start3A_139 = tpu.memref_squeeze %dma_start3A_138 : memref<1x1x80xi32, #tpu.memory_space<vmem>> -> memref<80xi32, #tpu.memory_space<vmem>>
          %dma_start3A_140 = tpu.memref_slice %arg3[%add3A_119] : memref<327680xi32, #tpu.memory_space<hbm>> -> memref<80xi32, #tpu.memory_space<hbm>>
          tpu.enqueue_dma source(%dma_start3A_140 : memref<80xi32, #tpu.memory_space<hbm>>) target(%dma_start3A_139 : memref<80xi32, #tpu.memory_space<vmem>>) target_semaphore(%run_scoped3A_132 : memref<!tpu.dma_semaphore, #tpu.memory_space<semaphore_mem>>)
          %dma_wait3A_141 = arith.constant 0 : i32
          %dma_wait3A_142 = tpu.memref_slice %arg6[%run_scoped3A_120, %run_scoped3A_121, %dma_wait3A_141] : memref<2x2x80xi32, #tpu.memory_space<vmem>> -> memref<1x1x80xi32, #tpu.memory_space<vmem>>
          %dma_wait3A_143 = tpu.memref_squeeze %dma_wait3A_142 : memref<1x1x80xi32, #tpu.memory_space<vmem>> -> memref<80xi32, #tpu.memory_space<vmem>>
          %dma_wait3A_144 = tpu.memref_slice %arg3[%add3A_119] : memref<327680xi32, #tpu.memory_space<hbm>> -> memref<80xi32, #tpu.memory_space<hbm>>
          %dma_wait3A_145 = arith.constant 0 : i32
          %dma_wait3A_146 = tpu.memref_slice %arg6[%run_scoped3A_120, %run_scoped3A_121, %dma_wait3A_145] : memref<2x2x80xi32, #tpu.memory_space<vmem>> -> memref<1x1x80xi32, #tpu.memory_space<vmem>>
          %dma_wait3A_147 = tpu.memref_squeeze %dma_wait3A_146 : memref<1x1x80xi32, #tpu.memory_space<vmem>> -> memref<80xi32, #tpu.memory_space<vmem>>
          %dma_wait3A_148 = tpu.memref_slice %arg3[%add3A_119] : memref<327680xi32, #tpu.memory_space<hbm>> -> memref<80xi32, #tpu.memory_space<hbm>>
          tpu.wait_dma2 semaphore(%run_scoped3A_132 : memref<!tpu.dma_semaphore, #tpu.memory_space<semaphore_mem>>) src(%dma_wait3A_148 : memref<80xi32, #tpu.memory_space<hbm>>) dst(%dma_wait3A_147 : memref<80xi32, #tpu.memory_space<vmem>>)
          tpu.yield
        }) : () -> ()
        %run_scoped3A_122 = arith.constant 0 : i32
        %run_scoped3A_123 = arith.constant 1 : i32
        "tpu.region"() ({
          %run_scoped3A_132 = tpu.sem_alloc : memref<!tpu.dma_semaphore, #tpu.memory_space<semaphore_mem>>
          %dma_start3A_133 = arith.constant 0 : i32
          %dma_start3A_134 = tpu.memref_slice %arg6[%run_scoped3A_122, %run_scoped3A_123, %dma_start3A_133] : memref<2x2x80xi32, #tpu.memory_space<vmem>> -> memref<1x1x80xi32, #tpu.memory_space<vmem>>
          %dma_start3A_135 = tpu.memref_squeeze %dma_start3A_134 : memref<1x1x80xi32, #tpu.memory_space<vmem>> -> memref<80xi32, #tpu.memory_space<vmem>>
          %dma_start3A_136 = tpu.memref_slice %arg4[%add3A_119] : memref<327680xi32, #tpu.memory_space<hbm>> -> memref<80xi32, #tpu.memory_space<hbm>>
          %dma_start3A_137 = arith.constant 0 : i32
          %dma_start3A_138 = tpu.memref_slice %arg6[%run_scoped3A_122, %run_scoped3A_123, %dma_start3A_137] : memref<2x2x80xi32, #tpu.memory_space<vmem>> -> memref<1x1x80xi32, #tpu.memory_space<vmem>>
          %dma_start3A_139 = tpu.memref_squeeze %dma_start3A_138 : memref<1x1x80xi32, #tpu.memory_space<vmem>> -> memref<80xi32, #tpu.memory_space<vmem>>
          %dma_start3A_140 = tpu.memref_slice %arg4[%add3A_119] : memref<327680xi32, #tpu.memory_space<hbm>> -> memref<80xi32, #tpu.memory_space<hbm>>
          tpu.enqueue_dma source(%dma_start3A_140 : memref<80xi32, #tpu.memory_space<hbm>>) target(%dma_start3A_139 : memref<80xi32, #tpu.memory_space<vmem>>) target_semaphore(%run_scoped3A_132 : memref<!tpu.dma_semaphore, #tpu.memory_space<semaphore_mem>>)
          %dma_wait3A_141 = arith.constant 0 : i32
          %dma_wait3A_142 = tpu.memref_slice %arg6[%run_scoped3A_122, %run_scoped3A_123, %dma_wait3A_141] : memref<2x2x80xi32, #tpu.memory_space<vmem>> -> memref<1x1x80xi32, #tpu.memory_space<vmem>>
          %dma_wait3A_143 = tpu.memref_squeeze %dma_wait3A_142 : memref<1x1x80xi32, #tpu.memory_space<vmem>> -> memref<80xi32, #tpu.memory_space<vmem>>
          %dma_wait3A_144 = tpu.memref_slice %arg4[%add3A_119] : memref<327680xi32, #tpu.memory_space<hbm>> -> memref<80xi32, #tpu.memory_space<hbm>>
          %dma_wait3A_145 = arith.constant 0 : i32
          %dma_wait3A_146 = tpu.memref_slice %arg6[%run_scoped3A_122, %run_scoped3A_123, %dma_wait3A_145] : memref<2x2x80xi32, #tpu.memory_space<vmem>> -> memref<1x1x80xi32, #tpu.memory_space<vmem>>
          %dma_wait3A_147 = tpu.memref_squeeze %dma_wait3A_146 : memref<1x1x80xi32, #tpu.memory_space<vmem>> -> memref<80xi32, #tpu.memory_space<vmem>>
          %dma_wait3A_148 = tpu.memref_slice %arg4[%add3A_119] : memref<327680xi32, #tpu.memory_space<hbm>> -> memref<80xi32, #tpu.memory_space<hbm>>
          tpu.wait_dma2 semaphore(%run_scoped3A_132 : memref<!tpu.dma_semaphore, #tpu.memory_space<semaphore_mem>>) src(%dma_wait3A_148 : memref<80xi32, #tpu.memory_space<hbm>>) dst(%dma_wait3A_147 : memref<80xi32, #tpu.memory_space<vmem>>)
          tpu.yield
        }) : () -> ()
        %dma_start3A_124 = arith.constant 0 : i32
        %dma_start3A_125 = arith.constant 0 : i32
        %dma_start3A_126 = arith.constant 0 : i32
        %dma_start3A_127 = tpu.memref_slice %arg6[%dma_start3A_124, %dma_start3A_125, %dma_start3A_126] : memref<2x2x80xi32, #tpu.memory_space<vmem>> -> memref<1x1x80xi32, #tpu.memory_space<vmem>>
        %dma_start3A_128 = tpu.memref_squeeze %dma_start3A_127 : memref<1x1x80xi32, #tpu.memory_space<vmem>> -> memref<80xi32, #tpu.memory_space<vmem>>
        %dma_start3A_129 = arith.constant 0 : i32
        %dma_start3A_130 = arith.constant 0 : i32
        %dma_start3A_131 = tpu.memref_slice %arg2[%dma_start3A_129, %dma_start3A_130] : memref<10000x128xf32, #tpu.memory_space<hbm>> -> memref<10000x128xf32, #tpu.memory_space<hbm>>
        tpu.enqueue_indirect_dma source(%dma_start3A_131 : memref<10000x128xf32, #tpu.memory_space<hbm>>) target(%arg7 : memref<80x128xf32, #tpu.memory_space<vmem>>) offsets(%dma_start3A_128 : memref<80xi32, #tpu.memory_space<vmem>>) semaphore(%arg11 : memref<!tpu.dma_semaphore, #tpu.memory_space<semaphore_mem>>)
      } else {
      }
      %dma_wait3A_102 = arith.constant 1 : i32
      %dma_wait3A_103 = arith.constant 0 : i32
      %dma_wait3A_104 = arith.constant 0 : i32
      %dma_wait3A_105 = tpu.memref_slice %arg6[%dma_wait3A_102, %dma_wait3A_103, %dma_wait3A_104] : memref<2x2x80xi32, #tpu.memory_space<vmem>> -> memref<1x1x80xi32, #tpu.memory_space<vmem>>
      %dma_wait3A_106 = tpu.memref_squeeze %dma_wait3A_105 : memref<1x1x80xi32, #tpu.memory_space<vmem>> -> memref<80xi32, #tpu.memory_space<vmem>>
      %dma_wait3A_107 = arith.constant 0 : i32
      %dma_wait3A_108 = arith.constant 0 : i32
      %dma_wait3A_109 = tpu.memref_slice %arg2[%dma_wait3A_107, %dma_wait3A_108] : memref<10000x128xf32, #tpu.memory_space<hbm>> -> memref<10000x128xf32, #tpu.memory_space<hbm>>
      tpu.wait_indirect_dma semaphore(%arg12 : memref<!tpu.dma_semaphore, #tpu.memory_space<semaphore_mem>>) src(%dma_wait3A_109 : memref<10000x128xf32, #tpu.memory_space<hbm>>) dst(%arg8 : memref<80x128xf32, #tpu.memory_space<vmem>>)
      %run_scoped3A_110 = arith.constant 1 : i32
      %run_scoped3A_111 = arith.constant 1 : i32
      "tpu.region"() ({
        %run_scoped3A_113 = tpu.sem_alloc : memref<!tpu.dma_semaphore, #tpu.memory_space<semaphore_mem>>
        %dma_start3A_114 = arith.constant 0 : i32
        %dma_start3A_115 = tpu.memref_slice %arg6[%run_scoped3A_110, %run_scoped3A_111, %dma_start3A_114] : memref<2x2x80xi32, #tpu.memory_space<vmem>> -> memref<1x1x80xi32, #tpu.memory_space<vmem>>
        %dma_start3A_116 = tpu.memref_squeeze %dma_start3A_115 : memref<1x1x80xi32, #tpu.memory_space<vmem>> -> memref<80xi32, #tpu.memory_space<vmem>>
        %dma_start3A_117 = arith.constant 0 : i32
        %dma_start3A_118 = arith.constant 0 : i32
        %dma_start3A_119 = tpu.memref_slice %arg10[%dma_start3A_117, %dma_start3A_118] : memref<10240x128xf32, #tpu.memory_space<vmem_shared>> -> memref<10240x128xf32, #tpu.memory_space<vmem_shared>>
        tpu.enqueue_indirect_dma source(%arg8 : memref<80x128xf32, #tpu.memory_space<vmem>>) target(%dma_start3A_119 : memref<10240x128xf32, #tpu.memory_space<vmem_shared>>) offsets(%dma_start3A_116 : memref<80xi32, #tpu.memory_space<vmem>>) semaphore(%run_scoped3A_113 : memref<!tpu.dma_semaphore, #tpu.memory_space<semaphore_mem>>) {add = true}
        %dma_wait3A_120 = arith.constant 0 : i32
        %dma_wait3A_121 = tpu.memref_slice %arg6[%run_scoped3A_110, %run_scoped3A_111, %dma_wait3A_120] : memref<2x2x80xi32, #tpu.memory_space<vmem>> -> memref<1x1x80xi32, #tpu.memory_space<vmem>>
        %dma_wait3A_122 = tpu.memref_squeeze %dma_wait3A_121 : memref<1x1x80xi32, #tpu.memory_space<vmem>> -> memref<80xi32, #tpu.memory_space<vmem>>
        %dma_wait3A_123 = arith.constant 0 : i32
        %dma_wait3A_124 = arith.constant 0 : i32
        %dma_wait3A_125 = tpu.memref_slice %arg10[%dma_wait3A_123, %dma_wait3A_124] : memref<10240x128xf32, #tpu.memory_space<vmem_shared>> -> memref<10240x128xf32, #tpu.memory_space<vmem_shared>>
        tpu.wait_indirect_dma semaphore(%run_scoped3A_113 : memref<!tpu.dma_semaphore, #tpu.memory_space<semaphore_mem>>) src(%arg8 : memref<80x128xf32, #tpu.memory_space<vmem>>) dst(%dma_wait3A_125 : memref<10240x128xf32, #tpu.memory_space<vmem_shared>>)
        tpu.yield
      }) : () -> ()
      %scan3A_112 = arith.constant 0 : i32
      scf.yield %scan3A_112 : i32
    }
    %scan3A_48 = arith.constant 64 : i32
    %barrier3A_49 = arith.constant 0 : index
    tpu.barrier barrier_id(%barrier3A_49)
    %mul3A_50 = arith.constant 640 : i32
    %mul3A_51 = arith.muli %arg1, %mul3A_50 : i32
    %add3A_52 = arith.constant 0 : i32
    %add3A_53 = arith.addi %mul3A_51, %add3A_52 : i32
    "tpu.region"() ({
      %run_scoped3A_70 = tpu.sem_alloc : memref<!tpu.dma_semaphore, #tpu.memory_space<semaphore_mem>>
      %dma_start3A_71 = arith.constant 0 : i32
      %dma_start3A_72 = tpu.memref_slice %arg5[%arg0, %add3A_53, %dma_start3A_71] : memref<2x10240x128xf32, #tpu.memory_space<hbm>> -> memref<1x128x128xf32, #tpu.memory_space<hbm>>
      %dma_start3A_73 = tpu.memref_squeeze %dma_start3A_72 : memref<1x128x128xf32, #tpu.memory_space<hbm>> -> memref<128x128xf32, #tpu.memory_space<hbm>>
      %dma_start3A_74 = arith.constant 0 : i32
      %dma_start3A_75 = tpu.memref_slice %arg10[%add3A_53, %dma_start3A_74] : memref<10240x128xf32, #tpu.memory_space<vmem_shared>> -> memref<128x128xf32, #tpu.memory_space<vmem_shared>>
      tpu.enqueue_dma source(%dma_start3A_75 : memref<128x128xf32, #tpu.memory_space<vmem_shared>>) target(%dma_start3A_73 : memref<128x128xf32, #tpu.memory_space<hbm>>) target_semaphore(%run_scoped3A_70 : memref<!tpu.dma_semaphore, #tpu.memory_space<semaphore_mem>>)
      %dma_wait3A = arith.constant 0 : i32
      %dma_wait3A_76 = tpu.memref_slice %arg5[%arg0, %add3A_53, %dma_wait3A] : memref<2x10240x128xf32, #tpu.memory_space<hbm>> -> memref<1x128x128xf32, #tpu.memory_space<hbm>>
      %dma_wait3A_77 = tpu.memref_squeeze %dma_wait3A_76 : memref<1x128x128xf32, #tpu.memory_space<hbm>> -> memref<128x128xf32, #tpu.memory_space<hbm>>
      %dma_wait3A_78 = arith.constant 0 : i32
      %dma_wait3A_79 = tpu.memref_slice %arg10[%add3A_53, %dma_wait3A_78] : memref<10240x128xf32, #tpu.memory_space<vmem_shared>> -> memref<128x128xf32, #tpu.memory_space<vmem_shared>>
      tpu.wait_dma2 semaphore(%run_scoped3A_70 : memref<!tpu.dma_semaphore, #tpu.memory_space<semaphore_mem>>) src(%dma_wait3A_79 : memref<128x128xf32, #tpu.memory_space<vmem_shared>>) dst(%dma_wait3A_77 : memref<128x128xf32, #tpu.memory_space<hbm>>)
      tpu.yield
    }) : () -> ()
    %mul3A_54 = arith.constant 640 : i32
    %mul3A_55 = arith.muli %arg1, %mul3A_54 : i32
    %add3A_56 = arith.constant 128 : i32
    %add3A_57 = arith.addi %mul3A_55, %add3A_56 : i32
    "tpu.region"() ({
      %run_scoped3A_70 = tpu.sem_alloc : memref<!tpu.dma_semaphore, #tpu.memory_space<semaphore_mem>>
      %dma_start3A_71 = arith.constant 0 : i32
      %dma_start3A_72 = tpu.memref_slice %arg5[%arg0, %add3A_57, %dma_start3A_71] : memref<2x10240x128xf32, #tpu.memory_space<hbm>> -> memref<1x128x128xf32, #tpu.memory_space<hbm>>
      %dma_start3A_73 = tpu.memref_squeeze %dma_start3A_72 : memref<1x128x128xf32, #tpu.memory_space<hbm>> -> memref<128x128xf32, #tpu.memory_space<hbm>>
      %dma_start3A_74 = arith.constant 0 : i32
      %dma_start3A_75 = tpu.memref_slice %arg10[%add3A_57, %dma_start3A_74] : memref<10240x128xf32, #tpu.memory_space<vmem_shared>> -> memref<128x128xf32, #tpu.memory_space<vmem_shared>>
      tpu.enqueue_dma source(%dma_start3A_75 : memref<128x128xf32, #tpu.memory_space<vmem_shared>>) target(%dma_start3A_73 : memref<128x128xf32, #tpu.memory_space<hbm>>) target_semaphore(%run_scoped3A_70 : memref<!tpu.dma_semaphore, #tpu.memory_space<semaphore_mem>>)
      %dma_wait3A = arith.constant 0 : i32
      %dma_wait3A_76 = tpu.memref_slice %arg5[%arg0, %add3A_57, %dma_wait3A] : memref<2x10240x128xf32, #tpu.memory_space<hbm>> -> memref<1x128x128xf32, #tpu.memory_space<hbm>>
      %dma_wait3A_77 = tpu.memref_squeeze %dma_wait3A_76 : memref<1x128x128xf32, #tpu.memory_space<hbm>> -> memref<128x128xf32, #tpu.memory_space<hbm>>
      %dma_wait3A_78 = arith.constant 0 : i32
      %dma_wait3A_79 = tpu.memref_slice %arg10[%add3A_57, %dma_wait3A_78] : memref<10240x128xf32, #tpu.memory_space<vmem_shared>> -> memref<128x128xf32, #tpu.memory_space<vmem_shared>>
      tpu.wait_dma2 semaphore(%run_scoped3A_70 : memref<!tpu.dma_semaphore, #tpu.memory_space<semaphore_mem>>) src(%dma_wait3A_79 : memref<128x128xf32, #tpu.memory_space<vmem_shared>>) dst(%dma_wait3A_77 : memref<128x128xf32, #tpu.memory_space<hbm>>)
      tpu.yield
    }) : () -> ()
    %mul3A_58 = arith.constant 640 : i32
    %mul3A_59 = arith.muli %arg1, %mul3A_58 : i32
    %add3A_60 = arith.constant 256 : i32
    %add3A_61 = arith.addi %mul3A_59, %add3A_60 : i32
    "tpu.region"() ({
      %run_scoped3A_70 = tpu.sem_alloc : memref<!tpu.dma_semaphore, #tpu.memory_space<semaphore_mem>>
      %dma_start3A_71 = arith.constant 0 : i32
      %dma_start3A_72 = tpu.memref_slice %arg5[%arg0, %add3A_61, %dma_start3A_71] : memref<2x10240x128xf32, #tpu.memory_space<hbm>> -> memref<1x128x128xf32, #tpu.memory_space<hbm>>
      %dma_start3A_73 = tpu.memref_squeeze %dma_start3A_72 : memref<1x128x128xf32, #tpu.memory_space<hbm>> -> memref<128x128xf32, #tpu.memory_space<hbm>>
      %dma_start3A_74 = arith.constant 0 : i32
      %dma_start3A_75 = tpu.memref_slice %arg10[%add3A_61, %dma_start3A_74] : memref<10240x128xf32, #tpu.memory_space<vmem_shared>> -> memref<128x128xf32, #tpu.memory_space<vmem_shared>>
      tpu.enqueue_dma source(%dma_start3A_75 : memref<128x128xf32, #tpu.memory_space<vmem_shared>>) target(%dma_start3A_73 : memref<128x128xf32, #tpu.memory_space<hbm>>) target_semaphore(%run_scoped3A_70 : memref<!tpu.dma_semaphore, #tpu.memory_space<semaphore_mem>>)
      %dma_wait3A = arith.constant 0 : i32
      %dma_wait3A_76 = tpu.memref_slice %arg5[%arg0, %add3A_61, %dma_wait3A] : memref<2x10240x128xf32, #tpu.memory_space<hbm>> -> memref<1x128x128xf32, #tpu.memory_space<hbm>>
      %dma_wait3A_77 = tpu.memref_squeeze %dma_wait3A_76 : memref<1x128x128xf32, #tpu.memory_space<hbm>> -> memref<128x128xf32, #tpu.memory_space<hbm>>
      %dma_wait3A_78 = arith.constant 0 : i32
      %dma_wait3A_79 = tpu.memref_slice %arg10[%add3A_61, %dma_wait3A_78] : memref<10240x128xf32, #tpu.memory_space<vmem_shared>> -> memref<128x128xf32, #tpu.memory_space<vmem_shared>>
      tpu.wait_dma2 semaphore(%run_scoped3A_70 : memref<!tpu.dma_semaphore, #tpu.memory_space<semaphore_mem>>) src(%dma_wait3A_79 : memref<128x128xf32, #tpu.memory_space<vmem_shared>>) dst(%dma_wait3A_77 : memref<128x128xf32, #tpu.memory_space<hbm>>)
      tpu.yield
    }) : () -> ()
    %mul3A_62 = arith.constant 640 : i32
    %mul3A_63 = arith.muli %arg1, %mul3A_62 : i32
    %add3A_64 = arith.constant 384 : i32
    %add3A_65 = arith.addi %mul3A_63, %add3A_64 : i32
    "tpu.region"() ({
      %run_scoped3A_70 = tpu.sem_alloc : memref<!tpu.dma_semaphore, #tpu.memory_space<semaphore_mem>>
      %dma_start3A_71 = arith.constant 0 : i32
      %dma_start3A_72 = tpu.memref_slice %arg5[%arg0, %add3A_65, %dma_start3A_71] : memref<2x10240x128xf32, #tpu.memory_space<hbm>> -> memref<1x128x128xf32, #tpu.memory_space<hbm>>
      %dma_start3A_73 = tpu.memref_squeeze %dma_start3A_72 : memref<1x128x128xf32, #tpu.memory_space<hbm>> -> memref<128x128xf32, #tpu.memory_space<hbm>>
      %dma_start3A_74 = arith.constant 0 : i32
      %dma_start3A_75 = tpu.memref_slice %arg10[%add3A_65, %dma_start3A_74] : memref<10240x128xf32, #tpu.memory_space<vmem_shared>> -> memref<128x128xf32, #tpu.memory_space<vmem_shared>>
      tpu.enqueue_dma source(%dma_start3A_75 : memref<128x128xf32, #tpu.memory_space<vmem_shared>>) target(%dma_start3A_73 : memref<128x128xf32, #tpu.memory_space<hbm>>) target_semaphore(%run_scoped3A_70 : memref<!tpu.dma_semaphore, #tpu.memory_space<semaphore_mem>>)
      %dma_wait3A = arith.constant 0 : i32
      %dma_wait3A_76 = tpu.memref_slice %arg5[%arg0, %add3A_65, %dma_wait3A] : memref<2x10240x128xf32, #tpu.memory_space<hbm>> -> memref<1x128x128xf32, #tpu.memory_space<hbm>>
      %dma_wait3A_77 = tpu.memref_squeeze %dma_wait3A_76 : memref<1x128x128xf32, #tpu.memory_space<hbm>> -> memref<128x128xf32, #tpu.memory_space<hbm>>
      %dma_wait3A_78 = arith.constant 0 : i32
      %dma_wait3A_79 = tpu.memref_slice %arg10[%add3A_65, %dma_wait3A_78] : memref<10240x128xf32, #tpu.memory_space<vmem_shared>> -> memref<128x128xf32, #tpu.memory_space<vmem_shared>>
      tpu.wait_dma2 semaphore(%run_scoped3A_70 : memref<!tpu.dma_semaphore, #tpu.memory_space<semaphore_mem>>) src(%dma_wait3A_79 : memref<128x128xf32, #tpu.memory_space<vmem_shared>>) dst(%dma_wait3A_77 : memref<128x128xf32, #tpu.memory_space<hbm>>)
      tpu.yield
    }) : () -> ()
    %mul3A_66 = arith.constant 640 : i32
    %mul3A_67 = arith.muli %arg1, %mul3A_66 : i32
    %add3A_68 = arith.constant 512 : i32
    %add3A_69 = arith.addi %mul3A_67, %add3A_68 : i32
    "tpu.region"() ({
      %run_scoped3A_70 = tpu.sem_alloc : memref<!tpu.dma_semaphore, #tpu.memory_space<semaphore_mem>>
      %dma_start3A_71 = arith.constant 0 : i32
      %dma_start3A_72 = tpu.memref_slice %arg5[%arg0, %add3A_69, %dma_start3A_71] : memref<2x10240x128xf32, #tpu.memory_space<hbm>> -> memref<1x128x128xf32, #tpu.memory_space<hbm>>
      %dma_start3A_73 = tpu.memref_squeeze %dma_start3A_72 : memref<1x128x128xf32, #tpu.memory_space<hbm>> -> memref<128x128xf32, #tpu.memory_space<hbm>>
      %dma_start3A_74 = arith.constant 0 : i32
      %dma_start3A_75 = tpu.memref_slice %arg10[%add3A_69, %dma_start3A_74] : memref<10240x128xf32, #tpu.memory_space<vmem_shared>> -> memref<128x128xf32, #tpu.memory_space<vmem_shared>>
      tpu.enqueue_dma source(%dma_start3A_75 : memref<128x128xf32, #tpu.memory_space<vmem_shared>>) target(%dma_start3A_73 : memref<128x128xf32, #tpu.memory_space<hbm>>) target_semaphore(%run_scoped3A_70 : memref<!tpu.dma_semaphore, #tpu.memory_space<semaphore_mem>>)
      %dma_wait3A = arith.constant 0 : i32
      %dma_wait3A_76 = tpu.memref_slice %arg5[%arg0, %add3A_69, %dma_wait3A] : memref<2x10240x128xf32, #tpu.memory_space<hbm>> -> memref<1x128x128xf32, #tpu.memory_space<hbm>>
      %dma_wait3A_77 = tpu.memref_squeeze %dma_wait3A_76 : memref<1x128x128xf32, #tpu.memory_space<hbm>> -> memref<128x128xf32, #tpu.memory_space<hbm>>
      %dma_wait3A_78 = arith.constant 0 : i32
      %dma_wait3A_79 = tpu.memref_slice %arg10[%add3A_69, %dma_wait3A_78] : memref<10240x128xf32, #tpu.memory_space<vmem_shared>> -> memref<128x128xf32, #tpu.memory_space<vmem_shared>>
      tpu.wait_dma2 semaphore(%run_scoped3A_70 : memref<!tpu.dma_semaphore, #tpu.memory_space<semaphore_mem>>) src(%dma_wait3A_79 : memref<128x128xf32, #tpu.memory_space<vmem_shared>>) dst(%dma_wait3A_77 : memref<128x128xf32, #tpu.memory_space<hbm>>)
      tpu.yield
    }) : () -> ()
    return
  }
}

module attributes {stable_mosaic.version = 14 : i64} {
  func.func @_k1_body(%arg0: i32, %arg1: memref<2000x128xf32, #tpu.memory_space<vmem>>, %arg2: memref<128x128xf32, #tpu.memory_space<vmem>>, %arg3: memref<2000x128xf32, #tpu.memory_space<vmem>>) attributes {dimension_semantics = [#tpu.dimension_semantics<arbitrary>], iteration_bounds = array<i64: 5>, scalar_prefetch = 0 : i64, scratch_operands = 0 : i64, tpu.core_type = #tpu.core_type<tc>, window_params = [{transform_indices = @transform_0, window_bounds = array<i64: 2000, 128>}, {pipeline_mode = #tpu.pipeline_mode<synchronous>, transform_indices = @transform_1, window_bounds = array<i64: 128, 128>}, {transform_indices = @transform_2, window_bounds = array<i64: 2000, 128>}]} {
    %get3A = arith.constant 0 : index
    %get3A_0 = arith.constant 0 : index
    %get3A_1 = vector.load %arg1[%get3A, %get3A_0] : memref<2000x128xf32, #tpu.memory_space<vmem>>, vector<2000x128xf32>
    %get3A_2 = arith.constant 0 : index
    %get3A_3 = arith.constant 0 : index
    %get3A_4 = vector.load %arg2[%get3A_2, %get3A_3] : memref<128x128xf32, #tpu.memory_space<vmem>>, vector<128x128xf32>
    %convert_element_type3A = arith.truncf %get3A_1 : vector<2000x128xf32> to vector<2000x128xbf16>
    %convert_element_type3A_5 = arith.truncf %get3A_4 : vector<128x128xf32> to vector<128x128xbf16>
    %dot_general3A = arith.constant dense<0.000000e+00> : vector<2000x128xf32>
    %dot_general3A_6 = tpu.matmul %convert_element_type3A, %convert_element_type3A_5, %dot_general3A {dimension_numbers = #tpu.dot_dimension_numbers<[1], [0], [0], [1], [0, 0, 1, 1], [], []>, transpose_lhs_hint = false} : vector<2000x128xbf16>, vector<128x128xbf16>, vector<2000x128xf32> -> vector<2000x128xf32>
    %max3A = arith.constant 0.000000e+00 : f32
    %max3A_7 = vector.broadcast %max3A : f32 to vector<2000x128xf32>
    %max3A_8 = arith.maximumf %dot_general3A_6, %max3A_7 : vector<2000x128xf32>
    %swap3A = arith.constant 0 : index
    %swap3A_9 = arith.constant 0 : index
    %swap3A_10 = vector.load %arg3[%swap3A, %swap3A_9] : memref<2000x128xf32, #tpu.memory_space<vmem>>, vector<2000x128xf32>
    tpu.vector_store %arg3[%swap3A, %swap3A_9], %max3A_8 {strides = array<i32>} : memref<2000x128xf32, #tpu.memory_space<vmem>>, vector<2000x128xf32>,
    return
  }
  func.func @transform_0(%arg0: i32) -> (i32, i32) {
    %c0_i32 = arith.constant 0 : i32
    %c0_i32_0 = arith.constant 0 : i32
    return %arg0, %c0_i32 : i32, i32
  }
  func.func @transform_1(%arg0: i32) -> (i32, i32) {
    %c0_i32 = arith.constant 0 : i32
    %c0_i32_0 = arith.constant 0 : i32
    %c0_i32_1 = arith.constant 0 : i32
    return %c0_i32, %c0_i32_0 : i32, i32
  }
  func.func @transform_2(%arg0: i32) -> (i32, i32) {
    %c0_i32 = arith.constant 0 : i32
    %c0_i32_0 = arith.constant 0 : i32
    return %arg0, %c0_i32 : i32, i32
  }
}

module attributes {stable_mosaic.version = 14 : i64} {
  func.func @_k2_body(%arg0: i32, %arg1: memref<2000x128xf32, #tpu.memory_space<vmem>>, %arg2: memref<2x2000x128xf32, #tpu.memory_space<vmem>>, %arg3: memref<128x128xf32, #tpu.memory_space<vmem>>, %arg4: memref<128x128xf32, #tpu.memory_space<vmem>>, %arg5: memref<1x128xf32, #tpu.memory_space<vmem>>, %arg6: memref<1x128xf32, #tpu.memory_space<vmem>>, %arg7: memref<1x128xf32, #tpu.memory_space<vmem>>, %arg8: memref<128x128xf32, #tpu.memory_space<vmem>>, %arg9: memref<2000x128xf32, #tpu.memory_space<vmem>>, %arg10: memref<2000x128xf32, #tpu.memory_space<vmem>>) attributes {dimension_semantics = [#tpu.dimension_semantics<arbitrary>], iteration_bounds = array<i64: 5>, scalar_prefetch = 0 : i64, scratch_operands = 0 : i64, tpu.core_type = #tpu.core_type<tc>, window_params = [{transform_indices = @transform_0, window_bounds = array<i64: 2000, 128>}, {transform_indices = @transform_1, window_bounds = array<i64: 2, 2000, 128>}, {pipeline_mode = #tpu.pipeline_mode<synchronous>, transform_indices = @transform_2, window_bounds = array<i64: 128, 128>}, {pipeline_mode = #tpu.pipeline_mode<synchronous>, transform_indices = @transform_3, window_bounds = array<i64: 128, 128>}, {pipeline_mode = #tpu.pipeline_mode<synchronous>, transform_indices = @transform_4, window_bounds = array<i64: 1, 128>}, {pipeline_mode = #tpu.pipeline_mode<synchronous>, transform_indices = @transform_5, window_bounds = array<i64: 1, 128>}, {pipeline_mode = #tpu.pipeline_mode<synchronous>, transform_indices = @transform_6, window_bounds = array<i64: 1, 128>}, {pipeline_mode = #tpu.pipeline_mode<synchronous>, transform_indices = @transform_7, window_bounds = array<i64: 128, 128>}, {transform_indices = @transform_8, window_bounds = array<i64: 2000, 128>}, {transform_indices = @transform_9, window_bounds = array<i64: 2000, 128>}]} {
    %get3A = arith.constant 0 : index
    %get3A_0 = arith.constant 0 : index
    %get3A_1 = arith.constant 0 : index
    %get3A_2 = vector.load %arg2[%get3A, %get3A_0, %get3A_1] : memref<2x2000x128xf32, #tpu.memory_space<vmem>>, vector<1x2000x128xf32>
    %get3A_3 = vector.shape_cast %get3A_2 : vector<1x2000x128xf32> to vector<2000x128xf32>
    %get3A_4 = arith.constant 1 : index
    %get3A_5 = arith.constant 0 : index
    %get3A_6 = arith.constant 0 : index
    %get3A_7 = vector.load %arg2[%get3A_4, %get3A_5, %get3A_6] : memref<2x2000x128xf32, #tpu.memory_space<vmem>>, vector<1x2000x128xf32>
    %get3A_8 = vector.shape_cast %get3A_7 : vector<1x2000x128xf32> to vector<2000x128xf32>
    %add3A = arith.addf %get3A_3, %get3A_8 : vector<2000x128xf32>
    %get3A_9 = arith.constant 0 : index
    %get3A_10 = arith.constant 0 : index
    %get3A_11 = vector.load %arg1[%get3A_9, %get3A_10] : memref<2000x128xf32, #tpu.memory_space<vmem>>, vector<2000x128xf32>
    %get3A_12 = arith.constant 0 : index
    %get3A_13 = arith.constant 0 : index
    %get3A_14 = vector.load %arg3[%get3A_12, %get3A_13] : memref<128x128xf32, #tpu.memory_space<vmem>>, vector<128x128xf32>
    %convert_element_type3A = arith.truncf %get3A_11 : vector<2000x128xf32> to vector<2000x128xbf16>
    %convert_element_type3A_15 = arith.truncf %get3A_14 : vector<128x128xf32> to vector<128x128xbf16>
    %dot_general3A = arith.constant dense<0.000000e+00> : vector<2000x128xf32>
    %dot_general3A_16 = tpu.matmul %convert_element_type3A, %convert_element_type3A_15, %dot_general3A {dimension_numbers = #tpu.dot_dimension_numbers<[1], [0], [0], [1], [0, 0, 1, 1], [], []>, transpose_lhs_hint = false} : vector<2000x128xbf16>, vector<128x128xbf16>, vector<2000x128xf32> -> vector<2000x128xf32>
    %get3A_17 = arith.constant 0 : index
    %get3A_18 = arith.constant 0 : index
    %get3A_19 = vector.load %arg4[%get3A_17, %get3A_18] : memref<128x128xf32, #tpu.memory_space<vmem>>, vector<128x128xf32>
    %convert_element_type3A_20 = arith.truncf %add3A : vector<2000x128xf32> to vector<2000x128xbf16>
    %convert_element_type3A_21 = arith.truncf %get3A_19 : vector<128x128xf32> to vector<128x128xbf16>
    %dot_general3A_22 = arith.constant dense<0.000000e+00> : vector<2000x128xf32>
    %dot_general3A_23 = tpu.matmul %convert_element_type3A_20, %convert_element_type3A_21, %dot_general3A_22 {dimension_numbers = #tpu.dot_dimension_numbers<[1], [0], [0], [1], [0, 0, 1, 1], [], []>, transpose_lhs_hint = false} : vector<2000x128xbf16>, vector<128x128xbf16>, vector<2000x128xf32> -> vector<2000x128xf32>
    %add3A_24 = arith.addf %dot_general3A_16, %dot_general3A_23 : vector<2000x128xf32>
    %get3A_25 = arith.constant 0 : index
    %get3A_26 = arith.constant 0 : index
    %get3A_27 = vector.load %arg5[%get3A_25, %get3A_26] : memref<1x128xf32, #tpu.memory_space<vmem>>, vector<1x128xf32>
    %add3A_28 = vector.broadcast %get3A_27 : vector<1x128xf32> to vector<2000x128xf32>
    %add3A_29 = arith.addf %add3A_24, %add3A_28 : vector<2000x128xf32>
    %get3A_30 = arith.constant 0 : index
    %get3A_31 = arith.constant 0 : index
    %get3A_32 = vector.load %arg6[%get3A_30, %get3A_31] : memref<1x128xf32, #tpu.memory_space<vmem>>, vector<1x128xf32>
    %get3A_33 = arith.constant 0 : index
    %get3A_34 = arith.constant 0 : index
    %get3A_35 = vector.load %arg7[%get3A_33, %get3A_34] : memref<1x128xf32, #tpu.memory_space<vmem>>, vector<1x128xf32>
    %reduce_sum3A = arith.constant dense<0.000000e+00> : vector<2000xf32>
    %reduce_sum3A_36 = vector.multi_reduction <add>, %add3A_29, %reduce_sum3A [1] : vector<2000x128xf32> to vector<2000xf32>
    %broadcast_in_dim3A = vector.shape_cast %reduce_sum3A_36 : vector<2000xf32> to vector<2000x1xf32>
    %div3A = arith.constant 1.280000e+02 : f32
    %div3A_37 = vector.broadcast %div3A : f32 to vector<2000x1xf32>
    %div3A_38 = arith.divf %broadcast_in_dim3A, %div3A_37 : vector<2000x1xf32>
    %sub3A = vector.broadcast %div3A_38 : vector<2000x1xf32> to vector<2000x128xf32>
    %sub3A_39 = arith.subf %add3A_29, %sub3A : vector<2000x128xf32>
    %integer_pow3A = arith.mulf %sub3A_39, %sub3A_39 : vector<2000x128xf32>
    %reduce_sum3A_40 = arith.constant dense<0.000000e+00> : vector<2000xf32>
    %reduce_sum3A_41 = vector.multi_reduction <add>, %integer_pow3A, %reduce_sum3A_40 [1] : vector<2000x128xf32> to vector<2000xf32>
    %broadcast_in_dim3A_42 = vector.shape_cast %reduce_sum3A_41 : vector<2000xf32> to vector<2000x1xf32>
    %div3A_43 = arith.constant 1.280000e+02 : f32
    %div3A_44 = vector.broadcast %div3A_43 : f32 to vector<2000x1xf32>
    %div3A_45 = arith.divf %broadcast_in_dim3A_42, %div3A_44 : vector<2000x1xf32>
    %sub3A_46 = vector.broadcast %div3A_38 : vector<2000x1xf32> to vector<2000x128xf32>
    %sub3A_47 = arith.subf %add3A_29, %sub3A_46 : vector<2000x128xf32>
    %add3A_48 = arith.constant 9.99999974E-6 : f32
    %add3A_49 = vector.broadcast %add3A_48 : f32 to vector<2000x1xf32>
    %add3A_50 = arith.addf %div3A_45, %add3A_49 : vector<2000x1xf32>
    %sqrt3A = math.sqrt %add3A_50 : vector<2000x1xf32>
    %div3A_51 = vector.broadcast %sqrt3A : vector<2000x1xf32> to vector<2000x128xf32>
    %div3A_52 = arith.divf %sub3A_47, %div3A_51 : vector<2000x128xf32>
    %mul3A = vector.broadcast %get3A_32 : vector<1x128xf32> to vector<2000x128xf32>
    %mul3A_53 = arith.mulf %div3A_52, %mul3A : vector<2000x128xf32>
    %add3A_54 = vector.broadcast %get3A_35 : vector<1x128xf32> to vector<2000x128xf32>
    %add3A_55 = arith.addf %mul3A_53, %add3A_54 : vector<2000x128xf32>
    %max3A = arith.constant 0.000000e+00 : f32
    %max3A_56 = vector.broadcast %max3A : f32 to vector<2000x128xf32>
    %max3A_57 = arith.maximumf %add3A_55, %max3A_56 : vector<2000x128xf32>
    %swap3A = arith.constant 0 : index
    %swap3A_58 = arith.constant 0 : index
    %swap3A_59 = vector.load %arg9[%swap3A, %swap3A_58] : memref<2000x128xf32, #tpu.memory_space<vmem>>, vector<2000x128xf32>
    tpu.vector_store %arg9[%swap3A, %swap3A_58], %max3A_57 {strides = array<i32>} : memref<2000x128xf32, #tpu.memory_space<vmem>>, vector<2000x128xf32>,
    %get3A_60 = arith.constant 0 : index
    %get3A_61 = arith.constant 0 : index
    %get3A_62 = vector.load %arg8[%get3A_60, %get3A_61] : memref<128x128xf32, #tpu.memory_space<vmem>>, vector<128x128xf32>
    %convert_element_type3A_63 = arith.truncf %max3A_57 : vector<2000x128xf32> to vector<2000x128xbf16>
    %convert_element_type3A_64 = arith.truncf %get3A_62 : vector<128x128xf32> to vector<128x128xbf16>
    %dot_general3A_65 = arith.constant dense<0.000000e+00> : vector<2000x128xf32>
    %dot_general3A_66 = tpu.matmul %convert_element_type3A_63, %convert_element_type3A_64, %dot_general3A_65 {dimension_numbers = #tpu.dot_dimension_numbers<[1], [0], [0], [1], [0, 0, 1, 1], [], []>, transpose_lhs_hint = false} : vector<2000x128xbf16>, vector<128x128xbf16>, vector<2000x128xf32> -> vector<2000x128xf32>
    %max3A_67 = arith.constant 0.000000e+00 : f32
    %max3A_68 = vector.broadcast %max3A_67 : f32 to vector<2000x128xf32>
    %max3A_69 = arith.maximumf %dot_general3A_66, %max3A_68 : vector<2000x128xf32>
    %swap3A_70 = arith.constant 0 : index
    %swap3A_71 = arith.constant 0 : index
    %swap3A_72 = vector.load %arg10[%swap3A_70, %swap3A_71] : memref<2000x128xf32, #tpu.memory_space<vmem>>, vector<2000x128xf32>
    tpu.vector_store %arg10[%swap3A_70, %swap3A_71], %max3A_69 {strides = array<i32>} : memref<2000x128xf32, #tpu.memory_space<vmem>>, vector<2000x128xf32>,
    return
  }
  func.func @transform_0(%arg0: i32) -> (i32, i32) {
    %c0_i32 = arith.constant 0 : i32
    %c0_i32_0 = arith.constant 0 : i32
    return %arg0, %c0_i32 : i32, i32
  }
  func.func @transform_1(%arg0: i32) -> (i32, i32, i32) {
    %c0_i32 = arith.constant 0 : i32
    %c0_i32_0 = arith.constant 0 : i32
    %c0_i32_1 = arith.constant 0 : i32
    return %c0_i32, %arg0, %c0_i32_0 : i32, i32, i32
  }
  func.func @transform_2(%arg0: i32) -> (i32, i32) {
    %c0_i32 = arith.constant 0 : i32
    %c0_i32_0 = arith.constant 0 : i32
    %c0_i32_1 = arith.constant 0 : i32
    return %c0_i32, %c0_i32_0 : i32, i32
  }
  func.func @transform_3(%arg0: i32) -> (i32, i32) {
    %c0_i32 = arith.constant 0 : i32
    %c0_i32_0 = arith.constant 0 : i32
    %c0_i32_1 = arith.constant 0 : i32
    return %c0_i32, %c0_i32_0 : i32, i32
  }
  func.func @transform_4(%arg0: i32) -> (i32, i32) {
    %c0_i32 = arith.constant 0 : i32
    %c0_i32_0 = arith.constant 0 : i32
    %c0_i32_1 = arith.constant 0 : i32
    return %c0_i32, %c0_i32_0 : i32, i32
  }
  func.func @transform_5(%arg0: i32) -> (i32, i32) {
    %c0_i32 = arith.constant 0 : i32
    %c0_i32_0 = arith.constant 0 : i32
    %c0_i32_1 = arith.constant 0 : i32
    return %c0_i32, %c0_i32_0 : i32, i32
  }
  func.func @transform_6(%arg0: i32) -> (i32, i32) {
    %c0_i32 = arith.constant 0 : i32
    %c0_i32_0 = arith.constant 0 : i32
    %c0_i32_1 = arith.constant 0 : i32
    return %c0_i32, %c0_i32_0 : i32, i32
  }
  func.func @transform_7(%arg0: i32) -> (i32, i32) {
    %c0_i32 = arith.constant 0 : i32
    %c0_i32_0 = arith.constant 0 : i32
    %c0_i32_1 = arith.constant 0 : i32
    return %c0_i32, %c0_i32_0 : i32, i32
  }
  func.func @transform_8(%arg0: i32) -> (i32, i32) {
    %c0_i32 = arith.constant 0 : i32
    %c0_i32_0 = arith.constant 0 : i32
    return %arg0, %c0_i32 : i32, i32
  }
  func.func @transform_9(%arg0: i32) -> (i32, i32) {
    %c0_i32 = arith.constant 0 : i32
    %c0_i32_0 = arith.constant 0 : i32
    return %arg0, %c0_i32 : i32, i32
  }
}

module attributes {stable_mosaic.version = 14 : i64} {
  func.func @_k3_body(%arg0: i32, %arg1: memref<2000x128xf32, #tpu.memory_space<vmem>>, %arg2: memref<2x2000x128xf32, #tpu.memory_space<vmem>>, %arg3: memref<128x128xf32, #tpu.memory_space<vmem>>, %arg4: memref<128x128xf32, #tpu.memory_space<vmem>>, %arg5: memref<1x128xf32, #tpu.memory_space<vmem>>, %arg6: memref<1x128xf32, #tpu.memory_space<vmem>>, %arg7: memref<1x128xf32, #tpu.memory_space<vmem>>, %arg8: memref<2000x128xf32, #tpu.memory_space<vmem>>, %arg9: memref<1x1x128xf32, #tpu.memory_space<vmem>>) attributes {dimension_semantics = [#tpu.dimension_semantics<arbitrary>], iteration_bounds = array<i64: 5>, scalar_prefetch = 0 : i64, scratch_operands = 0 : i64, tpu.core_type = #tpu.core_type<tc>, window_params = [{transform_indices = @transform_0, window_bounds = array<i64: 2000, 128>}, {transform_indices = @transform_1, window_bounds = array<i64: 2, 2000, 128>}, {pipeline_mode = #tpu.pipeline_mode<synchronous>, transform_indices = @transform_2, window_bounds = array<i64: 128, 128>}, {pipeline_mode = #tpu.pipeline_mode<synchronous>, transform_indices = @transform_3, window_bounds = array<i64: 128, 128>}, {pipeline_mode = #tpu.pipeline_mode<synchronous>, transform_indices = @transform_4, window_bounds = array<i64: 1, 128>}, {pipeline_mode = #tpu.pipeline_mode<synchronous>, transform_indices = @transform_5, window_bounds = array<i64: 1, 128>}, {pipeline_mode = #tpu.pipeline_mode<synchronous>, transform_indices = @transform_6, window_bounds = array<i64: 1, 128>}, {transform_indices = @transform_7, window_bounds = array<i64: 2000, 128>}, {transform_indices = @transform_8, window_bounds = array<i64: 1, 1, 128>}]} {
    %get3A = arith.constant 0 : index
    %get3A_0 = arith.constant 0 : index
    %get3A_1 = arith.constant 0 : index
    %get3A_2 = vector.load %arg2[%get3A, %get3A_0, %get3A_1] : memref<2x2000x128xf32, #tpu.memory_space<vmem>>, vector<1x2000x128xf32>
    %get3A_3 = vector.shape_cast %get3A_2 : vector<1x2000x128xf32> to vector<2000x128xf32>
    %get3A_4 = arith.constant 1 : index
    %get3A_5 = arith.constant 0 : index
    %get3A_6 = arith.constant 0 : index
    %get3A_7 = vector.load %arg2[%get3A_4, %get3A_5, %get3A_6] : memref<2x2000x128xf32, #tpu.memory_space<vmem>>, vector<1x2000x128xf32>
    %get3A_8 = vector.shape_cast %get3A_7 : vector<1x2000x128xf32> to vector<2000x128xf32>
    %add3A = arith.addf %get3A_3, %get3A_8 : vector<2000x128xf32>
    %get3A_9 = arith.constant 0 : index
    %get3A_10 = arith.constant 0 : index
    %get3A_11 = vector.load %arg1[%get3A_9, %get3A_10] : memref<2000x128xf32, #tpu.memory_space<vmem>>, vector<2000x128xf32>
    %get3A_12 = arith.constant 0 : index
    %get3A_13 = arith.constant 0 : index
    %get3A_14 = vector.load %arg3[%get3A_12, %get3A_13] : memref<128x128xf32, #tpu.memory_space<vmem>>, vector<128x128xf32>
    %convert_element_type3A = arith.truncf %get3A_11 : vector<2000x128xf32> to vector<2000x128xbf16>
    %convert_element_type3A_15 = arith.truncf %get3A_14 : vector<128x128xf32> to vector<128x128xbf16>
    %dot_general3A = arith.constant dense<0.000000e+00> : vector<2000x128xf32>
    %dot_general3A_16 = tpu.matmul %convert_element_type3A, %convert_element_type3A_15, %dot_general3A {dimension_numbers = #tpu.dot_dimension_numbers<[1], [0], [0], [1], [0, 0, 1, 1], [], []>, transpose_lhs_hint = false} : vector<2000x128xbf16>, vector<128x128xbf16>, vector<2000x128xf32> -> vector<2000x128xf32>
    %get3A_17 = arith.constant 0 : index
    %get3A_18 = arith.constant 0 : index
    %get3A_19 = vector.load %arg4[%get3A_17, %get3A_18] : memref<128x128xf32, #tpu.memory_space<vmem>>, vector<128x128xf32>
    %convert_element_type3A_20 = arith.truncf %add3A : vector<2000x128xf32> to vector<2000x128xbf16>
    %convert_element_type3A_21 = arith.truncf %get3A_19 : vector<128x128xf32> to vector<128x128xbf16>
    %dot_general3A_22 = arith.constant dense<0.000000e+00> : vector<2000x128xf32>
    %dot_general3A_23 = tpu.matmul %convert_element_type3A_20, %convert_element_type3A_21, %dot_general3A_22 {dimension_numbers = #tpu.dot_dimension_numbers<[1], [0], [0], [1], [0, 0, 1, 1], [], []>, transpose_lhs_hint = false} : vector<2000x128xbf16>, vector<128x128xbf16>, vector<2000x128xf32> -> vector<2000x128xf32>
    %add3A_24 = arith.addf %dot_general3A_16, %dot_general3A_23 : vector<2000x128xf32>
    %get3A_25 = arith.constant 0 : index
    %get3A_26 = arith.constant 0 : index
    %get3A_27 = vector.load %arg5[%get3A_25, %get3A_26] : memref<1x128xf32, #tpu.memory_space<vmem>>, vector<1x128xf32>
    %add3A_28 = vector.broadcast %get3A_27 : vector<1x128xf32> to vector<2000x128xf32>
    %add3A_29 = arith.addf %add3A_24, %add3A_28 : vector<2000x128xf32>
    %get3A_30 = arith.constant 0 : index
    %get3A_31 = arith.constant 0 : index
    %get3A_32 = vector.load %arg6[%get3A_30, %get3A_31] : memref<1x128xf32, #tpu.memory_space<vmem>>, vector<1x128xf32>
    %get3A_33 = arith.constant 0 : index
    %get3A_34 = arith.constant 0 : index
    %get3A_35 = vector.load %arg7[%get3A_33, %get3A_34] : memref<1x128xf32, #tpu.memory_space<vmem>>, vector<1x128xf32>
    %reduce_sum3A = arith.constant dense<0.000000e+00> : vector<2000xf32>
    %reduce_sum3A_36 = vector.multi_reduction <add>, %add3A_29, %reduce_sum3A [1] : vector<2000x128xf32> to vector<2000xf32>
    %broadcast_in_dim3A = vector.shape_cast %reduce_sum3A_36 : vector<2000xf32> to vector<2000x1xf32>
    %div3A = arith.constant 1.280000e+02 : f32
    %div3A_37 = vector.broadcast %div3A : f32 to vector<2000x1xf32>
    %div3A_38 = arith.divf %broadcast_in_dim3A, %div3A_37 : vector<2000x1xf32>
    %sub3A = vector.broadcast %div3A_38 : vector<2000x1xf32> to vector<2000x128xf32>
    %sub3A_39 = arith.subf %add3A_29, %sub3A : vector<2000x128xf32>
    %integer_pow3A = arith.mulf %sub3A_39, %sub3A_39 : vector<2000x128xf32>
    %reduce_sum3A_40 = arith.constant dense<0.000000e+00> : vector<2000xf32>
    %reduce_sum3A_41 = vector.multi_reduction <add>, %integer_pow3A, %reduce_sum3A_40 [1] : vector<2000x128xf32> to vector<2000xf32>
    %broadcast_in_dim3A_42 = vector.shape_cast %reduce_sum3A_41 : vector<2000xf32> to vector<2000x1xf32>
    %div3A_43 = arith.constant 1.280000e+02 : f32
    %div3A_44 = vector.broadcast %div3A_43 : f32 to vector<2000x1xf32>
    %div3A_45 = arith.divf %broadcast_in_dim3A_42, %div3A_44 : vector<2000x1xf32>
    %sub3A_46 = vector.broadcast %div3A_38 : vector<2000x1xf32> to vector<2000x128xf32>
    %sub3A_47 = arith.subf %add3A_29, %sub3A_46 : vector<2000x128xf32>
    %add3A_48 = arith.constant 9.99999974E-6 : f32
    %add3A_49 = vector.broadcast %add3A_48 : f32 to vector<2000x1xf32>
    %add3A_50 = arith.addf %div3A_45, %add3A_49 : vector<2000x1xf32>
    %sqrt3A = math.sqrt %add3A_50 : vector<2000x1xf32>
    %div3A_51 = vector.broadcast %sqrt3A : vector<2000x1xf32> to vector<2000x128xf32>
    %div3A_52 = arith.divf %sub3A_47, %div3A_51 : vector<2000x128xf32>
    %mul3A = vector.broadcast %get3A_32 : vector<1x128xf32> to vector<2000x128xf32>
    %mul3A_53 = arith.mulf %div3A_52, %mul3A : vector<2000x128xf32>
    %add3A_54 = vector.broadcast %get3A_35 : vector<1x128xf32> to vector<2000x128xf32>
    %add3A_55 = arith.addf %mul3A_53, %add3A_54 : vector<2000x128xf32>
    %max3A = arith.constant 0.000000e+00 : f32
    %max3A_56 = vector.broadcast %max3A : f32 to vector<2000x128xf32>
    %max3A_57 = arith.maximumf %add3A_55, %max3A_56 : vector<2000x128xf32>
    %swap3A = arith.constant 0 : index
    %swap3A_58 = arith.constant 0 : index
    %swap3A_59 = vector.load %arg8[%swap3A, %swap3A_58] : memref<2000x128xf32, #tpu.memory_space<vmem>>, vector<2000x128xf32>
    tpu.vector_store %arg8[%swap3A, %swap3A_58], %max3A_57 {strides = array<i32>} : memref<2000x128xf32, #tpu.memory_space<vmem>>, vector<2000x128xf32>,
    %reduce_sum3A_60 = arith.constant dense<0.000000e+00> : vector<128xf32>
    %reduce_sum3A_61 = vector.multi_reduction <add>, %max3A_57, %reduce_sum3A_60 [0] : vector<2000x128xf32> to vector<128xf32>
    %broadcast_in_dim3A_62 = vector.shape_cast %reduce_sum3A_61 : vector<128xf32> to vector<1x128xf32>
    %broadcast_in_dim3A_63 = vector.shape_cast %broadcast_in_dim3A_62 : vector<1x128xf32> to vector<1x1x128xf32>
    %swap3A_64 = arith.constant 0 : index
    %swap3A_65 = arith.constant 0 : index
    %swap3A_66 = arith.constant 0 : index
    %swap3A_67 = vector.load %arg9[%swap3A_64, %swap3A_65, %swap3A_66] : memref<1x1x128xf32, #tpu.memory_space<vmem>>, vector<1x1x128xf32>
    tpu.vector_store %arg9[%swap3A_64, %swap3A_65, %swap3A_66], %broadcast_in_dim3A_63 {strides = array<i32>} : memref<1x1x128xf32, #tpu.memory_space<vmem>>, vector<1x1x128xf32>,
    return
  }
  func.func @transform_0(%arg0: i32) -> (i32, i32) {
    %c0_i32 = arith.constant 0 : i32
    %c0_i32_0 = arith.constant 0 : i32
    return %arg0, %c0_i32 : i32, i32
  }
  func.func @transform_1(%arg0: i32) -> (i32, i32, i32) {
    %c0_i32 = arith.constant 0 : i32
    %c0_i32_0 = arith.constant 0 : i32
    %c0_i32_1 = arith.constant 0 : i32
    return %c0_i32, %arg0, %c0_i32_0 : i32, i32, i32
  }
  func.func @transform_2(%arg0: i32) -> (i32, i32) {
    %c0_i32 = arith.constant 0 : i32
    %c0_i32_0 = arith.constant 0 : i32
    %c0_i32_1 = arith.constant 0 : i32
    return %c0_i32, %c0_i32_0 : i32, i32
  }
  func.func @transform_3(%arg0: i32) -> (i32, i32) {
    %c0_i32 = arith.constant 0 : i32
    %c0_i32_0 = arith.constant 0 : i32
    %c0_i32_1 = arith.constant 0 : i32
    return %c0_i32, %c0_i32_0 : i32, i32
  }
  func.func @transform_4(%arg0: i32) -> (i32, i32) {
    %c0_i32 = arith.constant 0 : i32
    %c0_i32_0 = arith.constant 0 : i32
    %c0_i32_1 = arith.constant 0 : i32
    return %c0_i32, %c0_i32_0 : i32, i32
  }
  func.func @transform_5(%arg0: i32) -> (i32, i32) {
    %c0_i32 = arith.constant 0 : i32
    %c0_i32_0 = arith.constant 0 : i32
    %c0_i32_1 = arith.constant 0 : i32
    return %c0_i32, %c0_i32_0 : i32, i32
  }
  func.func @transform_6(%arg0: i32) -> (i32, i32) {
    %c0_i32 = arith.constant 0 : i32
    %c0_i32_0 = arith.constant 0 : i32
    %c0_i32_1 = arith.constant 0 : i32
    return %c0_i32, %c0_i32_0 : i32, i32
  }
  func.func @transform_7(%arg0: i32) -> (i32, i32) {
    %c0_i32 = arith.constant 0 : i32
    %c0_i32_0 = arith.constant 0 : i32
    return %arg0, %c0_i32 : i32, i32
  }
  func.func @transform_8(%arg0: i32) -> (i32, i32, i32) {
    %c0_i32 = arith.constant 0 : i32
    %c0_i32_0 = arith.constant 0 : i32
    %c0_i32_1 = arith.constant 0 : i32
    return %arg0, %c0_i32, %c0_i32_0 : i32, i32, i32
  }
}

module attributes {stable_mosaic.version = 14 : i64} {
  func.func @_k4_body(%arg0: i32, %arg1: memref<2000x128xf32, #tpu.memory_space<vmem>>, %arg2: memref<128x128xf32, #tpu.memory_space<vmem>>, %arg3: memref<128x128xf32, #tpu.memory_space<vmem>>, %arg4: memref<1x128xf32, #tpu.memory_space<vmem>>, %arg5: memref<2000x128xf32, #tpu.memory_space<vmem>>, %arg6: memref<2000x128xf32, #tpu.memory_space<vmem>>) attributes {dimension_semantics = [#tpu.dimension_semantics<arbitrary>], iteration_bounds = array<i64: 5>, scalar_prefetch = 0 : i64, scratch_operands = 0 : i64, tpu.core_type = #tpu.core_type<tc>, window_params = [{transform_indices = @transform_0, window_bounds = array<i64: 2000, 128>}, {pipeline_mode = #tpu.pipeline_mode<synchronous>, transform_indices = @transform_1, window_bounds = array<i64: 128, 128>}, {pipeline_mode = #tpu.pipeline_mode<synchronous>, transform_indices = @transform_2, window_bounds = array<i64: 128, 128>}, {pipeline_mode = #tpu.pipeline_mode<synchronous>, transform_indices = @transform_3, window_bounds = array<i64: 1, 128>}, {transform_indices = @transform_4, window_bounds = array<i64: 2000, 128>}, {transform_indices = @transform_5, window_bounds = array<i64: 2000, 128>}]} {
    %get3A = arith.constant 0 : index
    %get3A_0 = arith.constant 0 : index
    %get3A_1 = vector.load %arg1[%get3A, %get3A_0] : memref<2000x128xf32, #tpu.memory_space<vmem>>, vector<2000x128xf32>
    %get3A_2 = arith.constant 0 : index
    %get3A_3 = arith.constant 0 : index
    %get3A_4 = vector.load %arg2[%get3A_2, %get3A_3] : memref<128x128xf32, #tpu.memory_space<vmem>>, vector<128x128xf32>
    %convert_element_type3A = arith.truncf %get3A_1 : vector<2000x128xf32> to vector<2000x128xbf16>
    %convert_element_type3A_5 = arith.truncf %get3A_4 : vector<128x128xf32> to vector<128x128xbf16>
    %dot_general3A = arith.constant dense<0.000000e+00> : vector<2000x128xf32>
    %dot_general3A_6 = tpu.matmul %convert_element_type3A, %convert_element_type3A_5, %dot_general3A {dimension_numbers = #tpu.dot_dimension_numbers<[1], [0], [0], [1], [0, 0, 1, 1], [], []>, transpose_lhs_hint = false} : vector<2000x128xbf16>, vector<128x128xbf16>, vector<2000x128xf32> -> vector<2000x128xf32>
    %get3A_7 = arith.constant 0 : index
    %get3A_8 = arith.constant 0 : index
    %get3A_9 = vector.load %arg4[%get3A_7, %get3A_8] : memref<1x128xf32, #tpu.memory_space<vmem>>, vector<1x128xf32>
    %add3A = vector.broadcast %get3A_9 : vector<1x128xf32> to vector<2000x128xf32>
    %add3A_10 = arith.addf %dot_general3A_6, %add3A : vector<2000x128xf32>
    %swap3A = arith.constant 0 : index
    %swap3A_11 = arith.constant 0 : index
    %swap3A_12 = vector.load %arg5[%swap3A, %swap3A_11] : memref<2000x128xf32, #tpu.memory_space<vmem>>, vector<2000x128xf32>
    tpu.vector_store %arg5[%swap3A, %swap3A_11], %add3A_10 {strides = array<i32>} : memref<2000x128xf32, #tpu.memory_space<vmem>>, vector<2000x128xf32>,
    %get3A_13 = arith.constant 0 : index
    %get3A_14 = arith.constant 0 : index
    %get3A_15 = vector.load %arg1[%get3A_13, %get3A_14] : memref<2000x128xf32, #tpu.memory_space<vmem>>, vector<2000x128xf32>
    %get3A_16 = arith.constant 0 : index
    %get3A_17 = arith.constant 0 : index
    %get3A_18 = vector.load %arg3[%get3A_16, %get3A_17] : memref<128x128xf32, #tpu.memory_space<vmem>>, vector<128x128xf32>
    %convert_element_type3A_19 = arith.truncf %get3A_15 : vector<2000x128xf32> to vector<2000x128xbf16>
    %convert_element_type3A_20 = arith.truncf %get3A_18 : vector<128x128xf32> to vector<128x128xbf16>
    %dot_general3A_21 = arith.constant dense<0.000000e+00> : vector<2000x128xf32>
    %dot_general3A_22 = tpu.matmul %convert_element_type3A_19, %convert_element_type3A_20, %dot_general3A_21 {dimension_numbers = #tpu.dot_dimension_numbers<[1], [0], [0], [1], [0, 0, 1, 1], [], []>, transpose_lhs_hint = false} : vector<2000x128xbf16>, vector<128x128xbf16>, vector<2000x128xf32> -> vector<2000x128xf32>
    %swap3A_23 = arith.constant 0 : index
    %swap3A_24 = arith.constant 0 : index
    %swap3A_25 = vector.load %arg6[%swap3A_23, %swap3A_24] : memref<2000x128xf32, #tpu.memory_space<vmem>>, vector<2000x128xf32>
    tpu.vector_store %arg6[%swap3A_23, %swap3A_24], %dot_general3A_22 {strides = array<i32>} : memref<2000x128xf32, #tpu.memory_space<vmem>>, vector<2000x128xf32>,
    return
  }
  func.func @transform_0(%arg0: i32) -> (i32, i32) {
    %c0_i32 = arith.constant 0 : i32
    %c0_i32_0 = arith.constant 0 : i32
    return %arg0, %c0_i32 : i32, i32
  }
  func.func @transform_1(%arg0: i32) -> (i32, i32) {
    %c0_i32 = arith.constant 0 : i32
    %c0_i32_0 = arith.constant 0 : i32
    %c0_i32_1 = arith.constant 0 : i32
    return %c0_i32, %c0_i32_0 : i32, i32
  }
  func.func @transform_2(%arg0: i32) -> (i32, i32) {
    %c0_i32 = arith.constant 0 : i32
    %c0_i32_0 = arith.constant 0 : i32
    %c0_i32_1 = arith.constant 0 : i32
    return %c0_i32, %c0_i32_0 : i32, i32
  }
  func.func @transform_3(%arg0: i32) -> (i32, i32) {
    %c0_i32 = arith.constant 0 : i32
    %c0_i32_0 = arith.constant 0 : i32
    %c0_i32_1 = arith.constant 0 : i32
    return %c0_i32, %c0_i32_0 : i32, i32
  }
  func.func @transform_4(%arg0: i32) -> (i32, i32) {
    %c0_i32 = arith.constant 0 : i32
    %c0_i32_0 = arith.constant 0 : i32
    return %arg0, %c0_i32 : i32, i32
  }
  func.func @transform_5(%arg0: i32) -> (i32, i32) {
    %c0_i32 = arith.constant 0 : i32
    %c0_i32_0 = arith.constant 0 : i32
    return %arg0, %c0_i32 : i32, i32
  }
}

module attributes {stable_mosaic.version = 14 : i64} {
  func.func @_k5_body(%arg0: i32, %arg1: memref<2048x128xf32, #tpu.memory_space<vmem>>, %arg2: memref<128x128xf32, #tpu.memory_space<vmem>>, %arg3: memref<1x128xf32, #tpu.memory_space<vmem>>, %arg4: memref<128x128xf32, #tpu.memory_space<vmem>>, %arg5: memref<1x128xf32, #tpu.memory_space<vmem>>, %arg6: memref<128x128xf32, #tpu.memory_space<vmem>>, %arg7: memref<128x128xf32, #tpu.memory_space<vmem>>, %arg8: memref<1x128xf32, #tpu.memory_space<vmem>>, %arg9: memref<2048x128xf32, #tpu.memory_space<vmem>>) attributes {dimension_semantics = [#tpu.dimension_semantics<arbitrary>], iteration_bounds = array<i64: 1>, scalar_prefetch = 0 : i64, scratch_operands = 0 : i64, tpu.core_type = #tpu.core_type<tc>, window_params = [{pipeline_mode = #tpu.pipeline_mode<synchronous>, transform_indices = @transform_0, window_bounds = array<i64: 2048, 128>}, {pipeline_mode = #tpu.pipeline_mode<synchronous>, transform_indices = @transform_1, window_bounds = array<i64: 128, 128>}, {pipeline_mode = #tpu.pipeline_mode<synchronous>, transform_indices = @transform_2, window_bounds = array<i64: 1, 128>}, {pipeline_mode = #tpu.pipeline_mode<synchronous>, transform_indices = @transform_3, window_bounds = array<i64: 128, 128>}, {pipeline_mode = #tpu.pipeline_mode<synchronous>, transform_indices = @transform_4, window_bounds = array<i64: 1, 128>}, {pipeline_mode = #tpu.pipeline_mode<synchronous>, transform_indices = @transform_5, window_bounds = array<i64: 128, 128>}, {pipeline_mode = #tpu.pipeline_mode<synchronous>, transform_indices = @transform_6, window_bounds = array<i64: 128, 128>}, {pipeline_mode = #tpu.pipeline_mode<synchronous>, transform_indices = @transform_7, window_bounds = array<i64: 1, 128>}, {pipeline_mode = #tpu.pipeline_mode<synchronous>, transform_indices = @transform_8, window_bounds = array<i64: 2048, 128>}]} {
    %get3A = arith.constant 0 : index
    %get3A_0 = arith.constant 0 : index
    %get3A_1 = vector.load %arg1[%get3A, %get3A_0] : memref<2048x128xf32, #tpu.memory_space<vmem>>, vector<2048x128xf32>
    %get3A_2 = arith.constant 0 : index
    %get3A_3 = arith.constant 0 : index
    %get3A_4 = vector.load %arg2[%get3A_2, %get3A_3] : memref<128x128xf32, #tpu.memory_space<vmem>>, vector<128x128xf32>
    %convert_element_type3A = arith.truncf %get3A_1 : vector<2048x128xf32> to vector<2048x128xbf16>
    %convert_element_type3A_5 = arith.truncf %get3A_4 : vector<128x128xf32> to vector<128x128xbf16>
    %dot_general3A = arith.constant dense<0.000000e+00> : vector<2048x128xf32>
    %dot_general3A_6 = tpu.matmul %convert_element_type3A, %convert_element_type3A_5, %dot_general3A {dimension_numbers = #tpu.dot_dimension_numbers<[1], [0], [0], [1], [0, 0, 1, 1], [], []>, transpose_lhs_hint = false} : vector<2048x128xbf16>, vector<128x128xbf16>, vector<2048x128xf32> -> vector<2048x128xf32>
    %get3A_7 = arith.constant 0 : index
    %get3A_8 = arith.constant 0 : index
    %get3A_9 = vector.load %arg3[%get3A_7, %get3A_8] : memref<1x128xf32, #tpu.memory_space<vmem>>, vector<1x128xf32>
    %add3A = vector.broadcast %get3A_9 : vector<1x128xf32> to vector<2048x128xf32>
    %add3A_10 = arith.addf %dot_general3A_6, %add3A : vector<2048x128xf32>
    %max3A = arith.constant 0.000000e+00 : f32
    %max3A_11 = vector.broadcast %max3A : f32 to vector<2048x128xf32>
    %max3A_12 = arith.maximumf %add3A_10, %max3A_11 : vector<2048x128xf32>
    %get3A_13 = arith.constant 0 : index
    %get3A_14 = arith.constant 0 : index
    %get3A_15 = vector.load %arg4[%get3A_13, %get3A_14] : memref<128x128xf32, #tpu.memory_space<vmem>>, vector<128x128xf32>
    %convert_element_type3A_16 = arith.truncf %get3A_1 : vector<2048x128xf32> to vector<2048x128xbf16>
    %convert_element_type3A_17 = arith.truncf %get3A_15 : vector<128x128xf32> to vector<128x128xbf16>
    %dot_general3A_18 = arith.constant dense<0.000000e+00> : vector<2048x128xf32>
    %dot_general3A_19 = tpu.matmul %convert_element_type3A_16, %convert_element_type3A_17, %dot_general3A_18 {dimension_numbers = #tpu.dot_dimension_numbers<[1], [0], [0], [1], [0, 0, 1, 1], [], []>, transpose_lhs_hint = false} : vector<2048x128xbf16>, vector<128x128xbf16>, vector<2048x128xf32> -> vector<2048x128xf32>
    %get3A_20 = arith.constant 0 : index
    %get3A_21 = arith.constant 0 : index
    %get3A_22 = vector.load %arg5[%get3A_20, %get3A_21] : memref<1x128xf32, #tpu.memory_space<vmem>>, vector<1x128xf32>
    %add3A_23 = vector.broadcast %get3A_22 : vector<1x128xf32> to vector<2048x128xf32>
    %add3A_24 = arith.addf %dot_general3A_19, %add3A_23 : vector<2048x128xf32>
    %max3A_25 = arith.constant 0.000000e+00 : f32
    %max3A_26 = vector.broadcast %max3A_25 : f32 to vector<2048x128xf32>
    %max3A_27 = arith.maximumf %add3A_24, %max3A_26 : vector<2048x128xf32>
    %get3A_28 = arith.constant 0 : index
    %get3A_29 = arith.constant 0 : index
    %get3A_30 = vector.load %arg6[%get3A_28, %get3A_29] : memref<128x128xf32, #tpu.memory_space<vmem>>, vector<128x128xf32>
    %convert_element_type3A_31 = arith.truncf %max3A_12 : vector<2048x128xf32> to vector<2048x128xbf16>
    %convert_element_type3A_32 = arith.truncf %get3A_30 : vector<128x128xf32> to vector<128x128xbf16>
    %dot_general3A_33 = arith.constant dense<0.000000e+00> : vector<2048x128xf32>
    %dot_general3A_34 = tpu.matmul %convert_element_type3A_31, %convert_element_type3A_32, %dot_general3A_33 {dimension_numbers = #tpu.dot_dimension_numbers<[1], [0], [0], [1], [0, 0, 1, 1], [], []>, transpose_lhs_hint = false} : vector<2048x128xbf16>, vector<128x128xbf16>, vector<2048x128xf32> -> vector<2048x128xf32>
    %get3A_35 = arith.constant 0 : index
    %get3A_36 = arith.constant 0 : index
    %get3A_37 = vector.load %arg7[%get3A_35, %get3A_36] : memref<128x128xf32, #tpu.memory_space<vmem>>, vector<128x128xf32>
    %convert_element_type3A_38 = arith.truncf %max3A_27 : vector<2048x128xf32> to vector<2048x128xbf16>
    %convert_element_type3A_39 = arith.truncf %get3A_37 : vector<128x128xf32> to vector<128x128xbf16>
    %dot_general3A_40 = arith.constant dense<0.000000e+00> : vector<2048x128xf32>
    %dot_general3A_41 = tpu.matmul %convert_element_type3A_38, %convert_element_type3A_39, %dot_general3A_40 {dimension_numbers = #tpu.dot_dimension_numbers<[1], [0], [0], [1], [0, 0, 1, 1], [], []>, transpose_lhs_hint = false} : vector<2048x128xbf16>, vector<128x128xbf16>, vector<2048x128xf32> -> vector<2048x128xf32>
    %add3A_42 = arith.addf %dot_general3A_34, %dot_general3A_41 : vector<2048x128xf32>
    %get3A_43 = arith.constant 0 : index
    %get3A_44 = arith.constant 0 : index
    %get3A_45 = vector.load %arg8[%get3A_43, %get3A_44] : memref<1x128xf32, #tpu.memory_space<vmem>>, vector<1x128xf32>
    %add3A_46 = vector.broadcast %get3A_45 : vector<1x128xf32> to vector<2048x128xf32>
    %add3A_47 = arith.addf %add3A_42, %add3A_46 : vector<2048x128xf32>
    %swap3A = arith.constant 0 : index
    %swap3A_48 = arith.constant 0 : index
    %swap3A_49 = vector.load %arg9[%swap3A, %swap3A_48] : memref<2048x128xf32, #tpu.memory_space<vmem>>, vector<2048x128xf32>
    tpu.vector_store %arg9[%swap3A, %swap3A_48], %add3A_47 {strides = array<i32>} : memref<2048x128xf32, #tpu.memory_space<vmem>>, vector<2048x128xf32>,
    return
  }
  func.func @transform_0(%arg0: i32) -> (i32, i32) {
    %c0_i32 = arith.constant 0 : i32
    %c0_i32_0 = arith.constant 0 : i32
    %c0_i32_1 = arith.constant 0 : i32
    return %c0_i32, %c0_i32_0 : i32, i32
  }
  func.func @transform_1(%arg0: i32) -> (i32, i32) {
    %c0_i32 = arith.constant 0 : i32
    %c0_i32_0 = arith.constant 0 : i32
    %c0_i32_1 = arith.constant 0 : i32
    return %c0_i32, %c0_i32_0 : i32, i32
  }
  func.func @transform_2(%arg0: i32) -> (i32, i32) {
    %c0_i32 = arith.constant 0 : i32
    %c0_i32_0 = arith.constant 0 : i32
    %c0_i32_1 = arith.constant 0 : i32
    return %c0_i32, %c0_i32_0 : i32, i32
  }
  func.func @transform_3(%arg0: i32) -> (i32, i32) {
    %c0_i32 = arith.constant 0 : i32
    %c0_i32_0 = arith.constant 0 : i32
    %c0_i32_1 = arith.constant 0 : i32
    return %c0_i32, %c0_i32_0 : i32, i32
  }
  func.func @transform_4(%arg0: i32) -> (i32, i32) {
    %c0_i32 = arith.constant 0 : i32
    %c0_i32_0 = arith.constant 0 : i32
    %c0_i32_1 = arith.constant 0 : i32
    return %c0_i32, %c0_i32_0 : i32, i32
  }
  func.func @transform_5(%arg0: i32) -> (i32, i32) {
    %c0_i32 = arith.constant 0 : i32
    %c0_i32_0 = arith.constant 0 : i32
    %c0_i32_1 = arith.constant 0 : i32
    return %c0_i32, %c0_i32_0 : i32, i32
  }
  func.func @transform_6(%arg0: i32) -> (i32, i32) {
    %c0_i32 = arith.constant 0 : i32
    %c0_i32_0 = arith.constant 0 : i32
    %c0_i32_1 = arith.constant 0 : i32
    return %c0_i32, %c0_i32_0 : i32, i32
  }
  func.func @transform_7(%arg0: i32) -> (i32, i32) {
    %c0_i32 = arith.constant 0 : i32
    %c0_i32_0 = arith.constant 0 : i32
    %c0_i32_1 = arith.constant 0 : i32
    return %c0_i32, %c0_i32_0 : i32, i32
  }
  func.func @transform_8(%arg0: i32) -> (i32, i32) {
    %c0_i32 = arith.constant 0 : i32
    %c0_i32_0 = arith.constant 0 : i32
    %c0_i32_1 = arith.constant 0 : i32
    return %c0_i32, %c0_i32_0 : i32, i32
  }
}

</mosaic_0001>

<sc_bundles>
// kernel: kernel.10.cloned.1.call-start
scs
__scs_entry_jumppad:
0x0: {  	(pc) =	sbr.rel $0x88, $3  }
0x1: {  	(tag) =	ssettag $0x0;
	lr =	simm.s32 $0x1  }
0x2: {  	[smem:$0x3F89] =	sst lr;
	_ =	strace $0xD0000000  }
0x3: {  	_ = 	snop  }
0x4: {  	_ = 	snop  }
0x5: {  	_ = 	snop  }
0x6: {  	_ = 	snop  }
0x7: {  	_ = 	snop  }
__scs_overlays_trampoline_lowered:
0x8: {  	[smem:$0x3F98] =	sst s0  }
0x9: {  	[smem:$0x3F99] =	sst s1  }
0xa: {  	[smem:$0x3F9A] =	sst s2  }
0xb: {  	[smem:$0x3F9B] =	sst s3  }
0xc: {  	[smem:$0x3F9C] =	sst s4  }
0xd: {  	[smem:$0x3F9D] =	sst s5  }
0xe: {  	[smem:$0x3F9E] =	sst s6  }
0xf: {  	[smem:$0x3F9F] =	sst s7  }
0x10: {  	[smem:$0x3FA0] =	sst s8  }
0x11: {  	[smem:$0x3FA1] =	sst s9;
	s0 =	simm.s32 @!p0 $0x0  }
0x12: {  	s1 =	sld [smem:$0x3F87];
	s0 =	simm.s32 @p0 $0x1  }
0x13: {  	[smem:$0x3FA2] =	sst s0;
	s0 =	simm.s32 @!p1 $0x0  }
0x14: {  	s2 =	sld [smem:$0x3F86];
	s0 =	simm.s32 @p1 $0x1  }
0x15: {  	[smem:$0x3FA3] =	sst s0;
	s0 =	simm.s32 @!p2 $0x0  }
0x16: {  	s3 =	sld [smem:$0x3FDB];
	s0 =	simm.s32 @p2 $0x1  }
0x17: {  	s4 =	simm.s32 $0x1BF5;
	[smem:$0x3FA5] =	sst s0  }
0x18: {  	s0 =	sld [smem:$0x3F88];
	_ =	swait.ge [sflag:s4], $0x0  }
0x19: {  	s7 =	sld [smem:$0x3F89]  }
0x1a: {  	s8 =	sadd.s32 $0xFFFFE003, lr  }
0x1b: {  	s9 =	sadd.s32 $0xFFFFFEF7, lr;
	s5 =	simm.s32 $0xFFFFFFFF;
	p2 =	slt.u32 s8, $0xFFFFF086  }
0x1c: {  	p1 =	slt.u32 s9, $0xF7A;
	s5 =	simm.s32 @!p2 $0x0  }
0x1d: {  	s5 =	simm.s32 @p1 $0x1;
	p0 =	seq.s32 s7, s2  }
0x1e: {  	s7 =	smul.u32 @!p0 $0xF7A, s2;
	p2 =	seq.s32 @!p0 s5, $0x0  }
0x1f: {  	s9 =	smul.u32 $0xF7A, s1;
	s8 =	simm.s32 @!p0 $0x1BF5;
	p2 =	por !p2, p0  }
0x20: {  	[sflag:s8] =	ssyncset.s32 @!p0 $0xFFFFF086;
	s6 =	sadd.s32 @!p0 s3, s7;
	s7 =	simm.s32 @!p0 $0x108  }
0x21: {  	s3 =	sadd.s32 s3, s9;
	s6 =	sadd.s32 @!p0 $0x88, s6;
	s7 =	simm.s32 @p2 $0x1082  }
0x22: {  	[simem:s7], [sflag:s8] =	dma.local @!p0 [hbm:s6], $0xF7A  }
0x23: {  	s9 =	sor.u32 $0xD0000000, s2;
	s6 =	simm.s32 $0x108;
	_ =	swait.ge @!p0 [sflag:s8], $0x0  }
0x24: {  	s3 =	sadd.s32 $0x88, s3;
	s6 =	simm.s32 @!p1 $0x1082;
	[sflag:s4] =	ssyncset.s32 $0xFFFFF086  }
0x25: {  	[simem:s6], [sflag:s4] =	dma.local [hbm:s3], $0xF7A  }
0x26: {  	[smem:$0x3F89] =	sst s1;
	(tag) =	ssettag s2;
	_ =	strace s9  }
0x27: {  	s1 =	sld [smem:$0x3F99]  }
0x28: {  	s2 =	sld [smem:$0x3F9A]  }
0x29: {  	s4 =	sld [smem:$0x3F9C]  }
0x2a: {  	p0 =	seq.s32 s5, $0x0;
	s5 =	sld [smem:$0x3F9D]  }
0x2b: {  	s6 =	sld [smem:$0x3F9E]  }
0x2c: {  	s7 =	sld [smem:$0x3F9F]  }
0x2d: {  	s3 =	simm.s32 $0x108;
	s8 =	sld [smem:$0x3FA0]  }
0x2e: {  	s3 =	simm.s32 @!p0 $0x1082;
	s9 =	sld [smem:$0x3FA1]  }
0x2f: {  	lr =	sadd.s32 s0, s3;
	s0 =	sld [smem:$0x3F98]  }
0x30: {  	s3 =	sld [smem:$0x3F9B]  }
0x31: {  	[smem:$0x3FA4] =	sst s10  }
0x32: {  	s10 =	sld [smem:$0x3FA2];
	_ =	sdelay $0x3  }
0x33: {  	p0 =	seq.s32 s10, $0x1;
	s10 =	sld [smem:$0x3FA4];
	_ =	sdelay $0x3  }
0x34: {  	[smem:$0x3FA4] =	sst s10  }
0x35: {  	s10 =	sld [smem:$0x3FA3];
	_ =	sdelay $0x3  }
0x36: {  	p1 =	seq.s32 s10, $0x1;
	s10 =	sld [smem:$0x3FA4];
	_ =	sdelay $0x3  }
0x37: {  	[smem:$0x3FA4] =	sst s10  }
0x38: {  	s10 =	sld [smem:$0x3FA5]  }
0x39: {  	_ = 	snop;
	(pc) =	sbr.ind lr, $3  }
0x3a: {  	_ = 	snop  }
0x3b: {  	_ = 	snop  }
0x3c: {  	p2 =	seq.s32 s10, $0x1;
	s10 =	sld [smem:$0x3FA4]  }
0x3d: {  	_ =	shalt  }
0x3e: {  	_ =	shalt  }
0x3f: {  	_ =	shalt  }
0x40: {  	_ =	shalt  }
0x41: {  	_ =	shalt  }
0x42: {  	_ =	shalt  }
0x43: {  	_ =	shalt  }
0x44: {  	_ =	shalt  }
0x45: {  	_ =	shalt  }
0x46: {  	_ =	shalt  }
0x47: {  	_ =	shalt  }
0x48: {  	_ =	shalt  }
0x49: {  	_ =	shalt  }
0x4a: {  	_ =	shalt  }
0x4b: {  	_ =	shalt  }
0x4c: {  	_ =	shalt  }
0x4d: {  	_ =	shalt  }
0x4e: {  	_ =	shalt  }
0x4f: {  	_ =	shalt  }
0x50: {  	_ =	shalt  }
0x51: {  	_ =	shalt  }
0x52: {  	_ =	shalt  }
0x53: {  	_ =	shalt  }
0x54: {  	_ =	shalt  }
0x55: {  	_ =	shalt  }
0x56: {  	_ =	shalt  }
0x57: {  	_ =	shalt  }
0x58: {  	_ =	shalt  }
0x59: {  	_ =	shalt  }
0x5a: {  	_ =	shalt  }
0x5b: {  	_ =	shalt  }
0x5c: {  	_ =	shalt  }
0x5d: {  	_ =	shalt  }
0x5e: {  	_ =	shalt  }
0x5f: {  	_ =	shalt  }
0x60: {  	_ =	shalt  }
0x61: {  	_ =	shalt  }
0x62: {  	_ =	shalt  }
0x63: {  	_ =	shalt  }
0x64: {  	_ =	shalt  }
0x65: {  	_ =	shalt  }
0x66: {  	_ =	shalt  }
0x67: {  	_ =	shalt  }
0x68: {  	_ =	shalt  }
0x69: {  	_ =	shalt  }
0x6a: {  	_ =	shalt  }
0x6b: {  	_ =	shalt  }
0x6c: {  	_ =	shalt  }
0x6d: {  	_ =	shalt  }
0x6e: {  	_ =	shalt  }
0x6f: {  	_ =	shalt  }
0x70: {  	_ =	shalt  }
0x71: {  	_ =	shalt  }
0x72: {  	_ =	shalt  }
0x73: {  	_ =	shalt  }
0x74: {  	_ =	shalt  }
0x75: {  	_ =	shalt  }
0x76: {  	_ =	shalt  }
0x77: {  	_ =	shalt  }
0x78: {  	_ =	shalt  }
0x79: {  	_ =	shalt  }
0x7a: {  	_ =	shalt  }
0x7b: {  	_ =	shalt  }
0x7c: {  	_ =	shalt  }
0x7d: {  	_ =	shalt  }
0x7e: {  	_ =	shalt  }
0x7f: {  	_ =	shalt  }
0x80: {  	_ =	shalt  }
0x81: {  	_ =	shalt  }
0x82: {  	_ =	shalt  }
0x83: {  	_ =	shalt  }
0x84: {  	_ =	shalt  }
0x85: {  	_ =	shalt  }
0x86: {  	_ =	shalt  }
0x87: {  	_ =	shalt  }
.Lfunc_end0:
.L_simem_size_0:
called_computation_lowered:
.L_overlay_start_0:
0x88: {  	s2 =	sld [smem:$0x3FD9]  }
0x89: {  	s3 =	sld [smem:$0x3FFE];
	_ =	sdelay $0x1  }
0x8a: {  	s1 =	srdreg.scid  }
0x8b: {  	s0 =	sand.u32 $0x1, s1  }
0x8c: {  	s16 =	sshll.u32 s0, $0xA;
	s2 =	sadd.s32 s3, s2  }
0x8d: {  	s2 =	sadd.s32 s2, s16  }
0x8e: {  	[smem:$0x3FB0] =	sst s2  }
0x8f: {  	_ = 	snop  }
0x90: {  	(tm) =	ssettm $0x1  }
0x91: {  	s17 =	sld [smem:$0x3FFB];
	_ =	sdelay $0x3  }
0x92: {  	_ =	strace s17  }
0x93: {  	s2 =	sld [smem:$0x3FFC];
	_ =	sdelay $0x3  }
0x94: {  	_ =	strace s2  }
0x95: {  	s2 =	sld [smem:$0x3FFD];
	_ =	sdelay $0x3  }
0x96: {  	_ =	strace s2  }
0x97: {  	_ =	strace $0x8FFFFFFF  }
0x98: {  	s18 =	sld [smem:$0x3FDB];
	_ =	sdelay $0x1  }
0x99: {  	s19 =	simm.s32 $_scs_section_size  }
0x9a: {  	s4 =	simm.s32 $_size__tile_overlayer_lowered;
	s5 =	simm.s32 $_tile_overlayer_lowered  }
0x9b: {  	s22 =	simm.s32 $0x1BFF;
	s21 =	sshll.u32 s5, $0x1;
	s2 =	sadd.s32 s19, s18  }
0x9c: {  	s6 =	simm.s32 $0x0;
	s20 =	sshll.u32 s4, $0x1;
	s4 =	sadd.s32 s21, s2  }
0x9d: {  	[timem:s6], [sflag:s22] =	dma.local [hbm:s4], s20  }
0x9e: {  	_ =	swait.ge [sflag:s22], s20  }
0x9f: {  	s3 =	ssub.s32 $0x0, s20;
	[sflag:s22] =	ssyncset.done $0x0  }
0xa0: {  	[sflag:s22] =	ssyncadd.s32 s3;
	_ =	sdelay $0x1  }
0xa1: {  	s23 =	simm.s32 $0x1B8B  }
0xa2: {  	_ =	swait.ge [sflag:s23], $0x1  }
0xa3: {  	[sflag:s23] =	ssyncset.done $0x0  }
0xa4: {  	s25 =	simm.s32 $0x1B8E;
	s24 =	sld [smem:$0x3FFE];
	[sflag:s23] =	ssyncadd.s32 $0xFFFFFFFF  }
0xa5: {  	s26 =	simm.s32 $execute0_lowered;
	[smem:$0x3FD2] =	sst s25  }
0xa6: {  	s4 =	sshll.u32 s26, $0x1;
	_ =	strace $0x80000046;
	[dreg:$0x1] =	wrdreg $0xFFFFFFFF  }
0xa7: {  	s28 =	simm.s32 $_size_execute0_lowered;
	s2 =	sadd.s32 s2, s4;
	[dreg:$0x0] =	wrdreg $0x0  }
0xa8: {  	s4 =	sshll.u32 s28, $0x1;
	[dreg:$0x2] =	wrdreg s2  }
0xa9: {  	[dreg:$0x3] =	wrdreg s4  }
0xaa: {  	[dreg:$0x4] =	wrdreg $0xC0  }
0xab: {  	_ =	task [dreg:s6], $0x5FFFF  }
0xac: {  	[dreg:$0x1] =	wrdreg $0xFFFFFFFF  }
0xad: {  	[dreg:$0x0] =	wrdreg $0x60  }
0xae: {  	[dreg:$0x2] =	wrdreg s24  }
0xaf: {  	[dreg:$0x3] =	wrdreg $0x92000  }
0xb0: {  	[dreg:$0x4] =	wrdreg $0x9  }
0xb1: {  	_ =	task.clear_ibuf [dreg:s6], $0x5FFFF;
	_ =	strace $0x90000046  }
0xb2: {  	s29 =	simm.s32 $0x9;
	_ =	strace $0x80000048  }
0xb3: {  	_ =	swait.ge [sflag:s29], $0x1  }
0xb4: {  	[sflag:s29] =	ssyncadd.s32 $0xFFFFFFFF  }
0xb5: {  	_ =	strace $0x90000048  }
0xb6: {  	_ =	sfence  }
0xb7: {  	s30 =	sld [smem:$0x0];
	_ =	sdelay $0x2  }
0xb8: {  	s31 =	sshll.u32 s1, $0xD;
	s1 =	sshrl.u32 s1, $0x2  }
0xb9: {  	s3 =	sand.u32 $0x4000, s31;
	s1 =	sadd.s32 s1, s30  }
0xba: {  	s0 =	sor.u32 s3, s0;
	s1 =	sshll.u32 s1, $0x11  }
0xbb: {  	s0 =	sor.u32 s1, s0  }
0xbc: {  	s0 =	sadd.s32 $0x8F2B, s0  }
0xbd: {  	[sflag:s0] =	ssyncadd.remote.s32 $0x1  }
0xbe: {  	_ =	sfence.sel $0xFFFF  }
0xbf: {  	[dreg:$0x0] =	wrdreg $0xFFFFFFFF;
	(pc) =	sbr.abs _section_cstart, $3  }
0xc0: {  	[dreg:$0x1] =	wrdreg $0xFFFFFFFF  }
0xc1: {  	_ =	task.clear_ibuf [dreg:s6], $0x2FFFF;
	_ =	strace $0x9FFFFFFF  }
0xc2: {  	(tm) =	ssettm $0x7FFFFFFF  }
0xc3: {  	_ =	shalt  }
tec
execute0_lowered:
.L_overlay_start_1:
0x0: {  	(tag) =	ssettag $0x1  }
0x1: {  	s0 =	rddreg [dreg:$0x0]  }
0x2: {  	s1 =	rddreg [dreg:$0x1];
	s2 =	srdreg.scid;
	s3 =	simm.s32 $0x0  }
0x3: {  	s20 =	stileid.u32;
	s28 =	simm.s32 $0x200;
	s29 =	simm.s32 $0x5200  }
0x4: {  	s30 =	simm.s32 $0x100;
	s31 =	simm.s32 $0x180;
	s2 =	sand.u32 $0x1, s2  }
0x5: {  	[smem:$0x7FF] =	sst s3;
	s6 =	sadd.s32 $0x33C00, s0;
	s8 =	smul.u32 $0x50000, s20  }
0x6: {  	s12 =	sadd.s32 $0x2A00, s0;
	s13 =	smul.u32 $0x14000, s20;
	s4 =	sshll.u32 s2, $0x4  }
0x7: {  	_ =	strace $0x80000047;
	s7 =	ssub.s32 $0x2, s2;
	s18 =	smul.u32 $0x140000, s2  }
0x8: {  	s2 =	smul.u32 $0x28000, s2;
	s5 =	sor.u32 s20, s4;
	s4 =	sadd.s32 $0xCA00, s0  }
0x9: {  	s9 =	sshrl.u32 s7, $0x1;
	s0 =	sadd.s32 $0x51C00, s0;
	s23 =	sshrl.u32 s8, $0x2  }
0xa: {  	s15 =	sadd.s32 $0x4000, s13;
	s16 =	sadd.s32 $0x8000, s13;
	s17 =	sadd.s32 $0xC000, s13  }
0xb: {  	s19 =	sadd.s32 $0x10000, s13;
	s5 =	smul.u32 $0x2800, s5;
	s14 =	ssub.s32 s7, s9  }
0xc: {  	s7 =	sadd.s32 s23, s1;
	s8 =	sadd.s32 s15, s1;
	s9 =	sadd.s32 s16, s1  }
0xd: {  	s10 =	sadd.s32 s17, s1;
	s11 =	sadd.s32 s19, s1;
	s13 =	sadd.s32 s13, s18  }
0xe: {  	s15 =	sadd.s32 s18, s15;
	s16 =	sadd.s32 s18, s16;
	s13 =	sshrl.u32 s13, $0x3  }
0xf: {  	s17 =	sadd.s32 s18, s17;
	s15 =	sshrl.u32 s15, $0x3;
	s13 =	sadd.s32 s0, s13  }
0x10: {  	s5 =	sshrl.u32 s5, $0x3;
	s25 =	sadd.s32 s0, s15;
	[dreg:$0x5] =	wrdreg s13  }
0x11: {  	s21 =	sadd.s32 s18, s19;
	s22 =	sadd.s32 s6, s5;
	[dreg:$0x6] =	wrdreg s25  }
0x12: {  	s26 =	sshrl.u32 s16, $0x3;
	s24 =	sadd.s32 s12, s5;
	[dreg:$0x3] =	wrdreg s22  }
0x13: {  	s15 =	sshrl.u32 s17, $0x3;
	s13 =	sadd.s32 s0, s26;
	[dreg:$0x4] =	wrdreg s24  }
0x14: {  	s16 =	sshrl.u32 s21, $0x3;
	s23 =	sadd.s32 s0, s15;
	[dreg:$0x7] =	wrdreg s13  }
0x15: {  	s0 =	sadd.s32 s0, s16;
	s22 =	smul.u32 $0x2800, s20;
	[dreg:$0x8] =	wrdreg s23  }
0x16: {  	s17 =	smax.u32 s14, $0x1;
	[dreg:$0x9] =	wrdreg s0;
	s24 =	sadd.s32 $0x4F6, s5  }
0x17: {  	s0 =	simm.s32 $0x2A00;
	s5 =	simm.s32 $0x2;
	s2 =	sadd.s32 s22, s2  }
0x18: {  	s18 =	sadd.s32 s6, s24;
	s19 =	sadd.s32 s12, s24;
	s25 =	sor.u32 $0xA0, s2  }
0x19: {  	s24 =	simm.s32 $0x3;
	s2 =	sor.u32 $0x50, s2;
	s26 =	sshrl.u32 s25, $0x3  }
0x1a: {  	s2 =	sshrl.u32 s2, $0x3;
	s25 =	simm.s32 $0x80;
	s20 =	sadd.s32 s26, s12  }
0x1b: {  	s21 =	sadd.s32 s26, s6;
	s22 =	sadd.s32 s2, s12;
	s23 =	sadd.s32 s2, s6  }
0x1c: {  	v0 =	vimm.f32 $0.0e+00;
	s26 =	simm.s32 $0x50;
	s2 =	simm.s32 $0x1;
	s6 =	simm.s32 $0x0  }
.LBB2_1:
0x1d: {  	s12 =	rddreg [dreg:$0x3]  }
0x1e: {  	[tilespmem:s3], [sflag:$0x3] =	stream.linear.gather [hbm4b:s12+s3], $0x50, $0x38;
	[tilespmem:$0x1D200] =	vst v63  }
0x1f: {  	_ =	swait.ge [sflag:s24], $0x50  }
0x20: {  	[sflag:s24] =	ssyncset.done $0x0  }
0x21: {  	s16 =	rddreg [dreg:$0x4];
	[sflag:s24] =	ssyncadd.s32 $0xFFFFFFB0  }
0x22: {  	[tilespmem:s25], [sflag:$0x3] =	stream.linear.gather [hbm4b:s16+s3], $0x50, $0x38;
	[tilespmem:$0x1D200] =	vst v63  }
0x23: {  	_ =	swait.ge [sflag:s24], $0x50  }
0x24: {  	[sflag:s24] =	ssyncset.done $0x0  }
0x25: {  	s13 =	simm.s32 $0x200;
	s12 =	simm.s32 $0x0;
	[sflag:s24] =	ssyncadd.s32 $0xFFFFFFB0  }
0x26: {  	[tilespmem:s28], [sflag:$0x1] =	stream.indirect.gather [hbm4b:s4+s26], $0x80, s3, s26, $0xb8;
	[tilespmem:$0x1D200] =	vst v63  }
.LBB2_2:
0x27: {  	p0 =	sne.s32 s13, $0xFE00;
	[tilespmem:s12+$0x5270] =	vst v0  }
0x28: {  	[tilespmem:s12+$0x5200] =	vst v0  }
0x29: {  	[tilespmem:s12+$0x5210] =	vst v0  }
.Ltmp0:
0x2a: {  	[tilespmem:s12+$0x5220] =	vst v0;
	(pc) =	sbr.rel @p0 .LBB2_2-.Ltmp0, $4  }
0x2b: {  	[tilespmem:s12+$0x5230] =	vst v0  }
0x2c: {  	[tilespmem:s12+$0x5240] =	vst v0  }
0x2d: {  	[tilespmem:s12+$0x5250] =	vst v0  }
0x2e: {  	[tilespmem:s12+$0x5260] =	vst v0;
	s12 =	sshra.s32 s13, $0x2;
	s13 =	sadd.s32 $0x200, s13  }
0x2f: {  	[tilespmem:s12+$0x5270] =	vst v0  }
0x30: {  	[tilespmem:s12+$0x5200] =	vst v0  }
0x31: {  	[tilespmem:s12+$0x5210] =	vst v0  }
0x32: {  	[tilespmem:s12+$0x5220] =	vst v0  }
0x33: {  	[tilespmem:s12+$0x5230] =	vst v0  }
0x34: {  	[tilespmem:s12+$0x5240] =	vst v0  }
0x35: {  	[tilespmem:s12+$0x5250] =	vst v0  }
0x36: {  	[tilespmem:s12+$0x5260] =	vst v0  }
0x37: {  	[spmem:s7] =	stream.linear.scatter [tilespmem:s29], [sflag:$0x3], $0x4000, $0x38;
	[tilespmem:$0x1D200] =	vst v63  }
0x38: {  	_ =	swait.ge [sflag:s24], $0x4000  }
0x39: {  	[sflag:s24] =	ssyncset.done $0x0  }
0x3a: {  	[sflag:s24] =	ssyncadd.s32 $0xFFFFC000  }
0x3b: {  	[spmem:s8] =	stream.linear.scatter [tilespmem:s29], [sflag:$0x3], $0x4000, $0x38;
	[tilespmem:$0x1D200] =	vst v63  }
0x3c: {  	_ =	swait.ge [sflag:s24], $0x4000  }
0x3d: {  	[sflag:s24] =	ssyncset.done $0x0  }
0x3e: {  	[sflag:s24] =	ssyncadd.s32 $0xFFFFC000  }
0x3f: {  	[spmem:s9] =	stream.linear.scatter [tilespmem:s29], [sflag:$0x3], $0x4000, $0x38;
	[tilespmem:$0x1D200] =	vst v63  }
0x40: {  	_ =	swait.ge [sflag:s24], $0x4000  }
0x41: {  	[sflag:s24] =	ssyncset.done $0x0  }
0x42: {  	[sflag:s24] =	ssyncadd.s32 $0xFFFFC000  }
0x43: {  	[spmem:s10] =	stream.linear.scatter [tilespmem:s29], [sflag:$0x3], $0x4000, $0x38;
	[tilespmem:$0x1D200] =	vst v63  }
0x44: {  	_ =	swait.ge [sflag:s24], $0x4000  }
0x45: {  	[sflag:s24] =	ssyncset.done $0x0  }
0x46: {  	[sflag:s24] =	ssyncadd.s32 $0xFFFFC000  }
0x47: {  	[spmem:s11] =	stream.linear.scatter [tilespmem:s29], [sflag:$0x3], $0x4000, $0x38;
	[tilespmem:$0x1D200] =	vst v63  }
0x48: {  	_ =	swait.ge [sflag:s24], $0x4000  }
0x49: {  	[sflag:s24] =	ssyncset.done $0x0  }
0x4a: {  	[sflag:s24] =	ssyncadd.s32 $0xFFFFC000  }
0x4b: {  	s13 =	sadd.s32 $0x0, s23;
	[bflag:$0x0] =	sbarrier.arrive $0xFFFF  }
0x4c: {  	[tilespmem:s30], [sflag:$0x3] =	stream.linear.gather [hbm4b:s13+s3], $0x50, $0x38;
	[tilespmem:$0x1D200] =	vst v63  }
0x4d: {  	_ =	swait.ge [sflag:s24], $0x50  }
0x4e: {  	[sflag:s24] =	ssyncset.done $0x0  }
0x4f: {  	s14 =	sadd.s32 $0x0, s22;
	[sflag:s24] =	ssyncadd.s32 $0xFFFFFFB0  }
0x50: {  	[tilespmem:s31], [sflag:$0x3] =	stream.linear.gather [hbm4b:s14+s3], $0x50, $0x38;
	[tilespmem:$0x1D200] =	vst v63  }
0x51: {  	_ =	swait.ge [sflag:s24], $0x50  }
0x52: {  	[sflag:s24] =	ssyncset.done $0x0  }
0x53: {  	[sflag:s24] =	ssyncadd.s32 $0xFFFFFFB0  }
0x54: {  	[tilespmem:s0], [sflag:$0x2] =	stream.indirect.gather [hbm4b:s4+s26], $0x80, s30, s26, $0xb8;
	[tilespmem:$0x1D200] =	vst v63  }
0x55: {  	_ =	swait.ge [sflag:s2], $0x2800  }
0x56: {  	[sflag:s2] =	ssyncset.done $0x0  }
0x57: {  	[sflag:s2] =	ssyncadd.s32 $0xFFFFD800  }
0x58: {  	[spmem:s1] =	stream.indirect.scatter.add.f32 [tilespmem:s28], [sflag:$0x3], $0x80, s25, s26, $0xb8;
	[tilespmem:$0x1D200] =	vst v63  }
0x59: {  	_ =	swait.ge [sflag:s24], $0x2800  }
0x5a: {  	[sflag:s24] =	ssyncset.done $0x0  }
0x5b: {  	s15 =	sadd.s32 $0x0, s21;
	[sflag:s24] =	ssyncadd.s32 $0xFFFFD800  }
0x5c: {  	[tilespmem:s3], [sflag:$0x3] =	stream.linear.gather [hbm4b:s15+s3], $0x50, $0x38;
	[tilespmem:$0x1D200] =	vst v63  }
0x5d: {  	_ =	swait.ge [sflag:s24], $0x50  }
0x5e: {  	[sflag:s24] =	ssyncset.done $0x0  }
0x5f: {  	s16 =	sadd.s32 $0x0, s20;
	[sflag:s24] =	ssyncadd.s32 $0xFFFFFFB0  }
0x60: {  	[tilespmem:s25], [sflag:$0x3] =	stream.linear.gather [hbm4b:s16+s3], $0x50, $0x38;
	[tilespmem:$0x1D200] =	vst v63  }
0x61: {  	_ =	swait.ge [sflag:s24], $0x50  }
0x62: {  	[sflag:s24] =	ssyncset.done $0x0  }
0x63: {  	[sflag:s24] =	ssyncadd.s32 $0xFFFFFFB0  }
0x64: {  	[tilespmem:s28], [sflag:$0x1] =	stream.indirect.gather [hbm4b:s4+s26], $0x80, s3, s26, $0xb8;
	[tilespmem:$0x1D200] =	vst v63  }
0x65: {  	_ =	swait.ge [sflag:s5], $0x2800  }
0x66: {  	[sflag:s5] =	ssyncset.done $0x0  }
0x67: {  	[sflag:s5] =	ssyncadd.s32 $0xFFFFD800  }
0x68: {  	[spmem:s1] =	stream.indirect.scatter.add.f32 [tilespmem:s0], [sflag:$0x3], $0x80, s31, s26, $0xb8;
	[tilespmem:$0x1D200] =	vst v63  }
0x69: {  	_ =	swait.ge [sflag:s24], $0x2800  }
0x6a: {  	s12 =	simm.s32 $0x14;
	s13 =	simm.s32 $0x28;
	[sflag:s24] =	ssyncset.done $0x0  }
.LBB2_4:
0x6b: {  	s15 =	sadd.s32 s12, s23  }
0x6c: {  	[sflag:s24] =	ssyncadd.s32 $0xFFFFD800;
	s16 =	smov.u32 s13;
	s14 =	sadd.s32 $0x14, s13  }
0x6d: {  	[tilespmem:s30], [sflag:$0x3] =	stream.linear.gather [hbm4b:s15+s3], $0x50, $0x38;
	[tilespmem:$0x1D200] =	vst v63  }
0x6e: {  	p0 =	sne.s32 s13, $0x4D8;
	_ =	swait.ge [sflag:s24], $0x50  }
0x6f: {  	[sflag:s24] =	ssyncset.done $0x0  }
0x70: {  	s13 =	sadd.s32 s12, s22;
	[sflag:s24] =	ssyncadd.s32 $0xFFFFFFB0  }
0x71: {  	[tilespmem:s31], [sflag:$0x3] =	stream.linear.gather [hbm4b:s13+s3], $0x50, $0x38;
	[tilespmem:$0x1D200] =	vst v63  }
0x72: {  	_ =	swait.ge [sflag:s24], $0x50  }
0x73: {  	[sflag:s24] =	ssyncset.done $0x0  }
0x74: {  	[sflag:s24] =	ssyncadd.s32 $0xFFFFFFB0  }
0x75: {  	[tilespmem:s0], [sflag:$0x2] =	stream.indirect.gather [hbm4b:s4+s26], $0x80, s30, s26, $0xb8;
	[tilespmem:$0x1D200] =	vst v63  }
0x76: {  	_ =	swait.ge [sflag:s2], $0x2800  }
0x77: {  	[sflag:s2] =	ssyncset.done $0x0  }
0x78: {  	[sflag:s2] =	ssyncadd.s32 $0xFFFFD800  }
0x79: {  	[spmem:s1] =	stream.indirect.scatter.add.f32 [tilespmem:s28], [sflag:$0x3], $0x80, s25, s26, $0xb8;
	[tilespmem:$0x1D200] =	vst v63  }
0x7a: {  	_ =	swait.ge [sflag:s24], $0x2800  }
0x7b: {  	[sflag:s24] =	ssyncset.done $0x0  }
0x7c: {  	s13 =	sadd.s32 s12, s21;
	[sflag:s24] =	ssyncadd.s32 $0xFFFFD800  }
0x7d: {  	[tilespmem:s3], [sflag:$0x3] =	stream.linear.gather [hbm4b:s13+s3], $0x50, $0x38;
	[tilespmem:$0x1D200] =	vst v63  }
0x7e: {  	_ =	swait.ge [sflag:s24], $0x50  }
0x7f: {  	[sflag:s24] =	ssyncset.done $0x0  }
0x80: {  	s13 =	sadd.s32 s12, s20;
	s12 =	smov.u32 s16;
	[sflag:s24] =	ssyncadd.s32 $0xFFFFFFB0  }
0x81: {  	[tilespmem:s25], [sflag:$0x3] =	stream.linear.gather [hbm4b:s13+s3], $0x50, $0x38;
	[tilespmem:$0x1D200] =	vst v63  }
0x82: {  	_ =	swait.ge [sflag:s24], $0x50  }
0x83: {  	[sflag:s24] =	ssyncset.done $0x0  }
0x84: {  	[sflag:s24] =	ssyncadd.s32 $0xFFFFFFB0  }
0x85: {  	[tilespmem:s28], [sflag:$0x1] =	stream.indirect.gather [hbm4b:s4+s26], $0x80, s3, s26, $0xb8;
	[tilespmem:$0x1D200] =	vst v63  }
0x86: {  	_ =	swait.ge [sflag:s5], $0x2800  }
.Ltmp1:
0x87: {  	[sflag:s5] =	ssyncset.done $0x0;
	(pc) =	sbr.rel @p0 .LBB2_4-.Ltmp1, $4  }
0x88: {  	[sflag:s5] =	ssyncadd.s32 $0xFFFFD800  }
0x89: {  	[spmem:s1] =	stream.indirect.scatter.add.f32 [tilespmem:s0], [sflag:$0x3], $0x80, s31, s26, $0xb8;
	[tilespmem:$0x1D200] =	vst v63  }
0x8a: {  	_ =	swait.ge [sflag:s24], $0x2800  }
0x8b: {  	s13 =	smov.u32 s14;
	[sflag:s24] =	ssyncset.done $0x0  }
0x8c: {  	s13 =	sadd.s32 s12, s23;
	[sflag:s24] =	ssyncadd.s32 $0xFFFFD800  }
0x8d: {  	[tilespmem:s30], [sflag:$0x3] =	stream.linear.gather [hbm4b:s13+s3], $0x50, $0x38;
	[tilespmem:$0x1D200] =	vst v63  }
0x8e: {  	_ =	swait.ge [sflag:s24], $0x50  }
0x8f: {  	[sflag:s24] =	ssyncset.done $0x0  }
0x90: {  	s15 =	sadd.s32 s12, s22;
	[sflag:s24] =	ssyncadd.s32 $0xFFFFFFB0  }
0x91: {  	[tilespmem:s31], [sflag:$0x3] =	stream.linear.gather [hbm4b:s15+s3], $0x50, $0x38;
	[tilespmem:$0x1D200] =	vst v63  }
0x92: {  	_ =	swait.ge [sflag:s24], $0x50  }
0x93: {  	[sflag:s24] =	ssyncset.done $0x0  }
0x94: {  	[sflag:s24] =	ssyncadd.s32 $0xFFFFFFB0  }
0x95: {  	[tilespmem:s0], [sflag:$0x2] =	stream.indirect.gather [hbm4b:s4+s26], $0x80, s30, s26, $0xb8;
	[tilespmem:$0x1D200] =	vst v63  }
0x96: {  	_ =	swait.ge [sflag:s2], $0x2800  }
0x97: {  	[sflag:s2] =	ssyncset.done $0x0  }
0x98: {  	[sflag:s2] =	ssyncadd.s32 $0xFFFFD800  }
0x99: {  	[spmem:s1] =	stream.indirect.scatter.add.f32 [tilespmem:s28], [sflag:$0x3], $0x80, s25, s26, $0xb8;
	[tilespmem:$0x1D200] =	vst v63  }
0x9a: {  	_ =	swait.ge [sflag:s24], $0x2800  }
0x9b: {  	[sflag:s24] =	ssyncset.done $0x0  }
0x9c: {  	s16 =	sadd.s32 s12, s21;
	[sflag:s24] =	ssyncadd.s32 $0xFFFFD800  }
0x9d: {  	[tilespmem:s3], [sflag:$0x3] =	stream.linear.gather [hbm4b:s16+s3], $0x50, $0x38;
	[tilespmem:$0x1D200] =	vst v63  }
0x9e: {  	_ =	swait.ge [sflag:s24], $0x50  }
0x9f: {  	[sflag:s24] =	ssyncset.done $0x0  }
0xa0: {  	s14 =	sadd.s32 s12, s20;
	[sflag:s24] =	ssyncadd.s32 $0xFFFFFFB0  }
0xa1: {  	[tilespmem:s25], [sflag:$0x3] =	stream.linear.gather [hbm4b:s14+s3], $0x50, $0x38;
	[tilespmem:$0x1D200] =	vst v63  }
0xa2: {  	_ =	swait.ge [sflag:s24], $0x50  }
0xa3: {  	[sflag:s24] =	ssyncset.done $0x0  }
0xa4: {  	[sflag:s24] =	ssyncadd.s32 $0xFFFFFFB0  }
0xa5: {  	[tilespmem:s28], [sflag:$0x1] =	stream.indirect.gather [hbm4b:s4+s26], $0x80, s3, s26, $0xb8;
	[tilespmem:$0x1D200] =	vst v63  }
0xa6: {  	_ =	swait.ge [sflag:s5], $0x2800  }
0xa7: {  	[sflag:s5] =	ssyncset.done $0x0  }
0xa8: {  	[sflag:s5] =	ssyncadd.s32 $0xFFFFD800  }
0xa9: {  	[spmem:s1] =	stream.indirect.scatter.add.f32 [tilespmem:s0], [sflag:$0x3], $0x80, s31, s26, $0xb8;
	[tilespmem:$0x1D200] =	vst v63  }
0xaa: {  	_ =	swait.ge [sflag:s24], $0x2800  }
0xab: {  	[sflag:s24] =	ssyncset.done $0x0  }
0xac: {  	[sflag:s24] =	ssyncadd.s32 $0xFFFFD800  }
0xad: {  	[tilespmem:s30], [sflag:$0x3] =	stream.linear.gather [hbm4b:s18+s3], $0x50, $0x38;
	[tilespmem:$0x1D200] =	vst v63  }
0xae: {  	_ =	swait.ge [sflag:s24], $0x50  }
0xaf: {  	[sflag:s24] =	ssyncset.done $0x0  }
0xb0: {  	[sflag:s24] =	ssyncadd.s32 $0xFFFFFFB0  }
0xb1: {  	[tilespmem:s31], [sflag:$0x3] =	stream.linear.gather [hbm4b:s19+s3], $0x50, $0x38;
	[tilespmem:$0x1D200] =	vst v63  }
0xb2: {  	_ =	swait.ge [sflag:s24], $0x50  }
0xb3: {  	[sflag:s24] =	ssyncset.done $0x0  }
0xb4: {  	[sflag:s24] =	ssyncadd.s32 $0xFFFFFFB0  }
0xb5: {  	[tilespmem:s0], [sflag:$0x2] =	stream.indirect.gather [hbm4b:s4+s26], $0x80, s30, s26, $0xb8;
	[tilespmem:$0x1D200] =	vst v63  }
0xb6: {  	_ =	swait.ge [sflag:s2], $0x2800  }
0xb7: {  	[sflag:s2] =	ssyncset.done $0x0  }
0xb8: {  	[sflag:s2] =	ssyncadd.s32 $0xFFFFD800  }
0xb9: {  	[spmem:s1] =	stream.indirect.scatter.add.f32 [tilespmem:s28], [sflag:$0x3], $0x80, s25, s26, $0xb8;
	[tilespmem:$0x1D200] =	vst v63  }
0xba: {  	_ =	swait.ge [sflag:s24], $0x2800  }
0xbb: {  	[sflag:s24] =	ssyncset.done $0x0  }
0xbc: {  	[sflag:s24] =	ssyncadd.s32 $0xFFFFD800  }
0xbd: {  	_ =	swait.ge [sflag:s5], $0x2800  }
0xbe: {  	[sflag:s5] =	ssyncset.done $0x0  }
0xbf: {  	[sflag:s5] =	ssyncadd.s32 $0xFFFFD800  }
0xc0: {  	[spmem:s1] =	stream.indirect.scatter.add.f32 [tilespmem:s0], [sflag:$0x3], $0x80, s31, s26, $0xb8;
	[tilespmem:$0x1D200] =	vst v63  }
0xc1: {  	_ =	swait.ge [sflag:s24], $0x2800  }
0xc2: {  	[sflag:s24] =	ssyncset.done $0x0  }
0xc3: {  	s15 =	stileid.u32;
	[sflag:s24] =	ssyncadd.s32 $0xFFFFD800  }
0xc4: {  	s12 =	sshll.u32 s15, $0x6;
	[bflag:$0x0] =	sbarrier.arrive $0xFFFF  }
0xc5: {  	s12 =	sor.u32 $0x1C03, s12;
	s16 =	sshrl.u32 s7, $0x3;
	s14 =	rddreg [dreg:$0x5]  }
0xc6: {  	[hbm:s14], [sflag:s12] =	dma.local [spmem:s16], $0x800  }
0xc7: {  	_ =	swait.ge [sflag:s24], $0x800  }
0xc8: {  	[sflag:s24] =	ssyncset.done $0x0  }
0xc9: {  	s15 =	sshrl.u32 s8, $0x3;
	s16 =	rddreg [dreg:$0x6];
	[sflag:s24] =	ssyncadd.s32 $0xFFFFF800  }
0xca: {  	[hbm:s16], [sflag:s12] =	dma.local [spmem:s15], $0x800  }
0xcb: {  	_ =	swait.ge [sflag:s24], $0x800  }
0xcc: {  	[sflag:s24] =	ssyncset.done $0x0  }
0xcd: {  	s15 =	sshrl.u32 s9, $0x3;
	s16 =	rddreg [dreg:$0x7];
	[sflag:s24] =	ssyncadd.s32 $0xFFFFF800  }
0xce: {  	[hbm:s16], [sflag:s12] =	dma.local [spmem:s15], $0x800  }
0xcf: {  	_ =	swait.ge [sflag:s24], $0x800  }
0xd0: {  	[sflag:s24] =	ssyncset.done $0x0  }
0xd1: {  	s15 =	sshrl.u32 s10, $0x3;
	s16 =	rddreg [dreg:$0x8];
	[sflag:s24] =	ssyncadd.s32 $0xFFFFF800  }
0xd2: {  	[hbm:s16], [sflag:s12] =	dma.local [spmem:s15], $0x800  }
0xd3: {  	s6 =	sadd.s32 $0x1, s6;
	_ =	swait.ge [sflag:s24], $0x800  }
0xd4: {  	p0 =	sne.s32 s6, s17;
	s15 =	sshrl.u32 s11, $0x3;
	[sflag:s24] =	ssyncset.done $0x0  }
.Ltmp2:
0xd5: {  	s16 =	rddreg [dreg:$0x9];
	[sflag:s24] =	ssyncadd.s32 $0xFFFFF800;
	(pc) =	sbr.rel @p0 .LBB2_1-.Ltmp2, $4  }
0xd6: {  	[hbm:s16], [sflag:s12] =	dma.local [spmem:s15], $0x800  }
0xd7: {  	_ =	swait.ge [sflag:s24], $0x800  }
0xd8: {  	[sflag:s24] =	ssyncset.done $0x0  }
0xd9: {  	[sflag:s24] =	ssyncadd.s32 $0xFFFFF800  }
0xda: {  	_ =	sfence.sel $0x180000  }
0xdb: {  	[bflag:$0x0] =	sbarrier.arrive $0xFFFF  }
0xdc: {  	_ =	strace $0x90000047  }
0xdd: {  	s0 =	stileid.u32;
	[bflag:$0x2] =	sbarrier.arrive $0xFFFF  }
0xde: {  	p0 =	sne.s32 s0, $0x0;
	s0 =	rddreg [dreg:$0x2]  }
0xdf: {  	s0 =	sadd.s32 @!p0 $0x100000, s0  }
0xe0: {  	[sflag:s0] =	ssyncadd.tile.s32 @!p0 $0x1;
	_ =	shalt  }
.Lfunc_end2:
_tile_overlayer_lowered:
.L_overlay_start_2:
0xe1: {  	(tag) =	ssettag $0x2  }
0xe2: {  	s0 =	rddreg [dreg:$0x0];
	s2 =	stileid.u32  }
0xe3: {  	s1 =	rddreg [dreg:$0x1];
	p0 =	sne.s32 s2, $0x0  }
0xe4: {  	s3 =	rddreg [dreg:$0x2];
	[bflag:$0x3] =	sbarrier.arrive $0xFFFF;
	s2 =	simm.s32 @!p0 $0x1C03  }
0xe5: {  	[timem:s3], [sflag:s2] =	dma.local @!p0 [hbm:s0], s1  }
0xe6: {  	s0 =	simm.s32 @!p0 $0x3  }
0xe7: {  	_ =	swait.ge @!p0 [sflag:s0], s1  }
0xe8: {  	s1 =	ssub.s32 @!p0 $0x0, s1;
	[sflag:s0] =	ssyncset.done @!p0 $0x0  }
0xe9: {  	[sflag:s0] =	ssyncadd.s32 @!p0 s1  }
0xea: {  	[bflag:$0x3] =	sbarrier.arrive $0xFFFF  }
0xeb: {  	_ =	shalt  }

// kernel: kernel.13.cloned.1.call-start
scs
__scs_entry_jumppad:
0x0: {  	(pc) =	sbr.rel $0x88, $3  }
0x1: {  	(tag) =	ssettag $0x0;
	lr =	simm.s32 $0x1  }
0x2: {  	[smem:$0x3F89] =	sst lr;
	_ =	strace $0xD0000000  }
0x3: {  	_ = 	snop  }
0x4: {  	_ = 	snop  }
0x5: {  	_ = 	snop  }
0x6: {  	_ = 	snop  }
0x7: {  	_ = 	snop  }
__scs_overlays_trampoline_lowered:
0x8: {  	[smem:$0x3F98] =	sst s0  }
0x9: {  	[smem:$0x3F99] =	sst s1  }
0xa: {  	[smem:$0x3F9A] =	sst s2  }
0xb: {  	[smem:$0x3F9B] =	sst s3  }
0xc: {  	[smem:$0x3F9C] =	sst s4  }
0xd: {  	[smem:$0x3F9D] =	sst s5  }
0xe: {  	[smem:$0x3F9E] =	sst s6  }
0xf: {  	[smem:$0x3F9F] =	sst s7  }
0x10: {  	[smem:$0x3FA0] =	sst s8  }
0x11: {  	[smem:$0x3FA1] =	sst s9;
	s0 =	simm.s32 @!p0 $0x0  }
0x12: {  	s1 =	sld [smem:$0x3F87];
	s0 =	simm.s32 @p0 $0x1  }
0x13: {  	[smem:$0x3FA2] =	sst s0;
	s0 =	simm.s32 @!p1 $0x0  }
0x14: {  	s2 =	sld [smem:$0x3F86];
	s0 =	simm.s32 @p1 $0x1  }
0x15: {  	[smem:$0x3FA3] =	sst s0;
	s0 =	simm.s32 @!p2 $0x0  }
0x16: {  	s3 =	sld [smem:$0x3FDB];
	s0 =	simm.s32 @p2 $0x1  }
0x17: {  	s4 =	simm.s32 $0x1BF5;
	[smem:$0x3FA5] =	sst s0  }
0x18: {  	s0 =	sld [smem:$0x3F88];
	_ =	swait.ge [sflag:s4], $0x0  }
0x19: {  	s7 =	sld [smem:$0x3F89]  }
0x1a: {  	s8 =	sadd.s32 $0xFFFFE003, lr  }
0x1b: {  	s9 =	sadd.s32 $0xFFFFFEF7, lr;
	s5 =	simm.s32 $0xFFFFFFFF;
	p2 =	slt.u32 s8, $0xFFFFF086  }
0x1c: {  	p1 =	slt.u32 s9, $0xF7A;
	s5 =	simm.s32 @!p2 $0x0  }
0x1d: {  	s5 =	simm.s32 @p1 $0x1;
	p0 =	seq.s32 s7, s2  }
0x1e: {  	s7 =	smul.u32 @!p0 $0xF7A, s2;
	p2 =	seq.s32 @!p0 s5, $0x0  }
0x1f: {  	s9 =	smul.u32 $0xF7A, s1;
	s8 =	simm.s32 @!p0 $0x1BF5;
	p2 =	por !p2, p0  }
0x20: {  	[sflag:s8] =	ssyncset.s32 @!p0 $0xFFFFF086;
	s6 =	sadd.s32 @!p0 s3, s7;
	s7 =	simm.s32 @!p0 $0x108  }
0x21: {  	s3 =	sadd.s32 s3, s9;
	s6 =	sadd.s32 @!p0 $0x88, s6;
	s7 =	simm.s32 @p2 $0x1082  }
0x22: {  	[simem:s7], [sflag:s8] =	dma.local @!p0 [hbm:s6], $0xF7A  }
0x23: {  	s9 =	sor.u32 $0xD0000000, s2;
	s6 =	simm.s32 $0x108;
	_ =	swait.ge @!p0 [sflag:s8], $0x0  }
0x24: {  	s3 =	sadd.s32 $0x88, s3;
	s6 =	simm.s32 @!p1 $0x1082;
	[sflag:s4] =	ssyncset.s32 $0xFFFFF086  }
0x25: {  	[simem:s6], [sflag:s4] =	dma.local [hbm:s3], $0xF7A  }
0x26: {  	[smem:$0x3F89] =	sst s1;
	(tag) =	ssettag s2;
	_ =	strace s9  }
0x27: {  	s1 =	sld [smem:$0x3F99]  }
0x28: {  	s2 =	sld [smem:$0x3F9A]  }
0x29: {  	s4 =	sld [smem:$0x3F9C]  }
0x2a: {  	p0 =	seq.s32 s5, $0x0;
	s5 =	sld [smem:$0x3F9D]  }
0x2b: {  	s6 =	sld [smem:$0x3F9E]  }
0x2c: {  	s7 =	sld [smem:$0x3F9F]  }
0x2d: {  	s3 =	simm.s32 $0x108;
	s8 =	sld [smem:$0x3FA0]  }
0x2e: {  	s3 =	simm.s32 @!p0 $0x1082;
	s9 =	sld [smem:$0x3FA1]  }
0x2f: {  	lr =	sadd.s32 s0, s3;
	s0 =	sld [smem:$0x3F98]  }
0x30: {  	s3 =	sld [smem:$0x3F9B]  }
0x31: {  	[smem:$0x3FA4] =	sst s10  }
0x32: {  	s10 =	sld [smem:$0x3FA2];
	_ =	sdelay $0x3  }
0x33: {  	p0 =	seq.s32 s10, $0x1;
	s10 =	sld [smem:$0x3FA4];
	_ =	sdelay $0x3  }
0x34: {  	[smem:$0x3FA4] =	sst s10  }
0x35: {  	s10 =	sld [smem:$0x3FA3];
	_ =	sdelay $0x3  }
0x36: {  	p1 =	seq.s32 s10, $0x1;
	s10 =	sld [smem:$0x3FA4];
	_ =	sdelay $0x3  }
0x37: {  	[smem:$0x3FA4] =	sst s10  }
0x38: {  	s10 =	sld [smem:$0x3FA5]  }
0x39: {  	_ = 	snop;
	(pc) =	sbr.ind lr, $3  }
0x3a: {  	_ = 	snop  }
0x3b: {  	_ = 	snop  }
0x3c: {  	p2 =	seq.s32 s10, $0x1;
	s10 =	sld [smem:$0x3FA4]  }
0x3d: {  	_ =	shalt  }
0x3e: {  	_ =	shalt  }
0x3f: {  	_ =	shalt  }
0x40: {  	_ =	shalt  }
0x41: {  	_ =	shalt  }
0x42: {  	_ =	shalt  }
0x43: {  	_ =	shalt  }
0x44: {  	_ =	shalt  }
0x45: {  	_ =	shalt  }
0x46: {  	_ =	shalt  }
0x47: {  	_ =	shalt  }
0x48: {  	_ =	shalt  }
0x49: {  	_ =	shalt  }
0x4a: {  	_ =	shalt  }
0x4b: {  	_ =	shalt  }
0x4c: {  	_ =	shalt  }
0x4d: {  	_ =	shalt  }
0x4e: {  	_ =	shalt  }
0x4f: {  	_ =	shalt  }
0x50: {  	_ =	shalt  }
0x51: {  	_ =	shalt  }
0x52: {  	_ =	shalt  }
0x53: {  	_ =	shalt  }
0x54: {  	_ =	shalt  }
0x55: {  	_ =	shalt  }
0x56: {  	_ =	shalt  }
0x57: {  	_ =	shalt  }
0x58: {  	_ =	shalt  }
0x59: {  	_ =	shalt  }
0x5a: {  	_ =	shalt  }
0x5b: {  	_ =	shalt  }
0x5c: {  	_ =	shalt  }
0x5d: {  	_ =	shalt  }
0x5e: {  	_ =	shalt  }
0x5f: {  	_ =	shalt  }
0x60: {  	_ =	shalt  }
0x61: {  	_ =	shalt  }
0x62: {  	_ =	shalt  }
0x63: {  	_ =	shalt  }
0x64: {  	_ =	shalt  }
0x65: {  	_ =	shalt  }
0x66: {  	_ =	shalt  }
0x67: {  	_ =	shalt  }
0x68: {  	_ =	shalt  }
0x69: {  	_ =	shalt  }
0x6a: {  	_ =	shalt  }
0x6b: {  	_ =	shalt  }
0x6c: {  	_ =	shalt  }
0x6d: {  	_ =	shalt  }
0x6e: {  	_ =	shalt  }
0x6f: {  	_ =	shalt  }
0x70: {  	_ =	shalt  }
0x71: {  	_ =	shalt  }
0x72: {  	_ =	shalt  }
0x73: {  	_ =	shalt  }
0x74: {  	_ =	shalt  }
0x75: {  	_ =	shalt  }
0x76: {  	_ =	shalt  }
0x77: {  	_ =	shalt  }
0x78: {  	_ =	shalt  }
0x79: {  	_ =	shalt  }
0x7a: {  	_ =	shalt  }
0x7b: {  	_ =	shalt  }
0x7c: {  	_ =	shalt  }
0x7d: {  	_ =	shalt  }
0x7e: {  	_ =	shalt  }
0x7f: {  	_ =	shalt  }
0x80: {  	_ =	shalt  }
0x81: {  	_ =	shalt  }
0x82: {  	_ =	shalt  }
0x83: {  	_ =	shalt  }
0x84: {  	_ =	shalt  }
0x85: {  	_ =	shalt  }
0x86: {  	_ =	shalt  }
0x87: {  	_ =	shalt  }
.Lfunc_end0:
.L_simem_size_0:
called_computation.1_lowered:
.L_overlay_start_0:
0x88: {  	s2 =	sld [smem:$0x3FD9]  }
0x89: {  	s3 =	sld [smem:$0x3FFE];
	_ =	sdelay $0x1  }
0x8a: {  	s1 =	srdreg.scid  }
0x8b: {  	s0 =	sand.u32 $0x1, s1  }
0x8c: {  	s16 =	sshll.u32 s0, $0xA;
	s2 =	sadd.s32 s3, s2  }
0x8d: {  	s2 =	sadd.s32 s2, s16  }
0x8e: {  	[smem:$0x3FB0] =	sst s2  }
0x8f: {  	_ = 	snop  }
0x90: {  	(tm) =	ssettm $0x1  }
0x91: {  	s17 =	sld [smem:$0x3FFB];
	_ =	sdelay $0x3  }
0x92: {  	_ =	strace s17  }
0x93: {  	s2 =	sld [smem:$0x3FFC];
	_ =	sdelay $0x3  }
0x94: {  	_ =	strace s2  }
0x95: {  	s2 =	sld [smem:$0x3FFD];
	_ =	sdelay $0x3  }
0x96: {  	_ =	strace s2  }
0x97: {  	_ =	strace $0x8FFFFFFF  }
0x98: {  	s18 =	sld [smem:$0x3FDB];
	_ =	sdelay $0x1  }
0x99: {  	s19 =	simm.s32 $_scs_section_size  }
0x9a: {  	s4 =	simm.s32 $_size__tile_overlayer_lowered;
	s5 =	simm.s32 $_tile_overlayer_lowered  }
0x9b: {  	s22 =	simm.s32 $0x1BFF;
	s21 =	sshll.u32 s5, $0x1;
	s2 =	sadd.s32 s19, s18  }
0x9c: {  	s6 =	simm.s32 $0x0;
	s20 =	sshll.u32 s4, $0x1;
	s4 =	sadd.s32 s21, s2  }
0x9d: {  	[timem:s6], [sflag:s22] =	dma.local [hbm:s4], s20  }
0x9e: {  	_ =	swait.ge [sflag:s22], s20  }
0x9f: {  	s3 =	ssub.s32 $0x0, s20;
	[sflag:s22] =	ssyncset.done $0x0  }
0xa0: {  	[sflag:s22] =	ssyncadd.s32 s3;
	_ =	sdelay $0x1  }
0xa1: {  	s23 =	simm.s32 $0x1B8B  }
0xa2: {  	_ =	swait.ge [sflag:s23], $0x1  }
0xa3: {  	[sflag:s23] =	ssyncset.done $0x0  }
0xa4: {  	s25 =	simm.s32 $0x1B8E;
	s24 =	sld [smem:$0x3FFE];
	[sflag:s23] =	ssyncadd.s32 $0xFFFFFFFF  }
0xa5: {  	s26 =	simm.s32 $execute0_lowered;
	[smem:$0x3FD2] =	sst s25  }
0xa6: {  	s4 =	sshll.u32 s26, $0x1;
	_ =	strace $0x80000049;
	[dreg:$0x1] =	wrdreg $0xFFFFFFFF  }
0xa7: {  	s28 =	simm.s32 $_size_execute0_lowered;
	s2 =	sadd.s32 s2, s4;
	[dreg:$0x0] =	wrdreg $0x0  }
0xa8: {  	s4 =	sshll.u32 s28, $0x1;
	[dreg:$0x2] =	wrdreg s2  }
0xa9: {  	[dreg:$0x3] =	wrdreg s4  }
0xaa: {  	[dreg:$0x4] =	wrdreg $0xC0  }
0xab: {  	_ =	task [dreg:s6], $0x5FFFF  }
0xac: {  	[dreg:$0x1] =	wrdreg $0xFFFFFFFF  }
0xad: {  	[dreg:$0x0] =	wrdreg $0x60  }
0xae: {  	[dreg:$0x2] =	wrdreg s24  }
0xaf: {  	[dreg:$0x3] =	wrdreg $0x92000  }
0xb0: {  	[dreg:$0x4] =	wrdreg $0x9  }
0xb1: {  	_ =	task.clear_ibuf [dreg:s6], $0x5FFFF;
	_ =	strace $0x90000049  }
0xb2: {  	s29 =	simm.s32 $0x9;
	_ =	strace $0x8000004B  }
0xb3: {  	_ =	swait.ge [sflag:s29], $0x1  }
0xb4: {  	[sflag:s29] =	ssyncadd.s32 $0xFFFFFFFF  }
0xb5: {  	_ =	strace $0x9000004B  }
0xb6: {  	_ =	sfence  }
0xb7: {  	s30 =	sld [smem:$0x0];
	_ =	sdelay $0x2  }
0xb8: {  	s31 =	sshll.u32 s1, $0xD;
	s1 =	sshrl.u32 s1, $0x2  }
0xb9: {  	s3 =	sand.u32 $0x4000, s31;
	s1 =	sadd.s32 s1, s30  }
0xba: {  	s0 =	sor.u32 s3, s0;
	s1 =	sshll.u32 s1, $0x11  }
0xbb: {  	s0 =	sor.u32 s1, s0  }
0xbc: {  	s0 =	sadd.s32 $0x8F2B, s0  }
0xbd: {  	[sflag:s0] =	ssyncadd.remote.s32 $0x1  }
0xbe: {  	_ =	sfence.sel $0xFFFF  }
0xbf: {  	[dreg:$0x0] =	wrdreg $0xFFFFFFFF;
	(pc) =	sbr.abs _section_cstart, $3  }
0xc0: {  	[dreg:$0x1] =	wrdreg $0xFFFFFFFF  }
0xc1: {  	_ =	task.clear_ibuf [dreg:s6], $0x2FFFF;
	_ =	strace $0x9FFFFFFF  }
0xc2: {  	(tm) =	ssettm $0x7FFFFFFF  }
0xc3: {  	_ =	shalt  }
tec
execute0_lowered:
.L_overlay_start_1:
0x0: {  	(tag) =	ssettag $0x1  }
0x1: {  	s0 =	rddreg [dreg:$0x0]  }
0x2: {  	s1 =	rddreg [dreg:$0x1];
	s2 =	srdreg.scid;
	s3 =	simm.s32 $0x0  }
0x3: {  	s20 =	stileid.u32;
	s28 =	simm.s32 $0x200;
	s29 =	simm.s32 $0x5200  }
0x4: {  	s30 =	simm.s32 $0x100;
	s31 =	simm.s32 $0x180;
	s2 =	sand.u32 $0x1, s2  }
0x5: {  	[smem:$0x7FF] =	sst s3;
	s6 =	sadd.s32 $0x33C00, s0;
	s8 =	smul.u32 $0x50000, s20  }
0x6: {  	s12 =	sadd.s32 $0x2A00, s0;
	s13 =	smul.u32 $0x14000, s20;
	s4 =	sshll.u32 s2, $0x4  }
0x7: {  	_ =	strace $0x8000004A;
	s7 =	ssub.s32 $0x2, s2;
	s18 =	smul.u32 $0x140000, s2  }
0x8: {  	s2 =	smul.u32 $0x28000, s2;
	s5 =	sor.u32 s20, s4;
	s4 =	sadd.s32 $0xCA00, s0  }
0x9: {  	s9 =	sshrl.u32 s7, $0x1;
	s0 =	sadd.s32 $0x51C00, s0;
	s23 =	sshrl.u32 s8, $0x2  }
0xa: {  	s15 =	sadd.s32 $0x4000, s13;
	s16 =	sadd.s32 $0x8000, s13;
	s17 =	sadd.s32 $0xC000, s13  }
0xb: {  	s19 =	sadd.s32 $0x10000, s13;
	s5 =	smul.u32 $0x2800, s5;
	s14 =	ssub.s32 s7, s9  }
0xc: {  	s7 =	sadd.s32 s23, s1;
	s8 =	sadd.s32 s15, s1;
	s9 =	sadd.s32 s16, s1  }
0xd: {  	s10 =	sadd.s32 s17, s1;
	s11 =	sadd.s32 s19, s1;
	s13 =	sadd.s32 s13, s18  }
0xe: {  	s15 =	sadd.s32 s18, s15;
	s16 =	sadd.s32 s18, s16;
	s13 =	sshrl.u32 s13, $0x3  }
0xf: {  	s17 =	sadd.s32 s18, s17;
	s15 =	sshrl.u32 s15, $0x3;
	s13 =	sadd.s32 s0, s13  }
0x10: {  	s5 =	sshrl.u32 s5, $0x3;
	s25 =	sadd.s32 s0, s15;
	[dreg:$0x5] =	wrdreg s13  }
0x11: {  	s21 =	sadd.s32 s18, s19;
	s22 =	sadd.s32 s6, s5;
	[dreg:$0x6] =	wrdreg s25  }
0x12: {  	s26 =	sshrl.u32 s16, $0x3;
	s24 =	sadd.s32 s12, s5;
	[dreg:$0x3] =	wrdreg s22  }
0x13: {  	s15 =	sshrl.u32 s17, $0x3;
	s13 =	sadd.s32 s0, s26;
	[dreg:$0x4] =	wrdreg s24  }
0x14: {  	s16 =	sshrl.u32 s21, $0x3;
	s23 =	sadd.s32 s0, s15;
	[dreg:$0x7] =	wrdreg s13  }
0x15: {  	s0 =	sadd.s32 s0, s16;
	s22 =	smul.u32 $0x2800, s20;
	[dreg:$0x8] =	wrdreg s23  }
0x16: {  	s17 =	smax.u32 s14, $0x1;
	[dreg:$0x9] =	wrdreg s0;
	s24 =	sadd.s32 $0x4F6, s5  }
0x17: {  	s0 =	simm.s32 $0x2A00;
	s5 =	simm.s32 $0x2;
	s2 =	sadd.s32 s22, s2  }
0x18: {  	s18 =	sadd.s32 s6, s24;
	s19 =	sadd.s32 s12, s24;
	s25 =	sor.u32 $0xA0, s2  }
0x19: {  	s24 =	simm.s32 $0x3;
	s2 =	sor.u32 $0x50, s2;
	s26 =	sshrl.u32 s25, $0x3  }
0x1a: {  	s2 =	sshrl.u32 s2, $0x3;
	s25 =	simm.s32 $0x80;
	s20 =	sadd.s32 s26, s12  }
0x1b: {  	s21 =	sadd.s32 s26, s6;
	s22 =	sadd.s32 s2, s12;
	s23 =	sadd.s32 s2, s6  }
0x1c: {  	v0 =	vimm.f32 $0.0e+00;
	s26 =	simm.s32 $0x50;
	s2 =	simm.s32 $0x1;
	s6 =	simm.s32 $0x0  }
.LBB2_1:
0x1d: {  	s12 =	rddreg [dreg:$0x3]  }
0x1e: {  	[tilespmem:s3], [sflag:$0x3] =	stream.linear.gather [hbm4b:s12+s3], $0x50, $0x38;
	[tilespmem:$0x1D200] =	vst v63  }
0x1f: {  	_ =	swait.ge [sflag:s24], $0x50  }
0x20: {  	[sflag:s24] =	ssyncset.done $0x0  }
0x21: {  	s16 =	rddreg [dreg:$0x4];
	[sflag:s24] =	ssyncadd.s32 $0xFFFFFFB0  }
0x22: {  	[tilespmem:s25], [sflag:$0x3] =	stream.linear.gather [hbm4b:s16+s3], $0x50, $0x38;
	[tilespmem:$0x1D200] =	vst v63  }
0x23: {  	_ =	swait.ge [sflag:s24], $0x50  }
0x24: {  	[sflag:s24] =	ssyncset.done $0x0  }
0x25: {  	s13 =	simm.s32 $0x200;
	s12 =	simm.s32 $0x0;
	[sflag:s24] =	ssyncadd.s32 $0xFFFFFFB0  }
0x26: {  	[tilespmem:s28], [sflag:$0x1] =	stream.indirect.gather [hbm4b:s4+s26], $0x80, s3, s26, $0xb8;
	[tilespmem:$0x1D200] =	vst v63  }
.LBB2_2:
0x27: {  	p0 =	sne.s32 s13, $0xFE00;
	[tilespmem:s12+$0x5270] =	vst v0  }
0x28: {  	[tilespmem:s12+$0x5200] =	vst v0  }
0x29: {  	[tilespmem:s12+$0x5210] =	vst v0  }
.Ltmp0:
0x2a: {  	[tilespmem:s12+$0x5220] =	vst v0;
	(pc) =	sbr.rel @p0 .LBB2_2-.Ltmp0, $4  }
0x2b: {  	[tilespmem:s12+$0x5230] =	vst v0  }
0x2c: {  	[tilespmem:s12+$0x5240] =	vst v0  }
0x2d: {  	[tilespmem:s12+$0x5250] =	vst v0  }
0x2e: {  	[tilespmem:s12+$0x5260] =	vst v0;
	s12 =	sshra.s32 s13, $0x2;
	s13 =	sadd.s32 $0x200, s13  }
0x2f: {  	[tilespmem:s12+$0x5270] =	vst v0  }
0x30: {  	[tilespmem:s12+$0x5200] =	vst v0  }
0x31: {  	[tilespmem:s12+$0x5210] =	vst v0  }
0x32: {  	[tilespmem:s12+$0x5220] =	vst v0  }
0x33: {  	[tilespmem:s12+$0x5230] =	vst v0  }
0x34: {  	[tilespmem:s12+$0x5240] =	vst v0  }
0x35: {  	[tilespmem:s12+$0x5250] =	vst v0  }
0x36: {  	[tilespmem:s12+$0x5260] =	vst v0  }
0x37: {  	[spmem:s7] =	stream.linear.scatter [tilespmem:s29], [sflag:$0x3], $0x4000, $0x38;
	[tilespmem:$0x1D200] =	vst v63  }
0x38: {  	_ =	swait.ge [sflag:s24], $0x4000  }
0x39: {  	[sflag:s24] =	ssyncset.done $0x0  }
0x3a: {  	[sflag:s24] =	ssyncadd.s32 $0xFFFFC000  }
0x3b: {  	[spmem:s8] =	stream.linear.scatter [tilespmem:s29], [sflag:$0x3], $0x4000, $0x38;
	[tilespmem:$0x1D200] =	vst v63  }
0x3c: {  	_ =	swait.ge [sflag:s24], $0x4000  }
0x3d: {  	[sflag:s24] =	ssyncset.done $0x0  }
0x3e: {  	[sflag:s24] =	ssyncadd.s32 $0xFFFFC000  }
0x3f: {  	[spmem:s9] =	stream.linear.scatter [tilespmem:s29], [sflag:$0x3], $0x4000, $0x38;
	[tilespmem:$0x1D200] =	vst v63  }
0x40: {  	_ =	swait.ge [sflag:s24], $0x4000  }
0x41: {  	[sflag:s24] =	ssyncset.done $0x0  }
0x42: {  	[sflag:s24] =	ssyncadd.s32 $0xFFFFC000  }
0x43: {  	[spmem:s10] =	stream.linear.scatter [tilespmem:s29], [sflag:$0x3], $0x4000, $0x38;
	[tilespmem:$0x1D200] =	vst v63  }
0x44: {  	_ =	swait.ge [sflag:s24], $0x4000  }
0x45: {  	[sflag:s24] =	ssyncset.done $0x0  }
0x46: {  	[sflag:s24] =	ssyncadd.s32 $0xFFFFC000  }
0x47: {  	[spmem:s11] =	stream.linear.scatter [tilespmem:s29], [sflag:$0x3], $0x4000, $0x38;
	[tilespmem:$0x1D200] =	vst v63  }
0x48: {  	_ =	swait.ge [sflag:s24], $0x4000  }
0x49: {  	[sflag:s24] =	ssyncset.done $0x0  }
0x4a: {  	[sflag:s24] =	ssyncadd.s32 $0xFFFFC000  }
0x4b: {  	s13 =	sadd.s32 $0x0, s23;
	[bflag:$0x0] =	sbarrier.arrive $0xFFFF  }
0x4c: {  	[tilespmem:s30], [sflag:$0x3] =	stream.linear.gather [hbm4b:s13+s3], $0x50, $0x38;
	[tilespmem:$0x1D200] =	vst v63  }
0x4d: {  	_ =	swait.ge [sflag:s24], $0x50  }
0x4e: {  	[sflag:s24] =	ssyncset.done $0x0  }
0x4f: {  	s14 =	sadd.s32 $0x0, s22;
	[sflag:s24] =	ssyncadd.s32 $0xFFFFFFB0  }
0x50: {  	[tilespmem:s31], [sflag:$0x3] =	stream.linear.gather [hbm4b:s14+s3], $0x50, $0x38;
	[tilespmem:$0x1D200] =	vst v63  }
0x51: {  	_ =	swait.ge [sflag:s24], $0x50  }
0x52: {  	[sflag:s24] =	ssyncset.done $0x0  }
0x53: {  	[sflag:s24] =	ssyncadd.s32 $0xFFFFFFB0  }
0x54: {  	[tilespmem:s0], [sflag:$0x2] =	stream.indirect.gather [hbm4b:s4+s26], $0x80, s30, s26, $0xb8;
	[tilespmem:$0x1D200] =	vst v63  }
0x55: {  	_ =	swait.ge [sflag:s2], $0x2800  }
0x56: {  	[sflag:s2] =	ssyncset.done $0x0  }
0x57: {  	[sflag:s2] =	ssyncadd.s32 $0xFFFFD800  }
0x58: {  	[spmem:s1] =	stream.indirect.scatter.add.f32 [tilespmem:s28], [sflag:$0x3], $0x80, s25, s26, $0xb8;
	[tilespmem:$0x1D200] =	vst v63  }
0x59: {  	_ =	swait.ge [sflag:s24], $0x2800  }
0x5a: {  	[sflag:s24] =	ssyncset.done $0x0  }
0x5b: {  	s15 =	sadd.s32 $0x0, s21;
	[sflag:s24] =	ssyncadd.s32 $0xFFFFD800  }
0x5c: {  	[tilespmem:s3], [sflag:$0x3] =	stream.linear.gather [hbm4b:s15+s3], $0x50, $0x38;
	[tilespmem:$0x1D200] =	vst v63  }
0x5d: {  	_ =	swait.ge [sflag:s24], $0x50  }
0x5e: {  	[sflag:s24] =	ssyncset.done $0x0  }
0x5f: {  	s16 =	sadd.s32 $0x0, s20;
	[sflag:s24] =	ssyncadd.s32 $0xFFFFFFB0  }
0x60: {  	[tilespmem:s25], [sflag:$0x3] =	stream.linear.gather [hbm4b:s16+s3], $0x50, $0x38;
	[tilespmem:$0x1D200] =	vst v63  }
0x61: {  	_ =	swait.ge [sflag:s24], $0x50  }
0x62: {  	[sflag:s24] =	ssyncset.done $0x0  }
0x63: {  	[sflag:s24] =	ssyncadd.s32 $0xFFFFFFB0  }
0x64: {  	[tilespmem:s28], [sflag:$0x1] =	stream.indirect.gather [hbm4b:s4+s26], $0x80, s3, s26, $0xb8;
	[tilespmem:$0x1D200] =	vst v63  }
0x65: {  	_ =	swait.ge [sflag:s5], $0x2800  }
0x66: {  	[sflag:s5] =	ssyncset.done $0x0  }
0x67: {  	[sflag:s5] =	ssyncadd.s32 $0xFFFFD800  }
0x68: {  	[spmem:s1] =	stream.indirect.scatter.add.f32 [tilespmem:s0], [sflag:$0x3], $0x80, s31, s26, $0xb8;
	[tilespmem:$0x1D200] =	vst v63  }
0x69: {  	_ =	swait.ge [sflag:s24], $0x2800  }
0x6a: {  	s12 =	simm.s32 $0x14;
	s13 =	simm.s32 $0x28;
	[sflag:s24] =	ssyncset.done $0x0  }
.LBB2_4:
0x6b: {  	s15 =	sadd.s32 s12, s23  }
0x6c: {  	[sflag:s24] =	ssyncadd.s32 $0xFFFFD800;
	s16 =	smov.u32 s13;
	s14 =	sadd.s32 $0x14, s13  }
0x6d: {  	[tilespmem:s30], [sflag:$0x3] =	stream.linear.gather [hbm4b:s15+s3], $0x50, $0x38;
	[tilespmem:$0x1D200] =	vst v63  }
0x6e: {  	p0 =	sne.s32 s13, $0x4D8;
	_ =	swait.ge [sflag:s24], $0x50  }
0x6f: {  	[sflag:s24] =	ssyncset.done $0x0  }
0x70: {  	s13 =	sadd.s32 s12, s22;
	[sflag:s24] =	ssyncadd.s32 $0xFFFFFFB0  }
0x71: {  	[tilespmem:s31], [sflag:$0x3] =	stream.linear.gather [hbm4b:s13+s3], $0x50, $0x38;
	[tilespmem:$0x1D200] =	vst v63  }
0x72: {  	_ =	swait.ge [sflag:s24], $0x50  }
0x73: {  	[sflag:s24] =	ssyncset.done $0x0  }
0x74: {  	[sflag:s24] =	ssyncadd.s32 $0xFFFFFFB0  }
0x75: {  	[tilespmem:s0], [sflag:$0x2] =	stream.indirect.gather [hbm4b:s4+s26], $0x80, s30, s26, $0xb8;
	[tilespmem:$0x1D200] =	vst v63  }
0x76: {  	_ =	swait.ge [sflag:s2], $0x2800  }
0x77: {  	[sflag:s2] =	ssyncset.done $0x0  }
0x78: {  	[sflag:s2] =	ssyncadd.s32 $0xFFFFD800  }
0x79: {  	[spmem:s1] =	stream.indirect.scatter.add.f32 [tilespmem:s28], [sflag:$0x3], $0x80, s25, s26, $0xb8;
	[tilespmem:$0x1D200] =	vst v63  }
0x7a: {  	_ =	swait.ge [sflag:s24], $0x2800  }
0x7b: {  	[sflag:s24] =	ssyncset.done $0x0  }
0x7c: {  	s13 =	sadd.s32 s12, s21;
	[sflag:s24] =	ssyncadd.s32 $0xFFFFD800  }
0x7d: {  	[tilespmem:s3], [sflag:$0x3] =	stream.linear.gather [hbm4b:s13+s3], $0x50, $0x38;
	[tilespmem:$0x1D200] =	vst v63  }
0x7e: {  	_ =	swait.ge [sflag:s24], $0x50  }
0x7f: {  	[sflag:s24] =	ssyncset.done $0x0  }
0x80: {  	s13 =	sadd.s32 s12, s20;
	s12 =	smov.u32 s16;
	[sflag:s24] =	ssyncadd.s32 $0xFFFFFFB0  }
0x81: {  	[tilespmem:s25], [sflag:$0x3] =	stream.linear.gather [hbm4b:s13+s3], $0x50, $0x38;
	[tilespmem:$0x1D200] =	vst v63  }
0x82: {  	_ =	swait.ge [sflag:s24], $0x50  }
0x83: {  	[sflag:s24] =	ssyncset.done $0x0  }
0x84: {  	[sflag:s24] =	ssyncadd.s32 $0xFFFFFFB0  }
0x85: {  	[tilespmem:s28], [sflag:$0x1] =	stream.indirect.gather [hbm4b:s4+s26], $0x80, s3, s26, $0xb8;
	[tilespmem:$0x1D200] =	vst v63  }
0x86: {  	_ =	swait.ge [sflag:s5], $0x2800  }
.Ltmp1:
0x87: {  	[sflag:s5] =	ssyncset.done $0x0;
	(pc) =	sbr.rel @p0 .LBB2_4-.Ltmp1, $4  }
0x88: {  	[sflag:s5] =	ssyncadd.s32 $0xFFFFD800  }
0x89: {  	[spmem:s1] =	stream.indirect.scatter.add.f32 [tilespmem:s0], [sflag:$0x3], $0x80, s31, s26, $0xb8;
	[tilespmem:$0x1D200] =	vst v63  }
0x8a: {  	_ =	swait.ge [sflag:s24], $0x2800  }
0x8b: {  	s13 =	smov.u32 s14;
	[sflag:s24] =	ssyncset.done $0x0  }
0x8c: {  	s13 =	sadd.s32 s12, s23;
	[sflag:s24] =	ssyncadd.s32 $0xFFFFD800  }
0x8d: {  	[tilespmem:s30], [sflag:$0x3] =	stream.linear.gather [hbm4b:s13+s3], $0x50, $0x38;
	[tilespmem:$0x1D200] =	vst v63  }
0x8e: {  	_ =	swait.ge [sflag:s24], $0x50  }
0x8f: {  	[sflag:s24] =	ssyncset.done $0x0  }
0x90: {  	s15 =	sadd.s32 s12, s22;
	[sflag:s24] =	ssyncadd.s32 $0xFFFFFFB0  }
0x91: {  	[tilespmem:s31], [sflag:$0x3] =	stream.linear.gather [hbm4b:s15+s3], $0x50, $0x38;
	[tilespmem:$0x1D200] =	vst v63  }
0x92: {  	_ =	swait.ge [sflag:s24], $0x50  }
0x93: {  	[sflag:s24] =	ssyncset.done $0x0  }
0x94: {  	[sflag:s24] =	ssyncadd.s32 $0xFFFFFFB0  }
0x95: {  	[tilespmem:s0], [sflag:$0x2] =	stream.indirect.gather [hbm4b:s4+s26], $0x80, s30, s26, $0xb8;
	[tilespmem:$0x1D200] =	vst v63  }
0x96: {  	_ =	swait.ge [sflag:s2], $0x2800  }
0x97: {  	[sflag:s2] =	ssyncset.done $0x0  }
0x98: {  	[sflag:s2] =	ssyncadd.s32 $0xFFFFD800  }
0x99: {  	[spmem:s1] =	stream.indirect.scatter.add.f32 [tilespmem:s28], [sflag:$0x3], $0x80, s25, s26, $0xb8;
	[tilespmem:$0x1D200] =	vst v63  }
0x9a: {  	_ =	swait.ge [sflag:s24], $0x2800  }
0x9b: {  	[sflag:s24] =	ssyncset.done $0x0  }
0x9c: {  	s16 =	sadd.s32 s12, s21;
	[sflag:s24] =	ssyncadd.s32 $0xFFFFD800  }
0x9d: {  	[tilespmem:s3], [sflag:$0x3] =	stream.linear.gather [hbm4b:s16+s3], $0x50, $0x38;
	[tilespmem:$0x1D200] =	vst v63  }
0x9e: {  	_ =	swait.ge [sflag:s24], $0x50  }
0x9f: {  	[sflag:s24] =	ssyncset.done $0x0  }
0xa0: {  	s14 =	sadd.s32 s12, s20;
	[sflag:s24] =	ssyncadd.s32 $0xFFFFFFB0  }
0xa1: {  	[tilespmem:s25], [sflag:$0x3] =	stream.linear.gather [hbm4b:s14+s3], $0x50, $0x38;
	[tilespmem:$0x1D200] =	vst v63  }
0xa2: {  	_ =	swait.ge [sflag:s24], $0x50  }
0xa3: {  	[sflag:s24] =	ssyncset.done $0x0  }
0xa4: {  	[sflag:s24] =	ssyncadd.s32 $0xFFFFFFB0  }
0xa5: {  	[tilespmem:s28], [sflag:$0x1] =	stream.indirect.gather [hbm4b:s4+s26], $0x80, s3, s26, $0xb8;
	[tilespmem:$0x1D200] =	vst v63  }
0xa6: {  	_ =	swait.ge [sflag:s5], $0x2800  }
0xa7: {  	[sflag:s5] =	ssyncset.done $0x0  }
0xa8: {  	[sflag:s5] =	ssyncadd.s32 $0xFFFFD800  }
0xa9: {  	[spmem:s1] =	stream.indirect.scatter.add.f32 [tilespmem:s0], [sflag:$0x3], $0x80, s31, s26, $0xb8;
	[tilespmem:$0x1D200] =	vst v63  }
0xaa: {  	_ =	swait.ge [sflag:s24], $0x2800  }
0xab: {  	[sflag:s24] =	ssyncset.done $0x0  }
0xac: {  	[sflag:s24] =	ssyncadd.s32 $0xFFFFD800  }
0xad: {  	[tilespmem:s30], [sflag:$0x3] =	stream.linear.gather [hbm4b:s18+s3], $0x50, $0x38;
	[tilespmem:$0x1D200] =	vst v63  }
0xae: {  	_ =	swait.ge [sflag:s24], $0x50  }
0xaf: {  	[sflag:s24] =	ssyncset.done $0x0  }
0xb0: {  	[sflag:s24] =	ssyncadd.s32 $0xFFFFFFB0  }
0xb1: {  	[tilespmem:s31], [sflag:$0x3] =	stream.linear.gather [hbm4b:s19+s3], $0x50, $0x38;
	[tilespmem:$0x1D200] =	vst v63  }
0xb2: {  	_ =	swait.ge [sflag:s24], $0x50  }
0xb3: {  	[sflag:s24] =	ssyncset.done $0x0  }
0xb4: {  	[sflag:s24] =	ssyncadd.s32 $0xFFFFFFB0  }
0xb5: {  	[tilespmem:s0], [sflag:$0x2] =	stream.indirect.gather [hbm4b:s4+s26], $0x80, s30, s26, $0xb8;
	[tilespmem:$0x1D200] =	vst v63  }
0xb6: {  	_ =	swait.ge [sflag:s2], $0x2800  }
0xb7: {  	[sflag:s2] =	ssyncset.done $0x0  }
0xb8: {  	[sflag:s2] =	ssyncadd.s32 $0xFFFFD800  }
0xb9: {  	[spmem:s1] =	stream.indirect.scatter.add.f32 [tilespmem:s28], [sflag:$0x3], $0x80, s25, s26, $0xb8;
	[tilespmem:$0x1D200] =	vst v63  }
0xba: {  	_ =	swait.ge [sflag:s24], $0x2800  }
0xbb: {  	[sflag:s24] =	ssyncset.done $0x0  }
0xbc: {  	[sflag:s24] =	ssyncadd.s32 $0xFFFFD800  }
0xbd: {  	_ =	swait.ge [sflag:s5], $0x2800  }
0xbe: {  	[sflag:s5] =	ssyncset.done $0x0  }
0xbf: {  	[sflag:s5] =	ssyncadd.s32 $0xFFFFD800  }
0xc0: {  	[spmem:s1] =	stream.indirect.scatter.add.f32 [tilespmem:s0], [sflag:$0x3], $0x80, s31, s26, $0xb8;
	[tilespmem:$0x1D200] =	vst v63  }
0xc1: {  	_ =	swait.ge [sflag:s24], $0x2800  }
0xc2: {  	[sflag:s24] =	ssyncset.done $0x0  }
0xc3: {  	s15 =	stileid.u32;
	[sflag:s24] =	ssyncadd.s32 $0xFFFFD800  }
0xc4: {  	s12 =	sshll.u32 s15, $0x6;
	[bflag:$0x0] =	sbarrier.arrive $0xFFFF  }
0xc5: {  	s12 =	sor.u32 $0x1C03, s12;
	s16 =	sshrl.u32 s7, $0x3;
	s14 =	rddreg [dreg:$0x5]  }
0xc6: {  	[hbm:s14], [sflag:s12] =	dma.local [spmem:s16], $0x800  }
0xc7: {  	_ =	swait.ge [sflag:s24], $0x800  }
0xc8: {  	[sflag:s24] =	ssyncset.done $0x0  }
0xc9: {  	s15 =	sshrl.u32 s8, $0x3;
	s16 =	rddreg [dreg:$0x6];
	[sflag:s24] =	ssyncadd.s32 $0xFFFFF800  }
0xca: {  	[hbm:s16], [sflag:s12] =	dma.local [spmem:s15], $0x800  }
0xcb: {  	_ =	swait.ge [sflag:s24], $0x800  }
0xcc: {  	[sflag:s24] =	ssyncset.done $0x0  }
0xcd: {  	s15 =	sshrl.u32 s9, $0x3;
	s16 =	rddreg [dreg:$0x7];
	[sflag:s24] =	ssyncadd.s32 $0xFFFFF800  }
0xce: {  	[hbm:s16], [sflag:s12] =	dma.local [spmem:s15], $0x800  }
0xcf: {  	_ =	swait.ge [sflag:s24], $0x800  }
0xd0: {  	[sflag:s24] =	ssyncset.done $0x0  }
0xd1: {  	s15 =	sshrl.u32 s10, $0x3;
	s16 =	rddreg [dreg:$0x8];
	[sflag:s24] =	ssyncadd.s32 $0xFFFFF800  }
0xd2: {  	[hbm:s16], [sflag:s12] =	dma.local [spmem:s15], $0x800  }
0xd3: {  	s6 =	sadd.s32 $0x1, s6;
	_ =	swait.ge [sflag:s24], $0x800  }
0xd4: {  	p0 =	sne.s32 s6, s17;
	s15 =	sshrl.u32 s11, $0x3;
	[sflag:s24] =	ssyncset.done $0x0  }
.Ltmp2:
0xd5: {  	s16 =	rddreg [dreg:$0x9];
	[sflag:s24] =	ssyncadd.s32 $0xFFFFF800;
	(pc) =	sbr.rel @p0 .LBB2_1-.Ltmp2, $4  }
0xd6: {  	[hbm:s16], [sflag:s12] =	dma.local [spmem:s15], $0x800  }
0xd7: {  	_ =	swait.ge [sflag:s24], $0x800  }
0xd8: {  	[sflag:s24] =	ssyncset.done $0x0  }
0xd9: {  	[sflag:s24] =	ssyncadd.s32 $0xFFFFF800  }
0xda: {  	_ =	sfence.sel $0x180000  }
0xdb: {  	[bflag:$0x0] =	sbarrier.arrive $0xFFFF  }
0xdc: {  	_ =	strace $0x9000004A  }
0xdd: {  	s0 =	stileid.u32;
	[bflag:$0x2] =	sbarrier.arrive $0xFFFF  }
0xde: {  	p0 =	sne.s32 s0, $0x0;
	s0 =	rddreg [dreg:$0x2]  }
0xdf: {  	s0 =	sadd.s32 @!p0 $0x100000, s0  }
0xe0: {  	[sflag:s0] =	ssyncadd.tile.s32 @!p0 $0x1;
	_ =	shalt  }
.Lfunc_end2:
_tile_overlayer_lowered:
.L_overlay_start_2:
0xe1: {  	(tag) =	ssettag $0x2  }
0xe2: {  	s0 =	rddreg [dreg:$0x0];
	s2 =	stileid.u32  }
0xe3: {  	s1 =	rddreg [dreg:$0x1];
	p0 =	sne.s32 s2, $0x0  }
0xe4: {  	s3 =	rddreg [dreg:$0x2];
	[bflag:$0x3] =	sbarrier.arrive $0xFFFF;
	s2 =	simm.s32 @!p0 $0x1C03  }
0xe5: {  	[timem:s3], [sflag:s2] =	dma.local @!p0 [hbm:s0], s1  }
0xe6: {  	s0 =	simm.s32 @!p0 $0x3  }
0xe7: {  	_ =	swait.ge @!p0 [sflag:s0], s1  }
0xe8: {  	s1 =	ssub.s32 @!p0 $0x0, s1;
	[sflag:s0] =	ssyncset.done @!p0 $0x0  }
0xe9: {  	[sflag:s0] =	ssyncadd.s32 @!p0 s1  }
0xea: {  	[bflag:$0x3] =	sbarrier.arrive $0xFFFF  }
0xeb: {  	_ =	shalt  }

// kernel: kernel.16.cloned.1.call-start
scs
__scs_entry_jumppad:
0x0: {  	(pc) =	sbr.rel $0x88, $3  }
0x1: {  	(tag) =	ssettag $0x0;
	lr =	simm.s32 $0x1  }
0x2: {  	[smem:$0x3F89] =	sst lr;
	_ =	strace $0xD0000000  }
0x3: {  	_ = 	snop  }
0x4: {  	_ = 	snop  }
0x5: {  	_ = 	snop  }
0x6: {  	_ = 	snop  }
0x7: {  	_ = 	snop  }
__scs_overlays_trampoline_lowered:
0x8: {  	[smem:$0x3F98] =	sst s0  }
0x9: {  	[smem:$0x3F99] =	sst s1  }
0xa: {  	[smem:$0x3F9A] =	sst s2  }
0xb: {  	[smem:$0x3F9B] =	sst s3  }
0xc: {  	[smem:$0x3F9C] =	sst s4  }
0xd: {  	[smem:$0x3F9D] =	sst s5  }
0xe: {  	[smem:$0x3F9E] =	sst s6  }
0xf: {  	[smem:$0x3F9F] =	sst s7  }
0x10: {  	[smem:$0x3FA0] =	sst s8  }
0x11: {  	[smem:$0x3FA1] =	sst s9;
	s0 =	simm.s32 @!p0 $0x0  }
0x12: {  	s1 =	sld [smem:$0x3F87];
	s0 =	simm.s32 @p0 $0x1  }
0x13: {  	[smem:$0x3FA2] =	sst s0;
	s0 =	simm.s32 @!p1 $0x0  }
0x14: {  	s2 =	sld [smem:$0x3F86];
	s0 =	simm.s32 @p1 $0x1  }
0x15: {  	[smem:$0x3FA3] =	sst s0;
	s0 =	simm.s32 @!p2 $0x0  }
0x16: {  	s3 =	sld [smem:$0x3FDB];
	s0 =	simm.s32 @p2 $0x1  }
0x17: {  	s4 =	simm.s32 $0x1BF5;
	[smem:$0x3FA5] =	sst s0  }
0x18: {  	s0 =	sld [smem:$0x3F88];
	_ =	swait.ge [sflag:s4], $0x0  }
0x19: {  	s7 =	sld [smem:$0x3F89]  }
0x1a: {  	s8 =	sadd.s32 $0xFFFFE003, lr  }
0x1b: {  	s9 =	sadd.s32 $0xFFFFFEF7, lr;
	s5 =	simm.s32 $0xFFFFFFFF;
	p2 =	slt.u32 s8, $0xFFFFF086  }
0x1c: {  	p1 =	slt.u32 s9, $0xF7A;
	s5 =	simm.s32 @!p2 $0x0  }
0x1d: {  	s5 =	simm.s32 @p1 $0x1;
	p0 =	seq.s32 s7, s2  }
0x1e: {  	s7 =	smul.u32 @!p0 $0xF7A, s2;
	p2 =	seq.s32 @!p0 s5, $0x0  }
0x1f: {  	s9 =	smul.u32 $0xF7A, s1;
	s8 =	simm.s32 @!p0 $0x1BF5;
	p2 =	por !p2, p0  }
0x20: {  	[sflag:s8] =	ssyncset.s32 @!p0 $0xFFFFF086;
	s6 =	sadd.s32 @!p0 s3, s7;
	s7 =	simm.s32 @!p0 $0x108  }
0x21: {  	s3 =	sadd.s32 s3, s9;
	s6 =	sadd.s32 @!p0 $0x88, s6;
	s7 =	simm.s32 @p2 $0x1082  }
0x22: {  	[simem:s7], [sflag:s8] =	dma.local @!p0 [hbm:s6], $0xF7A  }
0x23: {  	s9 =	sor.u32 $0xD0000000, s2;
	s6 =	simm.s32 $0x108;
	_ =	swait.ge @!p0 [sflag:s8], $0x0  }
0x24: {  	s3 =	sadd.s32 $0x88, s3;
	s6 =	simm.s32 @!p1 $0x1082;
	[sflag:s4] =	ssyncset.s32 $0xFFFFF086  }
0x25: {  	[simem:s6], [sflag:s4] =	dma.local [hbm:s3], $0xF7A  }
0x26: {  	[smem:$0x3F89] =	sst s1;
	(tag) =	ssettag s2;
	_ =	strace s9  }
0x27: {  	s1 =	sld [smem:$0x3F99]  }
0x28: {  	s2 =	sld [smem:$0x3F9A]  }
0x29: {  	s4 =	sld [smem:$0x3F9C]  }
0x2a: {  	p0 =	seq.s32 s5, $0x0;
	s5 =	sld [smem:$0x3F9D]  }
0x2b: {  	s6 =	sld [smem:$0x3F9E]  }
0x2c: {  	s7 =	sld [smem:$0x3F9F]  }
0x2d: {  	s3 =	simm.s32 $0x108;
	s8 =	sld [smem:$0x3FA0]  }
0x2e: {  	s3 =	simm.s32 @!p0 $0x1082;
	s9 =	sld [smem:$0x3FA1]  }
0x2f: {  	lr =	sadd.s32 s0, s3;
	s0 =	sld [smem:$0x3F98]  }
0x30: {  	s3 =	sld [smem:$0x3F9B]  }
0x31: {  	[smem:$0x3FA4] =	sst s10  }
0x32: {  	s10 =	sld [smem:$0x3FA2];
	_ =	sdelay $0x3  }
0x33: {  	p0 =	seq.s32 s10, $0x1;
	s10 =	sld [smem:$0x3FA4];
	_ =	sdelay $0x3  }
0x34: {  	[smem:$0x3FA4] =	sst s10  }
0x35: {  	s10 =	sld [smem:$0x3FA3];
	_ =	sdelay $0x3  }
0x36: {  	p1 =	seq.s32 s10, $0x1;
	s10 =	sld [smem:$0x3FA4];
	_ =	sdelay $0x3  }
0x37: {  	[smem:$0x3FA4] =	sst s10  }
0x38: {  	s10 =	sld [smem:$0x3FA5]  }
0x39: {  	_ = 	snop;
	(pc) =	sbr.ind lr, $3  }
0x3a: {  	_ = 	snop  }
0x3b: {  	_ = 	snop  }
0x3c: {  	p2 =	seq.s32 s10, $0x1;
	s10 =	sld [smem:$0x3FA4]  }
0x3d: {  	_ =	shalt  }
0x3e: {  	_ =	shalt  }
0x3f: {  	_ =	shalt  }
0x40: {  	_ =	shalt  }
0x41: {  	_ =	shalt  }
0x42: {  	_ =	shalt  }
0x43: {  	_ =	shalt  }
0x44: {  	_ =	shalt  }
0x45: {  	_ =	shalt  }
0x46: {  	_ =	shalt  }
0x47: {  	_ =	shalt  }
0x48: {  	_ =	shalt  }
0x49: {  	_ =	shalt  }
0x4a: {  	_ =	shalt  }
0x4b: {  	_ =	shalt  }
0x4c: {  	_ =	shalt  }
0x4d: {  	_ =	shalt  }
0x4e: {  	_ =	shalt  }
0x4f: {  	_ =	shalt  }
0x50: {  	_ =	shalt  }
0x51: {  	_ =	shalt  }
0x52: {  	_ =	shalt  }
0x53: {  	_ =	shalt  }
0x54: {  	_ =	shalt  }
0x55: {  	_ =	shalt  }
0x56: {  	_ =	shalt  }
0x57: {  	_ =	shalt  }
0x58: {  	_ =	shalt  }
0x59: {  	_ =	shalt  }
0x5a: {  	_ =	shalt  }
0x5b: {  	_ =	shalt  }
0x5c: {  	_ =	shalt  }
0x5d: {  	_ =	shalt  }
0x5e: {  	_ =	shalt  }
0x5f: {  	_ =	shalt  }
0x60: {  	_ =	shalt  }
0x61: {  	_ =	shalt  }
0x62: {  	_ =	shalt  }
0x63: {  	_ =	shalt  }
0x64: {  	_ =	shalt  }
0x65: {  	_ =	shalt  }
0x66: {  	_ =	shalt  }
0x67: {  	_ =	shalt  }
0x68: {  	_ =	shalt  }
0x69: {  	_ =	shalt  }
0x6a: {  	_ =	shalt  }
0x6b: {  	_ =	shalt  }
0x6c: {  	_ =	shalt  }
0x6d: {  	_ =	shalt  }
0x6e: {  	_ =	shalt  }
0x6f: {  	_ =	shalt  }
0x70: {  	_ =	shalt  }
0x71: {  	_ =	shalt  }
0x72: {  	_ =	shalt  }
0x73: {  	_ =	shalt  }
0x74: {  	_ =	shalt  }
0x75: {  	_ =	shalt  }
0x76: {  	_ =	shalt  }
0x77: {  	_ =	shalt  }
0x78: {  	_ =	shalt  }
0x79: {  	_ =	shalt  }
0x7a: {  	_ =	shalt  }
0x7b: {  	_ =	shalt  }
0x7c: {  	_ =	shalt  }
0x7d: {  	_ =	shalt  }
0x7e: {  	_ =	shalt  }
0x7f: {  	_ =	shalt  }
0x80: {  	_ =	shalt  }
0x81: {  	_ =	shalt  }
0x82: {  	_ =	shalt  }
0x83: {  	_ =	shalt  }
0x84: {  	_ =	shalt  }
0x85: {  	_ =	shalt  }
0x86: {  	_ =	shalt  }
0x87: {  	_ =	shalt  }
.Lfunc_end0:
.L_simem_size_0:
called_computation.2_lowered:
.L_overlay_start_0:
0x88: {  	s2 =	sld [smem:$0x3FD9]  }
0x89: {  	s3 =	sld [smem:$0x3FFE];
	_ =	sdelay $0x1  }
0x8a: {  	s1 =	srdreg.scid  }
0x8b: {  	s0 =	sand.u32 $0x1, s1  }
0x8c: {  	s14 =	sshll.u32 s0, $0xA;
	s2 =	sadd.s32 s3, s2  }
0x8d: {  	s2 =	sadd.s32 s2, s14  }
0x8e: {  	[smem:$0x3FB0] =	sst s2  }
0x8f: {  	_ = 	snop  }
0x90: {  	s2 =	sld [smem:$0x3FD0];
	_ =	sdelay $0x2  }
0x91: {  	s15 =	simm.s32 $0xA;
	s4 =	simm.s32 $0x10  }
0x92: {  	[smem:s4], [sflag:s15] =	dma.local [hbm:s2], $0x1  }
0x93: {  	_ =	swait.eq [sflag:s15], $0x1  }
0x94: {  	s16 =	sld [smem:$0x10];
	[sflag:s15] =	ssyncset.done $0x0  }
0x95: {  	s17 =	sld [smem:$0x11];
	[sflag:s15] =	ssyncadd.s32 $0xFFFFFFFF  }
0x96: {  	s18 =	sld [smem:$0x12];
	(tm) =	ssettm $0x1  }
0x97: {  	s5 =	sld [smem:$0x3FFB];
	_ =	sdelay $0x3  }
0x98: {  	_ =	strace s5  }
0x99: {  	s5 =	sld [smem:$0x3FFC];
	_ =	sdelay $0x3  }
0x9a: {  	_ =	strace s5  }
0x9b: {  	s5 =	sld [smem:$0x3FFD];
	_ =	sdelay $0x3  }
0x9c: {  	_ =	strace s5  }
0x9d: {  	_ =	strace $0x8FFFFFFF  }
0x9e: {  	s19 =	sld [smem:$0x3FDB];
	_ =	sdelay $0x1  }
0x9f: {  	s6 =	simm.s32 $_scs_section_size  }
0xa0: {  	s7 =	simm.s32 $_size__tile_overlayer_lowered;
	s8 =	simm.s32 $_tile_overlayer_lowered  }
0xa1: {  	s22 =	simm.s32 $0x1BFF;
	s21 =	sshll.u32 s8, $0x1;
	s5 =	sadd.s32 s6, s19  }
0xa2: {  	s9 =	simm.s32 $0x0;
	s20 =	sshll.u32 s7, $0x1;
	s7 =	sadd.s32 s21, s5  }
0xa3: {  	[timem:s9], [sflag:s22] =	dma.local [hbm:s7], s20  }
0xa4: {  	_ =	swait.ge [sflag:s22], s20  }
0xa5: {  	s6 =	ssub.s32 $0x0, s20;
	[sflag:s22] =	ssyncset.done $0x0  }
0xa6: {  	[sflag:s22] =	ssyncadd.s32 s6;
	_ =	sdelay $0x1  }
0xa7: {  	s23 =	simm.s32 $0x1B8B  }
0xa8: {  	_ =	swait.ge [sflag:s23], $0x1  }
0xa9: {  	[sflag:s23] =	ssyncset.done $0x0  }
0xaa: {  	s25 =	simm.s32 $0x1B8E;
	s24 =	sld [smem:$0x3FFE];
	[sflag:s23] =	ssyncadd.s32 $0xFFFFFFFF  }
0xab: {  	s26 =	simm.s32 $execute0_lowered;
	[smem:$0x3FD2] =	sst s25  }
0xac: {  	s7 =	sshll.u32 s26, $0x1;
	_ =	strace $0x8000004C;
	[dreg:$0x1] =	wrdreg $0xFFFFFFFF  }
0xad: {  	s28 =	simm.s32 $_size_execute0_lowered;
	s5 =	sadd.s32 s5, s7;
	[dreg:$0x0] =	wrdreg $0x0  }
0xae: {  	s7 =	sshll.u32 s28, $0x1;
	[dreg:$0x2] =	wrdreg s5  }
0xaf: {  	[dreg:$0x3] =	wrdreg s7  }
0xb0: {  	[dreg:$0x4] =	wrdreg $0xC0  }
0xb1: {  	_ =	task [dreg:s9], $0x5FFFF  }
0xb2: {  	[dreg:$0x1] =	wrdreg $0xFFFFFFFF  }
0xb3: {  	[dreg:$0x0] =	wrdreg $0x60  }
0xb4: {  	[dreg:$0x2] =	wrdreg s24  }
0xb5: {  	[dreg:$0x3] =	wrdreg s16  }
0xb6: {  	[dreg:$0x4] =	wrdreg s17  }
0xb7: {  	[dreg:$0x5] =	wrdreg s18  }
0xb8: {  	[dreg:$0x6] =	wrdreg $0x9  }
0xb9: {  	_ =	task.clear_ibuf [dreg:s9], $0x7FFFF;
	_ =	strace $0x9000004C  }
0xba: {  	s29 =	simm.s32 $0x9;
	_ =	strace $0x8000004E  }
0xbb: {  	_ =	swait.ge [sflag:s29], $0x1  }
0xbc: {  	[sflag:s29] =	ssyncadd.s32 $0xFFFFFFFF  }
0xbd: {  	_ =	strace $0x9000004E  }
0xbe: {  	_ =	sfence  }
0xbf: {  	s30 =	sld [smem:$0x0];
	_ =	sdelay $0x2  }
0xc0: {  	s31 =	sshll.u32 s1, $0xD;
	s1 =	sshrl.u32 s1, $0x2  }
0xc1: {  	s3 =	sand.u32 $0x4000, s31;
	s1 =	sadd.s32 s1, s30  }
0xc2: {  	s0 =	sor.u32 s3, s0;
	s1 =	sshll.u32 s1, $0x11  }
0xc3: {  	s0 =	sor.u32 s1, s0  }
0xc4: {  	s0 =	sadd.s32 $0x8F2B, s0  }
0xc5: {  	[sflag:s0] =	ssyncadd.remote.s32 $0x1  }
0xc6: {  	_ =	sfence.sel $0xFFFF  }
0xc7: {  	[dreg:$0x0] =	wrdreg $0xFFFFFFFF;
	(pc) =	sbr.abs _section_cstart, $3  }
0xc8: {  	[dreg:$0x1] =	wrdreg $0xFFFFFFFF  }
0xc9: {  	_ =	task.clear_ibuf [dreg:s9], $0x2FFFF;
	_ =	strace $0x9FFFFFFF  }
0xca: {  	(tm) =	ssettm $0x7FFFFFFF  }
0xcb: {  	_ =	shalt  }
tec
execute0_lowered:
.L_overlay_start_1:
0x0: {  	(tag) =	ssettag $0x1  }
0x1: {  	s0 =	rddreg [dreg:$0x0]  }
0x2: {  	s1 =	rddreg [dreg:$0x2]  }
0x3: {  	s2 =	rddreg [dreg:$0x3]  }
0x4: {  	s4 =	srdreg.scid;
	s3 =	simm.s32 $0x0;
	s6 =	stileid.u32  }
0x5: {  	s19 =	simm.s32 $0x8;
	s21 =	simm.s32 $0x50;
	s31 =	simm.s32 $0x100  }
0x6: {  	s22 =	simm.s32 $0x1;
	s28 =	simm.s32 $0x2;
	s9 =	sand.u32 $0x1, s4  }
0x7: {  	[smem:$0x7FF] =	sst s3;
	s4 =	sadd.s32 $0x51C00, s0;
	s8 =	sadd.s32 $0x3DC00, s0  }
0x8: {  	s11 =	sadd.s32 $0x29C00, s0;
	s23 =	sadd.s32 $0x2A00, s0;
	s5 =	sshll.u32 s9, $0x4  }
0x9: {  	_ =	strace $0x8000004D;
	[dreg:$0x5] =	wrdreg s11;
	s9 =	ssub.s32 $0x2, s9  }
0xa: {  	[dreg:$0x6] =	wrdreg s23;
	s11 =	sadd.s32 $0x29E00, s0;
	s23 =	simm.s32 $0x3  }
0xb: {  	s10 =	sor.u32 s6, s5;
	s5 =	sadd.s32 $0x78E00, s0;
	s12 =	sshrl.u32 s9, $0x1  }
0xc: {  	s6 =	sadd.s32 $0x47C00, s0;
	s7 =	smul.u32 $0x2800, s10;
	s24 =	ssub.s32 s9, s12  }
0xd: {  	s29 =	sshll.u32 s10, $0x3;
	s10 =	sshll.u32 s10, $0xA;
	s9 =	simm.s32 $0x4  }
0xe: {  	s12 =	simm.s32 $0x0;
	s1 =	sadd.s32 s1, s29;
	s30 =	sadd.s32 s2, s10  }
0xf: {  	s0 =	smax.u32 s24, $0x1;
	s24 =	simm.s32 $0xC800;
	[dreg:$0x9] =	wrdreg s1  }
0x10: {  	s10 =	simm.s32 $0xA280;
	s13 =	sshrl.u32 s7, $0x3;
	[dreg:$0xa] =	wrdreg s30  }
0x11: {  	s16 =	sor.u32 $0x50, s7;
	[dreg:$0xb] =	wrdreg s0;
	s25 =	sadd.s32 s6, s13  }
0x12: {  	v0 =	vlaneseq.u32;
	s17 =	sor.u32 $0xA0, s7;
	s26 =	sadd.s32 s8, s13;
	[dreg:$0x7] =	wrdreg s25  }
0x13: {  	v0 =	vmul.u32 $0x80, v0;
	s0 =	simm.s32 $0x180;
	[dreg:$0x8] =	wrdreg s26;
	s25 =	simm.s32 $0xA200  }
.LBB2_1:
0x14: {  	[dreg:$0xc] =	wrdreg s12  }
0x15: {  	s1 =	rddreg [dreg:$0x7]  }
0x16: {  	[tilespmem:s3], [sflag:$0x8] =	stream.linear.gather [hbm4b:s1+s3], $0x50, $0x38;
	[tilespmem:$0xD000] =	vst v63  }
0x17: {  	_ =	swait.ge [sflag:s19], $0x50  }
0x18: {  	[sflag:s19] =	ssyncset.done $0x0  }
0x19: {  	s2 =	simm.s32 $0x80;
	s26 =	rddreg [dreg:$0x8];
	[sflag:s19] =	ssyncadd.s32 $0xFFFFFFB0  }
0x1a: {  	[tilespmem:s2], [sflag:$0x8] =	stream.linear.gather [hbm4b:s26+s3], $0x50, $0x38;
	[tilespmem:$0xD000] =	vst v63  }
0x1b: {  	_ =	swait.ge [sflag:s19], $0x50  }
0x1c: {  	[sflag:s19] =	ssyncset.done $0x0  }
0x1d: {  	s29 =	simm.s32 $0x200;
	[sflag:s19] =	ssyncadd.s32 $0xFFFFFFB0  }
0x1e: {  	[tilespmem:s29], [sflag:$0x1] =	stream.indirect.gather [hbm4b:s4+s21], $0x80, s3, s21, $0xb8;
	[tilespmem:$0xD000] =	vst v63  }
0x1f: {  	s30 =	simm.s32 $0x5200  }
0x20: {  	[tilespmem:s30], [sflag:$0x3] =	stream.indirect.gather [hbm4b:s5+s21], $0x80, s2, s21, $0xb8;
	[tilespmem:$0xD000] =	vst v63  }
0x21: {  	s12 =	simm.s32 $0xA300;
	s2 =	rddreg [dreg:$0x1]  }
0x22: {  	[tilespmem:s12], [sflag:$0x8] =	stream.linear.gather [hbm4b:s2+s3], $0x400, $0x38;
	[tilespmem:$0xD000] =	vst v63  }
0x23: {  	_ =	swait.ge [sflag:s19], $0x400  }
0x24: {  	[sflag:s19] =	ssyncset.done $0x0  }
0x25: {  	s14 =	simm.s32 $0xA700;
	s13 =	rddreg [dreg:$0x5];
	[sflag:s19] =	ssyncadd.s32 $0xFFFFFC00  }
0x26: {  	[tilespmem:s14], [sflag:$0x8] =	stream.linear.gather [hbm4b:s13+s3], $0x80, $0x38;
	[tilespmem:$0xD000] =	vst v63  }
0x27: {  	_ =	swait.ge [sflag:s19], $0x80  }
0x28: {  	[sflag:s19] =	ssyncset.done $0x0  }
0x29: {  	s18 =	simm.s32 $0xA780;
	s15 =	rddreg [dreg:$0x9];
	[sflag:s19] =	ssyncadd.s32 $0xFFFFFF80  }
0x2a: {  	[tilespmem:s18], [sflag:$0x8] =	stream.linear.gather [hbm4b:s15+s3], $0x40, $0x38;
	[tilespmem:$0xD000] =	vst v63  }
0x2b: {  	_ =	swait.ge [sflag:s19], $0x40  }
0x2c: {  	s26 =	simm.s32 $0x40;
	s29 =	simm.s32 $0x7;
	[sflag:s19] =	ssyncset.done $0x0  }
0x2d: {  	s13 =	simm.s32 $0xA800;
	s20 =	rddreg [dreg:$0x6];
	[sflag:s19] =	ssyncadd.s32 $0xFFFFFFC0  }
0x2e: {  	[tilespmem:s13], [sflag:$0x7] =	stream.indirect.gather [hbm4b:s20+s26], $0x80, s18, s26, $0xb8;
	[tilespmem:$0xD000] =	vst v63  }
0x2f: {  	_ =	swait.ge [sflag:s29], $0x2000  }
0x30: {  	[sflag:s29] =	ssyncset.done $0x0  }
0x31: {  	s30 =	rddreg [dreg:$0xa];
	[sflag:s29] =	ssyncadd.s32 $0xFFFFE000  }
0x32: {  	[hbm4b:s30+s3] =	stream.linear.scatter [tilespmem:s13], [sflag:$0x8], $0x2000, $0x38;
	[tilespmem:$0xD000] =	vst v63  }
0x33: {  	_ =	swait.ge [sflag:s19], $0x2000  }
0x34: {  	[sflag:s19] =	ssyncset.done $0x0  }
0x35: {  	s14 =	simm.s32 $0x0;
	[sflag:s19] =	ssyncadd.s32 $0xFFFFE000  }
.LBB2_2:
0x36: {  	s26 =	smul.u32 $0xA0, s14;
	_ =	sdelay $0x1  }
0x37: {  	s1 =	sadd.s32 s26, s16  }
0x38: {  	s15 =	sshrl.u32 s1, $0x3  }
0x39: {  	s1 =	sadd.s32 s6, s15  }
0x3a: {  	[tilespmem:s31], [sflag:$0x8] =	stream.linear.gather [hbm4b:s1+s3], $0x50, $0x38;
	[tilespmem:$0xD000] =	vst v63  }
0x3b: {  	_ =	swait.ge [sflag:s19], $0x50  }
0x3c: {  	[sflag:s19] =	ssyncset.done $0x0  }
0x3d: {  	s18 =	sadd.s32 s8, s15;
	[sflag:s19] =	ssyncadd.s32 $0xFFFFFFB0  }
0x3e: {  	[tilespmem:s0], [sflag:$0x8] =	stream.linear.gather [hbm4b:s18+s3], $0x50, $0x38;
	[tilespmem:$0xD000] =	vst v63  }
0x3f: {  	_ =	swait.ge [sflag:s19], $0x50  }
0x40: {  	[sflag:s19] =	ssyncset.done $0x0  }
0x41: {  	s20 =	simm.s32 $0x2A00;
	[sflag:s19] =	ssyncadd.s32 $0xFFFFFFB0  }
0x42: {  	[tilespmem:s20], [sflag:$0x2] =	stream.indirect.gather [hbm4b:s4+s21], $0x80, s31, s21, $0xb8;
	[tilespmem:$0xD000] =	vst v63  }
0x43: {  	s30 =	simm.s32 $0x7A00  }
0x44: {  	[tilespmem:s30], [sflag:$0x4] =	stream.indirect.gather [hbm4b:s5+s21], $0x80, s0, s21, $0xb8;
	[tilespmem:$0xD000] =	vst v63  }
0x45: {  	_ =	swait.ge [sflag:s22], $0x2800  }
0x46: {  	[sflag:s22] =	ssyncset.done $0x0  }
0x47: {  	[sflag:s22] =	ssyncadd.s32 $0xFFFFD800  }
0x48: {  	_ =	swait.ge [sflag:s23], $0x2800  }
0x49: {  	p0 =	seq.s32 s14, $0x0;
	[sflag:s23] =	ssyncset.done $0x0  }
0x4a: {  	s1 =	simm.s32 @!p0 $0x5;
	[sflag:s23] =	ssyncadd.s32 $0xFFFFD800  }
0x4b: {  	_ =	swait.ge @!p0 [sflag:s1], $0x50  }
0x4c: {  	s29 =	simm.s32 $0x0;
	[sflag:s1] =	ssyncset.done @!p0 $0x0  }
0x4d: {  	s13 =	simm.s32 $0x240;
	s12 =	simm.s32 $0x5240;
	[sflag:s1] =	ssyncadd.s32 @!p0 $0xFFFFFFB0  }
.LBB2_3:
0x4e: {  	v1 =	vld [tilespmem:$0xA500]  }
0x4f: {  	v2 =	vld [tilespmem:$0xA480]  }
0x50: {  	v3 =	vld [tilespmem:$0xA400]  }
0x51: {  	v4 =	vld [tilespmem:$0xA700]  }
0x52: {  	v5 =	vld [tilespmem:$0xA380]  }
0x53: {  	v6 =	vld [tilespmem:$0xA300]  }
0x54: {  	v7 =	vld [tilespmem:s13+$0xFFFFFFC0];
	s20 =	sshll.u32 s29, $0x4;
	s1 =	simm.s32 $0x1  }
0x55: {  	v8 =	vld [tilespmem:s12+$0xFFFFFFC0];
	s18 =	smov.u32 s13;
	s30 =	smov.u32 s12;
	s2 =	simm.s32 $0x0  }
.LBB2_4:
0x56: {  	p1 =	sne.s32 s1, $0xF;
	v9 =	vld [tilespmem:s18+$0xFFFFFFD0]  }
0x57: {  	v10 =	vld [tilespmem:s30+$0xFFFFFFD0]  }
0x58: {  	v11 =	vld [tilespmem:s18+$0xFFFFFFE0]  }
0x59: {  	v12 =	vld [tilespmem:s30+$0xFFFFFFE0]  }
0x5a: {  	v7 =	vadd.f32 v8, v7;
	v8 =	vld [tilespmem:s18+$0xFFFFFFF0]  }
0x5b: {  	v13 =	vld [tilespmem:s30+$0xFFFFFFF0]  }
0x5c: {  	v7 =	vmax.f32 v7, $0.0e+00;
	v9 =	vadd.f32 v10, v9;
	v10 =	vld [tilespmem:s18+$0x0]  }
0x5d: {  	v15 =	vmov s2;
	s2 =	smov.u32 s1;
	v7 =	vadd.s32 $0x8000, v7;
	v14 =	vld [tilespmem:s30+$0x0]  }
0x5e: {  	v7 =	vand.u32 $0xFFFF0000, v7;
	v9 =	vmax.f32 v9, $0.0e+00;
	v11 =	vadd.f32 v12, v11;
	v12 =	vld [tilespmem:s18+$0x10]  }
0x5f: {  	v15 =	vand.u32 $0x7F, v15;
	v6 =	vmul.f32 v7, v6;
	v7 =	vadd.s32 $0x8000, v9;
	v9 =	vld [tilespmem:s30+$0x10]  }
0x60: {  	v7 =	vand.u32 $0xFFFF0000, v7;
	v11 =	vmax.f32 v11, $0.0e+00;
	v8 =	vadd.f32 v13, v8;
	v13 =	vld [tilespmem:s18+$0x20]  }
0x61: {  	v4 =	vadd.f32 v6, v4;
	v5 =	vmul.f32 v7, v5;
	v6 =	vadd.s32 $0x8000, v11;
	v7 =	vld [tilespmem:s30+$0x20]  }
0x62: {  	v6 =	vand.u32 $0xFFFF0000, v6;
	v8 =	vmax.f32 v8, $0.0e+00;
	v10 =	vadd.f32 v14, v10;
	v11 =	vld [tilespmem:s18+$0x30]  }
0x63: {  	v4 =	vadd.f32 v5, v4;
	v3 =	vmul.f32 v6, v3;
	v5 =	vadd.s32 $0x8000, v8;
	v6 =	vld [tilespmem:s30+$0x30]  }
0x64: {  	v5 =	vand.u32 $0xFFFF0000, v5;
	v8 =	vmax.f32 v10, $0.0e+00;
	v9 =	vadd.f32 v9, v12;
	v10 =	vld [tilespmem:$0xA580]  }
0x65: {  	v3 =	vadd.f32 v3, v4;
	v2 =	vmul.f32 v5, v2;
	v4 =	vadd.s32 $0x8000, v8  }
0x66: {  	v4 =	vand.u32 $0xFFFF0000, v4;
	v5 =	vmax.f32 v9, $0.0e+00;
	v7 =	vadd.f32 v7, v13;
	v8 =	vld [tilespmem:$0xA600]  }
0x67: {  	v2 =	vadd.f32 v2, v3;
	v1 =	vmul.f32 v4, v1;
	v3 =	vadd.s32 $0x8000, v5  }
0x68: {  	v3 =	vand.u32 $0xFFFF0000, v3;
	v4 =	vmax.f32 v7, $0.0e+00;
	v5 =	vadd.f32 v6, v11;
	v6 =	vld [tilespmem:$0xA680]  }
0x69: {  	v1 =	vadd.f32 v1, v2;
	v2 =	vmul.f32 v3, v10;
	v3 =	vadd.s32 $0x8000, v4  }
0x6a: {  	v3 =	vand.u32 $0xFFFF0000, v3;
	v4 =	vmax.f32 v5, $0.0e+00;
	v5 =	vbroadcast v15, $0x0  }
0x6b: {  	v1 =	vadd.f32 v2, v1;
	v2 =	vmul.f32 v3, v8;
	v3 =	vadd.s32 $0x8000, v4  }
0x6c: {  	v3 =	vand.u32 $0xFFFF0000, v3;
	v4 =	vor.u32 v0, v5  }
0x6d: {  	v1 =	vadd.f32 v2, v1;
	v2 =	vmul.f32 v3, v6;
	_ =	sdelay $0x1  }
0x6e: {  	v1 =	vadd.f32 v2, v1;
	_ =	sdelay $0x1  }
0x6f: {  	[tilespmem:v4+s24+$0x0] =	vst.idx.msk $0xffff, v1  }
0x70: {  	v1 =	vld [tilespmem:$0xA500]  }
0x71: {  	v2 =	vld [tilespmem:$0xA480]  }
0x72: {  	v3 =	vld [tilespmem:$0xA400]  }
.Ltmp0:
0x73: {  	v4 =	vld [tilespmem:$0xA700];
	(pc) =	sbr.rel @p1 .LBB2_4-.Ltmp0, $4  }
0x74: {  	v5 =	vld [tilespmem:$0xA380]  }
0x75: {  	s18 =	sadd.s32 $0x80, s18;
	v6 =	vld [tilespmem:$0xA300]  }
0x76: {  	s30 =	sadd.s32 $0x80, s30;
	v7 =	vld [tilespmem:s18+$0xFFFFFFC0]  }
0x77: {  	s1 =	sadd.s32 $0x1, s1;
	v8 =	vld [tilespmem:s30+$0xFFFFFFC0]  }
0x78: {  	v9 =	vld [tilespmem:s18+$0xFFFFFFD0]  }
0x79: {  	v10 =	vld [tilespmem:s30+$0xFFFFFFD0]  }
0x7a: {  	v11 =	vld [tilespmem:s18+$0xFFFFFFE0]  }
0x7b: {  	v12 =	vld [tilespmem:s30+$0xFFFFFFE0]  }
0x7c: {  	v38 =	vld [tilespmem:s18+$0xFFFFFFF0];
	v7 =	vadd.f32 v8, v7  }
0x7d: {  	v13 =	vld [tilespmem:s30+$0xFFFFFFF0]  }
0x7e: {  	v39 =	vld [tilespmem:s18+$0x0];
	v9 =	vadd.f32 v10, v9;
	v7 =	vmax.f32 v7, $0.0e+00  }
0x7f: {  	v14 =	vld [tilespmem:s30+$0x0];
	v15 =	vmov s2;
	v7 =	vadd.s32 $0x8000, v7  }
0x80: {  	v40 =	vld [tilespmem:s18+$0x10];
	v11 =	vadd.f32 v12, v11;
	v9 =	vmax.f32 v9, $0.0e+00;
	v7 =	vand.u32 $0xFFFF0000, v7  }
0x81: {  	v42 =	vld [tilespmem:s30+$0x10];
	v15 =	vand.u32 $0x7F, v15;
	v41 =	vadd.s32 $0x8000, v9;
	v6 =	vmul.f32 v7, v6  }
0x82: {  	v43 =	vld [tilespmem:s18+$0x20];
	v8 =	vadd.f32 v13, v38;
	v11 =	vmax.f32 v11, $0.0e+00;
	v7 =	vand.u32 $0xFFFF0000, v41  }
0x83: {  	v45 =	vld [tilespmem:s30+$0x20];
	v44 =	vadd.s32 $0x8000, v11;
	v5 =	vmul.f32 v7, v5;
	v4 =	vadd.f32 v6, v4  }
0x84: {  	v46 =	vld [tilespmem:s18+$0x30];
	v10 =	vadd.f32 v14, v39;
	v8 =	vmax.f32 v8, $0.0e+00;
	v6 =	vand.u32 $0xFFFF0000, v44  }
0x85: {  	v48 =	vld [tilespmem:s30+$0x30];
	v47 =	vadd.s32 $0x8000, v8;
	v3 =	vmul.f32 v6, v3;
	v4 =	vadd.f32 v5, v4  }
0x86: {  	v50 =	vld [tilespmem:$0xA580];
	v49 =	vmax.f32 v10, $0.0e+00;
	v9 =	vadd.f32 v42, v40;
	v5 =	vand.u32 $0xFFFF0000, v47  }
0x87: {  	v51 =	vadd.s32 $0x8000, v49;
	v2 =	vmul.f32 v5, v2;
	v3 =	vadd.f32 v3, v4  }
0x88: {  	v53 =	vld [tilespmem:$0xA600];
	v52 =	vmax.f32 v9, $0.0e+00;
	v7 =	vadd.f32 v45, v43;
	v4 =	vand.u32 $0xFFFF0000, v51  }
0x89: {  	v1 =	vmul.f32 v4, v1;
	v2 =	vadd.f32 v2, v3;
	v3 =	vadd.s32 $0x8000, v52  }
0x8a: {  	v56 =	vld [tilespmem:$0xA680];
	v55 =	vadd.f32 v48, v46;
	v54 =	vmax.f32 v7, $0.0e+00;
	v3 =	vand.u32 $0xFFFF0000, v3  }
0x8b: {  	v1 =	vadd.f32 v1, v2;
	v2 =	vmul.f32 v3, v50;
	v3 =	vadd.s32 $0x8000, v54  }
0x8c: {  	v58 =	vbroadcast v15, $0x0;
	v57 =	vmax.f32 v55, $0.0e+00;
	v3 =	vand.u32 $0xFFFF0000, v3  }
0x8d: {  	v1 =	vadd.f32 v2, v1;
	v2 =	vmul.f32 v3, v53;
	v3 =	vadd.s32 $0x8000, v57  }
0x8e: {  	v59 =	vor.u32 v0, v58;
	v3 =	vand.u32 $0xFFFF0000, v3  }
0x8f: {  	v1 =	vadd.f32 v2, v1;
	v2 =	vmul.f32 v3, v56;
	_ =	sdelay $0x1  }
0x90: {  	v1 =	vadd.f32 v2, v1;
	_ =	sdelay $0x1  }
0x91: {  	[tilespmem:v59+s24+$0x0] =	vst.idx.msk $0xffff, v1  }
0x92: {  	v1 =	vld [tilespmem:$0xC800]  }
0x93: {  	v2 =	vld [tilespmem:$0xC880];
	_ =	sdelay $0x1  }
0x94: {  	v3 =	vld [tilespmem:$0xC900];
	_ =	sdelay $0x1  }
0x95: {  	v4 =	vld [tilespmem:$0xC980]  }
0x96: {  	v1 =	vadd.f32 v2, v1  }
0x97: {  	v2 =	vld [tilespmem:$0xCA00]  }
0x98: {  	v1 =	vadd.f32 v3, v1  }
0x99: {  	v3 =	vld [tilespmem:$0xCA80]  }
0x9a: {  	v1 =	vadd.f32 v4, v1  }
0x9b: {  	v60 =	vld [tilespmem:$0xCB00]  }
0x9c: {  	v1 =	vadd.f32 v2, v1  }
0x9d: {  	v2 =	vld [tilespmem:$0xCB80]  }
0x9e: {  	v1 =	vadd.f32 v3, v1  }
0x9f: {  	v3 =	vld [tilespmem:$0xCC00]  }
0xa0: {  	v1 =	vadd.f32 v60, v1  }
0xa1: {  	v61 =	vld [tilespmem:$0xCC80]  }
0xa2: {  	v1 =	vadd.f32 v2, v1  }
0xa3: {  	v2 =	vld [tilespmem:$0xCD00]  }
0xa4: {  	v1 =	vadd.f32 v3, v1  }
0xa5: {  	v3 =	vld [tilespmem:$0xCD80]  }
0xa6: {  	v1 =	vadd.f32 v61, v1  }
0xa7: {  	v62 =	vld [tilespmem:$0xCE00]  }
0xa8: {  	v1 =	vadd.f32 v2, v1  }
0xa9: {  	v2 =	vld [tilespmem:$0xCE80]  }
0xaa: {  	v1 =	vadd.f32 v3, v1  }
0xab: {  	v3 =	vld [tilespmem:$0xCF00]  }
0xac: {  	v1 =	vadd.f32 v62, v1  }
0xad: {  	v63 =	vld [tilespmem:$0xCF80]  }
0xae: {  	s29 =	sadd.s32 $0x1, s29;
	v1 =	vadd.f32 v2, v1  }
0xaf: {  	p1 =	sne.s32 s29, $0x5  }
.Ltmp1:
0xb0: {  	v1 =	vadd.f32 v3, v1;
	(pc) =	sbr.rel @p1 .LBB2_3-.Ltmp1, $3  }
0xb1: {  	_ = 	snop  }
0xb2: {  	v1 =	vadd.f32 v63, v1;
	_ =	sdelay $0x1  }
0xb3: {  	s13 =	sadd.s32 $0x800, s13;
	s12 =	sadd.s32 $0x800, s12;
	[tilespmem:s20+$0xA200] =	vst v1  }
0xb4: {  	s1 =	sadd.s32 s7, s26  }
0xb5: {  	s1 =	sshrl.u32 s1, $0x3  }
0xb6: {  	p1 =	seq.s32 s14, $0x3F;
	s1 =	sadd.s32 s11, s1  }
0xb7: {  	[hbm4b:s1+s3] =	stream.linear.scatter [tilespmem:s25], [sflag:$0x5], $0x50, $0x38;
	[tilespmem:$0xD000] =	vst v63  }
0xb8: {  	s1 =	sadd.s32 @!p1 s26, s17  }
0xb9: {  	s1 =	sshrl.u32 @!p1 s1, $0x3  }
0xba: {  	s12 =	simm.s32 @!p1 $0x0;
	s2 =	sadd.s32 @!p1 s6, s1  }
0xbb: {  	[tilespmem:s12], [sflag:$0x8] =	stream.linear.gather @!p1 [hbm4b:s2+s12], $0x50, $0x38;
	[tilespmem:$0xD000] =	vst v63  }
0xbc: {  	s2 =	simm.s32 @!p1 $0x8  }
0xbd: {  	_ =	swait.ge @!p1 [sflag:s2], $0x50  }
0xbe: {  	[sflag:s2] =	ssyncset.done @!p1 $0x0  }
0xbf: {  	s13 =	simm.s32 @!p1 $0x80;
	s1 =	sadd.s32 @!p1 s8, s1;
	[sflag:s2] =	ssyncadd.s32 @!p1 $0xFFFFFFB0  }
0xc0: {  	[tilespmem:s13], [sflag:$0x8] =	stream.linear.gather @!p1 [hbm4b:s1+s12], $0x50, $0x38;
	[tilespmem:$0xD000] =	vst v63  }
0xc1: {  	_ =	swait.ge @!p1 [sflag:s2], $0x50  }
0xc2: {  	[sflag:s2] =	ssyncset.done @!p1 $0x0  }
0xc3: {  	s1 =	simm.s32 @!p1 $0x50;
	[sflag:s2] =	ssyncadd.s32 @!p1 $0xFFFFFFB0;
	s2 =	simm.s32 @!p1 $0x200  }
0xc4: {  	[tilespmem:s2], [sflag:$0x1] =	stream.indirect.gather @!p1 [hbm4b:s4+s1], $0x80, s12, s1, $0xb8;
	[tilespmem:$0xD000] =	vst v63  }
0xc5: {  	s2 =	simm.s32 @!p1 $0x5200  }
0xc6: {  	[tilespmem:s2], [sflag:$0x3] =	stream.indirect.gather @!p1 [hbm4b:s5+s1], $0x80, s13, s1, $0xb8;
	[tilespmem:$0xD000] =	vst v63  }
0xc7: {  	_ =	swait.ge [sflag:s28], $0x2800  }
0xc8: {  	[sflag:s28] =	ssyncset.done $0x0  }
0xc9: {  	[sflag:s28] =	ssyncadd.s32 $0xFFFFD800  }
0xca: {  	_ =	swait.ge [sflag:s9], $0x2800  }
0xcb: {  	[sflag:s9] =	ssyncset.done $0x0  }
0xcc: {  	s1 =	simm.s32 @!p0 $0x6;
	[sflag:s9] =	ssyncadd.s32 $0xFFFFD800  }
0xcd: {  	_ =	swait.ge @!p0 [sflag:s1], $0x50  }
0xce: {  	s18 =	simm.s32 $0x2A40;
	[sflag:s1] =	ssyncset.done @!p0 $0x0  }
0xcf: {  	s29 =	simm.s32 $0x7A40;
	s26 =	simm.s32 $0x0;
	[sflag:s1] =	ssyncadd.s32 @!p0 $0xFFFFFFB0  }
.LBB2_7:
0xd0: {  	v1 =	vld [tilespmem:$0xA500]  }
0xd1: {  	v2 =	vld [tilespmem:$0xA480]  }
0xd2: {  	v3 =	vld [tilespmem:$0xA400]  }
0xd3: {  	v4 =	vld [tilespmem:$0xA700]  }
0xd4: {  	v5 =	vld [tilespmem:$0xA380]  }
0xd5: {  	v6 =	vld [tilespmem:$0xA300]  }
0xd6: {  	v7 =	vld [tilespmem:s18+$0xFFFFFFC0];
	s20 =	sshll.u32 s26, $0x4;
	s1 =	simm.s32 $0x1  }
0xd7: {  	v8 =	vld [tilespmem:s29+$0xFFFFFFC0];
	s13 =	smov.u32 s18;
	s12 =	smov.u32 s29;
	s2 =	simm.s32 $0x0  }
.LBB2_8:
0xd8: {  	p0 =	sne.s32 s1, $0xF;
	v9 =	vld [tilespmem:s13+$0xFFFFFFD0]  }
0xd9: {  	v10 =	vld [tilespmem:s12+$0xFFFFFFD0]  }
0xda: {  	v11 =	vld [tilespmem:s13+$0xFFFFFFE0]  }
0xdb: {  	v12 =	vld [tilespmem:s12+$0xFFFFFFE0]  }
0xdc: {  	v7 =	vadd.f32 v8, v7;
	v8 =	vld [tilespmem:s13+$0xFFFFFFF0]  }
0xdd: {  	v13 =	vld [tilespmem:s12+$0xFFFFFFF0]  }
0xde: {  	v7 =	vmax.f32 v7, $0.0e+00;
	v9 =	vadd.f32 v10, v9;
	v10 =	vld [tilespmem:s13+$0x0]  }
0xdf: {  	v15 =	vmov s2;
	s2 =	smov.u32 s1;
	v7 =	vadd.s32 $0x8000, v7;
	v14 =	vld [tilespmem:s12+$0x0]  }
0xe0: {  	v7 =	vand.u32 $0xFFFF0000, v7;
	v9 =	vmax.f32 v9, $0.0e+00;
	v11 =	vadd.f32 v12, v11;
	v12 =	vld [tilespmem:s13+$0x10]  }
0xe1: {  	v15 =	vand.u32 $0x7F, v15;
	v6 =	vmul.f32 v7, v6;
	v7 =	vadd.s32 $0x8000, v9;
	v9 =	vld [tilespmem:s12+$0x10]  }
0xe2: {  	v7 =	vand.u32 $0xFFFF0000, v7;
	v11 =	vmax.f32 v11, $0.0e+00;
	v8 =	vadd.f32 v13, v8;
	v13 =	vld [tilespmem:s13+$0x20]  }
0xe3: {  	v4 =	vadd.f32 v6, v4;
	v5 =	vmul.f32 v7, v5;
	v6 =	vadd.s32 $0x8000, v11;
	v7 =	vld [tilespmem:s12+$0x20]  }
0xe4: {  	v6 =	vand.u32 $0xFFFF0000, v6;
	v8 =	vmax.f32 v8, $0.0e+00;
	v10 =	vadd.f32 v14, v10;
	v11 =	vld [tilespmem:s13+$0x30]  }
0xe5: {  	v4 =	vadd.f32 v5, v4;
	v3 =	vmul.f32 v6, v3;
	v5 =	vadd.s32 $0x8000, v8;
	v6 =	vld [tilespmem:s12+$0x30]  }
0xe6: {  	v5 =	vand.u32 $0xFFFF0000, v5;
	v8 =	vmax.f32 v10, $0.0e+00;
	v9 =	vadd.f32 v9, v12;
	v10 =	vld [tilespmem:$0xA580]  }
0xe7: {  	v3 =	vadd.f32 v3, v4;
	v2 =	vmul.f32 v5, v2;
	v4 =	vadd.s32 $0x8000, v8  }
0xe8: {  	v4 =	vand.u32 $0xFFFF0000, v4;
	v5 =	vmax.f32 v9, $0.0e+00;
	v7 =	vadd.f32 v7, v13;
	v8 =	vld [tilespmem:$0xA600]  }
0xe9: {  	v2 =	vadd.f32 v2, v3;
	v1 =	vmul.f32 v4, v1;
	v3 =	vadd.s32 $0x8000, v5  }
0xea: {  	v3 =	vand.u32 $0xFFFF0000, v3;
	v4 =	vmax.f32 v7, $0.0e+00;
	v5 =	vadd.f32 v6, v11;
	v6 =	vld [tilespmem:$0xA680]  }
0xeb: {  	v1 =	vadd.f32 v1, v2;
	v2 =	vmul.f32 v3, v10;
	v3 =	vadd.s32 $0x8000, v4  }
0xec: {  	v3 =	vand.u32 $0xFFFF0000, v3;
	v4 =	vmax.f32 v5, $0.0e+00;
	v5 =	vbroadcast v15, $0x0  }
0xed: {  	v1 =	vadd.f32 v2, v1;
	v2 =	vmul.f32 v3, v8;
	v3 =	vadd.s32 $0x8000, v4  }
0xee: {  	v3 =	vand.u32 $0xFFFF0000, v3;
	v4 =	vor.u32 v0, v5  }
0xef: {  	v1 =	vadd.f32 v2, v1;
	v2 =	vmul.f32 v3, v6;
	_ =	sdelay $0x1  }
0xf0: {  	v1 =	vadd.f32 v2, v1;
	_ =	sdelay $0x1  }
0xf1: {  	[tilespmem:v4+s24+$0x0] =	vst.idx.msk $0xffff, v1  }
0xf2: {  	v1 =	vld [tilespmem:$0xA500]  }
0xf3: {  	v2 =	vld [tilespmem:$0xA480]  }
0xf4: {  	v3 =	vld [tilespmem:$0xA400]  }
.Ltmp2:
0xf5: {  	v4 =	vld [tilespmem:$0xA700];
	(pc) =	sbr.rel @p0 .LBB2_8-.Ltmp2, $4  }
0xf6: {  	v5 =	vld [tilespmem:$0xA380]  }
0xf7: {  	s13 =	sadd.s32 $0x80, s13;
	v6 =	vld [tilespmem:$0xA300]  }
0xf8: {  	s12 =	sadd.s32 $0x80, s12;
	v7 =	vld [tilespmem:s13+$0xFFFFFFC0]  }
0xf9: {  	s1 =	sadd.s32 $0x1, s1;
	v8 =	vld [tilespmem:s12+$0xFFFFFFC0]  }
0xfa: {  	v9 =	vld [tilespmem:s13+$0xFFFFFFD0]  }
0xfb: {  	v10 =	vld [tilespmem:s12+$0xFFFFFFD0]  }
0xfc: {  	v11 =	vld [tilespmem:s13+$0xFFFFFFE0]  }
0xfd: {  	v12 =	vld [tilespmem:s12+$0xFFFFFFE0]  }
0xfe: {  	v38 =	vld [tilespmem:s13+$0xFFFFFFF0];
	v7 =	vadd.f32 v8, v7  }
0xff: {  	v13 =	vld [tilespmem:s12+$0xFFFFFFF0]  }
0x100: {  	v39 =	vld [tilespmem:s13+$0x0];
	v9 =	vadd.f32 v10, v9;
	v7 =	vmax.f32 v7, $0.0e+00  }
0x101: {  	v14 =	vld [tilespmem:s12+$0x0];
	v15 =	vmov s2;
	v7 =	vadd.s32 $0x8000, v7  }
0x102: {  	v40 =	vld [tilespmem:s13+$0x10];
	v11 =	vadd.f32 v12, v11;
	v9 =	vmax.f32 v9, $0.0e+00;
	v7 =	vand.u32 $0xFFFF0000, v7  }
0x103: {  	v42 =	vld [tilespmem:s12+$0x10];
	v15 =	vand.u32 $0x7F, v15;
	v41 =	vadd.s32 $0x8000, v9;
	v6 =	vmul.f32 v7, v6  }
0x104: {  	v43 =	vld [tilespmem:s13+$0x20];
	v8 =	vadd.f32 v13, v38;
	v11 =	vmax.f32 v11, $0.0e+00;
	v7 =	vand.u32 $0xFFFF0000, v41  }
0x105: {  	v45 =	vld [tilespmem:s12+$0x20];
	v44 =	vadd.s32 $0x8000, v11;
	v5 =	vmul.f32 v7, v5;
	v4 =	vadd.f32 v6, v4  }
0x106: {  	v46 =	vld [tilespmem:s13+$0x30];
	v10 =	vadd.f32 v14, v39;
	v8 =	vmax.f32 v8, $0.0e+00;
	v6 =	vand.u32 $0xFFFF0000, v44  }
0x107: {  	v48 =	vld [tilespmem:s12+$0x30];
	v47 =	vadd.s32 $0x8000, v8;
	v3 =	vmul.f32 v6, v3;
	v4 =	vadd.f32 v5, v4  }
0x108: {  	v50 =	vld [tilespmem:$0xA580];
	v49 =	vmax.f32 v10, $0.0e+00;
	v9 =	vadd.f32 v42, v40;
	v5 =	vand.u32 $0xFFFF0000, v47  }
0x109: {  	v51 =	vadd.s32 $0x8000, v49;
	v2 =	vmul.f32 v5, v2;
	v3 =	vadd.f32 v3, v4  }
0x10a: {  	v53 =	vld [tilespmem:$0xA600];
	v52 =	vmax.f32 v9, $0.0e+00;
	v7 =	vadd.f32 v45, v43;
	v4 =	vand.u32 $0xFFFF0000, v51  }
0x10b: {  	v1 =	vmul.f32 v4, v1;
	v2 =	vadd.f32 v2, v3;
	v3 =	vadd.s32 $0x8000, v52  }
0x10c: {  	v56 =	vld [tilespmem:$0xA680];
	v55 =	vadd.f32 v48, v46;
	v54 =	vmax.f32 v7, $0.0e+00;
	v3 =	vand.u32 $0xFFFF0000, v3  }
0x10d: {  	v1 =	vadd.f32 v1, v2;
	v2 =	vmul.f32 v3, v50;
	v3 =	vadd.s32 $0x8000, v54  }
0x10e: {  	v58 =	vbroadcast v15, $0x0;
	v57 =	vmax.f32 v55, $0.0e+00;
	v3 =	vand.u32 $0xFFFF0000, v3  }
0x10f: {  	v1 =	vadd.f32 v2, v1;
	v2 =	vmul.f32 v3, v53;
	v3 =	vadd.s32 $0x8000, v57  }
0x110: {  	v59 =	vor.u32 v0, v58;
	v3 =	vand.u32 $0xFFFF0000, v3  }
0x111: {  	v1 =	vadd.f32 v2, v1;
	v2 =	vmul.f32 v3, v56;
	_ =	sdelay $0x1  }
0x112: {  	v1 =	vadd.f32 v2, v1;
	_ =	sdelay $0x1  }
0x113: {  	[tilespmem:v59+s24+$0x0] =	vst.idx.msk $0xffff, v1  }
0x114: {  	v1 =	vld [tilespmem:$0xC800]  }
0x115: {  	v2 =	vld [tilespmem:$0xC880];
	_ =	sdelay $0x1  }
0x116: {  	v3 =	vld [tilespmem:$0xC900];
	_ =	sdelay $0x1  }
0x117: {  	v4 =	vld [tilespmem:$0xC980]  }
0x118: {  	v1 =	vadd.f32 v2, v1  }
0x119: {  	v2 =	vld [tilespmem:$0xCA00]  }
0x11a: {  	v1 =	vadd.f32 v3, v1  }
0x11b: {  	v3 =	vld [tilespmem:$0xCA80]  }
0x11c: {  	v1 =	vadd.f32 v4, v1  }
0x11d: {  	v60 =	vld [tilespmem:$0xCB00]  }
0x11e: {  	v1 =	vadd.f32 v2, v1  }
0x11f: {  	v2 =	vld [tilespmem:$0xCB80]  }
0x120: {  	v1 =	vadd.f32 v3, v1  }
0x121: {  	v3 =	vld [tilespmem:$0xCC00]  }
0x122: {  	v1 =	vadd.f32 v60, v1  }
0x123: {  	v61 =	vld [tilespmem:$0xCC80]  }
0x124: {  	v1 =	vadd.f32 v2, v1  }
0x125: {  	v2 =	vld [tilespmem:$0xCD00]  }
0x126: {  	v1 =	vadd.f32 v3, v1  }
0x127: {  	v3 =	vld [tilespmem:$0xCD80]  }
0x128: {  	v1 =	vadd.f32 v61, v1  }
0x129: {  	v62 =	vld [tilespmem:$0xCE00]  }
0x12a: {  	v1 =	vadd.f32 v2, v1  }
0x12b: {  	v2 =	vld [tilespmem:$0xCE80]  }
0x12c: {  	v1 =	vadd.f32 v3, v1  }
0x12d: {  	v3 =	vld [tilespmem:$0xCF00]  }
0x12e: {  	v1 =	vadd.f32 v62, v1  }
0x12f: {  	v63 =	vld [tilespmem:$0xCF80]  }
0x130: {  	s26 =	sadd.s32 $0x1, s26;
	v1 =	vadd.f32 v2, v1  }
0x131: {  	p0 =	sne.s32 s26, $0x5  }
.Ltmp3:
0x132: {  	v1 =	vadd.f32 v3, v1;
	(pc) =	sbr.rel @p0 .LBB2_7-.Ltmp3, $3  }
0x133: {  	_ = 	snop  }
0x134: {  	v1 =	vadd.f32 v63, v1;
	_ =	sdelay $0x1  }
0x135: {  	s18 =	sadd.s32 $0x800, s18;
	s29 =	sadd.s32 $0x800, s29;
	[tilespmem:s20+$0xA280] =	vst v1  }
0x136: {  	s14 =	sadd.s32 $0x1, s14  }
0x137: {  	p0 =	sne.s32 s14, $0x40  }
.Ltmp4:
0x138: {  	_ = 	snop;
	(pc) =	sbr.rel @p0 .LBB2_2-.Ltmp4, $3  }
0x139: {  	_ =	sdelay $0x1  }
0x13a: {  	s1 =	sadd.s32 s11, s15  }
0x13b: {  	[hbm4b:s1+s3] =	stream.linear.scatter [tilespmem:s10], [sflag:$0x6], $0x50, $0x38;
	[tilespmem:$0xD000] =	vst v63  }
0x13c: {  	s1 =	simm.s32 $0x5  }
0x13d: {  	_ =	swait.ge [sflag:s1], $0x50  }
0x13e: {  	[sflag:s1] =	ssyncset.done $0x0  }
0x13f: {  	s2 =	simm.s32 $0x6;
	[sflag:s1] =	ssyncadd.s32 $0xFFFFFFB0  }
0x140: {  	_ =	swait.ge [sflag:s2], $0x50  }
0x141: {  	s12 =	rddreg [dreg:$0xc]  }
0x142: {  	s30 =	rddreg [dreg:$0xb];
	s12 =	sadd.s32 $0x1, s12  }
0x143: {  	p0 =	sne.s32 s12, s30  }
.Ltmp5:
0x144: {  	_ = 	snop;
	(pc) =	sbr.rel @p0 .LBB2_1-.Ltmp5, $3  }
0x145: {  	_ =	sdelay $0x1  }
0x146: {  	[sflag:s2] =	ssyncset.done $0x0  }
0x147: {  	[sflag:s2] =	ssyncadd.s32 $0xFFFFFFB0  }
0x148: {  	_ =	sfence.sel $0x180000  }
0x149: {  	[bflag:$0x0] =	sbarrier.arrive $0xFFFF  }
0x14a: {  	_ =	strace $0x9000004D  }
0x14b: {  	s0 =	stileid.u32;
	[bflag:$0x2] =	sbarrier.arrive $0xFFFF  }
0x14c: {  	p0 =	sne.s32 s0, $0x0;
	s0 =	rddreg [dreg:$0x4]  }
0x14d: {  	s0 =	sadd.s32 @!p0 $0x100000, s0  }
0x14e: {  	[sflag:s0] =	ssyncadd.tile.s32 @!p0 $0x1;
	_ =	shalt  }
.Lfunc_end2:
_tile_overlayer_lowered:
.L_overlay_start_2:
0x14f: {  	(tag) =	ssettag $0x2  }
0x150: {  	s0 =	rddreg [dreg:$0x0];
	s2 =	stileid.u32  }
0x151: {  	s1 =	rddreg [dreg:$0x1];
	p0 =	sne.s32 s2, $0x0  }
0x152: {  	s3 =	rddreg [dreg:$0x2];
	[bflag:$0x3] =	sbarrier.arrive $0xFFFF;
	s2 =	simm.s32 @!p0 $0x1C08  }
0x153: {  	[timem:s3], [sflag:s2] =	dma.local @!p0 [hbm:s0], s1  }
0x154: {  	s0 =	simm.s32 @!p0 $0x8  }
0x155: {  	_ =	swait.ge @!p0 [sflag:s0], s1  }
0x156: {  	s1 =	ssub.s32 @!p0 $0x0, s1;
	[sflag:s0] =	ssyncset.done @!p0 $0x0  }
0x157: {  	[sflag:s0] =	ssyncadd.s32 @!p0 s1  }
0x158: {  	[bflag:$0x3] =	sbarrier.arrive $0xFFFF  }
0x159: {  	_ =	shalt  }

</sc_bundles>
